<compile_context>
chip_gen: v7x
topology: tpu7x:2x2x1
jax: 0.10.2.dev20260603
libtpu: 0.0.44.dev20260713+nightly
codegen_flags: <defaults>
</compile_context>

<pallas_src>
import functools

import jax
import jax.numpy as jnp
from jax import lax
from jax.experimental import pallas as pl
from jax.experimental.pallas import tpu as pltpu
from jax.experimental.pallas import tpu_sc as plsc

NC = 2
NS = 16
NW = NC * NS
NB = 5
LANE = 128
SUB = 8


@functools.cache
def _build(batch_sz: int, hist: int, vocab: int, dim: int):
    assert batch_sz % (NW * LANE) == 0 and batch_sz // NW == LANE
    assert dim % SUB == 0
    bw = batch_sz // NW
    dt_n = dim // SUB
    assert hist % NB == 0 and hist >= 2 * NB
    n_grp = hist // NB

    def body(table_hbm, batch_hbm, out_hbm, idx_v, idx_t, *rest):
        bufs = rest[:NB]
        tbufs = rest[NB:2 * NB]
        gsems = rest[2 * NB:3 * NB]
        osems = rest[3 * NB:]
        K = NB - 1
        wid = lax.axis_index("s") * NC + lax.axis_index("c")

        pltpu.sync_copy(batch_hbm.at[pl.ds(wid * bw, bw)], idx_v)

        @pl.loop(0, hist)
        def _(h):
            cols = jnp.full((16,), 0, jnp.int32) + h
            for k in range(bw // 16):
                rows = lax.iota(jnp.int32, 16) + k * 16
                v = plsc.load_gather(idx_v, [rows, cols])
                idx_t[h, pl.ds(k * 16, 16)] = v + v

        def gather(h, slot):
            pltpu.async_copy(
                table_hbm.at[idx_t.at[h]], bufs[slot], gsems[slot])

        for j in range(K):
            gather(j, j)

        @pl.loop(0, n_grp)
        def _(g):
            for b in range(NB):
                j = g * NB + b
                pltpu.make_async_copy(
                    table_hbm.at[idx_t.at[b]], bufs[b], gsems[b]).wait()

                @pl.when(j + K < hist)
                def _():
                    gather(j + K, (b + K) % NB)

                @pl.when(g > 0)
                def _():
                    pltpu.make_async_copy(
                        tbufs[b].at[:, :, :bw], out_hbm.at[0, :, wid],
                        osems[b]).wait()

                @plsc.parallel_loop(0, bw, step=2)
                def _(r2):
                    for rr in range(2):
                        r = r2 + rr
                        colv = jnp.full((16,), 0, jnp.int32) + r
                        for k in range(dim // 16):
                            dv = lax.iota(jnp.int32, 16) + k * 16
                            v = bufs[b][r, pl.ds(k * 16, 16)]
                            plsc.store_scatter(
                                tbufs[b], [dv // SUB, dv % SUB, colv], v)

                pltpu.async_copy(
                    tbufs[b].at[:, :, :bw], out_hbm.at[j, :, wid], osems[b])

        for b in range(NB):
            pltpu.make_async_copy(
                tbufs[b].at[:, :, :bw], out_hbm.at[0, :, wid],
                osems[b]).wait()

    return pl.kernel(
        body,
        name="emb_gather",
        out_type=jax.ShapeDtypeStruct(
            (hist, dt_n, NW, SUB, LANE), jnp.float32),
        mesh=plsc.VectorSubcoreMesh(core_axis_name="c", subcore_axis_name="s"),
        scratch_types=[
            pltpu.VMEM((bw, hist), jnp.int32),
            pltpu.VMEM((hist, bw), jnp.int32),
            *[pltpu.VMEM((bw, dim), jnp.float32) for _ in range(NB)],
            *[pltpu.VMEM((dt_n, SUB, bw + 1), jnp.float32) for _ in range(NB)],
            *[pltpu.SemaphoreType.DMA for _ in range(2 * NB)],
        ],
        compiler_params=pltpu.CompilerParams(
            use_tc_tiling_on_sc=False, needs_layout_passes=False),
    )


def kernel(batch, weight):
    batch_sz, hist = batch.shape
    vocab, dim = weight.shape
    table = jnp.pad(weight, ((0, 0), (0, LANE - dim))).reshape(2 * vocab, dim)
    t5 = _build(batch_sz, hist, vocab, dim)(table, batch)
    return (t5.transpose(2, 4, 0, 1, 3)
            .reshape(batch_sz, hist, dim))

# --- scband reference (transcript-rebuilt; emitter-appended) ---
"""Pipeline reference for scband-embeddings-module-66443144069845 (READ-ONLY COPY).

The authoritative reference and input builder live on the scoring server;
editing this copy changes nothing except your own understanding.
"""

import jax, jax.numpy as jnp
import numpy as np

VOCAB = 100000
DIM = 64
BATCH = 4096
HIST = 50


def setup_inputs(seed: int = 0) -> dict:
    key = jax.random.key(seed)
    k1, k2 = jax.random.split(key)
    batch = jax.random.randint(k1, (BATCH, HIST), 0, VOCAB, dtype=jnp.int32)
    # Embedding weight, matching torch.nn.Embedding(n, 64, padding_idx=0):
    # normal init, row 0 (padding) zeroed.
    weight = jax.random.normal(k2, (VOCAB, DIM), dtype=jnp.float32)
    weight = weight.at[0].set(0.0)
    return {"batch": batch, "weight": weight}


def reference(batch, weight):
    # torch.nn.Embedding forward with padding_idx=0: plain row gather.
    # Enforce the padding row to be zero (padding_idx semantics).
    w = weight.at[0].set(0.0)
    out = jnp.take(w, batch, axis=0)
    return out

if __name__ == "__main__":
    import jax
    _d = setup_inputs()
    print(jax.jit(kernel)(*tuple(_d.values())))

</pallas_src>

<mosaic_0001>
#map = affine_map<(d0, d1) -> (0, 0)>
#map1 = affine_map<(d0, d1) -> (0, 0, 0, 0, 0)>
module attributes {stable_mosaic.version = 14 : i64} {
  func.func @emb_gather(%arg0: i32, %arg1: i32, %arg2: memref<200000x64xf32, #tpu.memory_space<hbm>>, %arg3: memref<4096x50xi32, #tpu.memory_space<hbm>>, %arg4: memref<50x8x32x8x128xf32, #tpu.memory_space<hbm>>, %arg5: memref<128x50xi32, #tpu.memory_space<vmem>>, %arg6: memref<50x128xi32, #tpu.memory_space<vmem>>, %arg7: memref<128x64xf32, #tpu.memory_space<vmem>>, %arg8: memref<128x64xf32, #tpu.memory_space<vmem>>, %arg9: memref<128x64xf32, #tpu.memory_space<vmem>>, %arg10: memref<128x64xf32, #tpu.memory_space<vmem>>, %arg11: memref<128x64xf32, #tpu.memory_space<vmem>>, %arg12: memref<8x8x129xf32, #tpu.memory_space<vmem>>, %arg13: memref<8x8x129xf32, #tpu.memory_space<vmem>>, %arg14: memref<8x8x129xf32, #tpu.memory_space<vmem>>, %arg15: memref<8x8x129xf32, #tpu.memory_space<vmem>>, %arg16: memref<8x8x129xf32, #tpu.memory_space<vmem>>, %arg17: memref<!tpu.dma_semaphore, #tpu.memory_space<semaphore_mem>>, %arg18: memref<!tpu.dma_semaphore, #tpu.memory_space<semaphore_mem>>, %arg19: memref<!tpu.dma_semaphore, #tpu.memory_space<semaphore_mem>>, %arg20: memref<!tpu.dma_semaphore, #tpu.memory_space<semaphore_mem>>, %arg21: memref<!tpu.dma_semaphore, #tpu.memory_space<semaphore_mem>>, %arg22: memref<!tpu.dma_semaphore, #tpu.memory_space<semaphore_mem>>, %arg23: memref<!tpu.dma_semaphore, #tpu.memory_space<semaphore_mem>>, %arg24: memref<!tpu.dma_semaphore, #tpu.memory_space<semaphore_mem>>, %arg25: memref<!tpu.dma_semaphore, #tpu.memory_space<semaphore_mem>>, %arg26: memref<!tpu.dma_semaphore, #tpu.memory_space<semaphore_mem>>) attributes {dimension_semantics = [#tpu.dimension_semantics<core_parallel>, #tpu.dimension_semantics<subcore_parallel>], iteration_bounds = array<i64: 2, 16>, scalar_prefetch = 0 : i64, scratch_operands = 22 : i64, tpu.core_type = #tpu.core_type<sc_vector_subcore>, window_params = [{transform_indices = #map}, {transform_indices = #map}, {transform_indices = #map1}]} {
    %mul3A = arith.constant 2 : i32
    %mul3A_0 = arith.muli %arg1, %mul3A : i32
    %add3A = arith.addi %mul3A_0, %arg0 : i32
    %mul3A_1 = arith.constant 128 : i32
    %mul3A_2 = arith.muli %add3A, %mul3A_1 : i32
    "tpu.region"() ({
      %run_scoped3A = tpu.sem_alloc : memref<!tpu.dma_semaphore, #tpu.memory_space<semaphore_mem>>
      %dma_start3A_133 = arith.constant 0 : i32
      %dma_start3A_134 = tpu.memref_slice %arg3[%mul3A_2, %dma_start3A_133] : memref<4096x50xi32, #tpu.memory_space<hbm>> -> memref<128x50xi32, #tpu.memory_space<hbm>>
      %dma_start3A_135 = arith.constant 0 : i32
      %dma_start3A_136 = tpu.memref_slice %arg3[%mul3A_2, %dma_start3A_135] : memref<4096x50xi32, #tpu.memory_space<hbm>> -> memref<128x50xi32, #tpu.memory_space<hbm>>
      tpu.enqueue_dma source(%dma_start3A_136 : memref<128x50xi32, #tpu.memory_space<hbm>>) target(%arg5 : memref<128x50xi32, #tpu.memory_space<vmem>>) target_semaphore(%run_scoped3A : memref<!tpu.dma_semaphore, #tpu.memory_space<semaphore_mem>>)
      %dma_wait3A_137 = arith.constant 0 : i32
      %dma_wait3A_138 = tpu.memref_slice %arg3[%mul3A_2, %dma_wait3A_137] : memref<4096x50xi32, #tpu.memory_space<hbm>> -> memref<128x50xi32, #tpu.memory_space<hbm>>
      %dma_wait3A_139 = arith.constant 0 : i32
      %dma_wait3A_140 = tpu.memref_slice %arg3[%mul3A_2, %dma_wait3A_139] : memref<4096x50xi32, #tpu.memory_space<hbm>> -> memref<128x50xi32, #tpu.memory_space<hbm>>
      tpu.wait_dma2 semaphore(%run_scoped3A : memref<!tpu.dma_semaphore, #tpu.memory_space<semaphore_mem>>) src(%dma_wait3A_140 : memref<128x50xi32, #tpu.memory_space<hbm>>) dst(%arg5 : memref<128x50xi32, #tpu.memory_space<vmem>>)
      tpu.yield
    }) : () -> ()
    %scan3A = arith.constant 0 : i32
    %scan3A_3 = arith.constant 50 : i32
    %scan3A_4 = arith.addi %scan3A, %scan3A_3 : i32
    %scan3A_5 = arith.constant 1 : i32
    scf.for %scan3A_133 = %scan3A to %scan3A_4 step %scan3A_5  : i32 {
      %mul3A_134 = arith.constant 1 : i32
      %mul3A_135 = arith.muli %scan3A_133, %mul3A_134 : i32
      %add3A_136 = arith.constant 0 : i32
      %add3A_137 = arith.addi %add3A_136, %mul3A_135 : i32
      %broadcast_in_dim3A = arith.constant 0 : i32
      %broadcast_in_dim3A_138 = vector.broadcast %broadcast_in_dim3A : i32 to vector<16xi32>
      %add3A_139 = vector.broadcast %add3A_137 : i32 to vector<16xi32>
      %add3A_140 = arith.addi %broadcast_in_dim3A_138, %add3A_139 : vector<16xi32>
      %iota3A = tpu.iota {dimensions = array<i32: 0>} : vector<16xi32>
      %add3A_141 = arith.constant 0 : i32
      %add3A_142 = vector.broadcast %add3A_141 : i32 to vector<16xi32>
      %add3A_143 = arith.addi %iota3A, %add3A_142 : vector<16xi32>
      %gather3A = tpu.vector_load_idx %arg5[%add3A_143, %add3A_140] : memref<128x50xi32, #tpu.memory_space<vmem>>[vector<16xi32>, vector<16xi32>], vector<16xi32>,
      %add3A_144 = arith.addi %gather3A, %gather3A : vector<16xi32>
      %swap3A = arith.index_cast %add3A_137 : i32 to index
      %swap3A_145 = arith.constant 0 : index
      %swap3A_146 = tpu.vector_load %arg6[%swap3A, %swap3A_145] {strides = array<i32>} : memref<50x128xi32, #tpu.memory_space<vmem>>, vector<16xi32>,
      tpu.vector_store %arg6[%swap3A, %swap3A_145], %add3A_144 {strides = array<i32>} : memref<50x128xi32, #tpu.memory_space<vmem>>, vector<16xi32>,
      %iota3A_147 = tpu.iota {dimensions = array<i32: 0>} : vector<16xi32>
      %add3A_148 = arith.constant 16 : i32
      %add3A_149 = vector.broadcast %add3A_148 : i32 to vector<16xi32>
      %add3A_150 = arith.addi %iota3A_147, %add3A_149 : vector<16xi32>
      %gather3A_151 = tpu.vector_load_idx %arg5[%add3A_150, %add3A_140] : memref<128x50xi32, #tpu.memory_space<vmem>>[vector<16xi32>, vector<16xi32>], vector<16xi32>,
      %add3A_152 = arith.addi %gather3A_151, %gather3A_151 : vector<16xi32>
      %swap3A_153 = arith.index_cast %add3A_137 : i32 to index
      %swap3A_154 = arith.constant 16 : index
      %swap3A_155 = tpu.vector_load %arg6[%swap3A_153, %swap3A_154] {strides = array<i32>} : memref<50x128xi32, #tpu.memory_space<vmem>>, vector<16xi32>,
      tpu.vector_store %arg6[%swap3A_153, %swap3A_154], %add3A_152 {strides = array<i32>} : memref<50x128xi32, #tpu.memory_space<vmem>>, vector<16xi32>,
      %iota3A_156 = tpu.iota {dimensions = array<i32: 0>} : vector<16xi32>
      %add3A_157 = arith.constant 32 : i32
      %add3A_158 = vector.broadcast %add3A_157 : i32 to vector<16xi32>
      %add3A_159 = arith.addi %iota3A_156, %add3A_158 : vector<16xi32>
      %gather3A_160 = tpu.vector_load_idx %arg5[%add3A_159, %add3A_140] : memref<128x50xi32, #tpu.memory_space<vmem>>[vector<16xi32>, vector<16xi32>], vector<16xi32>,
      %add3A_161 = arith.addi %gather3A_160, %gather3A_160 : vector<16xi32>
      %swap3A_162 = arith.index_cast %add3A_137 : i32 to index
      %swap3A_163 = arith.constant 32 : index
      %swap3A_164 = tpu.vector_load %arg6[%swap3A_162, %swap3A_163] {strides = array<i32>} : memref<50x128xi32, #tpu.memory_space<vmem>>, vector<16xi32>,
      tpu.vector_store %arg6[%swap3A_162, %swap3A_163], %add3A_161 {strides = array<i32>} : memref<50x128xi32, #tpu.memory_space<vmem>>, vector<16xi32>,
      %iota3A_165 = tpu.iota {dimensions = array<i32: 0>} : vector<16xi32>
      %add3A_166 = arith.constant 48 : i32
      %add3A_167 = vector.broadcast %add3A_166 : i32 to vector<16xi32>
      %add3A_168 = arith.addi %iota3A_165, %add3A_167 : vector<16xi32>
      %gather3A_169 = tpu.vector_load_idx %arg5[%add3A_168, %add3A_140] : memref<128x50xi32, #tpu.memory_space<vmem>>[vector<16xi32>, vector<16xi32>], vector<16xi32>,
      %add3A_170 = arith.addi %gather3A_169, %gather3A_169 : vector<16xi32>
      %swap3A_171 = arith.index_cast %add3A_137 : i32 to index
      %swap3A_172 = arith.constant 48 : index
      %swap3A_173 = tpu.vector_load %arg6[%swap3A_171, %swap3A_172] {strides = array<i32>} : memref<50x128xi32, #tpu.memory_space<vmem>>, vector<16xi32>,
      tpu.vector_store %arg6[%swap3A_171, %swap3A_172], %add3A_170 {strides = array<i32>} : memref<50x128xi32, #tpu.memory_space<vmem>>, vector<16xi32>,
      %iota3A_174 = tpu.iota {dimensions = array<i32: 0>} : vector<16xi32>
      %add3A_175 = arith.constant 64 : i32
      %add3A_176 = vector.broadcast %add3A_175 : i32 to vector<16xi32>
      %add3A_177 = arith.addi %iota3A_174, %add3A_176 : vector<16xi32>
      %gather3A_178 = tpu.vector_load_idx %arg5[%add3A_177, %add3A_140] : memref<128x50xi32, #tpu.memory_space<vmem>>[vector<16xi32>, vector<16xi32>], vector<16xi32>,
      %add3A_179 = arith.addi %gather3A_178, %gather3A_178 : vector<16xi32>
      %swap3A_180 = arith.index_cast %add3A_137 : i32 to index
      %swap3A_181 = arith.constant 64 : index
      %swap3A_182 = tpu.vector_load %arg6[%swap3A_180, %swap3A_181] {strides = array<i32>} : memref<50x128xi32, #tpu.memory_space<vmem>>, vector<16xi32>,
      tpu.vector_store %arg6[%swap3A_180, %swap3A_181], %add3A_179 {strides = array<i32>} : memref<50x128xi32, #tpu.memory_space<vmem>>, vector<16xi32>,
      %iota3A_183 = tpu.iota {dimensions = array<i32: 0>} : vector<16xi32>
      %add3A_184 = arith.constant 80 : i32
      %add3A_185 = vector.broadcast %add3A_184 : i32 to vector<16xi32>
      %add3A_186 = arith.addi %iota3A_183, %add3A_185 : vector<16xi32>
      %gather3A_187 = tpu.vector_load_idx %arg5[%add3A_186, %add3A_140] : memref<128x50xi32, #tpu.memory_space<vmem>>[vector<16xi32>, vector<16xi32>], vector<16xi32>,
      %add3A_188 = arith.addi %gather3A_187, %gather3A_187 : vector<16xi32>
      %swap3A_189 = arith.index_cast %add3A_137 : i32 to index
      %swap3A_190 = arith.constant 80 : index
      %swap3A_191 = tpu.vector_load %arg6[%swap3A_189, %swap3A_190] {strides = array<i32>} : memref<50x128xi32, #tpu.memory_space<vmem>>, vector<16xi32>,
      tpu.vector_store %arg6[%swap3A_189, %swap3A_190], %add3A_188 {strides = array<i32>} : memref<50x128xi32, #tpu.memory_space<vmem>>, vector<16xi32>,
      %iota3A_192 = tpu.iota {dimensions = array<i32: 0>} : vector<16xi32>
      %add3A_193 = arith.constant 96 : i32
      %add3A_194 = vector.broadcast %add3A_193 : i32 to vector<16xi32>
      %add3A_195 = arith.addi %iota3A_192, %add3A_194 : vector<16xi32>
      %gather3A_196 = tpu.vector_load_idx %arg5[%add3A_195, %add3A_140] : memref<128x50xi32, #tpu.memory_space<vmem>>[vector<16xi32>, vector<16xi32>], vector<16xi32>,
      %add3A_197 = arith.addi %gather3A_196, %gather3A_196 : vector<16xi32>
      %swap3A_198 = arith.index_cast %add3A_137 : i32 to index
      %swap3A_199 = arith.constant 96 : index
      %swap3A_200 = tpu.vector_load %arg6[%swap3A_198, %swap3A_199] {strides = array<i32>} : memref<50x128xi32, #tpu.memory_space<vmem>>, vector<16xi32>,
      tpu.vector_store %arg6[%swap3A_198, %swap3A_199], %add3A_197 {strides = array<i32>} : memref<50x128xi32, #tpu.memory_space<vmem>>, vector<16xi32>,
      %iota3A_201 = tpu.iota {dimensions = array<i32: 0>} : vector<16xi32>
      %add3A_202 = arith.constant 112 : i32
      %add3A_203 = vector.broadcast %add3A_202 : i32 to vector<16xi32>
      %add3A_204 = arith.addi %iota3A_201, %add3A_203 : vector<16xi32>
      %gather3A_205 = tpu.vector_load_idx %arg5[%add3A_204, %add3A_140] : memref<128x50xi32, #tpu.memory_space<vmem>>[vector<16xi32>, vector<16xi32>], vector<16xi32>,
      %add3A_206 = arith.addi %gather3A_205, %gather3A_205 : vector<16xi32>
      %swap3A_207 = arith.index_cast %add3A_137 : i32 to index
      %swap3A_208 = arith.constant 112 : index
      %swap3A_209 = tpu.vector_load %arg6[%swap3A_207, %swap3A_208] {strides = array<i32>} : memref<50x128xi32, #tpu.memory_space<vmem>>, vector<16xi32>,
      tpu.vector_store %arg6[%swap3A_207, %swap3A_208], %add3A_206 {strides = array<i32>} : memref<50x128xi32, #tpu.memory_space<vmem>>, vector<16xi32>,
    }
    %scan3A_6 = arith.constant 50 : i32
    %dma_start3A = arith.constant 0 : i32
    %dma_start3A_7 = arith.constant 0 : i32
    %dma_start3A_8 = tpu.memref_slice %arg6[%dma_start3A, %dma_start3A_7] : memref<50x128xi32, #tpu.memory_space<vmem>> -> memref<1x128xi32, #tpu.memory_space<vmem>>
    %dma_start3A_9 = tpu.memref_squeeze %dma_start3A_8 : memref<1x128xi32, #tpu.memory_space<vmem>> -> memref<128xi32, #tpu.memory_space<vmem>>
    %dma_start3A_10 = arith.constant 0 : i32
    %dma_start3A_11 = arith.constant 0 : i32
    %dma_start3A_12 = tpu.memref_slice %arg2[%dma_start3A_10, %dma_start3A_11] : memref<200000x64xf32, #tpu.memory_space<hbm>> -> memref<200000x64xf32, #tpu.memory_space<hbm>>
    tpu.enqueue_indirect_dma source(%dma_start3A_12 : memref<200000x64xf32, #tpu.memory_space<hbm>>) target(%arg7 : memref<128x64xf32, #tpu.memory_space<vmem>>) offsets(%dma_start3A_9 : memref<128xi32, #tpu.memory_space<vmem>>) semaphore(%arg17 : memref<!tpu.dma_semaphore, #tpu.memory_space<semaphore_mem>>)
    %dma_start3A_13 = arith.constant 1 : i32
    %dma_start3A_14 = arith.constant 0 : i32
    %dma_start3A_15 = tpu.memref_slice %arg6[%dma_start3A_13, %dma_start3A_14] : memref<50x128xi32, #tpu.memory_space<vmem>> -> memref<1x128xi32, #tpu.memory_space<vmem>>
    %dma_start3A_16 = tpu.memref_squeeze %dma_start3A_15 : memref<1x128xi32, #tpu.memory_space<vmem>> -> memref<128xi32, #tpu.memory_space<vmem>>
    %dma_start3A_17 = arith.constant 0 : i32
    %dma_start3A_18 = arith.constant 0 : i32
    %dma_start3A_19 = tpu.memref_slice %arg2[%dma_start3A_17, %dma_start3A_18] : memref<200000x64xf32, #tpu.memory_space<hbm>> -> memref<200000x64xf32, #tpu.memory_space<hbm>>
    tpu.enqueue_indirect_dma source(%dma_start3A_19 : memref<200000x64xf32, #tpu.memory_space<hbm>>) target(%arg8 : memref<128x64xf32, #tpu.memory_space<vmem>>) offsets(%dma_start3A_16 : memref<128xi32, #tpu.memory_space<vmem>>) semaphore(%arg18 : memref<!tpu.dma_semaphore, #tpu.memory_space<semaphore_mem>>)
    %dma_start3A_20 = arith.constant 2 : i32
    %dma_start3A_21 = arith.constant 0 : i32
    %dma_start3A_22 = tpu.memref_slice %arg6[%dma_start3A_20, %dma_start3A_21] : memref<50x128xi32, #tpu.memory_space<vmem>> -> memref<1x128xi32, #tpu.memory_space<vmem>>
    %dma_start3A_23 = tpu.memref_squeeze %dma_start3A_22 : memref<1x128xi32, #tpu.memory_space<vmem>> -> memref<128xi32, #tpu.memory_space<vmem>>
    %dma_start3A_24 = arith.constant 0 : i32
    %dma_start3A_25 = arith.constant 0 : i32
    %dma_start3A_26 = tpu.memref_slice %arg2[%dma_start3A_24, %dma_start3A_25] : memref<200000x64xf32, #tpu.memory_space<hbm>> -> memref<200000x64xf32, #tpu.memory_space<hbm>>
    tpu.enqueue_indirect_dma source(%dma_start3A_26 : memref<200000x64xf32, #tpu.memory_space<hbm>>) target(%arg9 : memref<128x64xf32, #tpu.memory_space<vmem>>) offsets(%dma_start3A_23 : memref<128xi32, #tpu.memory_space<vmem>>) semaphore(%arg19 : memref<!tpu.dma_semaphore, #tpu.memory_space<semaphore_mem>>)
    %dma_start3A_27 = arith.constant 3 : i32
    %dma_start3A_28 = arith.constant 0 : i32
    %dma_start3A_29 = tpu.memref_slice %arg6[%dma_start3A_27, %dma_start3A_28] : memref<50x128xi32, #tpu.memory_space<vmem>> -> memref<1x128xi32, #tpu.memory_space<vmem>>
    %dma_start3A_30 = tpu.memref_squeeze %dma_start3A_29 : memref<1x128xi32, #tpu.memory_space<vmem>> -> memref<128xi32, #tpu.memory_space<vmem>>
    %dma_start3A_31 = arith.constant 0 : i32
    %dma_start3A_32 = arith.constant 0 : i32
    %dma_start3A_33 = tpu.memref_slice %arg2[%dma_start3A_31, %dma_start3A_32] : memref<200000x64xf32, #tpu.memory_space<hbm>> -> memref<200000x64xf32, #tpu.memory_space<hbm>>
    tpu.enqueue_indirect_dma source(%dma_start3A_33 : memref<200000x64xf32, #tpu.memory_space<hbm>>) target(%arg10 : memref<128x64xf32, #tpu.memory_space<vmem>>) offsets(%dma_start3A_30 : memref<128xi32, #tpu.memory_space<vmem>>) semaphore(%arg20 : memref<!tpu.dma_semaphore, #tpu.memory_space<semaphore_mem>>)
    %scan3A_34 = arith.constant 0 : i32
    %scan3A_35 = arith.constant 10 : i32
    %scan3A_36 = arith.addi %scan3A_34, %scan3A_35 : i32
    %scan3A_37 = arith.constant 1 : i32
    scf.for %scan3A_133 = %scan3A_34 to %scan3A_36 step %scan3A_37  : i32 {
      %mul3A_134 = arith.constant 1 : i32
      %mul3A_135 = arith.muli %scan3A_133, %mul3A_134 : i32
      %add3A_136 = arith.constant 0 : i32
      %add3A_137 = arith.addi %add3A_136, %mul3A_135 : i32
      %mul3A_138 = arith.constant 5 : i32
      %mul3A_139 = arith.muli %add3A_137, %mul3A_138 : i32
      %add3A_140 = arith.constant 0 : i32
      %add3A_141 = arith.addi %mul3A_139, %add3A_140 : i32
      %dma_wait3A_142 = arith.constant 0 : i32
      %dma_wait3A_143 = arith.constant 0 : i32
      %dma_wait3A_144 = tpu.memref_slice %arg6[%dma_wait3A_142, %dma_wait3A_143] : memref<50x128xi32, #tpu.memory_space<vmem>> -> memref<1x128xi32, #tpu.memory_space<vmem>>
      %dma_wait3A_145 = tpu.memref_squeeze %dma_wait3A_144 : memref<1x128xi32, #tpu.memory_space<vmem>> -> memref<128xi32, #tpu.memory_space<vmem>>
      %dma_wait3A_146 = arith.constant 0 : i32
      %dma_wait3A_147 = arith.constant 0 : i32
      %dma_wait3A_148 = tpu.memref_slice %arg2[%dma_wait3A_146, %dma_wait3A_147] : memref<200000x64xf32, #tpu.memory_space<hbm>> -> memref<200000x64xf32, #tpu.memory_space<hbm>>
      tpu.wait_indirect_dma semaphore(%arg17 : memref<!tpu.dma_semaphore, #tpu.memory_space<semaphore_mem>>) src(%dma_wait3A_148 : memref<200000x64xf32, #tpu.memory_space<hbm>>) dst(%arg7 : memref<128x64xf32, #tpu.memory_space<vmem>>)
      %add3A_149 = arith.constant 4 : i32
      %add3A_150 = arith.addi %add3A_141, %add3A_149 : i32
      %lt3A = arith.constant 50 : i32
      %lt3A_151 = arith.cmpi slt, %add3A_150, %lt3A : i32
      %convert_element_type3A = arith.extui %lt3A_151 : i1 to i32
      %cond3A = arith.constant 0 : i32
      %cond3A_152 = arith.cmpi ne, %convert_element_type3A, %cond3A : i32
      scf.if %cond3A_152 {
        %add3A_353 = arith.constant 4 : i32
        %add3A_354 = arith.addi %add3A_141, %add3A_353 : i32
        %dma_start3A_355 = arith.constant 0 : i32
        %dma_start3A_356 = tpu.memref_slice %arg6[%add3A_354, %dma_start3A_355] : memref<50x128xi32, #tpu.memory_space<vmem>> -> memref<1x128xi32, #tpu.memory_space<vmem>>
        %dma_start3A_357 = tpu.memref_squeeze %dma_start3A_356 : memref<1x128xi32, #tpu.memory_space<vmem>> -> memref<128xi32, #tpu.memory_space<vmem>>
        %dma_start3A_358 = arith.constant 0 : i32
        %dma_start3A_359 = arith.constant 0 : i32
        %dma_start3A_360 = tpu.memref_slice %arg2[%dma_start3A_358, %dma_start3A_359] : memref<200000x64xf32, #tpu.memory_space<hbm>> -> memref<200000x64xf32, #tpu.memory_space<hbm>>
        tpu.enqueue_indirect_dma source(%dma_start3A_360 : memref<200000x64xf32, #tpu.memory_space<hbm>>) target(%arg11 : memref<128x64xf32, #tpu.memory_space<vmem>>) offsets(%dma_start3A_357 : memref<128xi32, #tpu.memory_space<vmem>>) semaphore(%arg21 : memref<!tpu.dma_semaphore, #tpu.memory_space<semaphore_mem>>)
      } else {
      }
      %gt3A = arith.constant 0 : i32
      %gt3A_153 = arith.cmpi sgt, %add3A_137, %gt3A : i32
      %convert_element_type3A_154 = arith.extui %gt3A_153 : i1 to i32
      %cond3A_155 = arith.constant 0 : i32
      %cond3A_156 = arith.cmpi ne, %convert_element_type3A_154, %cond3A_155 : i32
      scf.if %cond3A_156 {
        %dma_wait3A_353 = arith.constant 0 : i32
        %dma_wait3A_354 = arith.constant 0 : i32
        %dma_wait3A_355 = arith.constant 0 : i32
        %dma_wait3A_356 = arith.constant 0 : i32
        %dma_wait3A_357 = tpu.memref_slice %arg12[%dma_wait3A_354, %dma_wait3A_355, %dma_wait3A_356] : memref<8x8x129xf32, #tpu.memory_space<vmem>> -> memref<8x8x128xf32, #tpu.memory_space<vmem>>
        %dma_wait3A_358 = arith.constant 0 : i32
        %dma_wait3A_359 = arith.constant 0 : i32
        %dma_wait3A_360 = arith.constant 0 : i32
        %dma_wait3A_361 = tpu.memref_slice %arg4[%dma_wait3A_353, %dma_wait3A_358, %add3A, %dma_wait3A_359, %dma_wait3A_360] : memref<50x8x32x8x128xf32, #tpu.memory_space<hbm>> -> memref<1x8x1x8x128xf32, #tpu.memory_space<hbm>>
        %dma_wait3A_362 = tpu.memref_squeeze %dma_wait3A_361 : memref<1x8x1x8x128xf32, #tpu.memory_space<hbm>> -> memref<8x8x128xf32, #tpu.memory_space<hbm>>
        %dma_wait3A_363 = arith.constant 0 : i32
        %dma_wait3A_364 = arith.constant 0 : i32
        %dma_wait3A_365 = arith.constant 0 : i32
        %dma_wait3A_366 = tpu.memref_slice %arg4[%dma_wait3A_353, %dma_wait3A_363, %add3A, %dma_wait3A_364, %dma_wait3A_365] : memref<50x8x32x8x128xf32, #tpu.memory_space<hbm>> -> memref<1x8x1x8x128xf32, #tpu.memory_space<hbm>>
        %dma_wait3A_367 = tpu.memref_squeeze %dma_wait3A_366 : memref<1x8x1x8x128xf32, #tpu.memory_space<hbm>> -> memref<8x8x128xf32, #tpu.memory_space<hbm>>
        %dma_wait3A_368 = arith.constant 0 : i32
        %dma_wait3A_369 = arith.constant 0 : i32
        %dma_wait3A_370 = arith.constant 0 : i32
        %dma_wait3A_371 = tpu.memref_slice %arg12[%dma_wait3A_368, %dma_wait3A_369, %dma_wait3A_370] : memref<8x8x129xf32, #tpu.memory_space<vmem>> -> memref<8x8x128xf32, #tpu.memory_space<vmem>>
        tpu.wait_dma2 semaphore(%arg22 : memref<!tpu.dma_semaphore, #tpu.memory_space<semaphore_mem>>) src(%dma_wait3A_371 : memref<8x8x128xf32, #tpu.memory_space<vmem>>) dst(%dma_wait3A_367 : memref<8x8x128xf32, #tpu.memory_space<hbm>>)
      } else {
      }
      %parallel_loop3A = arith.constant 0 : i32
      %parallel_loop3A_157 = arith.constant 128 : i32
      %parallel_loop3A_158 = arith.constant 2 : i32
      scf.for %parallel_loop3A_353 = %parallel_loop3A to %parallel_loop3A_157 step %parallel_loop3A_158  : i32 {
        %parallel_loop3A_354 = arith.constant 0 : i32
        %parallel_loop3A_355 = arith.addi %parallel_loop3A_353, %parallel_loop3A_354 : i32
        %parallel_loop3A_356 = arith.constant 0 : i32
        %parallel_loop3A_357 = vector.broadcast %parallel_loop3A_356 : i32 to vector<16xi32>
        %parallel_loop3A_358 = vector.broadcast %parallel_loop3A_355 : i32 to vector<16xi32>
        %parallel_loop3A_359 = arith.addi %parallel_loop3A_357, %parallel_loop3A_358 : vector<16xi32>
        %parallel_loop3A_360 = tpu.iota {dimensions = array<i32: 0>} : vector<16xi32>
        %parallel_loop3A_361 = arith.constant 0 : i32
        %parallel_loop3A_362 = vector.broadcast %parallel_loop3A_361 : i32 to vector<16xi32>
        %parallel_loop3A_363 = arith.addi %parallel_loop3A_360, %parallel_loop3A_362 : vector<16xi32>
        %parallel_loop3A_364 = arith.index_cast %parallel_loop3A_355 : i32 to index
        %parallel_loop3A_365 = arith.constant 0 : index
        %parallel_loop3A_366 = tpu.vector_load %arg7[%parallel_loop3A_364, %parallel_loop3A_365] {strides = array<i32>} : memref<128x64xf32, #tpu.memory_space<vmem>>, vector<16xf32>,
        %parallel_loop3A_367 = arith.constant 8 : i32
        %parallel_loop3A_368 = vector.broadcast %parallel_loop3A_367 : i32 to vector<16xi32>
        %parallel_loop3A_369 = arith.divsi %parallel_loop3A_363, %parallel_loop3A_368 : vector<16xi32>
        %parallel_loop3A_370 = arith.constant 0 : i32
        %parallel_loop3A_371 = vector.broadcast %parallel_loop3A_370 : i32 to vector<16xi32>
        %parallel_loop3A_372 = arith.cmpi sgt, %parallel_loop3A_363, %parallel_loop3A_371 : vector<16xi32>
        %parallel_loop3A_373 = arith.extui %parallel_loop3A_372 : vector<16xi1> to vector<16xi32>
        %parallel_loop3A_374 = arith.constant 0 : i32
        %parallel_loop3A_375 = vector.broadcast %parallel_loop3A_374 : i32 to vector<16xi32>
        %parallel_loop3A_376 = arith.cmpi slt, %parallel_loop3A_363, %parallel_loop3A_375 : vector<16xi32>
        %parallel_loop3A_377 = arith.extui %parallel_loop3A_376 : vector<16xi1> to vector<16xi32>
        %parallel_loop3A_378 = arith.subi %parallel_loop3A_373, %parallel_loop3A_377 : vector<16xi32>
        %parallel_loop3A_379 = arith.constant 0 : i32
        %parallel_loop3A_380 = arith.cmpi sgt, %parallel_loop3A_367, %parallel_loop3A_379 : i32
        %parallel_loop3A_381 = arith.extui %parallel_loop3A_380 : i1 to i32
        %parallel_loop3A_382 = arith.constant 0 : i32
        %parallel_loop3A_383 = arith.cmpi slt, %parallel_loop3A_367, %parallel_loop3A_382 : i32
        %parallel_loop3A_384 = arith.extui %parallel_loop3A_383 : i1 to i32
        %parallel_loop3A_385 = arith.subi %parallel_loop3A_381, %parallel_loop3A_384 : i32
        %parallel_loop3A_386 = vector.broadcast %parallel_loop3A_385 : i32 to vector<16xi32>
        %parallel_loop3A_387 = arith.cmpi ne, %parallel_loop3A_378, %parallel_loop3A_386 : vector<16xi32>
        %parallel_loop3A_388 = vector.broadcast %parallel_loop3A_367 : i32 to vector<16xi32>
        %parallel_loop3A_389 = arith.remsi %parallel_loop3A_363, %parallel_loop3A_388 : vector<16xi32>
        %parallel_loop3A_390 = arith.constant 0 : i32
        %parallel_loop3A_391 = vector.broadcast %parallel_loop3A_390 : i32 to vector<16xi32>
        %parallel_loop3A_392 = arith.cmpi ne, %parallel_loop3A_389, %parallel_loop3A_391 : vector<16xi32>
        %parallel_loop3A_393 = arith.andi %parallel_loop3A_387, %parallel_loop3A_392 : vector<16xi1>
        %parallel_loop3A_394 = arith.constant 1 : i32
        %parallel_loop3A_395 = vector.broadcast %parallel_loop3A_394 : i32 to vector<16xi32>
        %parallel_loop3A_396 = arith.subi %parallel_loop3A_369, %parallel_loop3A_395 : vector<16xi32>
        %parallel_loop3A_397 = arith.select %parallel_loop3A_393, %parallel_loop3A_396, %parallel_loop3A_369 : vector<16xi1>, vector<16xi32>
        %parallel_loop3A_398 = arith.constant 8 : i32
        %parallel_loop3A_399 = arith.constant 0 : i32
        %parallel_loop3A_400 = arith.cmpi eq, %parallel_loop3A_398, %parallel_loop3A_399 : i32
        %parallel_loop3A_401 = arith.constant 1 : i32
        %parallel_loop3A_402 = arith.select %parallel_loop3A_400, %parallel_loop3A_401, %parallel_loop3A_398 : i32
        %parallel_loop3A_403 = vector.broadcast %parallel_loop3A_402 : i32 to vector<16xi32>
        %parallel_loop3A_404 = arith.remsi %parallel_loop3A_363, %parallel_loop3A_403 : vector<16xi32>
        %parallel_loop3A_405 = arith.constant 0 : i32
        %parallel_loop3A_406 = vector.broadcast %parallel_loop3A_405 : i32 to vector<16xi32>
        %parallel_loop3A_407 = arith.cmpi ne, %parallel_loop3A_404, %parallel_loop3A_406 : vector<16xi32>
        %parallel_loop3A_408 = arith.constant 0 : i32
        %parallel_loop3A_409 = vector.broadcast %parallel_loop3A_408 : i32 to vector<16xi32>
        %parallel_loop3A_410 = arith.cmpi slt, %parallel_loop3A_404, %parallel_loop3A_409 : vector<16xi32>
        %parallel_loop3A_411 = arith.constant 0 : i32
        %parallel_loop3A_412 = arith.cmpi slt, %parallel_loop3A_402, %parallel_loop3A_411 : i32
        %parallel_loop3A_413 = vector.broadcast %parallel_loop3A_412 : i1 to vector<16xi1>
        %parallel_loop3A_414 = vector.broadcast %parallel_loop3A_413 : vector<16xi1> to vector<16xi1>
        %parallel_loop3A_415 = arith.xori %parallel_loop3A_410, %parallel_loop3A_414 : vector<16xi1>
        %parallel_loop3A_416 = arith.andi %parallel_loop3A_415, %parallel_loop3A_407 : vector<16xi1>
        %parallel_loop3A_417 = vector.broadcast %parallel_loop3A_402 : i32 to vector<16xi32>
        %parallel_loop3A_418 = arith.addi %parallel_loop3A_404, %parallel_loop3A_417 : vector<16xi32>
        %parallel_loop3A_419 = arith.select %parallel_loop3A_416, %parallel_loop3A_418, %parallel_loop3A_404 : vector<16xi1>, vector<16xi32>
        tpu.vector_store_idx %arg12[%parallel_loop3A_397, %parallel_loop3A_419, %parallel_loop3A_359], %parallel_loop3A_366 : memref<8x8x129xf32, #tpu.memory_space<vmem>>[vector<16xi32>, vector<16xi32>, vector<16xi32>], vector<16xf32>,
        %parallel_loop3A_420 = tpu.iota {dimensions = array<i32: 0>} : vector<16xi32>
        %parallel_loop3A_421 = arith.constant 16 : i32
        %parallel_loop3A_422 = vector.broadcast %parallel_loop3A_421 : i32 to vector<16xi32>
        %parallel_loop3A_423 = arith.addi %parallel_loop3A_420, %parallel_loop3A_422 : vector<16xi32>
        %parallel_loop3A_424 = arith.index_cast %parallel_loop3A_355 : i32 to index
        %parallel_loop3A_425 = arith.constant 16 : index
        %parallel_loop3A_426 = tpu.vector_load %arg7[%parallel_loop3A_424, %parallel_loop3A_425] {strides = array<i32>} : memref<128x64xf32, #tpu.memory_space<vmem>>, vector<16xf32>,
        %parallel_loop3A_427 = arith.constant 8 : i32
        %parallel_loop3A_428 = vector.broadcast %parallel_loop3A_427 : i32 to vector<16xi32>
        %parallel_loop3A_429 = arith.divsi %parallel_loop3A_423, %parallel_loop3A_428 : vector<16xi32>
        %parallel_loop3A_430 = arith.constant 0 : i32
        %parallel_loop3A_431 = vector.broadcast %parallel_loop3A_430 : i32 to vector<16xi32>
        %parallel_loop3A_432 = arith.cmpi sgt, %parallel_loop3A_423, %parallel_loop3A_431 : vector<16xi32>
        %parallel_loop3A_433 = arith.extui %parallel_loop3A_432 : vector<16xi1> to vector<16xi32>
        %parallel_loop3A_434 = arith.constant 0 : i32
        %parallel_loop3A_435 = vector.broadcast %parallel_loop3A_434 : i32 to vector<16xi32>
        %parallel_loop3A_436 = arith.cmpi slt, %parallel_loop3A_423, %parallel_loop3A_435 : vector<16xi32>
        %parallel_loop3A_437 = arith.extui %parallel_loop3A_436 : vector<16xi1> to vector<16xi32>
        %parallel_loop3A_438 = arith.subi %parallel_loop3A_433, %parallel_loop3A_437 : vector<16xi32>
        %parallel_loop3A_439 = arith.constant 0 : i32
        %parallel_loop3A_440 = arith.cmpi sgt, %parallel_loop3A_427, %parallel_loop3A_439 : i32
        %parallel_loop3A_441 = arith.extui %parallel_loop3A_440 : i1 to i32
        %parallel_loop3A_442 = arith.constant 0 : i32
        %parallel_loop3A_443 = arith.cmpi slt, %parallel_loop3A_427, %parallel_loop3A_442 : i32
        %parallel_loop3A_444 = arith.extui %parallel_loop3A_443 : i1 to i32
        %parallel_loop3A_445 = arith.subi %parallel_loop3A_441, %parallel_loop3A_444 : i32
        %parallel_loop3A_446 = vector.broadcast %parallel_loop3A_445 : i32 to vector<16xi32>
        %parallel_loop3A_447 = arith.cmpi ne, %parallel_loop3A_438, %parallel_loop3A_446 : vector<16xi32>
        %parallel_loop3A_448 = vector.broadcast %parallel_loop3A_427 : i32 to vector<16xi32>
        %parallel_loop3A_449 = arith.remsi %parallel_loop3A_423, %parallel_loop3A_448 : vector<16xi32>
        %parallel_loop3A_450 = arith.constant 0 : i32
        %parallel_loop3A_451 = vector.broadcast %parallel_loop3A_450 : i32 to vector<16xi32>
        %parallel_loop3A_452 = arith.cmpi ne, %parallel_loop3A_449, %parallel_loop3A_451 : vector<16xi32>
        %parallel_loop3A_453 = arith.andi %parallel_loop3A_447, %parallel_loop3A_452 : vector<16xi1>
        %parallel_loop3A_454 = arith.constant 1 : i32
        %parallel_loop3A_455 = vector.broadcast %parallel_loop3A_454 : i32 to vector<16xi32>
        %parallel_loop3A_456 = arith.subi %parallel_loop3A_429, %parallel_loop3A_455 : vector<16xi32>
        %parallel_loop3A_457 = arith.select %parallel_loop3A_453, %parallel_loop3A_456, %parallel_loop3A_429 : vector<16xi1>, vector<16xi32>
        %parallel_loop3A_458 = arith.constant 8 : i32
        %parallel_loop3A_459 = arith.constant 0 : i32
        %parallel_loop3A_460 = arith.cmpi eq, %parallel_loop3A_458, %parallel_loop3A_459 : i32
        %parallel_loop3A_461 = arith.constant 1 : i32
        %parallel_loop3A_462 = arith.select %parallel_loop3A_460, %parallel_loop3A_461, %parallel_loop3A_458 : i32
        %parallel_loop3A_463 = vector.broadcast %parallel_loop3A_462 : i32 to vector<16xi32>
        %parallel_loop3A_464 = arith.remsi %parallel_loop3A_423, %parallel_loop3A_463 : vector<16xi32>
        %parallel_loop3A_465 = arith.constant 0 : i32
        %parallel_loop3A_466 = vector.broadcast %parallel_loop3A_465 : i32 to vector<16xi32>
        %parallel_loop3A_467 = arith.cmpi ne, %parallel_loop3A_464, %parallel_loop3A_466 : vector<16xi32>
        %parallel_loop3A_468 = arith.constant 0 : i32
        %parallel_loop3A_469 = vector.broadcast %parallel_loop3A_468 : i32 to vector<16xi32>
        %parallel_loop3A_470 = arith.cmpi slt, %parallel_loop3A_464, %parallel_loop3A_469 : vector<16xi32>
        %parallel_loop3A_471 = arith.constant 0 : i32
        %parallel_loop3A_472 = arith.cmpi slt, %parallel_loop3A_462, %parallel_loop3A_471 : i32
        %parallel_loop3A_473 = vector.broadcast %parallel_loop3A_472 : i1 to vector<16xi1>
        %parallel_loop3A_474 = vector.broadcast %parallel_loop3A_473 : vector<16xi1> to vector<16xi1>
        %parallel_loop3A_475 = arith.xori %parallel_loop3A_470, %parallel_loop3A_474 : vector<16xi1>
        %parallel_loop3A_476 = arith.andi %parallel_loop3A_475, %parallel_loop3A_467 : vector<16xi1>
        %parallel_loop3A_477 = vector.broadcast %parallel_loop3A_462 : i32 to vector<16xi32>
        %parallel_loop3A_478 = arith.addi %parallel_loop3A_464, %parallel_loop3A_477 : vector<16xi32>
        %parallel_loop3A_479 = arith.select %parallel_loop3A_476, %parallel_loop3A_478, %parallel_loop3A_464 : vector<16xi1>, vector<16xi32>
        tpu.vector_store_idx %arg12[%parallel_loop3A_457, %parallel_loop3A_479, %parallel_loop3A_359], %parallel_loop3A_426 : memref<8x8x129xf32, #tpu.memory_space<vmem>>[vector<16xi32>, vector<16xi32>, vector<16xi32>], vector<16xf32>,
        %parallel_loop3A_480 = tpu.iota {dimensions = array<i32: 0>} : vector<16xi32>
        %parallel_loop3A_481 = arith.constant 32 : i32
        %parallel_loop3A_482 = vector.broadcast %parallel_loop3A_481 : i32 to vector<16xi32>
        %parallel_loop3A_483 = arith.addi %parallel_loop3A_480, %parallel_loop3A_482 : vector<16xi32>
        %parallel_loop3A_484 = arith.index_cast %parallel_loop3A_355 : i32 to index
        %parallel_loop3A_485 = arith.constant 32 : index
        %parallel_loop3A_486 = tpu.vector_load %arg7[%parallel_loop3A_484, %parallel_loop3A_485] {strides = array<i32>} : memref<128x64xf32, #tpu.memory_space<vmem>>, vector<16xf32>,
        %parallel_loop3A_487 = arith.constant 8 : i32
        %parallel_loop3A_488 = vector.broadcast %parallel_loop3A_487 : i32 to vector<16xi32>
        %parallel_loop3A_489 = arith.divsi %parallel_loop3A_483, %parallel_loop3A_488 : vector<16xi32>
        %parallel_loop3A_490 = arith.constant 0 : i32
        %parallel_loop3A_491 = vector.broadcast %parallel_loop3A_490 : i32 to vector<16xi32>
        %parallel_loop3A_492 = arith.cmpi sgt, %parallel_loop3A_483, %parallel_loop3A_491 : vector<16xi32>
        %parallel_loop3A_493 = arith.extui %parallel_loop3A_492 : vector<16xi1> to vector<16xi32>
        %parallel_loop3A_494 = arith.constant 0 : i32
        %parallel_loop3A_495 = vector.broadcast %parallel_loop3A_494 : i32 to vector<16xi32>
        %parallel_loop3A_496 = arith.cmpi slt, %parallel_loop3A_483, %parallel_loop3A_495 : vector<16xi32>
        %parallel_loop3A_497 = arith.extui %parallel_loop3A_496 : vector<16xi1> to vector<16xi32>
        %parallel_loop3A_498 = arith.subi %parallel_loop3A_493, %parallel_loop3A_497 : vector<16xi32>
        %parallel_loop3A_499 = arith.constant 0 : i32
        %parallel_loop3A_500 = arith.cmpi sgt, %parallel_loop3A_487, %parallel_loop3A_499 : i32
        %parallel_loop3A_501 = arith.extui %parallel_loop3A_500 : i1 to i32
        %parallel_loop3A_502 = arith.constant 0 : i32
        %parallel_loop3A_503 = arith.cmpi slt, %parallel_loop3A_487, %parallel_loop3A_502 : i32
        %parallel_loop3A_504 = arith.extui %parallel_loop3A_503 : i1 to i32
        %parallel_loop3A_505 = arith.subi %parallel_loop3A_501, %parallel_loop3A_504 : i32
        %parallel_loop3A_506 = vector.broadcast %parallel_loop3A_505 : i32 to vector<16xi32>
        %parallel_loop3A_507 = arith.cmpi ne, %parallel_loop3A_498, %parallel_loop3A_506 : vector<16xi32>
        %parallel_loop3A_508 = vector.broadcast %parallel_loop3A_487 : i32 to vector<16xi32>
        %parallel_loop3A_509 = arith.remsi %parallel_loop3A_483, %parallel_loop3A_508 : vector<16xi32>
        %parallel_loop3A_510 = arith.constant 0 : i32
        %parallel_loop3A_511 = vector.broadcast %parallel_loop3A_510 : i32 to vector<16xi32>
        %parallel_loop3A_512 = arith.cmpi ne, %parallel_loop3A_509, %parallel_loop3A_511 : vector<16xi32>
        %parallel_loop3A_513 = arith.andi %parallel_loop3A_507, %parallel_loop3A_512 : vector<16xi1>
        %parallel_loop3A_514 = arith.constant 1 : i32
        %parallel_loop3A_515 = vector.broadcast %parallel_loop3A_514 : i32 to vector<16xi32>
        %parallel_loop3A_516 = arith.subi %parallel_loop3A_489, %parallel_loop3A_515 : vector<16xi32>
        %parallel_loop3A_517 = arith.select %parallel_loop3A_513, %parallel_loop3A_516, %parallel_loop3A_489 : vector<16xi1>, vector<16xi32>
        %parallel_loop3A_518 = arith.constant 8 : i32
        %parallel_loop3A_519 = arith.constant 0 : i32
        %parallel_loop3A_520 = arith.cmpi eq, %parallel_loop3A_518, %parallel_loop3A_519 : i32
        %parallel_loop3A_521 = arith.constant 1 : i32
        %parallel_loop3A_522 = arith.select %parallel_loop3A_520, %parallel_loop3A_521, %parallel_loop3A_518 : i32
        %parallel_loop3A_523 = vector.broadcast %parallel_loop3A_522 : i32 to vector<16xi32>
        %parallel_loop3A_524 = arith.remsi %parallel_loop3A_483, %parallel_loop3A_523 : vector<16xi32>
        %parallel_loop3A_525 = arith.constant 0 : i32
        %parallel_loop3A_526 = vector.broadcast %parallel_loop3A_525 : i32 to vector<16xi32>
        %parallel_loop3A_527 = arith.cmpi ne, %parallel_loop3A_524, %parallel_loop3A_526 : vector<16xi32>
        %parallel_loop3A_528 = arith.constant 0 : i32
        %parallel_loop3A_529 = vector.broadcast %parallel_loop3A_528 : i32 to vector<16xi32>
        %parallel_loop3A_530 = arith.cmpi slt, %parallel_loop3A_524, %parallel_loop3A_529 : vector<16xi32>
        %parallel_loop3A_531 = arith.constant 0 : i32
        %parallel_loop3A_532 = arith.cmpi slt, %parallel_loop3A_522, %parallel_loop3A_531 : i32
        %parallel_loop3A_533 = vector.broadcast %parallel_loop3A_532 : i1 to vector<16xi1>
        %parallel_loop3A_534 = vector.broadcast %parallel_loop3A_533 : vector<16xi1> to vector<16xi1>
        %parallel_loop3A_535 = arith.xori %parallel_loop3A_530, %parallel_loop3A_534 : vector<16xi1>
        %parallel_loop3A_536 = arith.andi %parallel_loop3A_535, %parallel_loop3A_527 : vector<16xi1>
        %parallel_loop3A_537 = vector.broadcast %parallel_loop3A_522 : i32 to vector<16xi32>
        %parallel_loop3A_538 = arith.addi %parallel_loop3A_524, %parallel_loop3A_537 : vector<16xi32>
        %parallel_loop3A_539 = arith.select %parallel_loop3A_536, %parallel_loop3A_538, %parallel_loop3A_524 : vector<16xi1>, vector<16xi32>
        tpu.vector_store_idx %arg12[%parallel_loop3A_517, %parallel_loop3A_539, %parallel_loop3A_359], %parallel_loop3A_486 : memref<8x8x129xf32, #tpu.memory_space<vmem>>[vector<16xi32>, vector<16xi32>, vector<16xi32>], vector<16xf32>,
        %parallel_loop3A_540 = tpu.iota {dimensions = array<i32: 0>} : vector<16xi32>
        %parallel_loop3A_541 = arith.constant 48 : i32
        %parallel_loop3A_542 = vector.broadcast %parallel_loop3A_541 : i32 to vector<16xi32>
        %parallel_loop3A_543 = arith.addi %parallel_loop3A_540, %parallel_loop3A_542 : vector<16xi32>
        %parallel_loop3A_544 = arith.index_cast %parallel_loop3A_355 : i32 to index
        %parallel_loop3A_545 = arith.constant 48 : index
        %parallel_loop3A_546 = tpu.vector_load %arg7[%parallel_loop3A_544, %parallel_loop3A_545] {strides = array<i32>} : memref<128x64xf32, #tpu.memory_space<vmem>>, vector<16xf32>,
        %parallel_loop3A_547 = arith.constant 8 : i32
        %parallel_loop3A_548 = vector.broadcast %parallel_loop3A_547 : i32 to vector<16xi32>
        %parallel_loop3A_549 = arith.divsi %parallel_loop3A_543, %parallel_loop3A_548 : vector<16xi32>
        %parallel_loop3A_550 = arith.constant 0 : i32
        %parallel_loop3A_551 = vector.broadcast %parallel_loop3A_550 : i32 to vector<16xi32>
        %parallel_loop3A_552 = arith.cmpi sgt, %parallel_loop3A_543, %parallel_loop3A_551 : vector<16xi32>
        %parallel_loop3A_553 = arith.extui %parallel_loop3A_552 : vector<16xi1> to vector<16xi32>
        %parallel_loop3A_554 = arith.constant 0 : i32
        %parallel_loop3A_555 = vector.broadcast %parallel_loop3A_554 : i32 to vector<16xi32>
        %parallel_loop3A_556 = arith.cmpi slt, %parallel_loop3A_543, %parallel_loop3A_555 : vector<16xi32>
        %parallel_loop3A_557 = arith.extui %parallel_loop3A_556 : vector<16xi1> to vector<16xi32>
        %parallel_loop3A_558 = arith.subi %parallel_loop3A_553, %parallel_loop3A_557 : vector<16xi32>
        %parallel_loop3A_559 = arith.constant 0 : i32
        %parallel_loop3A_560 = arith.cmpi sgt, %parallel_loop3A_547, %parallel_loop3A_559 : i32
        %parallel_loop3A_561 = arith.extui %parallel_loop3A_560 : i1 to i32
        %parallel_loop3A_562 = arith.constant 0 : i32
        %parallel_loop3A_563 = arith.cmpi slt, %parallel_loop3A_547, %parallel_loop3A_562 : i32
        %parallel_loop3A_564 = arith.extui %parallel_loop3A_563 : i1 to i32
        %parallel_loop3A_565 = arith.subi %parallel_loop3A_561, %parallel_loop3A_564 : i32
        %parallel_loop3A_566 = vector.broadcast %parallel_loop3A_565 : i32 to vector<16xi32>
        %parallel_loop3A_567 = arith.cmpi ne, %parallel_loop3A_558, %parallel_loop3A_566 : vector<16xi32>
        %parallel_loop3A_568 = vector.broadcast %parallel_loop3A_547 : i32 to vector<16xi32>
        %parallel_loop3A_569 = arith.remsi %parallel_loop3A_543, %parallel_loop3A_568 : vector<16xi32>
        %parallel_loop3A_570 = arith.constant 0 : i32
        %parallel_loop3A_571 = vector.broadcast %parallel_loop3A_570 : i32 to vector<16xi32>
        %parallel_loop3A_572 = arith.cmpi ne, %parallel_loop3A_569, %parallel_loop3A_571 : vector<16xi32>
        %parallel_loop3A_573 = arith.andi %parallel_loop3A_567, %parallel_loop3A_572 : vector<16xi1>
        %parallel_loop3A_574 = arith.constant 1 : i32
        %parallel_loop3A_575 = vector.broadcast %parallel_loop3A_574 : i32 to vector<16xi32>
        %parallel_loop3A_576 = arith.subi %parallel_loop3A_549, %parallel_loop3A_575 : vector<16xi32>
        %parallel_loop3A_577 = arith.select %parallel_loop3A_573, %parallel_loop3A_576, %parallel_loop3A_549 : vector<16xi1>, vector<16xi32>
        %parallel_loop3A_578 = arith.constant 8 : i32
        %parallel_loop3A_579 = arith.constant 0 : i32
        %parallel_loop3A_580 = arith.cmpi eq, %parallel_loop3A_578, %parallel_loop3A_579 : i32
        %parallel_loop3A_581 = arith.constant 1 : i32
        %parallel_loop3A_582 = arith.select %parallel_loop3A_580, %parallel_loop3A_581, %parallel_loop3A_578 : i32
        %parallel_loop3A_583 = vector.broadcast %parallel_loop3A_582 : i32 to vector<16xi32>
        %parallel_loop3A_584 = arith.remsi %parallel_loop3A_543, %parallel_loop3A_583 : vector<16xi32>
        %parallel_loop3A_585 = arith.constant 0 : i32
        %parallel_loop3A_586 = vector.broadcast %parallel_loop3A_585 : i32 to vector<16xi32>
        %parallel_loop3A_587 = arith.cmpi ne, %parallel_loop3A_584, %parallel_loop3A_586 : vector<16xi32>
        %parallel_loop3A_588 = arith.constant 0 : i32
        %parallel_loop3A_589 = vector.broadcast %parallel_loop3A_588 : i32 to vector<16xi32>
        %parallel_loop3A_590 = arith.cmpi slt, %parallel_loop3A_584, %parallel_loop3A_589 : vector<16xi32>
        %parallel_loop3A_591 = arith.constant 0 : i32
        %parallel_loop3A_592 = arith.cmpi slt, %parallel_loop3A_582, %parallel_loop3A_591 : i32
        %parallel_loop3A_593 = vector.broadcast %parallel_loop3A_592 : i1 to vector<16xi1>
        %parallel_loop3A_594 = vector.broadcast %parallel_loop3A_593 : vector<16xi1> to vector<16xi1>
        %parallel_loop3A_595 = arith.xori %parallel_loop3A_590, %parallel_loop3A_594 : vector<16xi1>
        %parallel_loop3A_596 = arith.andi %parallel_loop3A_595, %parallel_loop3A_587 : vector<16xi1>
        %parallel_loop3A_597 = vector.broadcast %parallel_loop3A_582 : i32 to vector<16xi32>
        %parallel_loop3A_598 = arith.addi %parallel_loop3A_584, %parallel_loop3A_597 : vector<16xi32>
        %parallel_loop3A_599 = arith.select %parallel_loop3A_596, %parallel_loop3A_598, %parallel_loop3A_584 : vector<16xi1>, vector<16xi32>
        tpu.vector_store_idx %arg12[%parallel_loop3A_577, %parallel_loop3A_599, %parallel_loop3A_359], %parallel_loop3A_546 : memref<8x8x129xf32, #tpu.memory_space<vmem>>[vector<16xi32>, vector<16xi32>, vector<16xi32>], vector<16xf32>,
        %parallel_loop3A_600 = arith.constant 1 : i32
        %parallel_loop3A_601 = arith.addi %parallel_loop3A_353, %parallel_loop3A_600 : i32
        %parallel_loop3A_602 = arith.constant 0 : i32
        %parallel_loop3A_603 = vector.broadcast %parallel_loop3A_602 : i32 to vector<16xi32>
        %parallel_loop3A_604 = vector.broadcast %parallel_loop3A_601 : i32 to vector<16xi32>
        %parallel_loop3A_605 = arith.addi %parallel_loop3A_603, %parallel_loop3A_604 : vector<16xi32>
        %parallel_loop3A_606 = tpu.iota {dimensions = array<i32: 0>} : vector<16xi32>
        %parallel_loop3A_607 = arith.constant 0 : i32
        %parallel_loop3A_608 = vector.broadcast %parallel_loop3A_607 : i32 to vector<16xi32>
        %parallel_loop3A_609 = arith.addi %parallel_loop3A_606, %parallel_loop3A_608 : vector<16xi32>
        %parallel_loop3A_610 = arith.index_cast %parallel_loop3A_601 : i32 to index
        %parallel_loop3A_611 = arith.constant 0 : index
        %parallel_loop3A_612 = tpu.vector_load %arg7[%parallel_loop3A_610, %parallel_loop3A_611] {strides = array<i32>} : memref<128x64xf32, #tpu.memory_space<vmem>>, vector<16xf32>,
        %parallel_loop3A_613 = arith.constant 8 : i32
        %parallel_loop3A_614 = vector.broadcast %parallel_loop3A_613 : i32 to vector<16xi32>
        %parallel_loop3A_615 = arith.divsi %parallel_loop3A_609, %parallel_loop3A_614 : vector<16xi32>
        %parallel_loop3A_616 = arith.constant 0 : i32
        %parallel_loop3A_617 = vector.broadcast %parallel_loop3A_616 : i32 to vector<16xi32>
        %parallel_loop3A_618 = arith.cmpi sgt, %parallel_loop3A_609, %parallel_loop3A_617 : vector<16xi32>
        %parallel_loop3A_619 = arith.extui %parallel_loop3A_618 : vector<16xi1> to vector<16xi32>
        %parallel_loop3A_620 = arith.constant 0 : i32
        %parallel_loop3A_621 = vector.broadcast %parallel_loop3A_620 : i32 to vector<16xi32>
        %parallel_loop3A_622 = arith.cmpi slt, %parallel_loop3A_609, %parallel_loop3A_621 : vector<16xi32>
        %parallel_loop3A_623 = arith.extui %parallel_loop3A_622 : vector<16xi1> to vector<16xi32>
        %parallel_loop3A_624 = arith.subi %parallel_loop3A_619, %parallel_loop3A_623 : vector<16xi32>
        %parallel_loop3A_625 = arith.constant 0 : i32
        %parallel_loop3A_626 = arith.cmpi sgt, %parallel_loop3A_613, %parallel_loop3A_625 : i32
        %parallel_loop3A_627 = arith.extui %parallel_loop3A_626 : i1 to i32
        %parallel_loop3A_628 = arith.constant 0 : i32
        %parallel_loop3A_629 = arith.cmpi slt, %parallel_loop3A_613, %parallel_loop3A_628 : i32
        %parallel_loop3A_630 = arith.extui %parallel_loop3A_629 : i1 to i32
        %parallel_loop3A_631 = arith.subi %parallel_loop3A_627, %parallel_loop3A_630 : i32
        %parallel_loop3A_632 = vector.broadcast %parallel_loop3A_631 : i32 to vector<16xi32>
        %parallel_loop3A_633 = arith.cmpi ne, %parallel_loop3A_624, %parallel_loop3A_632 : vector<16xi32>
        %parallel_loop3A_634 = vector.broadcast %parallel_loop3A_613 : i32 to vector<16xi32>
        %parallel_loop3A_635 = arith.remsi %parallel_loop3A_609, %parallel_loop3A_634 : vector<16xi32>
        %parallel_loop3A_636 = arith.constant 0 : i32
        %parallel_loop3A_637 = vector.broadcast %parallel_loop3A_636 : i32 to vector<16xi32>
        %parallel_loop3A_638 = arith.cmpi ne, %parallel_loop3A_635, %parallel_loop3A_637 : vector<16xi32>
        %parallel_loop3A_639 = arith.andi %parallel_loop3A_633, %parallel_loop3A_638 : vector<16xi1>
        %parallel_loop3A_640 = arith.constant 1 : i32
        %parallel_loop3A_641 = vector.broadcast %parallel_loop3A_640 : i32 to vector<16xi32>
        %parallel_loop3A_642 = arith.subi %parallel_loop3A_615, %parallel_loop3A_641 : vector<16xi32>
        %parallel_loop3A_643 = arith.select %parallel_loop3A_639, %parallel_loop3A_642, %parallel_loop3A_615 : vector<16xi1>, vector<16xi32>
        %parallel_loop3A_644 = arith.constant 8 : i32
        %parallel_loop3A_645 = arith.constant 0 : i32
        %parallel_loop3A_646 = arith.cmpi eq, %parallel_loop3A_644, %parallel_loop3A_645 : i32
        %parallel_loop3A_647 = arith.constant 1 : i32
        %parallel_loop3A_648 = arith.select %parallel_loop3A_646, %parallel_loop3A_647, %parallel_loop3A_644 : i32
        %parallel_loop3A_649 = vector.broadcast %parallel_loop3A_648 : i32 to vector<16xi32>
        %parallel_loop3A_650 = arith.remsi %parallel_loop3A_609, %parallel_loop3A_649 : vector<16xi32>
        %parallel_loop3A_651 = arith.constant 0 : i32
        %parallel_loop3A_652 = vector.broadcast %parallel_loop3A_651 : i32 to vector<16xi32>
        %parallel_loop3A_653 = arith.cmpi ne, %parallel_loop3A_650, %parallel_loop3A_652 : vector<16xi32>
        %parallel_loop3A_654 = arith.constant 0 : i32
        %parallel_loop3A_655 = vector.broadcast %parallel_loop3A_654 : i32 to vector<16xi32>
        %parallel_loop3A_656 = arith.cmpi slt, %parallel_loop3A_650, %parallel_loop3A_655 : vector<16xi32>
        %parallel_loop3A_657 = arith.constant 0 : i32
        %parallel_loop3A_658 = arith.cmpi slt, %parallel_loop3A_648, %parallel_loop3A_657 : i32
        %parallel_loop3A_659 = vector.broadcast %parallel_loop3A_658 : i1 to vector<16xi1>
        %parallel_loop3A_660 = vector.broadcast %parallel_loop3A_659 : vector<16xi1> to vector<16xi1>
        %parallel_loop3A_661 = arith.xori %parallel_loop3A_656, %parallel_loop3A_660 : vector<16xi1>
        %parallel_loop3A_662 = arith.andi %parallel_loop3A_661, %parallel_loop3A_653 : vector<16xi1>
        %parallel_loop3A_663 = vector.broadcast %parallel_loop3A_648 : i32 to vector<16xi32>
        %parallel_loop3A_664 = arith.addi %parallel_loop3A_650, %parallel_loop3A_663 : vector<16xi32>
        %parallel_loop3A_665 = arith.select %parallel_loop3A_662, %parallel_loop3A_664, %parallel_loop3A_650 : vector<16xi1>, vector<16xi32>
        tpu.vector_store_idx %arg12[%parallel_loop3A_643, %parallel_loop3A_665, %parallel_loop3A_605], %parallel_loop3A_612 : memref<8x8x129xf32, #tpu.memory_space<vmem>>[vector<16xi32>, vector<16xi32>, vector<16xi32>], vector<16xf32>,
        %parallel_loop3A_666 = tpu.iota {dimensions = array<i32: 0>} : vector<16xi32>
        %parallel_loop3A_667 = arith.constant 16 : i32
        %parallel_loop3A_668 = vector.broadcast %parallel_loop3A_667 : i32 to vector<16xi32>
        %parallel_loop3A_669 = arith.addi %parallel_loop3A_666, %parallel_loop3A_668 : vector<16xi32>
        %parallel_loop3A_670 = arith.index_cast %parallel_loop3A_601 : i32 to index
        %parallel_loop3A_671 = arith.constant 16 : index
        %parallel_loop3A_672 = tpu.vector_load %arg7[%parallel_loop3A_670, %parallel_loop3A_671] {strides = array<i32>} : memref<128x64xf32, #tpu.memory_space<vmem>>, vector<16xf32>,
        %parallel_loop3A_673 = arith.constant 8 : i32
        %parallel_loop3A_674 = vector.broadcast %parallel_loop3A_673 : i32 to vector<16xi32>
        %parallel_loop3A_675 = arith.divsi %parallel_loop3A_669, %parallel_loop3A_674 : vector<16xi32>
        %parallel_loop3A_676 = arith.constant 0 : i32
        %parallel_loop3A_677 = vector.broadcast %parallel_loop3A_676 : i32 to vector<16xi32>
        %parallel_loop3A_678 = arith.cmpi sgt, %parallel_loop3A_669, %parallel_loop3A_677 : vector<16xi32>
        %parallel_loop3A_679 = arith.extui %parallel_loop3A_678 : vector<16xi1> to vector<16xi32>
        %parallel_loop3A_680 = arith.constant 0 : i32
        %parallel_loop3A_681 = vector.broadcast %parallel_loop3A_680 : i32 to vector<16xi32>
        %parallel_loop3A_682 = arith.cmpi slt, %parallel_loop3A_669, %parallel_loop3A_681 : vector<16xi32>
        %parallel_loop3A_683 = arith.extui %parallel_loop3A_682 : vector<16xi1> to vector<16xi32>
        %parallel_loop3A_684 = arith.subi %parallel_loop3A_679, %parallel_loop3A_683 : vector<16xi32>
        %parallel_loop3A_685 = arith.constant 0 : i32
        %parallel_loop3A_686 = arith.cmpi sgt, %parallel_loop3A_673, %parallel_loop3A_685 : i32
        %parallel_loop3A_687 = arith.extui %parallel_loop3A_686 : i1 to i32
        %parallel_loop3A_688 = arith.constant 0 : i32
        %parallel_loop3A_689 = arith.cmpi slt, %parallel_loop3A_673, %parallel_loop3A_688 : i32
        %parallel_loop3A_690 = arith.extui %parallel_loop3A_689 : i1 to i32
        %parallel_loop3A_691 = arith.subi %parallel_loop3A_687, %parallel_loop3A_690 : i32
        %parallel_loop3A_692 = vector.broadcast %parallel_loop3A_691 : i32 to vector<16xi32>
        %parallel_loop3A_693 = arith.cmpi ne, %parallel_loop3A_684, %parallel_loop3A_692 : vector<16xi32>
        %parallel_loop3A_694 = vector.broadcast %parallel_loop3A_673 : i32 to vector<16xi32>
        %parallel_loop3A_695 = arith.remsi %parallel_loop3A_669, %parallel_loop3A_694 : vector<16xi32>
        %parallel_loop3A_696 = arith.constant 0 : i32
        %parallel_loop3A_697 = vector.broadcast %parallel_loop3A_696 : i32 to vector<16xi32>
        %parallel_loop3A_698 = arith.cmpi ne, %parallel_loop3A_695, %parallel_loop3A_697 : vector<16xi32>
        %parallel_loop3A_699 = arith.andi %parallel_loop3A_693, %parallel_loop3A_698 : vector<16xi1>
        %parallel_loop3A_700 = arith.constant 1 : i32
        %parallel_loop3A_701 = vector.broadcast %parallel_loop3A_700 : i32 to vector<16xi32>
        %parallel_loop3A_702 = arith.subi %parallel_loop3A_675, %parallel_loop3A_701 : vector<16xi32>
        %parallel_loop3A_703 = arith.select %parallel_loop3A_699, %parallel_loop3A_702, %parallel_loop3A_675 : vector<16xi1>, vector<16xi32>
        %parallel_loop3A_704 = arith.constant 8 : i32
        %parallel_loop3A_705 = arith.constant 0 : i32
        %parallel_loop3A_706 = arith.cmpi eq, %parallel_loop3A_704, %parallel_loop3A_705 : i32
        %parallel_loop3A_707 = arith.constant 1 : i32
        %parallel_loop3A_708 = arith.select %parallel_loop3A_706, %parallel_loop3A_707, %parallel_loop3A_704 : i32
        %parallel_loop3A_709 = vector.broadcast %parallel_loop3A_708 : i32 to vector<16xi32>
        %parallel_loop3A_710 = arith.remsi %parallel_loop3A_669, %parallel_loop3A_709 : vector<16xi32>
        %parallel_loop3A_711 = arith.constant 0 : i32
        %parallel_loop3A_712 = vector.broadcast %parallel_loop3A_711 : i32 to vector<16xi32>
        %parallel_loop3A_713 = arith.cmpi ne, %parallel_loop3A_710, %parallel_loop3A_712 : vector<16xi32>
        %parallel_loop3A_714 = arith.constant 0 : i32
        %parallel_loop3A_715 = vector.broadcast %parallel_loop3A_714 : i32 to vector<16xi32>
        %parallel_loop3A_716 = arith.cmpi slt, %parallel_loop3A_710, %parallel_loop3A_715 : vector<16xi32>
        %parallel_loop3A_717 = arith.constant 0 : i32
        %parallel_loop3A_718 = arith.cmpi slt, %parallel_loop3A_708, %parallel_loop3A_717 : i32
        %parallel_loop3A_719 = vector.broadcast %parallel_loop3A_718 : i1 to vector<16xi1>
        %parallel_loop3A_720 = vector.broadcast %parallel_loop3A_719 : vector<16xi1> to vector<16xi1>
        %parallel_loop3A_721 = arith.xori %parallel_loop3A_716, %parallel_loop3A_720 : vector<16xi1>
        %parallel_loop3A_722 = arith.andi %parallel_loop3A_721, %parallel_loop3A_713 : vector<16xi1>
        %parallel_loop3A_723 = vector.broadcast %parallel_loop3A_708 : i32 to vector<16xi32>
        %parallel_loop3A_724 = arith.addi %parallel_loop3A_710, %parallel_loop3A_723 : vector<16xi32>
        %parallel_loop3A_725 = arith.select %parallel_loop3A_722, %parallel_loop3A_724, %parallel_loop3A_710 : vector<16xi1>, vector<16xi32>
        tpu.vector_store_idx %arg12[%parallel_loop3A_703, %parallel_loop3A_725, %parallel_loop3A_605], %parallel_loop3A_672 : memref<8x8x129xf32, #tpu.memory_space<vmem>>[vector<16xi32>, vector<16xi32>, vector<16xi32>], vector<16xf32>,
        %parallel_loop3A_726 = tpu.iota {dimensions = array<i32: 0>} : vector<16xi32>
        %parallel_loop3A_727 = arith.constant 32 : i32
        %parallel_loop3A_728 = vector.broadcast %parallel_loop3A_727 : i32 to vector<16xi32>
        %parallel_loop3A_729 = arith.addi %parallel_loop3A_726, %parallel_loop3A_728 : vector<16xi32>
        %parallel_loop3A_730 = arith.index_cast %parallel_loop3A_601 : i32 to index
        %parallel_loop3A_731 = arith.constant 32 : index
        %parallel_loop3A_732 = tpu.vector_load %arg7[%parallel_loop3A_730, %parallel_loop3A_731] {strides = array<i32>} : memref<128x64xf32, #tpu.memory_space<vmem>>, vector<16xf32>,
        %parallel_loop3A_733 = arith.constant 8 : i32
        %parallel_loop3A_734 = vector.broadcast %parallel_loop3A_733 : i32 to vector<16xi32>
        %parallel_loop3A_735 = arith.divsi %parallel_loop3A_729, %parallel_loop3A_734 : vector<16xi32>
        %parallel_loop3A_736 = arith.constant 0 : i32
        %parallel_loop3A_737 = vector.broadcast %parallel_loop3A_736 : i32 to vector<16xi32>
        %parallel_loop3A_738 = arith.cmpi sgt, %parallel_loop3A_729, %parallel_loop3A_737 : vector<16xi32>
        %parallel_loop3A_739 = arith.extui %parallel_loop3A_738 : vector<16xi1> to vector<16xi32>
        %parallel_loop3A_740 = arith.constant 0 : i32
        %parallel_loop3A_741 = vector.broadcast %parallel_loop3A_740 : i32 to vector<16xi32>
        %parallel_loop3A_742 = arith.cmpi slt, %parallel_loop3A_729, %parallel_loop3A_741 : vector<16xi32>
        %parallel_loop3A_743 = arith.extui %parallel_loop3A_742 : vector<16xi1> to vector<16xi32>
        %parallel_loop3A_744 = arith.subi %parallel_loop3A_739, %parallel_loop3A_743 : vector<16xi32>
        %parallel_loop3A_745 = arith.constant 0 : i32
        %parallel_loop3A_746 = arith.cmpi sgt, %parallel_loop3A_733, %parallel_loop3A_745 : i32
        %parallel_loop3A_747 = arith.extui %parallel_loop3A_746 : i1 to i32
        %parallel_loop3A_748 = arith.constant 0 : i32
        %parallel_loop3A_749 = arith.cmpi slt, %parallel_loop3A_733, %parallel_loop3A_748 : i32
        %parallel_loop3A_750 = arith.extui %parallel_loop3A_749 : i1 to i32
        %parallel_loop3A_751 = arith.subi %parallel_loop3A_747, %parallel_loop3A_750 : i32
        %parallel_loop3A_752 = vector.broadcast %parallel_loop3A_751 : i32 to vector<16xi32>
        %parallel_loop3A_753 = arith.cmpi ne, %parallel_loop3A_744, %parallel_loop3A_752 : vector<16xi32>
        %parallel_loop3A_754 = vector.broadcast %parallel_loop3A_733 : i32 to vector<16xi32>
        %parallel_loop3A_755 = arith.remsi %parallel_loop3A_729, %parallel_loop3A_754 : vector<16xi32>
        %parallel_loop3A_756 = arith.constant 0 : i32
        %parallel_loop3A_757 = vector.broadcast %parallel_loop3A_756 : i32 to vector<16xi32>
        %parallel_loop3A_758 = arith.cmpi ne, %parallel_loop3A_755, %parallel_loop3A_757 : vector<16xi32>
        %parallel_loop3A_759 = arith.andi %parallel_loop3A_753, %parallel_loop3A_758 : vector<16xi1>
        %parallel_loop3A_760 = arith.constant 1 : i32
        %parallel_loop3A_761 = vector.broadcast %parallel_loop3A_760 : i32 to vector<16xi32>
        %parallel_loop3A_762 = arith.subi %parallel_loop3A_735, %parallel_loop3A_761 : vector<16xi32>
        %parallel_loop3A_763 = arith.select %parallel_loop3A_759, %parallel_loop3A_762, %parallel_loop3A_735 : vector<16xi1>, vector<16xi32>
        %parallel_loop3A_764 = arith.constant 8 : i32
        %parallel_loop3A_765 = arith.constant 0 : i32
        %parallel_loop3A_766 = arith.cmpi eq, %parallel_loop3A_764, %parallel_loop3A_765 : i32
        %parallel_loop3A_767 = arith.constant 1 : i32
        %parallel_loop3A_768 = arith.select %parallel_loop3A_766, %parallel_loop3A_767, %parallel_loop3A_764 : i32
        %parallel_loop3A_769 = vector.broadcast %parallel_loop3A_768 : i32 to vector<16xi32>
        %parallel_loop3A_770 = arith.remsi %parallel_loop3A_729, %parallel_loop3A_769 : vector<16xi32>
        %parallel_loop3A_771 = arith.constant 0 : i32
        %parallel_loop3A_772 = vector.broadcast %parallel_loop3A_771 : i32 to vector<16xi32>
        %parallel_loop3A_773 = arith.cmpi ne, %parallel_loop3A_770, %parallel_loop3A_772 : vector<16xi32>
        %parallel_loop3A_774 = arith.constant 0 : i32
        %parallel_loop3A_775 = vector.broadcast %parallel_loop3A_774 : i32 to vector<16xi32>
        %parallel_loop3A_776 = arith.cmpi slt, %parallel_loop3A_770, %parallel_loop3A_775 : vector<16xi32>
        %parallel_loop3A_777 = arith.constant 0 : i32
        %parallel_loop3A_778 = arith.cmpi slt, %parallel_loop3A_768, %parallel_loop3A_777 : i32
        %parallel_loop3A_779 = vector.broadcast %parallel_loop3A_778 : i1 to vector<16xi1>
        %parallel_loop3A_780 = vector.broadcast %parallel_loop3A_779 : vector<16xi1> to vector<16xi1>
        %parallel_loop3A_781 = arith.xori %parallel_loop3A_776, %parallel_loop3A_780 : vector<16xi1>
        %parallel_loop3A_782 = arith.andi %parallel_loop3A_781, %parallel_loop3A_773 : vector<16xi1>
        %parallel_loop3A_783 = vector.broadcast %parallel_loop3A_768 : i32 to vector<16xi32>
        %parallel_loop3A_784 = arith.addi %parallel_loop3A_770, %parallel_loop3A_783 : vector<16xi32>
        %parallel_loop3A_785 = arith.select %parallel_loop3A_782, %parallel_loop3A_784, %parallel_loop3A_770 : vector<16xi1>, vector<16xi32>
        tpu.vector_store_idx %arg12[%parallel_loop3A_763, %parallel_loop3A_785, %parallel_loop3A_605], %parallel_loop3A_732 : memref<8x8x129xf32, #tpu.memory_space<vmem>>[vector<16xi32>, vector<16xi32>, vector<16xi32>], vector<16xf32>,
        %parallel_loop3A_786 = tpu.iota {dimensions = array<i32: 0>} : vector<16xi32>
        %parallel_loop3A_787 = arith.constant 48 : i32
        %parallel_loop3A_788 = vector.broadcast %parallel_loop3A_787 : i32 to vector<16xi32>
        %parallel_loop3A_789 = arith.addi %parallel_loop3A_786, %parallel_loop3A_788 : vector<16xi32>
        %parallel_loop3A_790 = arith.index_cast %parallel_loop3A_601 : i32 to index
        %parallel_loop3A_791 = arith.constant 48 : index
        %parallel_loop3A_792 = tpu.vector_load %arg7[%parallel_loop3A_790, %parallel_loop3A_791] {strides = array<i32>} : memref<128x64xf32, #tpu.memory_space<vmem>>, vector<16xf32>,
        %parallel_loop3A_793 = arith.constant 8 : i32
        %parallel_loop3A_794 = vector.broadcast %parallel_loop3A_793 : i32 to vector<16xi32>
        %parallel_loop3A_795 = arith.divsi %parallel_loop3A_789, %parallel_loop3A_794 : vector<16xi32>
        %parallel_loop3A_796 = arith.constant 0 : i32
        %parallel_loop3A_797 = vector.broadcast %parallel_loop3A_796 : i32 to vector<16xi32>
        %parallel_loop3A_798 = arith.cmpi sgt, %parallel_loop3A_789, %parallel_loop3A_797 : vector<16xi32>
        %parallel_loop3A_799 = arith.extui %parallel_loop3A_798 : vector<16xi1> to vector<16xi32>
        %parallel_loop3A_800 = arith.constant 0 : i32
        %parallel_loop3A_801 = vector.broadcast %parallel_loop3A_800 : i32 to vector<16xi32>
        %parallel_loop3A_802 = arith.cmpi slt, %parallel_loop3A_789, %parallel_loop3A_801 : vector<16xi32>
        %parallel_loop3A_803 = arith.extui %parallel_loop3A_802 : vector<16xi1> to vector<16xi32>
        %parallel_loop3A_804 = arith.subi %parallel_loop3A_799, %parallel_loop3A_803 : vector<16xi32>
        %parallel_loop3A_805 = arith.constant 0 : i32
        %parallel_loop3A_806 = arith.cmpi sgt, %parallel_loop3A_793, %parallel_loop3A_805 : i32
        %parallel_loop3A_807 = arith.extui %parallel_loop3A_806 : i1 to i32
        %parallel_loop3A_808 = arith.constant 0 : i32
        %parallel_loop3A_809 = arith.cmpi slt, %parallel_loop3A_793, %parallel_loop3A_808 : i32
        %parallel_loop3A_810 = arith.extui %parallel_loop3A_809 : i1 to i32
        %parallel_loop3A_811 = arith.subi %parallel_loop3A_807, %parallel_loop3A_810 : i32
        %parallel_loop3A_812 = vector.broadcast %parallel_loop3A_811 : i32 to vector<16xi32>
        %parallel_loop3A_813 = arith.cmpi ne, %parallel_loop3A_804, %parallel_loop3A_812 : vector<16xi32>
        %parallel_loop3A_814 = vector.broadcast %parallel_loop3A_793 : i32 to vector<16xi32>
        %parallel_loop3A_815 = arith.remsi %parallel_loop3A_789, %parallel_loop3A_814 : vector<16xi32>
        %parallel_loop3A_816 = arith.constant 0 : i32
        %parallel_loop3A_817 = vector.broadcast %parallel_loop3A_816 : i32 to vector<16xi32>
        %parallel_loop3A_818 = arith.cmpi ne, %parallel_loop3A_815, %parallel_loop3A_817 : vector<16xi32>
        %parallel_loop3A_819 = arith.andi %parallel_loop3A_813, %parallel_loop3A_818 : vector<16xi1>
        %parallel_loop3A_820 = arith.constant 1 : i32
        %parallel_loop3A_821 = vector.broadcast %parallel_loop3A_820 : i32 to vector<16xi32>
        %parallel_loop3A_822 = arith.subi %parallel_loop3A_795, %parallel_loop3A_821 : vector<16xi32>
        %parallel_loop3A_823 = arith.select %parallel_loop3A_819, %parallel_loop3A_822, %parallel_loop3A_795 : vector<16xi1>, vector<16xi32>
        %parallel_loop3A_824 = arith.constant 8 : i32
        %parallel_loop3A_825 = arith.constant 0 : i32
        %parallel_loop3A_826 = arith.cmpi eq, %parallel_loop3A_824, %parallel_loop3A_825 : i32
        %parallel_loop3A_827 = arith.constant 1 : i32
        %parallel_loop3A_828 = arith.select %parallel_loop3A_826, %parallel_loop3A_827, %parallel_loop3A_824 : i32
        %parallel_loop3A_829 = vector.broadcast %parallel_loop3A_828 : i32 to vector<16xi32>
        %parallel_loop3A_830 = arith.remsi %parallel_loop3A_789, %parallel_loop3A_829 : vector<16xi32>
        %parallel_loop3A_831 = arith.constant 0 : i32
        %parallel_loop3A_832 = vector.broadcast %parallel_loop3A_831 : i32 to vector<16xi32>
        %parallel_loop3A_833 = arith.cmpi ne, %parallel_loop3A_830, %parallel_loop3A_832 : vector<16xi32>
        %parallel_loop3A_834 = arith.constant 0 : i32
        %parallel_loop3A_835 = vector.broadcast %parallel_loop3A_834 : i32 to vector<16xi32>
        %parallel_loop3A_836 = arith.cmpi slt, %parallel_loop3A_830, %parallel_loop3A_835 : vector<16xi32>
        %parallel_loop3A_837 = arith.constant 0 : i32
        %parallel_loop3A_838 = arith.cmpi slt, %parallel_loop3A_828, %parallel_loop3A_837 : i32
        %parallel_loop3A_839 = vector.broadcast %parallel_loop3A_838 : i1 to vector<16xi1>
        %parallel_loop3A_840 = vector.broadcast %parallel_loop3A_839 : vector<16xi1> to vector<16xi1>
        %parallel_loop3A_841 = arith.xori %parallel_loop3A_836, %parallel_loop3A_840 : vector<16xi1>
        %parallel_loop3A_842 = arith.andi %parallel_loop3A_841, %parallel_loop3A_833 : vector<16xi1>
        %parallel_loop3A_843 = vector.broadcast %parallel_loop3A_828 : i32 to vector<16xi32>
        %parallel_loop3A_844 = arith.addi %parallel_loop3A_830, %parallel_loop3A_843 : vector<16xi32>
        %parallel_loop3A_845 = arith.select %parallel_loop3A_842, %parallel_loop3A_844, %parallel_loop3A_830 : vector<16xi1>, vector<16xi32>
        tpu.vector_store_idx %arg12[%parallel_loop3A_823, %parallel_loop3A_845, %parallel_loop3A_605], %parallel_loop3A_792 : memref<8x8x129xf32, #tpu.memory_space<vmem>>[vector<16xi32>, vector<16xi32>, vector<16xi32>], vector<16xf32>,
      } {sc.loop_unroll_factor = 1 : i64, sc.parallel_access}
      %dma_start3A_159 = arith.constant 0 : i32
      %dma_start3A_160 = arith.constant 0 : i32
      %dma_start3A_161 = arith.constant 0 : i32
      %dma_start3A_162 = tpu.memref_slice %arg12[%dma_start3A_159, %dma_start3A_160, %dma_start3A_161] : memref<8x8x129xf32, #tpu.memory_space<vmem>> -> memref<8x8x128xf32, #tpu.memory_space<vmem>>
      %dma_start3A_163 = arith.constant 0 : i32
      %dma_start3A_164 = arith.constant 0 : i32
      %dma_start3A_165 = arith.constant 0 : i32
      %dma_start3A_166 = tpu.memref_slice %arg4[%add3A_141, %dma_start3A_163, %add3A, %dma_start3A_164, %dma_start3A_165] : memref<50x8x32x8x128xf32, #tpu.memory_space<hbm>> -> memref<1x8x1x8x128xf32, #tpu.memory_space<hbm>>
      %dma_start3A_167 = tpu.memref_squeeze %dma_start3A_166 : memref<1x8x1x8x128xf32, #tpu.memory_space<hbm>> -> memref<8x8x128xf32, #tpu.memory_space<hbm>>
      %dma_start3A_168 = arith.constant 0 : i32
      %dma_start3A_169 = arith.constant 0 : i32
      %dma_start3A_170 = arith.constant 0 : i32
      %dma_start3A_171 = tpu.memref_slice %arg4[%add3A_141, %dma_start3A_168, %add3A, %dma_start3A_169, %dma_start3A_170] : memref<50x8x32x8x128xf32, #tpu.memory_space<hbm>> -> memref<1x8x1x8x128xf32, #tpu.memory_space<hbm>>
      %dma_start3A_172 = tpu.memref_squeeze %dma_start3A_171 : memref<1x8x1x8x128xf32, #tpu.memory_space<hbm>> -> memref<8x8x128xf32, #tpu.memory_space<hbm>>
      %dma_start3A_173 = arith.constant 0 : i32
      %dma_start3A_174 = arith.constant 0 : i32
      %dma_start3A_175 = arith.constant 0 : i32
      %dma_start3A_176 = tpu.memref_slice %arg12[%dma_start3A_173, %dma_start3A_174, %dma_start3A_175] : memref<8x8x129xf32, #tpu.memory_space<vmem>> -> memref<8x8x128xf32, #tpu.memory_space<vmem>>
      tpu.enqueue_dma source(%dma_start3A_176 : memref<8x8x128xf32, #tpu.memory_space<vmem>>) target(%dma_start3A_172 : memref<8x8x128xf32, #tpu.memory_space<hbm>>) target_semaphore(%arg22 : memref<!tpu.dma_semaphore, #tpu.memory_space<semaphore_mem>>)
      %mul3A_177 = arith.constant 5 : i32
      %mul3A_178 = arith.muli %add3A_137, %mul3A_177 : i32
      %add3A_179 = arith.constant 1 : i32
      %add3A_180 = arith.addi %mul3A_178, %add3A_179 : i32
      %dma_wait3A_181 = arith.constant 1 : i32
      %dma_wait3A_182 = arith.constant 0 : i32
      %dma_wait3A_183 = tpu.memref_slice %arg6[%dma_wait3A_181, %dma_wait3A_182] : memref<50x128xi32, #tpu.memory_space<vmem>> -> memref<1x128xi32, #tpu.memory_space<vmem>>
      %dma_wait3A_184 = tpu.memref_squeeze %dma_wait3A_183 : memref<1x128xi32, #tpu.memory_space<vmem>> -> memref<128xi32, #tpu.memory_space<vmem>>
      %dma_wait3A_185 = arith.constant 0 : i32
      %dma_wait3A_186 = arith.constant 0 : i32
      %dma_wait3A_187 = tpu.memref_slice %arg2[%dma_wait3A_185, %dma_wait3A_186] : memref<200000x64xf32, #tpu.memory_space<hbm>> -> memref<200000x64xf32, #tpu.memory_space<hbm>>
      tpu.wait_indirect_dma semaphore(%arg18 : memref<!tpu.dma_semaphore, #tpu.memory_space<semaphore_mem>>) src(%dma_wait3A_187 : memref<200000x64xf32, #tpu.memory_space<hbm>>) dst(%arg8 : memref<128x64xf32, #tpu.memory_space<vmem>>)
      %add3A_188 = arith.constant 4 : i32
      %add3A_189 = arith.addi %add3A_180, %add3A_188 : i32
      %lt3A_190 = arith.constant 50 : i32
      %lt3A_191 = arith.cmpi slt, %add3A_189, %lt3A_190 : i32
      %convert_element_type3A_192 = arith.extui %lt3A_191 : i1 to i32
      %cond3A_193 = arith.constant 0 : i32
      %cond3A_194 = arith.cmpi ne, %convert_element_type3A_192, %cond3A_193 : i32
      scf.if %cond3A_194 {
        %add3A_353 = arith.constant 4 : i32
        %add3A_354 = arith.addi %add3A_180, %add3A_353 : i32
        %dma_start3A_355 = arith.constant 0 : i32
        %dma_start3A_356 = tpu.memref_slice %arg6[%add3A_354, %dma_start3A_355] : memref<50x128xi32, #tpu.memory_space<vmem>> -> memref<1x128xi32, #tpu.memory_space<vmem>>
        %dma_start3A_357 = tpu.memref_squeeze %dma_start3A_356 : memref<1x128xi32, #tpu.memory_space<vmem>> -> memref<128xi32, #tpu.memory_space<vmem>>
        %dma_start3A_358 = arith.constant 0 : i32
        %dma_start3A_359 = arith.constant 0 : i32
        %dma_start3A_360 = tpu.memref_slice %arg2[%dma_start3A_358, %dma_start3A_359] : memref<200000x64xf32, #tpu.memory_space<hbm>> -> memref<200000x64xf32, #tpu.memory_space<hbm>>
        tpu.enqueue_indirect_dma source(%dma_start3A_360 : memref<200000x64xf32, #tpu.memory_space<hbm>>) target(%arg7 : memref<128x64xf32, #tpu.memory_space<vmem>>) offsets(%dma_start3A_357 : memref<128xi32, #tpu.memory_space<vmem>>) semaphore(%arg17 : memref<!tpu.dma_semaphore, #tpu.memory_space<semaphore_mem>>)
      } else {
      }
      %gt3A_195 = arith.constant 0 : i32
      %gt3A_196 = arith.cmpi sgt, %add3A_137, %gt3A_195 : i32
      %convert_element_type3A_197 = arith.extui %gt3A_196 : i1 to i32
      %cond3A_198 = arith.constant 0 : i32
      %cond3A_199 = arith.cmpi ne, %convert_element_type3A_197, %cond3A_198 : i32
      scf.if %cond3A_199 {
        %dma_wait3A_353 = arith.constant 0 : i32
        %dma_wait3A_354 = arith.constant 0 : i32
        %dma_wait3A_355 = arith.constant 0 : i32
        %dma_wait3A_356 = arith.constant 0 : i32
        %dma_wait3A_357 = tpu.memref_slice %arg13[%dma_wait3A_354, %dma_wait3A_355, %dma_wait3A_356] : memref<8x8x129xf32, #tpu.memory_space<vmem>> -> memref<8x8x128xf32, #tpu.memory_space<vmem>>
        %dma_wait3A_358 = arith.constant 0 : i32
        %dma_wait3A_359 = arith.constant 0 : i32
        %dma_wait3A_360 = arith.constant 0 : i32
        %dma_wait3A_361 = tpu.memref_slice %arg4[%dma_wait3A_353, %dma_wait3A_358, %add3A, %dma_wait3A_359, %dma_wait3A_360] : memref<50x8x32x8x128xf32, #tpu.memory_space<hbm>> -> memref<1x8x1x8x128xf32, #tpu.memory_space<hbm>>
        %dma_wait3A_362 = tpu.memref_squeeze %dma_wait3A_361 : memref<1x8x1x8x128xf32, #tpu.memory_space<hbm>> -> memref<8x8x128xf32, #tpu.memory_space<hbm>>
        %dma_wait3A_363 = arith.constant 0 : i32
        %dma_wait3A_364 = arith.constant 0 : i32
        %dma_wait3A_365 = arith.constant 0 : i32
        %dma_wait3A_366 = tpu.memref_slice %arg4[%dma_wait3A_353, %dma_wait3A_363, %add3A, %dma_wait3A_364, %dma_wait3A_365] : memref<50x8x32x8x128xf32, #tpu.memory_space<hbm>> -> memref<1x8x1x8x128xf32, #tpu.memory_space<hbm>>
        %dma_wait3A_367 = tpu.memref_squeeze %dma_wait3A_366 : memref<1x8x1x8x128xf32, #tpu.memory_space<hbm>> -> memref<8x8x128xf32, #tpu.memory_space<hbm>>
        %dma_wait3A_368 = arith.constant 0 : i32
        %dma_wait3A_369 = arith.constant 0 : i32
        %dma_wait3A_370 = arith.constant 0 : i32
        %dma_wait3A_371 = tpu.memref_slice %arg13[%dma_wait3A_368, %dma_wait3A_369, %dma_wait3A_370] : memref<8x8x129xf32, #tpu.memory_space<vmem>> -> memref<8x8x128xf32, #tpu.memory_space<vmem>>
        tpu.wait_dma2 semaphore(%arg23 : memref<!tpu.dma_semaphore, #tpu.memory_space<semaphore_mem>>) src(%dma_wait3A_371 : memref<8x8x128xf32, #tpu.memory_space<vmem>>) dst(%dma_wait3A_367 : memref<8x8x128xf32, #tpu.memory_space<hbm>>)
      } else {
      }
      %parallel_loop3A_200 = arith.constant 0 : i32
      %parallel_loop3A_201 = arith.constant 128 : i32
      %parallel_loop3A_202 = arith.constant 2 : i32
      scf.for %parallel_loop3A_353 = %parallel_loop3A_200 to %parallel_loop3A_201 step %parallel_loop3A_202  : i32 {
        %parallel_loop3A_354 = arith.constant 0 : i32
        %parallel_loop3A_355 = arith.addi %parallel_loop3A_353, %parallel_loop3A_354 : i32
        %parallel_loop3A_356 = arith.constant 0 : i32
        %parallel_loop3A_357 = vector.broadcast %parallel_loop3A_356 : i32 to vector<16xi32>
        %parallel_loop3A_358 = vector.broadcast %parallel_loop3A_355 : i32 to vector<16xi32>
        %parallel_loop3A_359 = arith.addi %parallel_loop3A_357, %parallel_loop3A_358 : vector<16xi32>
        %parallel_loop3A_360 = tpu.iota {dimensions = array<i32: 0>} : vector<16xi32>
        %parallel_loop3A_361 = arith.constant 0 : i32
        %parallel_loop3A_362 = vector.broadcast %parallel_loop3A_361 : i32 to vector<16xi32>
        %parallel_loop3A_363 = arith.addi %parallel_loop3A_360, %parallel_loop3A_362 : vector<16xi32>
        %parallel_loop3A_364 = arith.index_cast %parallel_loop3A_355 : i32 to index
        %parallel_loop3A_365 = arith.constant 0 : index
        %parallel_loop3A_366 = tpu.vector_load %arg8[%parallel_loop3A_364, %parallel_loop3A_365] {strides = array<i32>} : memref<128x64xf32, #tpu.memory_space<vmem>>, vector<16xf32>,
        %parallel_loop3A_367 = arith.constant 8 : i32
        %parallel_loop3A_368 = vector.broadcast %parallel_loop3A_367 : i32 to vector<16xi32>
        %parallel_loop3A_369 = arith.divsi %parallel_loop3A_363, %parallel_loop3A_368 : vector<16xi32>
        %parallel_loop3A_370 = arith.constant 0 : i32
        %parallel_loop3A_371 = vector.broadcast %parallel_loop3A_370 : i32 to vector<16xi32>
        %parallel_loop3A_372 = arith.cmpi sgt, %parallel_loop3A_363, %parallel_loop3A_371 : vector<16xi32>
        %parallel_loop3A_373 = arith.extui %parallel_loop3A_372 : vector<16xi1> to vector<16xi32>
        %parallel_loop3A_374 = arith.constant 0 : i32
        %parallel_loop3A_375 = vector.broadcast %parallel_loop3A_374 : i32 to vector<16xi32>
        %parallel_loop3A_376 = arith.cmpi slt, %parallel_loop3A_363, %parallel_loop3A_375 : vector<16xi32>
        %parallel_loop3A_377 = arith.extui %parallel_loop3A_376 : vector<16xi1> to vector<16xi32>
        %parallel_loop3A_378 = arith.subi %parallel_loop3A_373, %parallel_loop3A_377 : vector<16xi32>
        %parallel_loop3A_379 = arith.constant 0 : i32
        %parallel_loop3A_380 = arith.cmpi sgt, %parallel_loop3A_367, %parallel_loop3A_379 : i32
        %parallel_loop3A_381 = arith.extui %parallel_loop3A_380 : i1 to i32
        %parallel_loop3A_382 = arith.constant 0 : i32
        %parallel_loop3A_383 = arith.cmpi slt, %parallel_loop3A_367, %parallel_loop3A_382 : i32
        %parallel_loop3A_384 = arith.extui %parallel_loop3A_383 : i1 to i32
        %parallel_loop3A_385 = arith.subi %parallel_loop3A_381, %parallel_loop3A_384 : i32
        %parallel_loop3A_386 = vector.broadcast %parallel_loop3A_385 : i32 to vector<16xi32>
        %parallel_loop3A_387 = arith.cmpi ne, %parallel_loop3A_378, %parallel_loop3A_386 : vector<16xi32>
        %parallel_loop3A_388 = vector.broadcast %parallel_loop3A_367 : i32 to vector<16xi32>
        %parallel_loop3A_389 = arith.remsi %parallel_loop3A_363, %parallel_loop3A_388 : vector<16xi32>
        %parallel_loop3A_390 = arith.constant 0 : i32
        %parallel_loop3A_391 = vector.broadcast %parallel_loop3A_390 : i32 to vector<16xi32>
        %parallel_loop3A_392 = arith.cmpi ne, %parallel_loop3A_389, %parallel_loop3A_391 : vector<16xi32>
        %parallel_loop3A_393 = arith.andi %parallel_loop3A_387, %parallel_loop3A_392 : vector<16xi1>
        %parallel_loop3A_394 = arith.constant 1 : i32
        %parallel_loop3A_395 = vector.broadcast %parallel_loop3A_394 : i32 to vector<16xi32>
        %parallel_loop3A_396 = arith.subi %parallel_loop3A_369, %parallel_loop3A_395 : vector<16xi32>
        %parallel_loop3A_397 = arith.select %parallel_loop3A_393, %parallel_loop3A_396, %parallel_loop3A_369 : vector<16xi1>, vector<16xi32>
        %parallel_loop3A_398 = arith.constant 8 : i32
        %parallel_loop3A_399 = arith.constant 0 : i32
        %parallel_loop3A_400 = arith.cmpi eq, %parallel_loop3A_398, %parallel_loop3A_399 : i32
        %parallel_loop3A_401 = arith.constant 1 : i32
        %parallel_loop3A_402 = arith.select %parallel_loop3A_400, %parallel_loop3A_401, %parallel_loop3A_398 : i32
        %parallel_loop3A_403 = vector.broadcast %parallel_loop3A_402 : i32 to vector<16xi32>
        %parallel_loop3A_404 = arith.remsi %parallel_loop3A_363, %parallel_loop3A_403 : vector<16xi32>
        %parallel_loop3A_405 = arith.constant 0 : i32
        %parallel_loop3A_406 = vector.broadcast %parallel_loop3A_405 : i32 to vector<16xi32>
        %parallel_loop3A_407 = arith.cmpi ne, %parallel_loop3A_404, %parallel_loop3A_406 : vector<16xi32>
        %parallel_loop3A_408 = arith.constant 0 : i32
        %parallel_loop3A_409 = vector.broadcast %parallel_loop3A_408 : i32 to vector<16xi32>
        %parallel_loop3A_410 = arith.cmpi slt, %parallel_loop3A_404, %parallel_loop3A_409 : vector<16xi32>
        %parallel_loop3A_411 = arith.constant 0 : i32
        %parallel_loop3A_412 = arith.cmpi slt, %parallel_loop3A_402, %parallel_loop3A_411 : i32
        %parallel_loop3A_413 = vector.broadcast %parallel_loop3A_412 : i1 to vector<16xi1>
        %parallel_loop3A_414 = vector.broadcast %parallel_loop3A_413 : vector<16xi1> to vector<16xi1>
        %parallel_loop3A_415 = arith.xori %parallel_loop3A_410, %parallel_loop3A_414 : vector<16xi1>
        %parallel_loop3A_416 = arith.andi %parallel_loop3A_415, %parallel_loop3A_407 : vector<16xi1>
        %parallel_loop3A_417 = vector.broadcast %parallel_loop3A_402 : i32 to vector<16xi32>
        %parallel_loop3A_418 = arith.addi %parallel_loop3A_404, %parallel_loop3A_417 : vector<16xi32>
        %parallel_loop3A_419 = arith.select %parallel_loop3A_416, %parallel_loop3A_418, %parallel_loop3A_404 : vector<16xi1>, vector<16xi32>
        tpu.vector_store_idx %arg13[%parallel_loop3A_397, %parallel_loop3A_419, %parallel_loop3A_359], %parallel_loop3A_366 : memref<8x8x129xf32, #tpu.memory_space<vmem>>[vector<16xi32>, vector<16xi32>, vector<16xi32>], vector<16xf32>,
        %parallel_loop3A_420 = tpu.iota {dimensions = array<i32: 0>} : vector<16xi32>
        %parallel_loop3A_421 = arith.constant 16 : i32
        %parallel_loop3A_422 = vector.broadcast %parallel_loop3A_421 : i32 to vector<16xi32>
        %parallel_loop3A_423 = arith.addi %parallel_loop3A_420, %parallel_loop3A_422 : vector<16xi32>
        %parallel_loop3A_424 = arith.index_cast %parallel_loop3A_355 : i32 to index
        %parallel_loop3A_425 = arith.constant 16 : index
        %parallel_loop3A_426 = tpu.vector_load %arg8[%parallel_loop3A_424, %parallel_loop3A_425] {strides = array<i32>} : memref<128x64xf32, #tpu.memory_space<vmem>>, vector<16xf32>,
        %parallel_loop3A_427 = arith.constant 8 : i32
        %parallel_loop3A_428 = vector.broadcast %parallel_loop3A_427 : i32 to vector<16xi32>
        %parallel_loop3A_429 = arith.divsi %parallel_loop3A_423, %parallel_loop3A_428 : vector<16xi32>
        %parallel_loop3A_430 = arith.constant 0 : i32
        %parallel_loop3A_431 = vector.broadcast %parallel_loop3A_430 : i32 to vector<16xi32>
        %parallel_loop3A_432 = arith.cmpi sgt, %parallel_loop3A_423, %parallel_loop3A_431 : vector<16xi32>
        %parallel_loop3A_433 = arith.extui %parallel_loop3A_432 : vector<16xi1> to vector<16xi32>
        %parallel_loop3A_434 = arith.constant 0 : i32
        %parallel_loop3A_435 = vector.broadcast %parallel_loop3A_434 : i32 to vector<16xi32>
        %parallel_loop3A_436 = arith.cmpi slt, %parallel_loop3A_423, %parallel_loop3A_435 : vector<16xi32>
        %parallel_loop3A_437 = arith.extui %parallel_loop3A_436 : vector<16xi1> to vector<16xi32>
        %parallel_loop3A_438 = arith.subi %parallel_loop3A_433, %parallel_loop3A_437 : vector<16xi32>
        %parallel_loop3A_439 = arith.constant 0 : i32
        %parallel_loop3A_440 = arith.cmpi sgt, %parallel_loop3A_427, %parallel_loop3A_439 : i32
        %parallel_loop3A_441 = arith.extui %parallel_loop3A_440 : i1 to i32
        %parallel_loop3A_442 = arith.constant 0 : i32
        %parallel_loop3A_443 = arith.cmpi slt, %parallel_loop3A_427, %parallel_loop3A_442 : i32
        %parallel_loop3A_444 = arith.extui %parallel_loop3A_443 : i1 to i32
        %parallel_loop3A_445 = arith.subi %parallel_loop3A_441, %parallel_loop3A_444 : i32
        %parallel_loop3A_446 = vector.broadcast %parallel_loop3A_445 : i32 to vector<16xi32>
        %parallel_loop3A_447 = arith.cmpi ne, %parallel_loop3A_438, %parallel_loop3A_446 : vector<16xi32>
        %parallel_loop3A_448 = vector.broadcast %parallel_loop3A_427 : i32 to vector<16xi32>
        %parallel_loop3A_449 = arith.remsi %parallel_loop3A_423, %parallel_loop3A_448 : vector<16xi32>
        %parallel_loop3A_450 = arith.constant 0 : i32
        %parallel_loop3A_451 = vector.broadcast %parallel_loop3A_450 : i32 to vector<16xi32>
        %parallel_loop3A_452 = arith.cmpi ne, %parallel_loop3A_449, %parallel_loop3A_451 : vector<16xi32>
        %parallel_loop3A_453 = arith.andi %parallel_loop3A_447, %parallel_loop3A_452 : vector<16xi1>
        %parallel_loop3A_454 = arith.constant 1 : i32
        %parallel_loop3A_455 = vector.broadcast %parallel_loop3A_454 : i32 to vector<16xi32>
        %parallel_loop3A_456 = arith.subi %parallel_loop3A_429, %parallel_loop3A_455 : vector<16xi32>
        %parallel_loop3A_457 = arith.select %parallel_loop3A_453, %parallel_loop3A_456, %parallel_loop3A_429 : vector<16xi1>, vector<16xi32>
        %parallel_loop3A_458 = arith.constant 8 : i32
        %parallel_loop3A_459 = arith.constant 0 : i32
        %parallel_loop3A_460 = arith.cmpi eq, %parallel_loop3A_458, %parallel_loop3A_459 : i32
        %parallel_loop3A_461 = arith.constant 1 : i32
        %parallel_loop3A_462 = arith.select %parallel_loop3A_460, %parallel_loop3A_461, %parallel_loop3A_458 : i32
        %parallel_loop3A_463 = vector.broadcast %parallel_loop3A_462 : i32 to vector<16xi32>
        %parallel_loop3A_464 = arith.remsi %parallel_loop3A_423, %parallel_loop3A_463 : vector<16xi32>
        %parallel_loop3A_465 = arith.constant 0 : i32
        %parallel_loop3A_466 = vector.broadcast %parallel_loop3A_465 : i32 to vector<16xi32>
        %parallel_loop3A_467 = arith.cmpi ne, %parallel_loop3A_464, %parallel_loop3A_466 : vector<16xi32>
        %parallel_loop3A_468 = arith.constant 0 : i32
        %parallel_loop3A_469 = vector.broadcast %parallel_loop3A_468 : i32 to vector<16xi32>
        %parallel_loop3A_470 = arith.cmpi slt, %parallel_loop3A_464, %parallel_loop3A_469 : vector<16xi32>
        %parallel_loop3A_471 = arith.constant 0 : i32
        %parallel_loop3A_472 = arith.cmpi slt, %parallel_loop3A_462, %parallel_loop3A_471 : i32
        %parallel_loop3A_473 = vector.broadcast %parallel_loop3A_472 : i1 to vector<16xi1>
        %parallel_loop3A_474 = vector.broadcast %parallel_loop3A_473 : vector<16xi1> to vector<16xi1>
        %parallel_loop3A_475 = arith.xori %parallel_loop3A_470, %parallel_loop3A_474 : vector<16xi1>
        %parallel_loop3A_476 = arith.andi %parallel_loop3A_475, %parallel_loop3A_467 : vector<16xi1>
        %parallel_loop3A_477 = vector.broadcast %parallel_loop3A_462 : i32 to vector<16xi32>
        %parallel_loop3A_478 = arith.addi %parallel_loop3A_464, %parallel_loop3A_477 : vector<16xi32>
        %parallel_loop3A_479 = arith.select %parallel_loop3A_476, %parallel_loop3A_478, %parallel_loop3A_464 : vector<16xi1>, vector<16xi32>
        tpu.vector_store_idx %arg13[%parallel_loop3A_457, %parallel_loop3A_479, %parallel_loop3A_359], %parallel_loop3A_426 : memref<8x8x129xf32, #tpu.memory_space<vmem>>[vector<16xi32>, vector<16xi32>, vector<16xi32>], vector<16xf32>,
        %parallel_loop3A_480 = tpu.iota {dimensions = array<i32: 0>} : vector<16xi32>
        %parallel_loop3A_481 = arith.constant 32 : i32
        %parallel_loop3A_482 = vector.broadcast %parallel_loop3A_481 : i32 to vector<16xi32>
        %parallel_loop3A_483 = arith.addi %parallel_loop3A_480, %parallel_loop3A_482 : vector<16xi32>
        %parallel_loop3A_484 = arith.index_cast %parallel_loop3A_355 : i32 to index
        %parallel_loop3A_485 = arith.constant 32 : index
        %parallel_loop3A_486 = tpu.vector_load %arg8[%parallel_loop3A_484, %parallel_loop3A_485] {strides = array<i32>} : memref<128x64xf32, #tpu.memory_space<vmem>>, vector<16xf32>,
        %parallel_loop3A_487 = arith.constant 8 : i32
        %parallel_loop3A_488 = vector.broadcast %parallel_loop3A_487 : i32 to vector<16xi32>
        %parallel_loop3A_489 = arith.divsi %parallel_loop3A_483, %parallel_loop3A_488 : vector<16xi32>
        %parallel_loop3A_490 = arith.constant 0 : i32
        %parallel_loop3A_491 = vector.broadcast %parallel_loop3A_490 : i32 to vector<16xi32>
        %parallel_loop3A_492 = arith.cmpi sgt, %parallel_loop3A_483, %parallel_loop3A_491 : vector<16xi32>
        %parallel_loop3A_493 = arith.extui %parallel_loop3A_492 : vector<16xi1> to vector<16xi32>
        %parallel_loop3A_494 = arith.constant 0 : i32
        %parallel_loop3A_495 = vector.broadcast %parallel_loop3A_494 : i32 to vector<16xi32>
        %parallel_loop3A_496 = arith.cmpi slt, %parallel_loop3A_483, %parallel_loop3A_495 : vector<16xi32>
        %parallel_loop3A_497 = arith.extui %parallel_loop3A_496 : vector<16xi1> to vector<16xi32>
        %parallel_loop3A_498 = arith.subi %parallel_loop3A_493, %parallel_loop3A_497 : vector<16xi32>
        %parallel_loop3A_499 = arith.constant 0 : i32
        %parallel_loop3A_500 = arith.cmpi sgt, %parallel_loop3A_487, %parallel_loop3A_499 : i32
        %parallel_loop3A_501 = arith.extui %parallel_loop3A_500 : i1 to i32
        %parallel_loop3A_502 = arith.constant 0 : i32
        %parallel_loop3A_503 = arith.cmpi slt, %parallel_loop3A_487, %parallel_loop3A_502 : i32
        %parallel_loop3A_504 = arith.extui %parallel_loop3A_503 : i1 to i32
        %parallel_loop3A_505 = arith.subi %parallel_loop3A_501, %parallel_loop3A_504 : i32
        %parallel_loop3A_506 = vector.broadcast %parallel_loop3A_505 : i32 to vector<16xi32>
        %parallel_loop3A_507 = arith.cmpi ne, %parallel_loop3A_498, %parallel_loop3A_506 : vector<16xi32>
        %parallel_loop3A_508 = vector.broadcast %parallel_loop3A_487 : i32 to vector<16xi32>
        %parallel_loop3A_509 = arith.remsi %parallel_loop3A_483, %parallel_loop3A_508 : vector<16xi32>
        %parallel_loop3A_510 = arith.constant 0 : i32
        %parallel_loop3A_511 = vector.broadcast %parallel_loop3A_510 : i32 to vector<16xi32>
        %parallel_loop3A_512 = arith.cmpi ne, %parallel_loop3A_509, %parallel_loop3A_511 : vector<16xi32>
        %parallel_loop3A_513 = arith.andi %parallel_loop3A_507, %parallel_loop3A_512 : vector<16xi1>
        %parallel_loop3A_514 = arith.constant 1 : i32
        %parallel_loop3A_515 = vector.broadcast %parallel_loop3A_514 : i32 to vector<16xi32>
        %parallel_loop3A_516 = arith.subi %parallel_loop3A_489, %parallel_loop3A_515 : vector<16xi32>
        %parallel_loop3A_517 = arith.select %parallel_loop3A_513, %parallel_loop3A_516, %parallel_loop3A_489 : vector<16xi1>, vector<16xi32>
        %parallel_loop3A_518 = arith.constant 8 : i32
        %parallel_loop3A_519 = arith.constant 0 : i32
        %parallel_loop3A_520 = arith.cmpi eq, %parallel_loop3A_518, %parallel_loop3A_519 : i32
        %parallel_loop3A_521 = arith.constant 1 : i32
        %parallel_loop3A_522 = arith.select %parallel_loop3A_520, %parallel_loop3A_521, %parallel_loop3A_518 : i32
        %parallel_loop3A_523 = vector.broadcast %parallel_loop3A_522 : i32 to vector<16xi32>
        %parallel_loop3A_524 = arith.remsi %parallel_loop3A_483, %parallel_loop3A_523 : vector<16xi32>
        %parallel_loop3A_525 = arith.constant 0 : i32
        %parallel_loop3A_526 = vector.broadcast %parallel_loop3A_525 : i32 to vector<16xi32>
        %parallel_loop3A_527 = arith.cmpi ne, %parallel_loop3A_524, %parallel_loop3A_526 : vector<16xi32>
        %parallel_loop3A_528 = arith.constant 0 : i32
        %parallel_loop3A_529 = vector.broadcast %parallel_loop3A_528 : i32 to vector<16xi32>
        %parallel_loop3A_530 = arith.cmpi slt, %parallel_loop3A_524, %parallel_loop3A_529 : vector<16xi32>
        %parallel_loop3A_531 = arith.constant 0 : i32
        %parallel_loop3A_532 = arith.cmpi slt, %parallel_loop3A_522, %parallel_loop3A_531 : i32
        %parallel_loop3A_533 = vector.broadcast %parallel_loop3A_532 : i1 to vector<16xi1>
        %parallel_loop3A_534 = vector.broadcast %parallel_loop3A_533 : vector<16xi1> to vector<16xi1>
        %parallel_loop3A_535 = arith.xori %parallel_loop3A_530, %parallel_loop3A_534 : vector<16xi1>
        %parallel_loop3A_536 = arith.andi %parallel_loop3A_535, %parallel_loop3A_527 : vector<16xi1>
        %parallel_loop3A_537 = vector.broadcast %parallel_loop3A_522 : i32 to vector<16xi32>
        %parallel_loop3A_538 = arith.addi %parallel_loop3A_524, %parallel_loop3A_537 : vector<16xi32>
        %parallel_loop3A_539 = arith.select %parallel_loop3A_536, %parallel_loop3A_538, %parallel_loop3A_524 : vector<16xi1>, vector<16xi32>
        tpu.vector_store_idx %arg13[%parallel_loop3A_517, %parallel_loop3A_539, %parallel_loop3A_359], %parallel_loop3A_486 : memref<8x8x129xf32, #tpu.memory_space<vmem>>[vector<16xi32>, vector<16xi32>, vector<16xi32>], vector<16xf32>,
        %parallel_loop3A_540 = tpu.iota {dimensions = array<i32: 0>} : vector<16xi32>
        %parallel_loop3A_541 = arith.constant 48 : i32
        %parallel_loop3A_542 = vector.broadcast %parallel_loop3A_541 : i32 to vector<16xi32>
        %parallel_loop3A_543 = arith.addi %parallel_loop3A_540, %parallel_loop3A_542 : vector<16xi32>
        %parallel_loop3A_544 = arith.index_cast %parallel_loop3A_355 : i32 to index
        %parallel_loop3A_545 = arith.constant 48 : index
        %parallel_loop3A_546 = tpu.vector_load %arg8[%parallel_loop3A_544, %parallel_loop3A_545] {strides = array<i32>} : memref<128x64xf32, #tpu.memory_space<vmem>>, vector<16xf32>,
        %parallel_loop3A_547 = arith.constant 8 : i32
        %parallel_loop3A_548 = vector.broadcast %parallel_loop3A_547 : i32 to vector<16xi32>
        %parallel_loop3A_549 = arith.divsi %parallel_loop3A_543, %parallel_loop3A_548 : vector<16xi32>
        %parallel_loop3A_550 = arith.constant 0 : i32
        %parallel_loop3A_551 = vector.broadcast %parallel_loop3A_550 : i32 to vector<16xi32>
        %parallel_loop3A_552 = arith.cmpi sgt, %parallel_loop3A_543, %parallel_loop3A_551 : vector<16xi32>
        %parallel_loop3A_553 = arith.extui %parallel_loop3A_552 : vector<16xi1> to vector<16xi32>
        %parallel_loop3A_554 = arith.constant 0 : i32
        %parallel_loop3A_555 = vector.broadcast %parallel_loop3A_554 : i32 to vector<16xi32>
        %parallel_loop3A_556 = arith.cmpi slt, %parallel_loop3A_543, %parallel_loop3A_555 : vector<16xi32>
        %parallel_loop3A_557 = arith.extui %parallel_loop3A_556 : vector<16xi1> to vector<16xi32>
        %parallel_loop3A_558 = arith.subi %parallel_loop3A_553, %parallel_loop3A_557 : vector<16xi32>
        %parallel_loop3A_559 = arith.constant 0 : i32
        %parallel_loop3A_560 = arith.cmpi sgt, %parallel_loop3A_547, %parallel_loop3A_559 : i32
        %parallel_loop3A_561 = arith.extui %parallel_loop3A_560 : i1 to i32
        %parallel_loop3A_562 = arith.constant 0 : i32
        %parallel_loop3A_563 = arith.cmpi slt, %parallel_loop3A_547, %parallel_loop3A_562 : i32
        %parallel_loop3A_564 = arith.extui %parallel_loop3A_563 : i1 to i32
        %parallel_loop3A_565 = arith.subi %parallel_loop3A_561, %parallel_loop3A_564 : i32
        %parallel_loop3A_566 = vector.broadcast %parallel_loop3A_565 : i32 to vector<16xi32>
        %parallel_loop3A_567 = arith.cmpi ne, %parallel_loop3A_558, %parallel_loop3A_566 : vector<16xi32>
        %parallel_loop3A_568 = vector.broadcast %parallel_loop3A_547 : i32 to vector<16xi32>
        %parallel_loop3A_569 = arith.remsi %parallel_loop3A_543, %parallel_loop3A_568 : vector<16xi32>
        %parallel_loop3A_570 = arith.constant 0 : i32
        %parallel_loop3A_571 = vector.broadcast %parallel_loop3A_570 : i32 to vector<16xi32>
        %parallel_loop3A_572 = arith.cmpi ne, %parallel_loop3A_569, %parallel_loop3A_571 : vector<16xi32>
        %parallel_loop3A_573 = arith.andi %parallel_loop3A_567, %parallel_loop3A_572 : vector<16xi1>
        %parallel_loop3A_574 = arith.constant 1 : i32
        %parallel_loop3A_575 = vector.broadcast %parallel_loop3A_574 : i32 to vector<16xi32>
        %parallel_loop3A_576 = arith.subi %parallel_loop3A_549, %parallel_loop3A_575 : vector<16xi32>
        %parallel_loop3A_577 = arith.select %parallel_loop3A_573, %parallel_loop3A_576, %parallel_loop3A_549 : vector<16xi1>, vector<16xi32>
        %parallel_loop3A_578 = arith.constant 8 : i32
        %parallel_loop3A_579 = arith.constant 0 : i32
        %parallel_loop3A_580 = arith.cmpi eq, %parallel_loop3A_578, %parallel_loop3A_579 : i32
        %parallel_loop3A_581 = arith.constant 1 : i32
        %parallel_loop3A_582 = arith.select %parallel_loop3A_580, %parallel_loop3A_581, %parallel_loop3A_578 : i32
        %parallel_loop3A_583 = vector.broadcast %parallel_loop3A_582 : i32 to vector<16xi32>
        %parallel_loop3A_584 = arith.remsi %parallel_loop3A_543, %parallel_loop3A_583 : vector<16xi32>
        %parallel_loop3A_585 = arith.constant 0 : i32
        %parallel_loop3A_586 = vector.broadcast %parallel_loop3A_585 : i32 to vector<16xi32>
        %parallel_loop3A_587 = arith.cmpi ne, %parallel_loop3A_584, %parallel_loop3A_586 : vector<16xi32>
        %parallel_loop3A_588 = arith.constant 0 : i32
        %parallel_loop3A_589 = vector.broadcast %parallel_loop3A_588 : i32 to vector<16xi32>
        %parallel_loop3A_590 = arith.cmpi slt, %parallel_loop3A_584, %parallel_loop3A_589 : vector<16xi32>
        %parallel_loop3A_591 = arith.constant 0 : i32
        %parallel_loop3A_592 = arith.cmpi slt, %parallel_loop3A_582, %parallel_loop3A_591 : i32
        %parallel_loop3A_593 = vector.broadcast %parallel_loop3A_592 : i1 to vector<16xi1>
        %parallel_loop3A_594 = vector.broadcast %parallel_loop3A_593 : vector<16xi1> to vector<16xi1>
        %parallel_loop3A_595 = arith.xori %parallel_loop3A_590, %parallel_loop3A_594 : vector<16xi1>
        %parallel_loop3A_596 = arith.andi %parallel_loop3A_595, %parallel_loop3A_587 : vector<16xi1>
        %parallel_loop3A_597 = vector.broadcast %parallel_loop3A_582 : i32 to vector<16xi32>
        %parallel_loop3A_598 = arith.addi %parallel_loop3A_584, %parallel_loop3A_597 : vector<16xi32>
        %parallel_loop3A_599 = arith.select %parallel_loop3A_596, %parallel_loop3A_598, %parallel_loop3A_584 : vector<16xi1>, vector<16xi32>
        tpu.vector_store_idx %arg13[%parallel_loop3A_577, %parallel_loop3A_599, %parallel_loop3A_359], %parallel_loop3A_546 : memref<8x8x129xf32, #tpu.memory_space<vmem>>[vector<16xi32>, vector<16xi32>, vector<16xi32>], vector<16xf32>,
        %parallel_loop3A_600 = arith.constant 1 : i32
        %parallel_loop3A_601 = arith.addi %parallel_loop3A_353, %parallel_loop3A_600 : i32
        %parallel_loop3A_602 = arith.constant 0 : i32
        %parallel_loop3A_603 = vector.broadcast %parallel_loop3A_602 : i32 to vector<16xi32>
        %parallel_loop3A_604 = vector.broadcast %parallel_loop3A_601 : i32 to vector<16xi32>
        %parallel_loop3A_605 = arith.addi %parallel_loop3A_603, %parallel_loop3A_604 : vector<16xi32>
        %parallel_loop3A_606 = tpu.iota {dimensions = array<i32: 0>} : vector<16xi32>
        %parallel_loop3A_607 = arith.constant 0 : i32
        %parallel_loop3A_608 = vector.broadcast %parallel_loop3A_607 : i32 to vector<16xi32>
        %parallel_loop3A_609 = arith.addi %parallel_loop3A_606, %parallel_loop3A_608 : vector<16xi32>
        %parallel_loop3A_610 = arith.index_cast %parallel_loop3A_601 : i32 to index
        %parallel_loop3A_611 = arith.constant 0 : index
        %parallel_loop3A_612 = tpu.vector_load %arg8[%parallel_loop3A_610, %parallel_loop3A_611] {strides = array<i32>} : memref<128x64xf32, #tpu.memory_space<vmem>>, vector<16xf32>,
        %parallel_loop3A_613 = arith.constant 8 : i32
        %parallel_loop3A_614 = vector.broadcast %parallel_loop3A_613 : i32 to vector<16xi32>
        %parallel_loop3A_615 = arith.divsi %parallel_loop3A_609, %parallel_loop3A_614 : vector<16xi32>
        %parallel_loop3A_616 = arith.constant 0 : i32
        %parallel_loop3A_617 = vector.broadcast %parallel_loop3A_616 : i32 to vector<16xi32>
        %parallel_loop3A_618 = arith.cmpi sgt, %parallel_loop3A_609, %parallel_loop3A_617 : vector<16xi32>
        %parallel_loop3A_619 = arith.extui %parallel_loop3A_618 : vector<16xi1> to vector<16xi32>
        %parallel_loop3A_620 = arith.constant 0 : i32
        %parallel_loop3A_621 = vector.broadcast %parallel_loop3A_620 : i32 to vector<16xi32>
        %parallel_loop3A_622 = arith.cmpi slt, %parallel_loop3A_609, %parallel_loop3A_621 : vector<16xi32>
        %parallel_loop3A_623 = arith.extui %parallel_loop3A_622 : vector<16xi1> to vector<16xi32>
        %parallel_loop3A_624 = arith.subi %parallel_loop3A_619, %parallel_loop3A_623 : vector<16xi32>
        %parallel_loop3A_625 = arith.constant 0 : i32
        %parallel_loop3A_626 = arith.cmpi sgt, %parallel_loop3A_613, %parallel_loop3A_625 : i32
        %parallel_loop3A_627 = arith.extui %parallel_loop3A_626 : i1 to i32
        %parallel_loop3A_628 = arith.constant 0 : i32
        %parallel_loop3A_629 = arith.cmpi slt, %parallel_loop3A_613, %parallel_loop3A_628 : i32
        %parallel_loop3A_630 = arith.extui %parallel_loop3A_629 : i1 to i32
        %parallel_loop3A_631 = arith.subi %parallel_loop3A_627, %parallel_loop3A_630 : i32
        %parallel_loop3A_632 = vector.broadcast %parallel_loop3A_631 : i32 to vector<16xi32>
        %parallel_loop3A_633 = arith.cmpi ne, %parallel_loop3A_624, %parallel_loop3A_632 : vector<16xi32>
        %parallel_loop3A_634 = vector.broadcast %parallel_loop3A_613 : i32 to vector<16xi32>
        %parallel_loop3A_635 = arith.remsi %parallel_loop3A_609, %parallel_loop3A_634 : vector<16xi32>
        %parallel_loop3A_636 = arith.constant 0 : i32
        %parallel_loop3A_637 = vector.broadcast %parallel_loop3A_636 : i32 to vector<16xi32>
        %parallel_loop3A_638 = arith.cmpi ne, %parallel_loop3A_635, %parallel_loop3A_637 : vector<16xi32>
        %parallel_loop3A_639 = arith.andi %parallel_loop3A_633, %parallel_loop3A_638 : vector<16xi1>
        %parallel_loop3A_640 = arith.constant 1 : i32
        %parallel_loop3A_641 = vector.broadcast %parallel_loop3A_640 : i32 to vector<16xi32>
        %parallel_loop3A_642 = arith.subi %parallel_loop3A_615, %parallel_loop3A_641 : vector<16xi32>
        %parallel_loop3A_643 = arith.select %parallel_loop3A_639, %parallel_loop3A_642, %parallel_loop3A_615 : vector<16xi1>, vector<16xi32>
        %parallel_loop3A_644 = arith.constant 8 : i32
        %parallel_loop3A_645 = arith.constant 0 : i32
        %parallel_loop3A_646 = arith.cmpi eq, %parallel_loop3A_644, %parallel_loop3A_645 : i32
        %parallel_loop3A_647 = arith.constant 1 : i32
        %parallel_loop3A_648 = arith.select %parallel_loop3A_646, %parallel_loop3A_647, %parallel_loop3A_644 : i32
        %parallel_loop3A_649 = vector.broadcast %parallel_loop3A_648 : i32 to vector<16xi32>
        %parallel_loop3A_650 = arith.remsi %parallel_loop3A_609, %parallel_loop3A_649 : vector<16xi32>
        %parallel_loop3A_651 = arith.constant 0 : i32
        %parallel_loop3A_652 = vector.broadcast %parallel_loop3A_651 : i32 to vector<16xi32>
        %parallel_loop3A_653 = arith.cmpi ne, %parallel_loop3A_650, %parallel_loop3A_652 : vector<16xi32>
        %parallel_loop3A_654 = arith.constant 0 : i32
        %parallel_loop3A_655 = vector.broadcast %parallel_loop3A_654 : i32 to vector<16xi32>
        %parallel_loop3A_656 = arith.cmpi slt, %parallel_loop3A_650, %parallel_loop3A_655 : vector<16xi32>
        %parallel_loop3A_657 = arith.constant 0 : i32
        %parallel_loop3A_658 = arith.cmpi slt, %parallel_loop3A_648, %parallel_loop3A_657 : i32
        %parallel_loop3A_659 = vector.broadcast %parallel_loop3A_658 : i1 to vector<16xi1>
        %parallel_loop3A_660 = vector.broadcast %parallel_loop3A_659 : vector<16xi1> to vector<16xi1>
        %parallel_loop3A_661 = arith.xori %parallel_loop3A_656, %parallel_loop3A_660 : vector<16xi1>
        %parallel_loop3A_662 = arith.andi %parallel_loop3A_661, %parallel_loop3A_653 : vector<16xi1>
        %parallel_loop3A_663 = vector.broadcast %parallel_loop3A_648 : i32 to vector<16xi32>
        %parallel_loop3A_664 = arith.addi %parallel_loop3A_650, %parallel_loop3A_663 : vector<16xi32>
        %parallel_loop3A_665 = arith.select %parallel_loop3A_662, %parallel_loop3A_664, %parallel_loop3A_650 : vector<16xi1>, vector<16xi32>
        tpu.vector_store_idx %arg13[%parallel_loop3A_643, %parallel_loop3A_665, %parallel_loop3A_605], %parallel_loop3A_612 : memref<8x8x129xf32, #tpu.memory_space<vmem>>[vector<16xi32>, vector<16xi32>, vector<16xi32>], vector<16xf32>,
        %parallel_loop3A_666 = tpu.iota {dimensions = array<i32: 0>} : vector<16xi32>
        %parallel_loop3A_667 = arith.constant 16 : i32
        %parallel_loop3A_668 = vector.broadcast %parallel_loop3A_667 : i32 to vector<16xi32>
        %parallel_loop3A_669 = arith.addi %parallel_loop3A_666, %parallel_loop3A_668 : vector<16xi32>
        %parallel_loop3A_670 = arith.index_cast %parallel_loop3A_601 : i32 to index
        %parallel_loop3A_671 = arith.constant 16 : index
        %parallel_loop3A_672 = tpu.vector_load %arg8[%parallel_loop3A_670, %parallel_loop3A_671] {strides = array<i32>} : memref<128x64xf32, #tpu.memory_space<vmem>>, vector<16xf32>,
        %parallel_loop3A_673 = arith.constant 8 : i32
        %parallel_loop3A_674 = vector.broadcast %parallel_loop3A_673 : i32 to vector<16xi32>
        %parallel_loop3A_675 = arith.divsi %parallel_loop3A_669, %parallel_loop3A_674 : vector<16xi32>
        %parallel_loop3A_676 = arith.constant 0 : i32
        %parallel_loop3A_677 = vector.broadcast %parallel_loop3A_676 : i32 to vector<16xi32>
        %parallel_loop3A_678 = arith.cmpi sgt, %parallel_loop3A_669, %parallel_loop3A_677 : vector<16xi32>
        %parallel_loop3A_679 = arith.extui %parallel_loop3A_678 : vector<16xi1> to vector<16xi32>
        %parallel_loop3A_680 = arith.constant 0 : i32
        %parallel_loop3A_681 = vector.broadcast %parallel_loop3A_680 : i32 to vector<16xi32>
        %parallel_loop3A_682 = arith.cmpi slt, %parallel_loop3A_669, %parallel_loop3A_681 : vector<16xi32>
        %parallel_loop3A_683 = arith.extui %parallel_loop3A_682 : vector<16xi1> to vector<16xi32>
        %parallel_loop3A_684 = arith.subi %parallel_loop3A_679, %parallel_loop3A_683 : vector<16xi32>
        %parallel_loop3A_685 = arith.constant 0 : i32
        %parallel_loop3A_686 = arith.cmpi sgt, %parallel_loop3A_673, %parallel_loop3A_685 : i32
        %parallel_loop3A_687 = arith.extui %parallel_loop3A_686 : i1 to i32
        %parallel_loop3A_688 = arith.constant 0 : i32
        %parallel_loop3A_689 = arith.cmpi slt, %parallel_loop3A_673, %parallel_loop3A_688 : i32
        %parallel_loop3A_690 = arith.extui %parallel_loop3A_689 : i1 to i32
        %parallel_loop3A_691 = arith.subi %parallel_loop3A_687, %parallel_loop3A_690 : i32
        %parallel_loop3A_692 = vector.broadcast %parallel_loop3A_691 : i32 to vector<16xi32>
        %parallel_loop3A_693 = arith.cmpi ne, %parallel_loop3A_684, %parallel_loop3A_692 : vector<16xi32>
        %parallel_loop3A_694 = vector.broadcast %parallel_loop3A_673 : i32 to vector<16xi32>
        %parallel_loop3A_695 = arith.remsi %parallel_loop3A_669, %parallel_loop3A_694 : vector<16xi32>
        %parallel_loop3A_696 = arith.constant 0 : i32
        %parallel_loop3A_697 = vector.broadcast %parallel_loop3A_696 : i32 to vector<16xi32>
        %parallel_loop3A_698 = arith.cmpi ne, %parallel_loop3A_695, %parallel_loop3A_697 : vector<16xi32>
        %parallel_loop3A_699 = arith.andi %parallel_loop3A_693, %parallel_loop3A_698 : vector<16xi1>
        %parallel_loop3A_700 = arith.constant 1 : i32
        %parallel_loop3A_701 = vector.broadcast %parallel_loop3A_700 : i32 to vector<16xi32>
        %parallel_loop3A_702 = arith.subi %parallel_loop3A_675, %parallel_loop3A_701 : vector<16xi32>
        %parallel_loop3A_703 = arith.select %parallel_loop3A_699, %parallel_loop3A_702, %parallel_loop3A_675 : vector<16xi1>, vector<16xi32>
        %parallel_loop3A_704 = arith.constant 8 : i32
        %parallel_loop3A_705 = arith.constant 0 : i32
        %parallel_loop3A_706 = arith.cmpi eq, %parallel_loop3A_704, %parallel_loop3A_705 : i32
        %parallel_loop3A_707 = arith.constant 1 : i32
        %parallel_loop3A_708 = arith.select %parallel_loop3A_706, %parallel_loop3A_707, %parallel_loop3A_704 : i32
        %parallel_loop3A_709 = vector.broadcast %parallel_loop3A_708 : i32 to vector<16xi32>
        %parallel_loop3A_710 = arith.remsi %parallel_loop3A_669, %parallel_loop3A_709 : vector<16xi32>
        %parallel_loop3A_711 = arith.constant 0 : i32
        %parallel_loop3A_712 = vector.broadcast %parallel_loop3A_711 : i32 to vector<16xi32>
        %parallel_loop3A_713 = arith.cmpi ne, %parallel_loop3A_710, %parallel_loop3A_712 : vector<16xi32>
        %parallel_loop3A_714 = arith.constant 0 : i32
        %parallel_loop3A_715 = vector.broadcast %parallel_loop3A_714 : i32 to vector<16xi32>
        %parallel_loop3A_716 = arith.cmpi slt, %parallel_loop3A_710, %parallel_loop3A_715 : vector<16xi32>
        %parallel_loop3A_717 = arith.constant 0 : i32
        %parallel_loop3A_718 = arith.cmpi slt, %parallel_loop3A_708, %parallel_loop3A_717 : i32
        %parallel_loop3A_719 = vector.broadcast %parallel_loop3A_718 : i1 to vector<16xi1>
        %parallel_loop3A_720 = vector.broadcast %parallel_loop3A_719 : vector<16xi1> to vector<16xi1>
        %parallel_loop3A_721 = arith.xori %parallel_loop3A_716, %parallel_loop3A_720 : vector<16xi1>
        %parallel_loop3A_722 = arith.andi %parallel_loop3A_721, %parallel_loop3A_713 : vector<16xi1>
        %parallel_loop3A_723 = vector.broadcast %parallel_loop3A_708 : i32 to vector<16xi32>
        %parallel_loop3A_724 = arith.addi %parallel_loop3A_710, %parallel_loop3A_723 : vector<16xi32>
        %parallel_loop3A_725 = arith.select %parallel_loop3A_722, %parallel_loop3A_724, %parallel_loop3A_710 : vector<16xi1>, vector<16xi32>
        tpu.vector_store_idx %arg13[%parallel_loop3A_703, %parallel_loop3A_725, %parallel_loop3A_605], %parallel_loop3A_672 : memref<8x8x129xf32, #tpu.memory_space<vmem>>[vector<16xi32>, vector<16xi32>, vector<16xi32>], vector<16xf32>,
        %parallel_loop3A_726 = tpu.iota {dimensions = array<i32: 0>} : vector<16xi32>
        %parallel_loop3A_727 = arith.constant 32 : i32
        %parallel_loop3A_728 = vector.broadcast %parallel_loop3A_727 : i32 to vector<16xi32>
        %parallel_loop3A_729 = arith.addi %parallel_loop3A_726, %parallel_loop3A_728 : vector<16xi32>
        %parallel_loop3A_730 = arith.index_cast %parallel_loop3A_601 : i32 to index
        %parallel_loop3A_731 = arith.constant 32 : index
        %parallel_loop3A_732 = tpu.vector_load %arg8[%parallel_loop3A_730, %parallel_loop3A_731] {strides = array<i32>} : memref<128x64xf32, #tpu.memory_space<vmem>>, vector<16xf32>,
        %parallel_loop3A_733 = arith.constant 8 : i32
        %parallel_loop3A_734 = vector.broadcast %parallel_loop3A_733 : i32 to vector<16xi32>
        %parallel_loop3A_735 = arith.divsi %parallel_loop3A_729, %parallel_loop3A_734 : vector<16xi32>
        %parallel_loop3A_736 = arith.constant 0 : i32
        %parallel_loop3A_737 = vector.broadcast %parallel_loop3A_736 : i32 to vector<16xi32>
        %parallel_loop3A_738 = arith.cmpi sgt, %parallel_loop3A_729, %parallel_loop3A_737 : vector<16xi32>
        %parallel_loop3A_739 = arith.extui %parallel_loop3A_738 : vector<16xi1> to vector<16xi32>
        %parallel_loop3A_740 = arith.constant 0 : i32
        %parallel_loop3A_741 = vector.broadcast %parallel_loop3A_740 : i32 to vector<16xi32>
        %parallel_loop3A_742 = arith.cmpi slt, %parallel_loop3A_729, %parallel_loop3A_741 : vector<16xi32>
        %parallel_loop3A_743 = arith.extui %parallel_loop3A_742 : vector<16xi1> to vector<16xi32>
        %parallel_loop3A_744 = arith.subi %parallel_loop3A_739, %parallel_loop3A_743 : vector<16xi32>
        %parallel_loop3A_745 = arith.constant 0 : i32
        %parallel_loop3A_746 = arith.cmpi sgt, %parallel_loop3A_733, %parallel_loop3A_745 : i32
        %parallel_loop3A_747 = arith.extui %parallel_loop3A_746 : i1 to i32
        %parallel_loop3A_748 = arith.constant 0 : i32
        %parallel_loop3A_749 = arith.cmpi slt, %parallel_loop3A_733, %parallel_loop3A_748 : i32
        %parallel_loop3A_750 = arith.extui %parallel_loop3A_749 : i1 to i32
        %parallel_loop3A_751 = arith.subi %parallel_loop3A_747, %parallel_loop3A_750 : i32
        %parallel_loop3A_752 = vector.broadcast %parallel_loop3A_751 : i32 to vector<16xi32>
        %parallel_loop3A_753 = arith.cmpi ne, %parallel_loop3A_744, %parallel_loop3A_752 : vector<16xi32>
        %parallel_loop3A_754 = vector.broadcast %parallel_loop3A_733 : i32 to vector<16xi32>
        %parallel_loop3A_755 = arith.remsi %parallel_loop3A_729, %parallel_loop3A_754 : vector<16xi32>
        %parallel_loop3A_756 = arith.constant 0 : i32
        %parallel_loop3A_757 = vector.broadcast %parallel_loop3A_756 : i32 to vector<16xi32>
        %parallel_loop3A_758 = arith.cmpi ne, %parallel_loop3A_755, %parallel_loop3A_757 : vector<16xi32>
        %parallel_loop3A_759 = arith.andi %parallel_loop3A_753, %parallel_loop3A_758 : vector<16xi1>
        %parallel_loop3A_760 = arith.constant 1 : i32
        %parallel_loop3A_761 = vector.broadcast %parallel_loop3A_760 : i32 to vector<16xi32>
        %parallel_loop3A_762 = arith.subi %parallel_loop3A_735, %parallel_loop3A_761 : vector<16xi32>
        %parallel_loop3A_763 = arith.select %parallel_loop3A_759, %parallel_loop3A_762, %parallel_loop3A_735 : vector<16xi1>, vector<16xi32>
        %parallel_loop3A_764 = arith.constant 8 : i32
        %parallel_loop3A_765 = arith.constant 0 : i32
        %parallel_loop3A_766 = arith.cmpi eq, %parallel_loop3A_764, %parallel_loop3A_765 : i32
        %parallel_loop3A_767 = arith.constant 1 : i32
        %parallel_loop3A_768 = arith.select %parallel_loop3A_766, %parallel_loop3A_767, %parallel_loop3A_764 : i32
        %parallel_loop3A_769 = vector.broadcast %parallel_loop3A_768 : i32 to vector<16xi32>
        %parallel_loop3A_770 = arith.remsi %parallel_loop3A_729, %parallel_loop3A_769 : vector<16xi32>
        %parallel_loop3A_771 = arith.constant 0 : i32
        %parallel_loop3A_772 = vector.broadcast %parallel_loop3A_771 : i32 to vector<16xi32>
        %parallel_loop3A_773 = arith.cmpi ne, %parallel_loop3A_770, %parallel_loop3A_772 : vector<16xi32>
        %parallel_loop3A_774 = arith.constant 0 : i32
        %parallel_loop3A_775 = vector.broadcast %parallel_loop3A_774 : i32 to vector<16xi32>
        %parallel_loop3A_776 = arith.cmpi slt, %parallel_loop3A_770, %parallel_loop3A_775 : vector<16xi32>
        %parallel_loop3A_777 = arith.constant 0 : i32
        %parallel_loop3A_778 = arith.cmpi slt, %parallel_loop3A_768, %parallel_loop3A_777 : i32
        %parallel_loop3A_779 = vector.broadcast %parallel_loop3A_778 : i1 to vector<16xi1>
        %parallel_loop3A_780 = vector.broadcast %parallel_loop3A_779 : vector<16xi1> to vector<16xi1>
        %parallel_loop3A_781 = arith.xori %parallel_loop3A_776, %parallel_loop3A_780 : vector<16xi1>
        %parallel_loop3A_782 = arith.andi %parallel_loop3A_781, %parallel_loop3A_773 : vector<16xi1>
        %parallel_loop3A_783 = vector.broadcast %parallel_loop3A_768 : i32 to vector<16xi32>
        %parallel_loop3A_784 = arith.addi %parallel_loop3A_770, %parallel_loop3A_783 : vector<16xi32>
        %parallel_loop3A_785 = arith.select %parallel_loop3A_782, %parallel_loop3A_784, %parallel_loop3A_770 : vector<16xi1>, vector<16xi32>
        tpu.vector_store_idx %arg13[%parallel_loop3A_763, %parallel_loop3A_785, %parallel_loop3A_605], %parallel_loop3A_732 : memref<8x8x129xf32, #tpu.memory_space<vmem>>[vector<16xi32>, vector<16xi32>, vector<16xi32>], vector<16xf32>,
        %parallel_loop3A_786 = tpu.iota {dimensions = array<i32: 0>} : vector<16xi32>
        %parallel_loop3A_787 = arith.constant 48 : i32
        %parallel_loop3A_788 = vector.broadcast %parallel_loop3A_787 : i32 to vector<16xi32>
        %parallel_loop3A_789 = arith.addi %parallel_loop3A_786, %parallel_loop3A_788 : vector<16xi32>
        %parallel_loop3A_790 = arith.index_cast %parallel_loop3A_601 : i32 to index
        %parallel_loop3A_791 = arith.constant 48 : index
        %parallel_loop3A_792 = tpu.vector_load %arg8[%parallel_loop3A_790, %parallel_loop3A_791] {strides = array<i32>} : memref<128x64xf32, #tpu.memory_space<vmem>>, vector<16xf32>,
        %parallel_loop3A_793 = arith.constant 8 : i32
        %parallel_loop3A_794 = vector.broadcast %parallel_loop3A_793 : i32 to vector<16xi32>
        %parallel_loop3A_795 = arith.divsi %parallel_loop3A_789, %parallel_loop3A_794 : vector<16xi32>
        %parallel_loop3A_796 = arith.constant 0 : i32
        %parallel_loop3A_797 = vector.broadcast %parallel_loop3A_796 : i32 to vector<16xi32>
        %parallel_loop3A_798 = arith.cmpi sgt, %parallel_loop3A_789, %parallel_loop3A_797 : vector<16xi32>
        %parallel_loop3A_799 = arith.extui %parallel_loop3A_798 : vector<16xi1> to vector<16xi32>
        %parallel_loop3A_800 = arith.constant 0 : i32
        %parallel_loop3A_801 = vector.broadcast %parallel_loop3A_800 : i32 to vector<16xi32>
        %parallel_loop3A_802 = arith.cmpi slt, %parallel_loop3A_789, %parallel_loop3A_801 : vector<16xi32>
        %parallel_loop3A_803 = arith.extui %parallel_loop3A_802 : vector<16xi1> to vector<16xi32>
        %parallel_loop3A_804 = arith.subi %parallel_loop3A_799, %parallel_loop3A_803 : vector<16xi32>
        %parallel_loop3A_805 = arith.constant 0 : i32
        %parallel_loop3A_806 = arith.cmpi sgt, %parallel_loop3A_793, %parallel_loop3A_805 : i32
        %parallel_loop3A_807 = arith.extui %parallel_loop3A_806 : i1 to i32
        %parallel_loop3A_808 = arith.constant 0 : i32
        %parallel_loop3A_809 = arith.cmpi slt, %parallel_loop3A_793, %parallel_loop3A_808 : i32
        %parallel_loop3A_810 = arith.extui %parallel_loop3A_809 : i1 to i32
        %parallel_loop3A_811 = arith.subi %parallel_loop3A_807, %parallel_loop3A_810 : i32
        %parallel_loop3A_812 = vector.broadcast %parallel_loop3A_811 : i32 to vector<16xi32>
        %parallel_loop3A_813 = arith.cmpi ne, %parallel_loop3A_804, %parallel_loop3A_812 : vector<16xi32>
        %parallel_loop3A_814 = vector.broadcast %parallel_loop3A_793 : i32 to vector<16xi32>
        %parallel_loop3A_815 = arith.remsi %parallel_loop3A_789, %parallel_loop3A_814 : vector<16xi32>
        %parallel_loop3A_816 = arith.constant 0 : i32
        %parallel_loop3A_817 = vector.broadcast %parallel_loop3A_816 : i32 to vector<16xi32>
        %parallel_loop3A_818 = arith.cmpi ne, %parallel_loop3A_815, %parallel_loop3A_817 : vector<16xi32>
        %parallel_loop3A_819 = arith.andi %parallel_loop3A_813, %parallel_loop3A_818 : vector<16xi1>
        %parallel_loop3A_820 = arith.constant 1 : i32
        %parallel_loop3A_821 = vector.broadcast %parallel_loop3A_820 : i32 to vector<16xi32>
        %parallel_loop3A_822 = arith.subi %parallel_loop3A_795, %parallel_loop3A_821 : vector<16xi32>
        %parallel_loop3A_823 = arith.select %parallel_loop3A_819, %parallel_loop3A_822, %parallel_loop3A_795 : vector<16xi1>, vector<16xi32>
        %parallel_loop3A_824 = arith.constant 8 : i32
        %parallel_loop3A_825 = arith.constant 0 : i32
        %parallel_loop3A_826 = arith.cmpi eq, %parallel_loop3A_824, %parallel_loop3A_825 : i32
        %parallel_loop3A_827 = arith.constant 1 : i32
        %parallel_loop3A_828 = arith.select %parallel_loop3A_826, %parallel_loop3A_827, %parallel_loop3A_824 : i32
        %parallel_loop3A_829 = vector.broadcast %parallel_loop3A_828 : i32 to vector<16xi32>
        %parallel_loop3A_830 = arith.remsi %parallel_loop3A_789, %parallel_loop3A_829 : vector<16xi32>
        %parallel_loop3A_831 = arith.constant 0 : i32
        %parallel_loop3A_832 = vector.broadcast %parallel_loop3A_831 : i32 to vector<16xi32>
        %parallel_loop3A_833 = arith.cmpi ne, %parallel_loop3A_830, %parallel_loop3A_832 : vector<16xi32>
        %parallel_loop3A_834 = arith.constant 0 : i32
        %parallel_loop3A_835 = vector.broadcast %parallel_loop3A_834 : i32 to vector<16xi32>
        %parallel_loop3A_836 = arith.cmpi slt, %parallel_loop3A_830, %parallel_loop3A_835 : vector<16xi32>
        %parallel_loop3A_837 = arith.constant 0 : i32
        %parallel_loop3A_838 = arith.cmpi slt, %parallel_loop3A_828, %parallel_loop3A_837 : i32
        %parallel_loop3A_839 = vector.broadcast %parallel_loop3A_838 : i1 to vector<16xi1>
        %parallel_loop3A_840 = vector.broadcast %parallel_loop3A_839 : vector<16xi1> to vector<16xi1>
        %parallel_loop3A_841 = arith.xori %parallel_loop3A_836, %parallel_loop3A_840 : vector<16xi1>
        %parallel_loop3A_842 = arith.andi %parallel_loop3A_841, %parallel_loop3A_833 : vector<16xi1>
        %parallel_loop3A_843 = vector.broadcast %parallel_loop3A_828 : i32 to vector<16xi32>
        %parallel_loop3A_844 = arith.addi %parallel_loop3A_830, %parallel_loop3A_843 : vector<16xi32>
        %parallel_loop3A_845 = arith.select %parallel_loop3A_842, %parallel_loop3A_844, %parallel_loop3A_830 : vector<16xi1>, vector<16xi32>
        tpu.vector_store_idx %arg13[%parallel_loop3A_823, %parallel_loop3A_845, %parallel_loop3A_605], %parallel_loop3A_792 : memref<8x8x129xf32, #tpu.memory_space<vmem>>[vector<16xi32>, vector<16xi32>, vector<16xi32>], vector<16xf32>,
      } {sc.loop_unroll_factor = 1 : i64, sc.parallel_access}
      %dma_start3A_203 = arith.constant 0 : i32
      %dma_start3A_204 = arith.constant 0 : i32
      %dma_start3A_205 = arith.constant 0 : i32
      %dma_start3A_206 = tpu.memref_slice %arg13[%dma_start3A_203, %dma_start3A_204, %dma_start3A_205] : memref<8x8x129xf32, #tpu.memory_space<vmem>> -> memref<8x8x128xf32, #tpu.memory_space<vmem>>
      %dma_start3A_207 = arith.constant 0 : i32
      %dma_start3A_208 = arith.constant 0 : i32
      %dma_start3A_209 = arith.constant 0 : i32
      %dma_start3A_210 = tpu.memref_slice %arg4[%add3A_180, %dma_start3A_207, %add3A, %dma_start3A_208, %dma_start3A_209] : memref<50x8x32x8x128xf32, #tpu.memory_space<hbm>> -> memref<1x8x1x8x128xf32, #tpu.memory_space<hbm>>
      %dma_start3A_211 = tpu.memref_squeeze %dma_start3A_210 : memref<1x8x1x8x128xf32, #tpu.memory_space<hbm>> -> memref<8x8x128xf32, #tpu.memory_space<hbm>>
      %dma_start3A_212 = arith.constant 0 : i32
      %dma_start3A_213 = arith.constant 0 : i32
      %dma_start3A_214 = arith.constant 0 : i32
      %dma_start3A_215 = tpu.memref_slice %arg4[%add3A_180, %dma_start3A_212, %add3A, %dma_start3A_213, %dma_start3A_214] : memref<50x8x32x8x128xf32, #tpu.memory_space<hbm>> -> memref<1x8x1x8x128xf32, #tpu.memory_space<hbm>>
      %dma_start3A_216 = tpu.memref_squeeze %dma_start3A_215 : memref<1x8x1x8x128xf32, #tpu.memory_space<hbm>> -> memref<8x8x128xf32, #tpu.memory_space<hbm>>
      %dma_start3A_217 = arith.constant 0 : i32
      %dma_start3A_218 = arith.constant 0 : i32
      %dma_start3A_219 = arith.constant 0 : i32
      %dma_start3A_220 = tpu.memref_slice %arg13[%dma_start3A_217, %dma_start3A_218, %dma_start3A_219] : memref<8x8x129xf32, #tpu.memory_space<vmem>> -> memref<8x8x128xf32, #tpu.memory_space<vmem>>
      tpu.enqueue_dma source(%dma_start3A_220 : memref<8x8x128xf32, #tpu.memory_space<vmem>>) target(%dma_start3A_216 : memref<8x8x128xf32, #tpu.memory_space<hbm>>) target_semaphore(%arg23 : memref<!tpu.dma_semaphore, #tpu.memory_space<semaphore_mem>>)
      %mul3A_221 = arith.constant 5 : i32
      %mul3A_222 = arith.muli %add3A_137, %mul3A_221 : i32
      %add3A_223 = arith.constant 2 : i32
      %add3A_224 = arith.addi %mul3A_222, %add3A_223 : i32
      %dma_wait3A_225 = arith.constant 2 : i32
      %dma_wait3A_226 = arith.constant 0 : i32
      %dma_wait3A_227 = tpu.memref_slice %arg6[%dma_wait3A_225, %dma_wait3A_226] : memref<50x128xi32, #tpu.memory_space<vmem>> -> memref<1x128xi32, #tpu.memory_space<vmem>>
      %dma_wait3A_228 = tpu.memref_squeeze %dma_wait3A_227 : memref<1x128xi32, #tpu.memory_space<vmem>> -> memref<128xi32, #tpu.memory_space<vmem>>
      %dma_wait3A_229 = arith.constant 0 : i32
      %dma_wait3A_230 = arith.constant 0 : i32
      %dma_wait3A_231 = tpu.memref_slice %arg2[%dma_wait3A_229, %dma_wait3A_230] : memref<200000x64xf32, #tpu.memory_space<hbm>> -> memref<200000x64xf32, #tpu.memory_space<hbm>>
      tpu.wait_indirect_dma semaphore(%arg19 : memref<!tpu.dma_semaphore, #tpu.memory_space<semaphore_mem>>) src(%dma_wait3A_231 : memref<200000x64xf32, #tpu.memory_space<hbm>>) dst(%arg9 : memref<128x64xf32, #tpu.memory_space<vmem>>)
      %add3A_232 = arith.constant 4 : i32
      %add3A_233 = arith.addi %add3A_224, %add3A_232 : i32
      %lt3A_234 = arith.constant 50 : i32
      %lt3A_235 = arith.cmpi slt, %add3A_233, %lt3A_234 : i32
      %convert_element_type3A_236 = arith.extui %lt3A_235 : i1 to i32
      %cond3A_237 = arith.constant 0 : i32
      %cond3A_238 = arith.cmpi ne, %convert_element_type3A_236, %cond3A_237 : i32
      scf.if %cond3A_238 {
        %add3A_353 = arith.constant 4 : i32
        %add3A_354 = arith.addi %add3A_224, %add3A_353 : i32
        %dma_start3A_355 = arith.constant 0 : i32
        %dma_start3A_356 = tpu.memref_slice %arg6[%add3A_354, %dma_start3A_355] : memref<50x128xi32, #tpu.memory_space<vmem>> -> memref<1x128xi32, #tpu.memory_space<vmem>>
        %dma_start3A_357 = tpu.memref_squeeze %dma_start3A_356 : memref<1x128xi32, #tpu.memory_space<vmem>> -> memref<128xi32, #tpu.memory_space<vmem>>
        %dma_start3A_358 = arith.constant 0 : i32
        %dma_start3A_359 = arith.constant 0 : i32
        %dma_start3A_360 = tpu.memref_slice %arg2[%dma_start3A_358, %dma_start3A_359] : memref<200000x64xf32, #tpu.memory_space<hbm>> -> memref<200000x64xf32, #tpu.memory_space<hbm>>
        tpu.enqueue_indirect_dma source(%dma_start3A_360 : memref<200000x64xf32, #tpu.memory_space<hbm>>) target(%arg8 : memref<128x64xf32, #tpu.memory_space<vmem>>) offsets(%dma_start3A_357 : memref<128xi32, #tpu.memory_space<vmem>>) semaphore(%arg18 : memref<!tpu.dma_semaphore, #tpu.memory_space<semaphore_mem>>)
      } else {
      }
      %gt3A_239 = arith.constant 0 : i32
      %gt3A_240 = arith.cmpi sgt, %add3A_137, %gt3A_239 : i32
      %convert_element_type3A_241 = arith.extui %gt3A_240 : i1 to i32
      %cond3A_242 = arith.constant 0 : i32
      %cond3A_243 = arith.cmpi ne, %convert_element_type3A_241, %cond3A_242 : i32
      scf.if %cond3A_243 {
        %dma_wait3A_353 = arith.constant 0 : i32
        %dma_wait3A_354 = arith.constant 0 : i32
        %dma_wait3A_355 = arith.constant 0 : i32
        %dma_wait3A_356 = arith.constant 0 : i32
        %dma_wait3A_357 = tpu.memref_slice %arg14[%dma_wait3A_354, %dma_wait3A_355, %dma_wait3A_356] : memref<8x8x129xf32, #tpu.memory_space<vmem>> -> memref<8x8x128xf32, #tpu.memory_space<vmem>>
        %dma_wait3A_358 = arith.constant 0 : i32
        %dma_wait3A_359 = arith.constant 0 : i32
        %dma_wait3A_360 = arith.constant 0 : i32
        %dma_wait3A_361 = tpu.memref_slice %arg4[%dma_wait3A_353, %dma_wait3A_358, %add3A, %dma_wait3A_359, %dma_wait3A_360] : memref<50x8x32x8x128xf32, #tpu.memory_space<hbm>> -> memref<1x8x1x8x128xf32, #tpu.memory_space<hbm>>
        %dma_wait3A_362 = tpu.memref_squeeze %dma_wait3A_361 : memref<1x8x1x8x128xf32, #tpu.memory_space<hbm>> -> memref<8x8x128xf32, #tpu.memory_space<hbm>>
        %dma_wait3A_363 = arith.constant 0 : i32
        %dma_wait3A_364 = arith.constant 0 : i32
        %dma_wait3A_365 = arith.constant 0 : i32
        %dma_wait3A_366 = tpu.memref_slice %arg4[%dma_wait3A_353, %dma_wait3A_363, %add3A, %dma_wait3A_364, %dma_wait3A_365] : memref<50x8x32x8x128xf32, #tpu.memory_space<hbm>> -> memref<1x8x1x8x128xf32, #tpu.memory_space<hbm>>
        %dma_wait3A_367 = tpu.memref_squeeze %dma_wait3A_366 : memref<1x8x1x8x128xf32, #tpu.memory_space<hbm>> -> memref<8x8x128xf32, #tpu.memory_space<hbm>>
        %dma_wait3A_368 = arith.constant 0 : i32
        %dma_wait3A_369 = arith.constant 0 : i32
        %dma_wait3A_370 = arith.constant 0 : i32
        %dma_wait3A_371 = tpu.memref_slice %arg14[%dma_wait3A_368, %dma_wait3A_369, %dma_wait3A_370] : memref<8x8x129xf32, #tpu.memory_space<vmem>> -> memref<8x8x128xf32, #tpu.memory_space<vmem>>
        tpu.wait_dma2 semaphore(%arg24 : memref<!tpu.dma_semaphore, #tpu.memory_space<semaphore_mem>>) src(%dma_wait3A_371 : memref<8x8x128xf32, #tpu.memory_space<vmem>>) dst(%dma_wait3A_367 : memref<8x8x128xf32, #tpu.memory_space<hbm>>)
      } else {
      }
      %parallel_loop3A_244 = arith.constant 0 : i32
      %parallel_loop3A_245 = arith.constant 128 : i32
      %parallel_loop3A_246 = arith.constant 2 : i32
      scf.for %parallel_loop3A_353 = %parallel_loop3A_244 to %parallel_loop3A_245 step %parallel_loop3A_246  : i32 {
        %parallel_loop3A_354 = arith.constant 0 : i32
        %parallel_loop3A_355 = arith.addi %parallel_loop3A_353, %parallel_loop3A_354 : i32
        %parallel_loop3A_356 = arith.constant 0 : i32
        %parallel_loop3A_357 = vector.broadcast %parallel_loop3A_356 : i32 to vector<16xi32>
        %parallel_loop3A_358 = vector.broadcast %parallel_loop3A_355 : i32 to vector<16xi32>
        %parallel_loop3A_359 = arith.addi %parallel_loop3A_357, %parallel_loop3A_358 : vector<16xi32>
        %parallel_loop3A_360 = tpu.iota {dimensions = array<i32: 0>} : vector<16xi32>
        %parallel_loop3A_361 = arith.constant 0 : i32
        %parallel_loop3A_362 = vector.broadcast %parallel_loop3A_361 : i32 to vector<16xi32>
        %parallel_loop3A_363 = arith.addi %parallel_loop3A_360, %parallel_loop3A_362 : vector<16xi32>
        %parallel_loop3A_364 = arith.index_cast %parallel_loop3A_355 : i32 to index
        %parallel_loop3A_365 = arith.constant 0 : index
        %parallel_loop3A_366 = tpu.vector_load %arg9[%parallel_loop3A_364, %parallel_loop3A_365] {strides = array<i32>} : memref<128x64xf32, #tpu.memory_space<vmem>>, vector<16xf32>,
        %parallel_loop3A_367 = arith.constant 8 : i32
        %parallel_loop3A_368 = vector.broadcast %parallel_loop3A_367 : i32 to vector<16xi32>
        %parallel_loop3A_369 = arith.divsi %parallel_loop3A_363, %parallel_loop3A_368 : vector<16xi32>
        %parallel_loop3A_370 = arith.constant 0 : i32
        %parallel_loop3A_371 = vector.broadcast %parallel_loop3A_370 : i32 to vector<16xi32>
        %parallel_loop3A_372 = arith.cmpi sgt, %parallel_loop3A_363, %parallel_loop3A_371 : vector<16xi32>
        %parallel_loop3A_373 = arith.extui %parallel_loop3A_372 : vector<16xi1> to vector<16xi32>
        %parallel_loop3A_374 = arith.constant 0 : i32
        %parallel_loop3A_375 = vector.broadcast %parallel_loop3A_374 : i32 to vector<16xi32>
        %parallel_loop3A_376 = arith.cmpi slt, %parallel_loop3A_363, %parallel_loop3A_375 : vector<16xi32>
        %parallel_loop3A_377 = arith.extui %parallel_loop3A_376 : vector<16xi1> to vector<16xi32>
        %parallel_loop3A_378 = arith.subi %parallel_loop3A_373, %parallel_loop3A_377 : vector<16xi32>
        %parallel_loop3A_379 = arith.constant 0 : i32
        %parallel_loop3A_380 = arith.cmpi sgt, %parallel_loop3A_367, %parallel_loop3A_379 : i32
        %parallel_loop3A_381 = arith.extui %parallel_loop3A_380 : i1 to i32
        %parallel_loop3A_382 = arith.constant 0 : i32
        %parallel_loop3A_383 = arith.cmpi slt, %parallel_loop3A_367, %parallel_loop3A_382 : i32
        %parallel_loop3A_384 = arith.extui %parallel_loop3A_383 : i1 to i32
        %parallel_loop3A_385 = arith.subi %parallel_loop3A_381, %parallel_loop3A_384 : i32
        %parallel_loop3A_386 = vector.broadcast %parallel_loop3A_385 : i32 to vector<16xi32>
        %parallel_loop3A_387 = arith.cmpi ne, %parallel_loop3A_378, %parallel_loop3A_386 : vector<16xi32>
        %parallel_loop3A_388 = vector.broadcast %parallel_loop3A_367 : i32 to vector<16xi32>
        %parallel_loop3A_389 = arith.remsi %parallel_loop3A_363, %parallel_loop3A_388 : vector<16xi32>
        %parallel_loop3A_390 = arith.constant 0 : i32
        %parallel_loop3A_391 = vector.broadcast %parallel_loop3A_390 : i32 to vector<16xi32>
        %parallel_loop3A_392 = arith.cmpi ne, %parallel_loop3A_389, %parallel_loop3A_391 : vector<16xi32>
        %parallel_loop3A_393 = arith.andi %parallel_loop3A_387, %parallel_loop3A_392 : vector<16xi1>
        %parallel_loop3A_394 = arith.constant 1 : i32
        %parallel_loop3A_395 = vector.broadcast %parallel_loop3A_394 : i32 to vector<16xi32>
        %parallel_loop3A_396 = arith.subi %parallel_loop3A_369, %parallel_loop3A_395 : vector<16xi32>
        %parallel_loop3A_397 = arith.select %parallel_loop3A_393, %parallel_loop3A_396, %parallel_loop3A_369 : vector<16xi1>, vector<16xi32>
        %parallel_loop3A_398 = arith.constant 8 : i32
        %parallel_loop3A_399 = arith.constant 0 : i32
        %parallel_loop3A_400 = arith.cmpi eq, %parallel_loop3A_398, %parallel_loop3A_399 : i32
        %parallel_loop3A_401 = arith.constant 1 : i32
        %parallel_loop3A_402 = arith.select %parallel_loop3A_400, %parallel_loop3A_401, %parallel_loop3A_398 : i32
        %parallel_loop3A_403 = vector.broadcast %parallel_loop3A_402 : i32 to vector<16xi32>
        %parallel_loop3A_404 = arith.remsi %parallel_loop3A_363, %parallel_loop3A_403 : vector<16xi32>
        %parallel_loop3A_405 = arith.constant 0 : i32
        %parallel_loop3A_406 = vector.broadcast %parallel_loop3A_405 : i32 to vector<16xi32>
        %parallel_loop3A_407 = arith.cmpi ne, %parallel_loop3A_404, %parallel_loop3A_406 : vector<16xi32>
        %parallel_loop3A_408 = arith.constant 0 : i32
        %parallel_loop3A_409 = vector.broadcast %parallel_loop3A_408 : i32 to vector<16xi32>
        %parallel_loop3A_410 = arith.cmpi slt, %parallel_loop3A_404, %parallel_loop3A_409 : vector<16xi32>
        %parallel_loop3A_411 = arith.constant 0 : i32
        %parallel_loop3A_412 = arith.cmpi slt, %parallel_loop3A_402, %parallel_loop3A_411 : i32
        %parallel_loop3A_413 = vector.broadcast %parallel_loop3A_412 : i1 to vector<16xi1>
        %parallel_loop3A_414 = vector.broadcast %parallel_loop3A_413 : vector<16xi1> to vector<16xi1>
        %parallel_loop3A_415 = arith.xori %parallel_loop3A_410, %parallel_loop3A_414 : vector<16xi1>
        %parallel_loop3A_416 = arith.andi %parallel_loop3A_415, %parallel_loop3A_407 : vector<16xi1>
        %parallel_loop3A_417 = vector.broadcast %parallel_loop3A_402 : i32 to vector<16xi32>
        %parallel_loop3A_418 = arith.addi %parallel_loop3A_404, %parallel_loop3A_417 : vector<16xi32>
        %parallel_loop3A_419 = arith.select %parallel_loop3A_416, %parallel_loop3A_418, %parallel_loop3A_404 : vector<16xi1>, vector<16xi32>
        tpu.vector_store_idx %arg14[%parallel_loop3A_397, %parallel_loop3A_419, %parallel_loop3A_359], %parallel_loop3A_366 : memref<8x8x129xf32, #tpu.memory_space<vmem>>[vector<16xi32>, vector<16xi32>, vector<16xi32>], vector<16xf32>,
        %parallel_loop3A_420 = tpu.iota {dimensions = array<i32: 0>} : vector<16xi32>
        %parallel_loop3A_421 = arith.constant 16 : i32
        %parallel_loop3A_422 = vector.broadcast %parallel_loop3A_421 : i32 to vector<16xi32>
        %parallel_loop3A_423 = arith.addi %parallel_loop3A_420, %parallel_loop3A_422 : vector<16xi32>
        %parallel_loop3A_424 = arith.index_cast %parallel_loop3A_355 : i32 to index
        %parallel_loop3A_425 = arith.constant 16 : index
        %parallel_loop3A_426 = tpu.vector_load %arg9[%parallel_loop3A_424, %parallel_loop3A_425] {strides = array<i32>} : memref<128x64xf32, #tpu.memory_space<vmem>>, vector<16xf32>,
        %parallel_loop3A_427 = arith.constant 8 : i32
        %parallel_loop3A_428 = vector.broadcast %parallel_loop3A_427 : i32 to vector<16xi32>
        %parallel_loop3A_429 = arith.divsi %parallel_loop3A_423, %parallel_loop3A_428 : vector<16xi32>
        %parallel_loop3A_430 = arith.constant 0 : i32
        %parallel_loop3A_431 = vector.broadcast %parallel_loop3A_430 : i32 to vector<16xi32>
        %parallel_loop3A_432 = arith.cmpi sgt, %parallel_loop3A_423, %parallel_loop3A_431 : vector<16xi32>
        %parallel_loop3A_433 = arith.extui %parallel_loop3A_432 : vector<16xi1> to vector<16xi32>
        %parallel_loop3A_434 = arith.constant 0 : i32
        %parallel_loop3A_435 = vector.broadcast %parallel_loop3A_434 : i32 to vector<16xi32>
        %parallel_loop3A_436 = arith.cmpi slt, %parallel_loop3A_423, %parallel_loop3A_435 : vector<16xi32>
        %parallel_loop3A_437 = arith.extui %parallel_loop3A_436 : vector<16xi1> to vector<16xi32>
        %parallel_loop3A_438 = arith.subi %parallel_loop3A_433, %parallel_loop3A_437 : vector<16xi32>
        %parallel_loop3A_439 = arith.constant 0 : i32
        %parallel_loop3A_440 = arith.cmpi sgt, %parallel_loop3A_427, %parallel_loop3A_439 : i32
        %parallel_loop3A_441 = arith.extui %parallel_loop3A_440 : i1 to i32
        %parallel_loop3A_442 = arith.constant 0 : i32
        %parallel_loop3A_443 = arith.cmpi slt, %parallel_loop3A_427, %parallel_loop3A_442 : i32
        %parallel_loop3A_444 = arith.extui %parallel_loop3A_443 : i1 to i32
        %parallel_loop3A_445 = arith.subi %parallel_loop3A_441, %parallel_loop3A_444 : i32
        %parallel_loop3A_446 = vector.broadcast %parallel_loop3A_445 : i32 to vector<16xi32>
        %parallel_loop3A_447 = arith.cmpi ne, %parallel_loop3A_438, %parallel_loop3A_446 : vector<16xi32>
        %parallel_loop3A_448 = vector.broadcast %parallel_loop3A_427 : i32 to vector<16xi32>
        %parallel_loop3A_449 = arith.remsi %parallel_loop3A_423, %parallel_loop3A_448 : vector<16xi32>
        %parallel_loop3A_450 = arith.constant 0 : i32
        %parallel_loop3A_451 = vector.broadcast %parallel_loop3A_450 : i32 to vector<16xi32>
        %parallel_loop3A_452 = arith.cmpi ne, %parallel_loop3A_449, %parallel_loop3A_451 : vector<16xi32>
        %parallel_loop3A_453 = arith.andi %parallel_loop3A_447, %parallel_loop3A_452 : vector<16xi1>
        %parallel_loop3A_454 = arith.constant 1 : i32
        %parallel_loop3A_455 = vector.broadcast %parallel_loop3A_454 : i32 to vector<16xi32>
        %parallel_loop3A_456 = arith.subi %parallel_loop3A_429, %parallel_loop3A_455 : vector<16xi32>
        %parallel_loop3A_457 = arith.select %parallel_loop3A_453, %parallel_loop3A_456, %parallel_loop3A_429 : vector<16xi1>, vector<16xi32>
        %parallel_loop3A_458 = arith.constant 8 : i32
        %parallel_loop3A_459 = arith.constant 0 : i32
        %parallel_loop3A_460 = arith.cmpi eq, %parallel_loop3A_458, %parallel_loop3A_459 : i32
        %parallel_loop3A_461 = arith.constant 1 : i32
        %parallel_loop3A_462 = arith.select %parallel_loop3A_460, %parallel_loop3A_461, %parallel_loop3A_458 : i32
        %parallel_loop3A_463 = vector.broadcast %parallel_loop3A_462 : i32 to vector<16xi32>
        %parallel_loop3A_464 = arith.remsi %parallel_loop3A_423, %parallel_loop3A_463 : vector<16xi32>
        %parallel_loop3A_465 = arith.constant 0 : i32
        %parallel_loop3A_466 = vector.broadcast %parallel_loop3A_465 : i32 to vector<16xi32>
        %parallel_loop3A_467 = arith.cmpi ne, %parallel_loop3A_464, %parallel_loop3A_466 : vector<16xi32>
        %parallel_loop3A_468 = arith.constant 0 : i32
        %parallel_loop3A_469 = vector.broadcast %parallel_loop3A_468 : i32 to vector<16xi32>
        %parallel_loop3A_470 = arith.cmpi slt, %parallel_loop3A_464, %parallel_loop3A_469 : vector<16xi32>
        %parallel_loop3A_471 = arith.constant 0 : i32
        %parallel_loop3A_472 = arith.cmpi slt, %parallel_loop3A_462, %parallel_loop3A_471 : i32
        %parallel_loop3A_473 = vector.broadcast %parallel_loop3A_472 : i1 to vector<16xi1>
        %parallel_loop3A_474 = vector.broadcast %parallel_loop3A_473 : vector<16xi1> to vector<16xi1>
        %parallel_loop3A_475 = arith.xori %parallel_loop3A_470, %parallel_loop3A_474 : vector<16xi1>
        %parallel_loop3A_476 = arith.andi %parallel_loop3A_475, %parallel_loop3A_467 : vector<16xi1>
        %parallel_loop3A_477 = vector.broadcast %parallel_loop3A_462 : i32 to vector<16xi32>
        %parallel_loop3A_478 = arith.addi %parallel_loop3A_464, %parallel_loop3A_477 : vector<16xi32>
        %parallel_loop3A_479 = arith.select %parallel_loop3A_476, %parallel_loop3A_478, %parallel_loop3A_464 : vector<16xi1>, vector<16xi32>
        tpu.vector_store_idx %arg14[%parallel_loop3A_457, %parallel_loop3A_479, %parallel_loop3A_359], %parallel_loop3A_426 : memref<8x8x129xf32, #tpu.memory_space<vmem>>[vector<16xi32>, vector<16xi32>, vector<16xi32>], vector<16xf32>,
        %parallel_loop3A_480 = tpu.iota {dimensions = array<i32: 0>} : vector<16xi32>
        %parallel_loop3A_481 = arith.constant 32 : i32
        %parallel_loop3A_482 = vector.broadcast %parallel_loop3A_481 : i32 to vector<16xi32>
        %parallel_loop3A_483 = arith.addi %parallel_loop3A_480, %parallel_loop3A_482 : vector<16xi32>
        %parallel_loop3A_484 = arith.index_cast %parallel_loop3A_355 : i32 to index
        %parallel_loop3A_485 = arith.constant 32 : index
        %parallel_loop3A_486 = tpu.vector_load %arg9[%parallel_loop3A_484, %parallel_loop3A_485] {strides = array<i32>} : memref<128x64xf32, #tpu.memory_space<vmem>>, vector<16xf32>,
        %parallel_loop3A_487 = arith.constant 8 : i32
        %parallel_loop3A_488 = vector.broadcast %parallel_loop3A_487 : i32 to vector<16xi32>
        %parallel_loop3A_489 = arith.divsi %parallel_loop3A_483, %parallel_loop3A_488 : vector<16xi32>
        %parallel_loop3A_490 = arith.constant 0 : i32
        %parallel_loop3A_491 = vector.broadcast %parallel_loop3A_490 : i32 to vector<16xi32>
        %parallel_loop3A_492 = arith.cmpi sgt, %parallel_loop3A_483, %parallel_loop3A_491 : vector<16xi32>
        %parallel_loop3A_493 = arith.extui %parallel_loop3A_492 : vector<16xi1> to vector<16xi32>
        %parallel_loop3A_494 = arith.constant 0 : i32
        %parallel_loop3A_495 = vector.broadcast %parallel_loop3A_494 : i32 to vector<16xi32>
        %parallel_loop3A_496 = arith.cmpi slt, %parallel_loop3A_483, %parallel_loop3A_495 : vector<16xi32>
        %parallel_loop3A_497 = arith.extui %parallel_loop3A_496 : vector<16xi1> to vector<16xi32>
        %parallel_loop3A_498 = arith.subi %parallel_loop3A_493, %parallel_loop3A_497 : vector<16xi32>
        %parallel_loop3A_499 = arith.constant 0 : i32
        %parallel_loop3A_500 = arith.cmpi sgt, %parallel_loop3A_487, %parallel_loop3A_499 : i32
        %parallel_loop3A_501 = arith.extui %parallel_loop3A_500 : i1 to i32
        %parallel_loop3A_502 = arith.constant 0 : i32
        %parallel_loop3A_503 = arith.cmpi slt, %parallel_loop3A_487, %parallel_loop3A_502 : i32
        %parallel_loop3A_504 = arith.extui %parallel_loop3A_503 : i1 to i32
        %parallel_loop3A_505 = arith.subi %parallel_loop3A_501, %parallel_loop3A_504 : i32
        %parallel_loop3A_506 = vector.broadcast %parallel_loop3A_505 : i32 to vector<16xi32>
        %parallel_loop3A_507 = arith.cmpi ne, %parallel_loop3A_498, %parallel_loop3A_506 : vector<16xi32>
        %parallel_loop3A_508 = vector.broadcast %parallel_loop3A_487 : i32 to vector<16xi32>
        %parallel_loop3A_509 = arith.remsi %parallel_loop3A_483, %parallel_loop3A_508 : vector<16xi32>
        %parallel_loop3A_510 = arith.constant 0 : i32
        %parallel_loop3A_511 = vector.broadcast %parallel_loop3A_510 : i32 to vector<16xi32>
        %parallel_loop3A_512 = arith.cmpi ne, %parallel_loop3A_509, %parallel_loop3A_511 : vector<16xi32>
        %parallel_loop3A_513 = arith.andi %parallel_loop3A_507, %parallel_loop3A_512 : vector<16xi1>
        %parallel_loop3A_514 = arith.constant 1 : i32
        %parallel_loop3A_515 = vector.broadcast %parallel_loop3A_514 : i32 to vector<16xi32>
        %parallel_loop3A_516 = arith.subi %parallel_loop3A_489, %parallel_loop3A_515 : vector<16xi32>
        %parallel_loop3A_517 = arith.select %parallel_loop3A_513, %parallel_loop3A_516, %parallel_loop3A_489 : vector<16xi1>, vector<16xi32>
        %parallel_loop3A_518 = arith.constant 8 : i32
        %parallel_loop3A_519 = arith.constant 0 : i32
        %parallel_loop3A_520 = arith.cmpi eq, %parallel_loop3A_518, %parallel_loop3A_519 : i32
        %parallel_loop3A_521 = arith.constant 1 : i32
        %parallel_loop3A_522 = arith.select %parallel_loop3A_520, %parallel_loop3A_521, %parallel_loop3A_518 : i32
        %parallel_loop3A_523 = vector.broadcast %parallel_loop3A_522 : i32 to vector<16xi32>
        %parallel_loop3A_524 = arith.remsi %parallel_loop3A_483, %parallel_loop3A_523 : vector<16xi32>
        %parallel_loop3A_525 = arith.constant 0 : i32
        %parallel_loop3A_526 = vector.broadcast %parallel_loop3A_525 : i32 to vector<16xi32>
        %parallel_loop3A_527 = arith.cmpi ne, %parallel_loop3A_524, %parallel_loop3A_526 : vector<16xi32>
        %parallel_loop3A_528 = arith.constant 0 : i32
        %parallel_loop3A_529 = vector.broadcast %parallel_loop3A_528 : i32 to vector<16xi32>
        %parallel_loop3A_530 = arith.cmpi slt, %parallel_loop3A_524, %parallel_loop3A_529 : vector<16xi32>
        %parallel_loop3A_531 = arith.constant 0 : i32
        %parallel_loop3A_532 = arith.cmpi slt, %parallel_loop3A_522, %parallel_loop3A_531 : i32
        %parallel_loop3A_533 = vector.broadcast %parallel_loop3A_532 : i1 to vector<16xi1>
        %parallel_loop3A_534 = vector.broadcast %parallel_loop3A_533 : vector<16xi1> to vector<16xi1>
        %parallel_loop3A_535 = arith.xori %parallel_loop3A_530, %parallel_loop3A_534 : vector<16xi1>
        %parallel_loop3A_536 = arith.andi %parallel_loop3A_535, %parallel_loop3A_527 : vector<16xi1>
        %parallel_loop3A_537 = vector.broadcast %parallel_loop3A_522 : i32 to vector<16xi32>
        %parallel_loop3A_538 = arith.addi %parallel_loop3A_524, %parallel_loop3A_537 : vector<16xi32>
        %parallel_loop3A_539 = arith.select %parallel_loop3A_536, %parallel_loop3A_538, %parallel_loop3A_524 : vector<16xi1>, vector<16xi32>
        tpu.vector_store_idx %arg14[%parallel_loop3A_517, %parallel_loop3A_539, %parallel_loop3A_359], %parallel_loop3A_486 : memref<8x8x129xf32, #tpu.memory_space<vmem>>[vector<16xi32>, vector<16xi32>, vector<16xi32>], vector<16xf32>,
        %parallel_loop3A_540 = tpu.iota {dimensions = array<i32: 0>} : vector<16xi32>
        %parallel_loop3A_541 = arith.constant 48 : i32
        %parallel_loop3A_542 = vector.broadcast %parallel_loop3A_541 : i32 to vector<16xi32>
        %parallel_loop3A_543 = arith.addi %parallel_loop3A_540, %parallel_loop3A_542 : vector<16xi32>
        %parallel_loop3A_544 = arith.index_cast %parallel_loop3A_355 : i32 to index
        %parallel_loop3A_545 = arith.constant 48 : index
        %parallel_loop3A_546 = tpu.vector_load %arg9[%parallel_loop3A_544, %parallel_loop3A_545] {strides = array<i32>} : memref<128x64xf32, #tpu.memory_space<vmem>>, vector<16xf32>,
        %parallel_loop3A_547 = arith.constant 8 : i32
        %parallel_loop3A_548 = vector.broadcast %parallel_loop3A_547 : i32 to vector<16xi32>
        %parallel_loop3A_549 = arith.divsi %parallel_loop3A_543, %parallel_loop3A_548 : vector<16xi32>
        %parallel_loop3A_550 = arith.constant 0 : i32
        %parallel_loop3A_551 = vector.broadcast %parallel_loop3A_550 : i32 to vector<16xi32>
        %parallel_loop3A_552 = arith.cmpi sgt, %parallel_loop3A_543, %parallel_loop3A_551 : vector<16xi32>
        %parallel_loop3A_553 = arith.extui %parallel_loop3A_552 : vector<16xi1> to vector<16xi32>
        %parallel_loop3A_554 = arith.constant 0 : i32
        %parallel_loop3A_555 = vector.broadcast %parallel_loop3A_554 : i32 to vector<16xi32>
        %parallel_loop3A_556 = arith.cmpi slt, %parallel_loop3A_543, %parallel_loop3A_555 : vector<16xi32>
        %parallel_loop3A_557 = arith.extui %parallel_loop3A_556 : vector<16xi1> to vector<16xi32>
        %parallel_loop3A_558 = arith.subi %parallel_loop3A_553, %parallel_loop3A_557 : vector<16xi32>
        %parallel_loop3A_559 = arith.constant 0 : i32
        %parallel_loop3A_560 = arith.cmpi sgt, %parallel_loop3A_547, %parallel_loop3A_559 : i32
        %parallel_loop3A_561 = arith.extui %parallel_loop3A_560 : i1 to i32
        %parallel_loop3A_562 = arith.constant 0 : i32
        %parallel_loop3A_563 = arith.cmpi slt, %parallel_loop3A_547, %parallel_loop3A_562 : i32
        %parallel_loop3A_564 = arith.extui %parallel_loop3A_563 : i1 to i32
        %parallel_loop3A_565 = arith.subi %parallel_loop3A_561, %parallel_loop3A_564 : i32
        %parallel_loop3A_566 = vector.broadcast %parallel_loop3A_565 : i32 to vector<16xi32>
        %parallel_loop3A_567 = arith.cmpi ne, %parallel_loop3A_558, %parallel_loop3A_566 : vector<16xi32>
        %parallel_loop3A_568 = vector.broadcast %parallel_loop3A_547 : i32 to vector<16xi32>
        %parallel_loop3A_569 = arith.remsi %parallel_loop3A_543, %parallel_loop3A_568 : vector<16xi32>
        %parallel_loop3A_570 = arith.constant 0 : i32
        %parallel_loop3A_571 = vector.broadcast %parallel_loop3A_570 : i32 to vector<16xi32>
        %parallel_loop3A_572 = arith.cmpi ne, %parallel_loop3A_569, %parallel_loop3A_571 : vector<16xi32>
        %parallel_loop3A_573 = arith.andi %parallel_loop3A_567, %parallel_loop3A_572 : vector<16xi1>
        %parallel_loop3A_574 = arith.constant 1 : i32
        %parallel_loop3A_575 = vector.broadcast %parallel_loop3A_574 : i32 to vector<16xi32>
        %parallel_loop3A_576 = arith.subi %parallel_loop3A_549, %parallel_loop3A_575 : vector<16xi32>
        %parallel_loop3A_577 = arith.select %parallel_loop3A_573, %parallel_loop3A_576, %parallel_loop3A_549 : vector<16xi1>, vector<16xi32>
        %parallel_loop3A_578 = arith.constant 8 : i32
        %parallel_loop3A_579 = arith.constant 0 : i32
        %parallel_loop3A_580 = arith.cmpi eq, %parallel_loop3A_578, %parallel_loop3A_579 : i32
        %parallel_loop3A_581 = arith.constant 1 : i32
        %parallel_loop3A_582 = arith.select %parallel_loop3A_580, %parallel_loop3A_581, %parallel_loop3A_578 : i32
        %parallel_loop3A_583 = vector.broadcast %parallel_loop3A_582 : i32 to vector<16xi32>
        %parallel_loop3A_584 = arith.remsi %parallel_loop3A_543, %parallel_loop3A_583 : vector<16xi32>
        %parallel_loop3A_585 = arith.constant 0 : i32
        %parallel_loop3A_586 = vector.broadcast %parallel_loop3A_585 : i32 to vector<16xi32>
        %parallel_loop3A_587 = arith.cmpi ne, %parallel_loop3A_584, %parallel_loop3A_586 : vector<16xi32>
        %parallel_loop3A_588 = arith.constant 0 : i32
        %parallel_loop3A_589 = vector.broadcast %parallel_loop3A_588 : i32 to vector<16xi32>
        %parallel_loop3A_590 = arith.cmpi slt, %parallel_loop3A_584, %parallel_loop3A_589 : vector<16xi32>
        %parallel_loop3A_591 = arith.constant 0 : i32
        %parallel_loop3A_592 = arith.cmpi slt, %parallel_loop3A_582, %parallel_loop3A_591 : i32
        %parallel_loop3A_593 = vector.broadcast %parallel_loop3A_592 : i1 to vector<16xi1>
        %parallel_loop3A_594 = vector.broadcast %parallel_loop3A_593 : vector<16xi1> to vector<16xi1>
        %parallel_loop3A_595 = arith.xori %parallel_loop3A_590, %parallel_loop3A_594 : vector<16xi1>
        %parallel_loop3A_596 = arith.andi %parallel_loop3A_595, %parallel_loop3A_587 : vector<16xi1>
        %parallel_loop3A_597 = vector.broadcast %parallel_loop3A_582 : i32 to vector<16xi32>
        %parallel_loop3A_598 = arith.addi %parallel_loop3A_584, %parallel_loop3A_597 : vector<16xi32>
        %parallel_loop3A_599 = arith.select %parallel_loop3A_596, %parallel_loop3A_598, %parallel_loop3A_584 : vector<16xi1>, vector<16xi32>
        tpu.vector_store_idx %arg14[%parallel_loop3A_577, %parallel_loop3A_599, %parallel_loop3A_359], %parallel_loop3A_546 : memref<8x8x129xf32, #tpu.memory_space<vmem>>[vector<16xi32>, vector<16xi32>, vector<16xi32>], vector<16xf32>,
        %parallel_loop3A_600 = arith.constant 1 : i32
        %parallel_loop3A_601 = arith.addi %parallel_loop3A_353, %parallel_loop3A_600 : i32
        %parallel_loop3A_602 = arith.constant 0 : i32
        %parallel_loop3A_603 = vector.broadcast %parallel_loop3A_602 : i32 to vector<16xi32>
        %parallel_loop3A_604 = vector.broadcast %parallel_loop3A_601 : i32 to vector<16xi32>
        %parallel_loop3A_605 = arith.addi %parallel_loop3A_603, %parallel_loop3A_604 : vector<16xi32>
        %parallel_loop3A_606 = tpu.iota {dimensions = array<i32: 0>} : vector<16xi32>
        %parallel_loop3A_607 = arith.constant 0 : i32
        %parallel_loop3A_608 = vector.broadcast %parallel_loop3A_607 : i32 to vector<16xi32>
        %parallel_loop3A_609 = arith.addi %parallel_loop3A_606, %parallel_loop3A_608 : vector<16xi32>
        %parallel_loop3A_610 = arith.index_cast %parallel_loop3A_601 : i32 to index
        %parallel_loop3A_611 = arith.constant 0 : index
        %parallel_loop3A_612 = tpu.vector_load %arg9[%parallel_loop3A_610, %parallel_loop3A_611] {strides = array<i32>} : memref<128x64xf32, #tpu.memory_space<vmem>>, vector<16xf32>,
        %parallel_loop3A_613 = arith.constant 8 : i32
        %parallel_loop3A_614 = vector.broadcast %parallel_loop3A_613 : i32 to vector<16xi32>
        %parallel_loop3A_615 = arith.divsi %parallel_loop3A_609, %parallel_loop3A_614 : vector<16xi32>
        %parallel_loop3A_616 = arith.constant 0 : i32
        %parallel_loop3A_617 = vector.broadcast %parallel_loop3A_616 : i32 to vector<16xi32>
        %parallel_loop3A_618 = arith.cmpi sgt, %parallel_loop3A_609, %parallel_loop3A_617 : vector<16xi32>
        %parallel_loop3A_619 = arith.extui %parallel_loop3A_618 : vector<16xi1> to vector<16xi32>
        %parallel_loop3A_620 = arith.constant 0 : i32
        %parallel_loop3A_621 = vector.broadcast %parallel_loop3A_620 : i32 to vector<16xi32>
        %parallel_loop3A_622 = arith.cmpi slt, %parallel_loop3A_609, %parallel_loop3A_621 : vector<16xi32>
        %parallel_loop3A_623 = arith.extui %parallel_loop3A_622 : vector<16xi1> to vector<16xi32>
        %parallel_loop3A_624 = arith.subi %parallel_loop3A_619, %parallel_loop3A_623 : vector<16xi32>
        %parallel_loop3A_625 = arith.constant 0 : i32
        %parallel_loop3A_626 = arith.cmpi sgt, %parallel_loop3A_613, %parallel_loop3A_625 : i32
        %parallel_loop3A_627 = arith.extui %parallel_loop3A_626 : i1 to i32
        %parallel_loop3A_628 = arith.constant 0 : i32
        %parallel_loop3A_629 = arith.cmpi slt, %parallel_loop3A_613, %parallel_loop3A_628 : i32
        %parallel_loop3A_630 = arith.extui %parallel_loop3A_629 : i1 to i32
        %parallel_loop3A_631 = arith.subi %parallel_loop3A_627, %parallel_loop3A_630 : i32
        %parallel_loop3A_632 = vector.broadcast %parallel_loop3A_631 : i32 to vector<16xi32>
        %parallel_loop3A_633 = arith.cmpi ne, %parallel_loop3A_624, %parallel_loop3A_632 : vector<16xi32>
        %parallel_loop3A_634 = vector.broadcast %parallel_loop3A_613 : i32 to vector<16xi32>
        %parallel_loop3A_635 = arith.remsi %parallel_loop3A_609, %parallel_loop3A_634 : vector<16xi32>
        %parallel_loop3A_636 = arith.constant 0 : i32
        %parallel_loop3A_637 = vector.broadcast %parallel_loop3A_636 : i32 to vector<16xi32>
        %parallel_loop3A_638 = arith.cmpi ne, %parallel_loop3A_635, %parallel_loop3A_637 : vector<16xi32>
        %parallel_loop3A_639 = arith.andi %parallel_loop3A_633, %parallel_loop3A_638 : vector<16xi1>
        %parallel_loop3A_640 = arith.constant 1 : i32
        %parallel_loop3A_641 = vector.broadcast %parallel_loop3A_640 : i32 to vector<16xi32>
        %parallel_loop3A_642 = arith.subi %parallel_loop3A_615, %parallel_loop3A_641 : vector<16xi32>
        %parallel_loop3A_643 = arith.select %parallel_loop3A_639, %parallel_loop3A_642, %parallel_loop3A_615 : vector<16xi1>, vector<16xi32>
        %parallel_loop3A_644 = arith.constant 8 : i32
        %parallel_loop3A_645 = arith.constant 0 : i32
        %parallel_loop3A_646 = arith.cmpi eq, %parallel_loop3A_644, %parallel_loop3A_645 : i32
        %parallel_loop3A_647 = arith.constant 1 : i32
        %parallel_loop3A_648 = arith.select %parallel_loop3A_646, %parallel_loop3A_647, %parallel_loop3A_644 : i32
        %parallel_loop3A_649 = vector.broadcast %parallel_loop3A_648 : i32 to vector<16xi32>
        %parallel_loop3A_650 = arith.remsi %parallel_loop3A_609, %parallel_loop3A_649 : vector<16xi32>
        %parallel_loop3A_651 = arith.constant 0 : i32
        %parallel_loop3A_652 = vector.broadcast %parallel_loop3A_651 : i32 to vector<16xi32>
        %parallel_loop3A_653 = arith.cmpi ne, %parallel_loop3A_650, %parallel_loop3A_652 : vector<16xi32>
        %parallel_loop3A_654 = arith.constant 0 : i32
        %parallel_loop3A_655 = vector.broadcast %parallel_loop3A_654 : i32 to vector<16xi32>
        %parallel_loop3A_656 = arith.cmpi slt, %parallel_loop3A_650, %parallel_loop3A_655 : vector<16xi32>
        %parallel_loop3A_657 = arith.constant 0 : i32
        %parallel_loop3A_658 = arith.cmpi slt, %parallel_loop3A_648, %parallel_loop3A_657 : i32
        %parallel_loop3A_659 = vector.broadcast %parallel_loop3A_658 : i1 to vector<16xi1>
        %parallel_loop3A_660 = vector.broadcast %parallel_loop3A_659 : vector<16xi1> to vector<16xi1>
        %parallel_loop3A_661 = arith.xori %parallel_loop3A_656, %parallel_loop3A_660 : vector<16xi1>
        %parallel_loop3A_662 = arith.andi %parallel_loop3A_661, %parallel_loop3A_653 : vector<16xi1>
        %parallel_loop3A_663 = vector.broadcast %parallel_loop3A_648 : i32 to vector<16xi32>
        %parallel_loop3A_664 = arith.addi %parallel_loop3A_650, %parallel_loop3A_663 : vector<16xi32>
        %parallel_loop3A_665 = arith.select %parallel_loop3A_662, %parallel_loop3A_664, %parallel_loop3A_650 : vector<16xi1>, vector<16xi32>
        tpu.vector_store_idx %arg14[%parallel_loop3A_643, %parallel_loop3A_665, %parallel_loop3A_605], %parallel_loop3A_612 : memref<8x8x129xf32, #tpu.memory_space<vmem>>[vector<16xi32>, vector<16xi32>, vector<16xi32>], vector<16xf32>,
        %parallel_loop3A_666 = tpu.iota {dimensions = array<i32: 0>} : vector<16xi32>
        %parallel_loop3A_667 = arith.constant 16 : i32
        %parallel_loop3A_668 = vector.broadcast %parallel_loop3A_667 : i32 to vector<16xi32>
        %parallel_loop3A_669 = arith.addi %parallel_loop3A_666, %parallel_loop3A_668 : vector<16xi32>
        %parallel_loop3A_670 = arith.index_cast %parallel_loop3A_601 : i32 to index
        %parallel_loop3A_671 = arith.constant 16 : index
        %parallel_loop3A_672 = tpu.vector_load %arg9[%parallel_loop3A_670, %parallel_loop3A_671] {strides = array<i32>} : memref<128x64xf32, #tpu.memory_space<vmem>>, vector<16xf32>,
        %parallel_loop3A_673 = arith.constant 8 : i32
        %parallel_loop3A_674 = vector.broadcast %parallel_loop3A_673 : i32 to vector<16xi32>
        %parallel_loop3A_675 = arith.divsi %parallel_loop3A_669, %parallel_loop3A_674 : vector<16xi32>
        %parallel_loop3A_676 = arith.constant 0 : i32
        %parallel_loop3A_677 = vector.broadcast %parallel_loop3A_676 : i32 to vector<16xi32>
        %parallel_loop3A_678 = arith.cmpi sgt, %parallel_loop3A_669, %parallel_loop3A_677 : vector<16xi32>
        %parallel_loop3A_679 = arith.extui %parallel_loop3A_678 : vector<16xi1> to vector<16xi32>
        %parallel_loop3A_680 = arith.constant 0 : i32
        %parallel_loop3A_681 = vector.broadcast %parallel_loop3A_680 : i32 to vector<16xi32>
        %parallel_loop3A_682 = arith.cmpi slt, %parallel_loop3A_669, %parallel_loop3A_681 : vector<16xi32>
        %parallel_loop3A_683 = arith.extui %parallel_loop3A_682 : vector<16xi1> to vector<16xi32>
        %parallel_loop3A_684 = arith.subi %parallel_loop3A_679, %parallel_loop3A_683 : vector<16xi32>
        %parallel_loop3A_685 = arith.constant 0 : i32
        %parallel_loop3A_686 = arith.cmpi sgt, %parallel_loop3A_673, %parallel_loop3A_685 : i32
        %parallel_loop3A_687 = arith.extui %parallel_loop3A_686 : i1 to i32
        %parallel_loop3A_688 = arith.constant 0 : i32
        %parallel_loop3A_689 = arith.cmpi slt, %parallel_loop3A_673, %parallel_loop3A_688 : i32
        %parallel_loop3A_690 = arith.extui %parallel_loop3A_689 : i1 to i32
        %parallel_loop3A_691 = arith.subi %parallel_loop3A_687, %parallel_loop3A_690 : i32
        %parallel_loop3A_692 = vector.broadcast %parallel_loop3A_691 : i32 to vector<16xi32>
        %parallel_loop3A_693 = arith.cmpi ne, %parallel_loop3A_684, %parallel_loop3A_692 : vector<16xi32>
        %parallel_loop3A_694 = vector.broadcast %parallel_loop3A_673 : i32 to vector<16xi32>
        %parallel_loop3A_695 = arith.remsi %parallel_loop3A_669, %parallel_loop3A_694 : vector<16xi32>
        %parallel_loop3A_696 = arith.constant 0 : i32
        %parallel_loop3A_697 = vector.broadcast %parallel_loop3A_696 : i32 to vector<16xi32>
        %parallel_loop3A_698 = arith.cmpi ne, %parallel_loop3A_695, %parallel_loop3A_697 : vector<16xi32>
        %parallel_loop3A_699 = arith.andi %parallel_loop3A_693, %parallel_loop3A_698 : vector<16xi1>
        %parallel_loop3A_700 = arith.constant 1 : i32
        %parallel_loop3A_701 = vector.broadcast %parallel_loop3A_700 : i32 to vector<16xi32>
        %parallel_loop3A_702 = arith.subi %parallel_loop3A_675, %parallel_loop3A_701 : vector<16xi32>
        %parallel_loop3A_703 = arith.select %parallel_loop3A_699, %parallel_loop3A_702, %parallel_loop3A_675 : vector<16xi1>, vector<16xi32>
        %parallel_loop3A_704 = arith.constant 8 : i32
        %parallel_loop3A_705 = arith.constant 0 : i32
        %parallel_loop3A_706 = arith.cmpi eq, %parallel_loop3A_704, %parallel_loop3A_705 : i32
        %parallel_loop3A_707 = arith.constant 1 : i32
        %parallel_loop3A_708 = arith.select %parallel_loop3A_706, %parallel_loop3A_707, %parallel_loop3A_704 : i32
        %parallel_loop3A_709 = vector.broadcast %parallel_loop3A_708 : i32 to vector<16xi32>
        %parallel_loop3A_710 = arith.remsi %parallel_loop3A_669, %parallel_loop3A_709 : vector<16xi32>
        %parallel_loop3A_711 = arith.constant 0 : i32
        %parallel_loop3A_712 = vector.broadcast %parallel_loop3A_711 : i32 to vector<16xi32>
        %parallel_loop3A_713 = arith.cmpi ne, %parallel_loop3A_710, %parallel_loop3A_712 : vector<16xi32>
        %parallel_loop3A_714 = arith.constant 0 : i32
        %parallel_loop3A_715 = vector.broadcast %parallel_loop3A_714 : i32 to vector<16xi32>
        %parallel_loop3A_716 = arith.cmpi slt, %parallel_loop3A_710, %parallel_loop3A_715 : vector<16xi32>
        %parallel_loop3A_717 = arith.constant 0 : i32
        %parallel_loop3A_718 = arith.cmpi slt, %parallel_loop3A_708, %parallel_loop3A_717 : i32
        %parallel_loop3A_719 = vector.broadcast %parallel_loop3A_718 : i1 to vector<16xi1>
        %parallel_loop3A_720 = vector.broadcast %parallel_loop3A_719 : vector<16xi1> to vector<16xi1>
        %parallel_loop3A_721 = arith.xori %parallel_loop3A_716, %parallel_loop3A_720 : vector<16xi1>
        %parallel_loop3A_722 = arith.andi %parallel_loop3A_721, %parallel_loop3A_713 : vector<16xi1>
        %parallel_loop3A_723 = vector.broadcast %parallel_loop3A_708 : i32 to vector<16xi32>
        %parallel_loop3A_724 = arith.addi %parallel_loop3A_710, %parallel_loop3A_723 : vector<16xi32>
        %parallel_loop3A_725 = arith.select %parallel_loop3A_722, %parallel_loop3A_724, %parallel_loop3A_710 : vector<16xi1>, vector<16xi32>
        tpu.vector_store_idx %arg14[%parallel_loop3A_703, %parallel_loop3A_725, %parallel_loop3A_605], %parallel_loop3A_672 : memref<8x8x129xf32, #tpu.memory_space<vmem>>[vector<16xi32>, vector<16xi32>, vector<16xi32>], vector<16xf32>,
        %parallel_loop3A_726 = tpu.iota {dimensions = array<i32: 0>} : vector<16xi32>
        %parallel_loop3A_727 = arith.constant 32 : i32
        %parallel_loop3A_728 = vector.broadcast %parallel_loop3A_727 : i32 to vector<16xi32>
        %parallel_loop3A_729 = arith.addi %parallel_loop3A_726, %parallel_loop3A_728 : vector<16xi32>
        %parallel_loop3A_730 = arith.index_cast %parallel_loop3A_601 : i32 to index
        %parallel_loop3A_731 = arith.constant 32 : index
        %parallel_loop3A_732 = tpu.vector_load %arg9[%parallel_loop3A_730, %parallel_loop3A_731] {strides = array<i32>} : memref<128x64xf32, #tpu.memory_space<vmem>>, vector<16xf32>,
        %parallel_loop3A_733 = arith.constant 8 : i32
        %parallel_loop3A_734 = vector.broadcast %parallel_loop3A_733 : i32 to vector<16xi32>
        %parallel_loop3A_735 = arith.divsi %parallel_loop3A_729, %parallel_loop3A_734 : vector<16xi32>
        %parallel_loop3A_736 = arith.constant 0 : i32
        %parallel_loop3A_737 = vector.broadcast %parallel_loop3A_736 : i32 to vector<16xi32>
        %parallel_loop3A_738 = arith.cmpi sgt, %parallel_loop3A_729, %parallel_loop3A_737 : vector<16xi32>
        %parallel_loop3A_739 = arith.extui %parallel_loop3A_738 : vector<16xi1> to vector<16xi32>
        %parallel_loop3A_740 = arith.constant 0 : i32
        %parallel_loop3A_741 = vector.broadcast %parallel_loop3A_740 : i32 to vector<16xi32>
        %parallel_loop3A_742 = arith.cmpi slt, %parallel_loop3A_729, %parallel_loop3A_741 : vector<16xi32>
        %parallel_loop3A_743 = arith.extui %parallel_loop3A_742 : vector<16xi1> to vector<16xi32>
        %parallel_loop3A_744 = arith.subi %parallel_loop3A_739, %parallel_loop3A_743 : vector<16xi32>
        %parallel_loop3A_745 = arith.constant 0 : i32
        %parallel_loop3A_746 = arith.cmpi sgt, %parallel_loop3A_733, %parallel_loop3A_745 : i32
        %parallel_loop3A_747 = arith.extui %parallel_loop3A_746 : i1 to i32
        %parallel_loop3A_748 = arith.constant 0 : i32
        %parallel_loop3A_749 = arith.cmpi slt, %parallel_loop3A_733, %parallel_loop3A_748 : i32
        %parallel_loop3A_750 = arith.extui %parallel_loop3A_749 : i1 to i32
        %parallel_loop3A_751 = arith.subi %parallel_loop3A_747, %parallel_loop3A_750 : i32
        %parallel_loop3A_752 = vector.broadcast %parallel_loop3A_751 : i32 to vector<16xi32>
        %parallel_loop3A_753 = arith.cmpi ne, %parallel_loop3A_744, %parallel_loop3A_752 : vector<16xi32>
        %parallel_loop3A_754 = vector.broadcast %parallel_loop3A_733 : i32 to vector<16xi32>
        %parallel_loop3A_755 = arith.remsi %parallel_loop3A_729, %parallel_loop3A_754 : vector<16xi32>
        %parallel_loop3A_756 = arith.constant 0 : i32
        %parallel_loop3A_757 = vector.broadcast %parallel_loop3A_756 : i32 to vector<16xi32>
        %parallel_loop3A_758 = arith.cmpi ne, %parallel_loop3A_755, %parallel_loop3A_757 : vector<16xi32>
        %parallel_loop3A_759 = arith.andi %parallel_loop3A_753, %parallel_loop3A_758 : vector<16xi1>
        %parallel_loop3A_760 = arith.constant 1 : i32
        %parallel_loop3A_761 = vector.broadcast %parallel_loop3A_760 : i32 to vector<16xi32>
        %parallel_loop3A_762 = arith.subi %parallel_loop3A_735, %parallel_loop3A_761 : vector<16xi32>
        %parallel_loop3A_763 = arith.select %parallel_loop3A_759, %parallel_loop3A_762, %parallel_loop3A_735 : vector<16xi1>, vector<16xi32>
        %parallel_loop3A_764 = arith.constant 8 : i32
        %parallel_loop3A_765 = arith.constant 0 : i32
        %parallel_loop3A_766 = arith.cmpi eq, %parallel_loop3A_764, %parallel_loop3A_765 : i32
        %parallel_loop3A_767 = arith.constant 1 : i32
        %parallel_loop3A_768 = arith.select %parallel_loop3A_766, %parallel_loop3A_767, %parallel_loop3A_764 : i32
        %parallel_loop3A_769 = vector.broadcast %parallel_loop3A_768 : i32 to vector<16xi32>
        %parallel_loop3A_770 = arith.remsi %parallel_loop3A_729, %parallel_loop3A_769 : vector<16xi32>
        %parallel_loop3A_771 = arith.constant 0 : i32
        %parallel_loop3A_772 = vector.broadcast %parallel_loop3A_771 : i32 to vector<16xi32>
        %parallel_loop3A_773 = arith.cmpi ne, %parallel_loop3A_770, %parallel_loop3A_772 : vector<16xi32>
        %parallel_loop3A_774 = arith.constant 0 : i32
        %parallel_loop3A_775 = vector.broadcast %parallel_loop3A_774 : i32 to vector<16xi32>
        %parallel_loop3A_776 = arith.cmpi slt, %parallel_loop3A_770, %parallel_loop3A_775 : vector<16xi32>
        %parallel_loop3A_777 = arith.constant 0 : i32
        %parallel_loop3A_778 = arith.cmpi slt, %parallel_loop3A_768, %parallel_loop3A_777 : i32
        %parallel_loop3A_779 = vector.broadcast %parallel_loop3A_778 : i1 to vector<16xi1>
        %parallel_loop3A_780 = vector.broadcast %parallel_loop3A_779 : vector<16xi1> to vector<16xi1>
        %parallel_loop3A_781 = arith.xori %parallel_loop3A_776, %parallel_loop3A_780 : vector<16xi1>
        %parallel_loop3A_782 = arith.andi %parallel_loop3A_781, %parallel_loop3A_773 : vector<16xi1>
        %parallel_loop3A_783 = vector.broadcast %parallel_loop3A_768 : i32 to vector<16xi32>
        %parallel_loop3A_784 = arith.addi %parallel_loop3A_770, %parallel_loop3A_783 : vector<16xi32>
        %parallel_loop3A_785 = arith.select %parallel_loop3A_782, %parallel_loop3A_784, %parallel_loop3A_770 : vector<16xi1>, vector<16xi32>
        tpu.vector_store_idx %arg14[%parallel_loop3A_763, %parallel_loop3A_785, %parallel_loop3A_605], %parallel_loop3A_732 : memref<8x8x129xf32, #tpu.memory_space<vmem>>[vector<16xi32>, vector<16xi32>, vector<16xi32>], vector<16xf32>,
        %parallel_loop3A_786 = tpu.iota {dimensions = array<i32: 0>} : vector<16xi32>
        %parallel_loop3A_787 = arith.constant 48 : i32
        %parallel_loop3A_788 = vector.broadcast %parallel_loop3A_787 : i32 to vector<16xi32>
        %parallel_loop3A_789 = arith.addi %parallel_loop3A_786, %parallel_loop3A_788 : vector<16xi32>
        %parallel_loop3A_790 = arith.index_cast %parallel_loop3A_601 : i32 to index
        %parallel_loop3A_791 = arith.constant 48 : index
        %parallel_loop3A_792 = tpu.vector_load %arg9[%parallel_loop3A_790, %parallel_loop3A_791] {strides = array<i32>} : memref<128x64xf32, #tpu.memory_space<vmem>>, vector<16xf32>,
        %parallel_loop3A_793 = arith.constant 8 : i32
        %parallel_loop3A_794 = vector.broadcast %parallel_loop3A_793 : i32 to vector<16xi32>
        %parallel_loop3A_795 = arith.divsi %parallel_loop3A_789, %parallel_loop3A_794 : vector<16xi32>
        %parallel_loop3A_796 = arith.constant 0 : i32
        %parallel_loop3A_797 = vector.broadcast %parallel_loop3A_796 : i32 to vector<16xi32>
        %parallel_loop3A_798 = arith.cmpi sgt, %parallel_loop3A_789, %parallel_loop3A_797 : vector<16xi32>
        %parallel_loop3A_799 = arith.extui %parallel_loop3A_798 : vector<16xi1> to vector<16xi32>
        %parallel_loop3A_800 = arith.constant 0 : i32
        %parallel_loop3A_801 = vector.broadcast %parallel_loop3A_800 : i32 to vector<16xi32>
        %parallel_loop3A_802 = arith.cmpi slt, %parallel_loop3A_789, %parallel_loop3A_801 : vector<16xi32>
        %parallel_loop3A_803 = arith.extui %parallel_loop3A_802 : vector<16xi1> to vector<16xi32>
        %parallel_loop3A_804 = arith.subi %parallel_loop3A_799, %parallel_loop3A_803 : vector<16xi32>
        %parallel_loop3A_805 = arith.constant 0 : i32
        %parallel_loop3A_806 = arith.cmpi sgt, %parallel_loop3A_793, %parallel_loop3A_805 : i32
        %parallel_loop3A_807 = arith.extui %parallel_loop3A_806 : i1 to i32
        %parallel_loop3A_808 = arith.constant 0 : i32
        %parallel_loop3A_809 = arith.cmpi slt, %parallel_loop3A_793, %parallel_loop3A_808 : i32
        %parallel_loop3A_810 = arith.extui %parallel_loop3A_809 : i1 to i32
        %parallel_loop3A_811 = arith.subi %parallel_loop3A_807, %parallel_loop3A_810 : i32
        %parallel_loop3A_812 = vector.broadcast %parallel_loop3A_811 : i32 to vector<16xi32>
        %parallel_loop3A_813 = arith.cmpi ne, %parallel_loop3A_804, %parallel_loop3A_812 : vector<16xi32>
        %parallel_loop3A_814 = vector.broadcast %parallel_loop3A_793 : i32 to vector<16xi32>
        %parallel_loop3A_815 = arith.remsi %parallel_loop3A_789, %parallel_loop3A_814 : vector<16xi32>
        %parallel_loop3A_816 = arith.constant 0 : i32
        %parallel_loop3A_817 = vector.broadcast %parallel_loop3A_816 : i32 to vector<16xi32>
        %parallel_loop3A_818 = arith.cmpi ne, %parallel_loop3A_815, %parallel_loop3A_817 : vector<16xi32>
        %parallel_loop3A_819 = arith.andi %parallel_loop3A_813, %parallel_loop3A_818 : vector<16xi1>
        %parallel_loop3A_820 = arith.constant 1 : i32
        %parallel_loop3A_821 = vector.broadcast %parallel_loop3A_820 : i32 to vector<16xi32>
        %parallel_loop3A_822 = arith.subi %parallel_loop3A_795, %parallel_loop3A_821 : vector<16xi32>
        %parallel_loop3A_823 = arith.select %parallel_loop3A_819, %parallel_loop3A_822, %parallel_loop3A_795 : vector<16xi1>, vector<16xi32>
        %parallel_loop3A_824 = arith.constant 8 : i32
        %parallel_loop3A_825 = arith.constant 0 : i32
        %parallel_loop3A_826 = arith.cmpi eq, %parallel_loop3A_824, %parallel_loop3A_825 : i32
        %parallel_loop3A_827 = arith.constant 1 : i32
        %parallel_loop3A_828 = arith.select %parallel_loop3A_826, %parallel_loop3A_827, %parallel_loop3A_824 : i32
        %parallel_loop3A_829 = vector.broadcast %parallel_loop3A_828 : i32 to vector<16xi32>
        %parallel_loop3A_830 = arith.remsi %parallel_loop3A_789, %parallel_loop3A_829 : vector<16xi32>
        %parallel_loop3A_831 = arith.constant 0 : i32
        %parallel_loop3A_832 = vector.broadcast %parallel_loop3A_831 : i32 to vector<16xi32>
        %parallel_loop3A_833 = arith.cmpi ne, %parallel_loop3A_830, %parallel_loop3A_832 : vector<16xi32>
        %parallel_loop3A_834 = arith.constant 0 : i32
        %parallel_loop3A_835 = vector.broadcast %parallel_loop3A_834 : i32 to vector<16xi32>
        %parallel_loop3A_836 = arith.cmpi slt, %parallel_loop3A_830, %parallel_loop3A_835 : vector<16xi32>
        %parallel_loop3A_837 = arith.constant 0 : i32
        %parallel_loop3A_838 = arith.cmpi slt, %parallel_loop3A_828, %parallel_loop3A_837 : i32
        %parallel_loop3A_839 = vector.broadcast %parallel_loop3A_838 : i1 to vector<16xi1>
        %parallel_loop3A_840 = vector.broadcast %parallel_loop3A_839 : vector<16xi1> to vector<16xi1>
        %parallel_loop3A_841 = arith.xori %parallel_loop3A_836, %parallel_loop3A_840 : vector<16xi1>
        %parallel_loop3A_842 = arith.andi %parallel_loop3A_841, %parallel_loop3A_833 : vector<16xi1>
        %parallel_loop3A_843 = vector.broadcast %parallel_loop3A_828 : i32 to vector<16xi32>
        %parallel_loop3A_844 = arith.addi %parallel_loop3A_830, %parallel_loop3A_843 : vector<16xi32>
        %parallel_loop3A_845 = arith.select %parallel_loop3A_842, %parallel_loop3A_844, %parallel_loop3A_830 : vector<16xi1>, vector<16xi32>
        tpu.vector_store_idx %arg14[%parallel_loop3A_823, %parallel_loop3A_845, %parallel_loop3A_605], %parallel_loop3A_792 : memref<8x8x129xf32, #tpu.memory_space<vmem>>[vector<16xi32>, vector<16xi32>, vector<16xi32>], vector<16xf32>,
      } {sc.loop_unroll_factor = 1 : i64, sc.parallel_access}
      %dma_start3A_247 = arith.constant 0 : i32
      %dma_start3A_248 = arith.constant 0 : i32
      %dma_start3A_249 = arith.constant 0 : i32
      %dma_start3A_250 = tpu.memref_slice %arg14[%dma_start3A_247, %dma_start3A_248, %dma_start3A_249] : memref<8x8x129xf32, #tpu.memory_space<vmem>> -> memref<8x8x128xf32, #tpu.memory_space<vmem>>
      %dma_start3A_251 = arith.constant 0 : i32
      %dma_start3A_252 = arith.constant 0 : i32
      %dma_start3A_253 = arith.constant 0 : i32
      %dma_start3A_254 = tpu.memref_slice %arg4[%add3A_224, %dma_start3A_251, %add3A, %dma_start3A_252, %dma_start3A_253] : memref<50x8x32x8x128xf32, #tpu.memory_space<hbm>> -> memref<1x8x1x8x128xf32, #tpu.memory_space<hbm>>
      %dma_start3A_255 = tpu.memref_squeeze %dma_start3A_254 : memref<1x8x1x8x128xf32, #tpu.memory_space<hbm>> -> memref<8x8x128xf32, #tpu.memory_space<hbm>>
      %dma_start3A_256 = arith.constant 0 : i32
      %dma_start3A_257 = arith.constant 0 : i32
      %dma_start3A_258 = arith.constant 0 : i32
      %dma_start3A_259 = tpu.memref_slice %arg4[%add3A_224, %dma_start3A_256, %add3A, %dma_start3A_257, %dma_start3A_258] : memref<50x8x32x8x128xf32, #tpu.memory_space<hbm>> -> memref<1x8x1x8x128xf32, #tpu.memory_space<hbm>>
      %dma_start3A_260 = tpu.memref_squeeze %dma_start3A_259 : memref<1x8x1x8x128xf32, #tpu.memory_space<hbm>> -> memref<8x8x128xf32, #tpu.memory_space<hbm>>
      %dma_start3A_261 = arith.constant 0 : i32
      %dma_start3A_262 = arith.constant 0 : i32
      %dma_start3A_263 = arith.constant 0 : i32
      %dma_start3A_264 = tpu.memref_slice %arg14[%dma_start3A_261, %dma_start3A_262, %dma_start3A_263] : memref<8x8x129xf32, #tpu.memory_space<vmem>> -> memref<8x8x128xf32, #tpu.memory_space<vmem>>
      tpu.enqueue_dma source(%dma_start3A_264 : memref<8x8x128xf32, #tpu.memory_space<vmem>>) target(%dma_start3A_260 : memref<8x8x128xf32, #tpu.memory_space<hbm>>) target_semaphore(%arg24 : memref<!tpu.dma_semaphore, #tpu.memory_space<semaphore_mem>>)
      %mul3A_265 = arith.constant 5 : i32
      %mul3A_266 = arith.muli %add3A_137, %mul3A_265 : i32
      %add3A_267 = arith.constant 3 : i32
      %add3A_268 = arith.addi %mul3A_266, %add3A_267 : i32
      %dma_wait3A_269 = arith.constant 3 : i32
      %dma_wait3A_270 = arith.constant 0 : i32
      %dma_wait3A_271 = tpu.memref_slice %arg6[%dma_wait3A_269, %dma_wait3A_270] : memref<50x128xi32, #tpu.memory_space<vmem>> -> memref<1x128xi32, #tpu.memory_space<vmem>>
      %dma_wait3A_272 = tpu.memref_squeeze %dma_wait3A_271 : memref<1x128xi32, #tpu.memory_space<vmem>> -> memref<128xi32, #tpu.memory_space<vmem>>
      %dma_wait3A_273 = arith.constant 0 : i32
      %dma_wait3A_274 = arith.constant 0 : i32
      %dma_wait3A_275 = tpu.memref_slice %arg2[%dma_wait3A_273, %dma_wait3A_274] : memref<200000x64xf32, #tpu.memory_space<hbm>> -> memref<200000x64xf32, #tpu.memory_space<hbm>>
      tpu.wait_indirect_dma semaphore(%arg20 : memref<!tpu.dma_semaphore, #tpu.memory_space<semaphore_mem>>) src(%dma_wait3A_275 : memref<200000x64xf32, #tpu.memory_space<hbm>>) dst(%arg10 : memref<128x64xf32, #tpu.memory_space<vmem>>)
      %add3A_276 = arith.constant 4 : i32
      %add3A_277 = arith.addi %add3A_268, %add3A_276 : i32
      %lt3A_278 = arith.constant 50 : i32
      %lt3A_279 = arith.cmpi slt, %add3A_277, %lt3A_278 : i32
      %convert_element_type3A_280 = arith.extui %lt3A_279 : i1 to i32
      %cond3A_281 = arith.constant 0 : i32
      %cond3A_282 = arith.cmpi ne, %convert_element_type3A_280, %cond3A_281 : i32
      scf.if %cond3A_282 {
        %add3A_353 = arith.constant 4 : i32
        %add3A_354 = arith.addi %add3A_268, %add3A_353 : i32
        %dma_start3A_355 = arith.constant 0 : i32
        %dma_start3A_356 = tpu.memref_slice %arg6[%add3A_354, %dma_start3A_355] : memref<50x128xi32, #tpu.memory_space<vmem>> -> memref<1x128xi32, #tpu.memory_space<vmem>>
        %dma_start3A_357 = tpu.memref_squeeze %dma_start3A_356 : memref<1x128xi32, #tpu.memory_space<vmem>> -> memref<128xi32, #tpu.memory_space<vmem>>
        %dma_start3A_358 = arith.constant 0 : i32
        %dma_start3A_359 = arith.constant 0 : i32
        %dma_start3A_360 = tpu.memref_slice %arg2[%dma_start3A_358, %dma_start3A_359] : memref<200000x64xf32, #tpu.memory_space<hbm>> -> memref<200000x64xf32, #tpu.memory_space<hbm>>
        tpu.enqueue_indirect_dma source(%dma_start3A_360 : memref<200000x64xf32, #tpu.memory_space<hbm>>) target(%arg9 : memref<128x64xf32, #tpu.memory_space<vmem>>) offsets(%dma_start3A_357 : memref<128xi32, #tpu.memory_space<vmem>>) semaphore(%arg19 : memref<!tpu.dma_semaphore, #tpu.memory_space<semaphore_mem>>)
      } else {
      }
      %gt3A_283 = arith.constant 0 : i32
      %gt3A_284 = arith.cmpi sgt, %add3A_137, %gt3A_283 : i32
      %convert_element_type3A_285 = arith.extui %gt3A_284 : i1 to i32
      %cond3A_286 = arith.constant 0 : i32
      %cond3A_287 = arith.cmpi ne, %convert_element_type3A_285, %cond3A_286 : i32
      scf.if %cond3A_287 {
        %dma_wait3A_353 = arith.constant 0 : i32
        %dma_wait3A_354 = arith.constant 0 : i32
        %dma_wait3A_355 = arith.constant 0 : i32
        %dma_wait3A_356 = arith.constant 0 : i32
        %dma_wait3A_357 = tpu.memref_slice %arg15[%dma_wait3A_354, %dma_wait3A_355, %dma_wait3A_356] : memref<8x8x129xf32, #tpu.memory_space<vmem>> -> memref<8x8x128xf32, #tpu.memory_space<vmem>>
        %dma_wait3A_358 = arith.constant 0 : i32
        %dma_wait3A_359 = arith.constant 0 : i32
        %dma_wait3A_360 = arith.constant 0 : i32
        %dma_wait3A_361 = tpu.memref_slice %arg4[%dma_wait3A_353, %dma_wait3A_358, %add3A, %dma_wait3A_359, %dma_wait3A_360] : memref<50x8x32x8x128xf32, #tpu.memory_space<hbm>> -> memref<1x8x1x8x128xf32, #tpu.memory_space<hbm>>
        %dma_wait3A_362 = tpu.memref_squeeze %dma_wait3A_361 : memref<1x8x1x8x128xf32, #tpu.memory_space<hbm>> -> memref<8x8x128xf32, #tpu.memory_space<hbm>>
        %dma_wait3A_363 = arith.constant 0 : i32
        %dma_wait3A_364 = arith.constant 0 : i32
        %dma_wait3A_365 = arith.constant 0 : i32
        %dma_wait3A_366 = tpu.memref_slice %arg4[%dma_wait3A_353, %dma_wait3A_363, %add3A, %dma_wait3A_364, %dma_wait3A_365] : memref<50x8x32x8x128xf32, #tpu.memory_space<hbm>> -> memref<1x8x1x8x128xf32, #tpu.memory_space<hbm>>
        %dma_wait3A_367 = tpu.memref_squeeze %dma_wait3A_366 : memref<1x8x1x8x128xf32, #tpu.memory_space<hbm>> -> memref<8x8x128xf32, #tpu.memory_space<hbm>>
        %dma_wait3A_368 = arith.constant 0 : i32
        %dma_wait3A_369 = arith.constant 0 : i32
        %dma_wait3A_370 = arith.constant 0 : i32
        %dma_wait3A_371 = tpu.memref_slice %arg15[%dma_wait3A_368, %dma_wait3A_369, %dma_wait3A_370] : memref<8x8x129xf32, #tpu.memory_space<vmem>> -> memref<8x8x128xf32, #tpu.memory_space<vmem>>
        tpu.wait_dma2 semaphore(%arg25 : memref<!tpu.dma_semaphore, #tpu.memory_space<semaphore_mem>>) src(%dma_wait3A_371 : memref<8x8x128xf32, #tpu.memory_space<vmem>>) dst(%dma_wait3A_367 : memref<8x8x128xf32, #tpu.memory_space<hbm>>)
      } else {
      }
      %parallel_loop3A_288 = arith.constant 0 : i32
      %parallel_loop3A_289 = arith.constant 128 : i32
      %parallel_loop3A_290 = arith.constant 2 : i32
      scf.for %parallel_loop3A_353 = %parallel_loop3A_288 to %parallel_loop3A_289 step %parallel_loop3A_290  : i32 {
        %parallel_loop3A_354 = arith.constant 0 : i32
        %parallel_loop3A_355 = arith.addi %parallel_loop3A_353, %parallel_loop3A_354 : i32
        %parallel_loop3A_356 = arith.constant 0 : i32
        %parallel_loop3A_357 = vector.broadcast %parallel_loop3A_356 : i32 to vector<16xi32>
        %parallel_loop3A_358 = vector.broadcast %parallel_loop3A_355 : i32 to vector<16xi32>
        %parallel_loop3A_359 = arith.addi %parallel_loop3A_357, %parallel_loop3A_358 : vector<16xi32>
        %parallel_loop3A_360 = tpu.iota {dimensions = array<i32: 0>} : vector<16xi32>
        %parallel_loop3A_361 = arith.constant 0 : i32
        %parallel_loop3A_362 = vector.broadcast %parallel_loop3A_361 : i32 to vector<16xi32>
        %parallel_loop3A_363 = arith.addi %parallel_loop3A_360, %parallel_loop3A_362 : vector<16xi32>
        %parallel_loop3A_364 = arith.index_cast %parallel_loop3A_355 : i32 to index
        %parallel_loop3A_365 = arith.constant 0 : index
        %parallel_loop3A_366 = tpu.vector_load %arg10[%parallel_loop3A_364, %parallel_loop3A_365] {strides = array<i32>} : memref<128x64xf32, #tpu.memory_space<vmem>>, vector<16xf32>,
        %parallel_loop3A_367 = arith.constant 8 : i32
        %parallel_loop3A_368 = vector.broadcast %parallel_loop3A_367 : i32 to vector<16xi32>
        %parallel_loop3A_369 = arith.divsi %parallel_loop3A_363, %parallel_loop3A_368 : vector<16xi32>
        %parallel_loop3A_370 = arith.constant 0 : i32
        %parallel_loop3A_371 = vector.broadcast %parallel_loop3A_370 : i32 to vector<16xi32>
        %parallel_loop3A_372 = arith.cmpi sgt, %parallel_loop3A_363, %parallel_loop3A_371 : vector<16xi32>
        %parallel_loop3A_373 = arith.extui %parallel_loop3A_372 : vector<16xi1> to vector<16xi32>
        %parallel_loop3A_374 = arith.constant 0 : i32
        %parallel_loop3A_375 = vector.broadcast %parallel_loop3A_374 : i32 to vector<16xi32>
        %parallel_loop3A_376 = arith.cmpi slt, %parallel_loop3A_363, %parallel_loop3A_375 : vector<16xi32>
        %parallel_loop3A_377 = arith.extui %parallel_loop3A_376 : vector<16xi1> to vector<16xi32>
        %parallel_loop3A_378 = arith.subi %parallel_loop3A_373, %parallel_loop3A_377 : vector<16xi32>
        %parallel_loop3A_379 = arith.constant 0 : i32
        %parallel_loop3A_380 = arith.cmpi sgt, %parallel_loop3A_367, %parallel_loop3A_379 : i32
        %parallel_loop3A_381 = arith.extui %parallel_loop3A_380 : i1 to i32
        %parallel_loop3A_382 = arith.constant 0 : i32
        %parallel_loop3A_383 = arith.cmpi slt, %parallel_loop3A_367, %parallel_loop3A_382 : i32
        %parallel_loop3A_384 = arith.extui %parallel_loop3A_383 : i1 to i32
        %parallel_loop3A_385 = arith.subi %parallel_loop3A_381, %parallel_loop3A_384 : i32
        %parallel_loop3A_386 = vector.broadcast %parallel_loop3A_385 : i32 to vector<16xi32>
        %parallel_loop3A_387 = arith.cmpi ne, %parallel_loop3A_378, %parallel_loop3A_386 : vector<16xi32>
        %parallel_loop3A_388 = vector.broadcast %parallel_loop3A_367 : i32 to vector<16xi32>
        %parallel_loop3A_389 = arith.remsi %parallel_loop3A_363, %parallel_loop3A_388 : vector<16xi32>
        %parallel_loop3A_390 = arith.constant 0 : i32
        %parallel_loop3A_391 = vector.broadcast %parallel_loop3A_390 : i32 to vector<16xi32>
        %parallel_loop3A_392 = arith.cmpi ne, %parallel_loop3A_389, %parallel_loop3A_391 : vector<16xi32>
        %parallel_loop3A_393 = arith.andi %parallel_loop3A_387, %parallel_loop3A_392 : vector<16xi1>
        %parallel_loop3A_394 = arith.constant 1 : i32
        %parallel_loop3A_395 = vector.broadcast %parallel_loop3A_394 : i32 to vector<16xi32>
        %parallel_loop3A_396 = arith.subi %parallel_loop3A_369, %parallel_loop3A_395 : vector<16xi32>
        %parallel_loop3A_397 = arith.select %parallel_loop3A_393, %parallel_loop3A_396, %parallel_loop3A_369 : vector<16xi1>, vector<16xi32>
        %parallel_loop3A_398 = arith.constant 8 : i32
        %parallel_loop3A_399 = arith.constant 0 : i32
        %parallel_loop3A_400 = arith.cmpi eq, %parallel_loop3A_398, %parallel_loop3A_399 : i32
        %parallel_loop3A_401 = arith.constant 1 : i32
        %parallel_loop3A_402 = arith.select %parallel_loop3A_400, %parallel_loop3A_401, %parallel_loop3A_398 : i32
        %parallel_loop3A_403 = vector.broadcast %parallel_loop3A_402 : i32 to vector<16xi32>
        %parallel_loop3A_404 = arith.remsi %parallel_loop3A_363, %parallel_loop3A_403 : vector<16xi32>
        %parallel_loop3A_405 = arith.constant 0 : i32
        %parallel_loop3A_406 = vector.broadcast %parallel_loop3A_405 : i32 to vector<16xi32>
        %parallel_loop3A_407 = arith.cmpi ne, %parallel_loop3A_404, %parallel_loop3A_406 : vector<16xi32>
        %parallel_loop3A_408 = arith.constant 0 : i32
        %parallel_loop3A_409 = vector.broadcast %parallel_loop3A_408 : i32 to vector<16xi32>
        %parallel_loop3A_410 = arith.cmpi slt, %parallel_loop3A_404, %parallel_loop3A_409 : vector<16xi32>
        %parallel_loop3A_411 = arith.constant 0 : i32
        %parallel_loop3A_412 = arith.cmpi slt, %parallel_loop3A_402, %parallel_loop3A_411 : i32
        %parallel_loop3A_413 = vector.broadcast %parallel_loop3A_412 : i1 to vector<16xi1>
        %parallel_loop3A_414 = vector.broadcast %parallel_loop3A_413 : vector<16xi1> to vector<16xi1>
        %parallel_loop3A_415 = arith.xori %parallel_loop3A_410, %parallel_loop3A_414 : vector<16xi1>
        %parallel_loop3A_416 = arith.andi %parallel_loop3A_415, %parallel_loop3A_407 : vector<16xi1>
        %parallel_loop3A_417 = vector.broadcast %parallel_loop3A_402 : i32 to vector<16xi32>
        %parallel_loop3A_418 = arith.addi %parallel_loop3A_404, %parallel_loop3A_417 : vector<16xi32>
        %parallel_loop3A_419 = arith.select %parallel_loop3A_416, %parallel_loop3A_418, %parallel_loop3A_404 : vector<16xi1>, vector<16xi32>
        tpu.vector_store_idx %arg15[%parallel_loop3A_397, %parallel_loop3A_419, %parallel_loop3A_359], %parallel_loop3A_366 : memref<8x8x129xf32, #tpu.memory_space<vmem>>[vector<16xi32>, vector<16xi32>, vector<16xi32>], vector<16xf32>,
        %parallel_loop3A_420 = tpu.iota {dimensions = array<i32: 0>} : vector<16xi32>
        %parallel_loop3A_421 = arith.constant 16 : i32
        %parallel_loop3A_422 = vector.broadcast %parallel_loop3A_421 : i32 to vector<16xi32>
        %parallel_loop3A_423 = arith.addi %parallel_loop3A_420, %parallel_loop3A_422 : vector<16xi32>
        %parallel_loop3A_424 = arith.index_cast %parallel_loop3A_355 : i32 to index
        %parallel_loop3A_425 = arith.constant 16 : index
        %parallel_loop3A_426 = tpu.vector_load %arg10[%parallel_loop3A_424, %parallel_loop3A_425] {strides = array<i32>} : memref<128x64xf32, #tpu.memory_space<vmem>>, vector<16xf32>,
        %parallel_loop3A_427 = arith.constant 8 : i32
        %parallel_loop3A_428 = vector.broadcast %parallel_loop3A_427 : i32 to vector<16xi32>
        %parallel_loop3A_429 = arith.divsi %parallel_loop3A_423, %parallel_loop3A_428 : vector<16xi32>
        %parallel_loop3A_430 = arith.constant 0 : i32
        %parallel_loop3A_431 = vector.broadcast %parallel_loop3A_430 : i32 to vector<16xi32>
        %parallel_loop3A_432 = arith.cmpi sgt, %parallel_loop3A_423, %parallel_loop3A_431 : vector<16xi32>
        %parallel_loop3A_433 = arith.extui %parallel_loop3A_432 : vector<16xi1> to vector<16xi32>
        %parallel_loop3A_434 = arith.constant 0 : i32
        %parallel_loop3A_435 = vector.broadcast %parallel_loop3A_434 : i32 to vector<16xi32>
        %parallel_loop3A_436 = arith.cmpi slt, %parallel_loop3A_423, %parallel_loop3A_435 : vector<16xi32>
        %parallel_loop3A_437 = arith.extui %parallel_loop3A_436 : vector<16xi1> to vector<16xi32>
        %parallel_loop3A_438 = arith.subi %parallel_loop3A_433, %parallel_loop3A_437 : vector<16xi32>
        %parallel_loop3A_439 = arith.constant 0 : i32
        %parallel_loop3A_440 = arith.cmpi sgt, %parallel_loop3A_427, %parallel_loop3A_439 : i32
        %parallel_loop3A_441 = arith.extui %parallel_loop3A_440 : i1 to i32
        %parallel_loop3A_442 = arith.constant 0 : i32
        %parallel_loop3A_443 = arith.cmpi slt, %parallel_loop3A_427, %parallel_loop3A_442 : i32
        %parallel_loop3A_444 = arith.extui %parallel_loop3A_443 : i1 to i32
        %parallel_loop3A_445 = arith.subi %parallel_loop3A_441, %parallel_loop3A_444 : i32
        %parallel_loop3A_446 = vector.broadcast %parallel_loop3A_445 : i32 to vector<16xi32>
        %parallel_loop3A_447 = arith.cmpi ne, %parallel_loop3A_438, %parallel_loop3A_446 : vector<16xi32>
        %parallel_loop3A_448 = vector.broadcast %parallel_loop3A_427 : i32 to vector<16xi32>
        %parallel_loop3A_449 = arith.remsi %parallel_loop3A_423, %parallel_loop3A_448 : vector<16xi32>
        %parallel_loop3A_450 = arith.constant 0 : i32
        %parallel_loop3A_451 = vector.broadcast %parallel_loop3A_450 : i32 to vector<16xi32>
        %parallel_loop3A_452 = arith.cmpi ne, %parallel_loop3A_449, %parallel_loop3A_451 : vector<16xi32>
        %parallel_loop3A_453 = arith.andi %parallel_loop3A_447, %parallel_loop3A_452 : vector<16xi1>
        %parallel_loop3A_454 = arith.constant 1 : i32
        %parallel_loop3A_455 = vector.broadcast %parallel_loop3A_454 : i32 to vector<16xi32>
        %parallel_loop3A_456 = arith.subi %parallel_loop3A_429, %parallel_loop3A_455 : vector<16xi32>
        %parallel_loop3A_457 = arith.select %parallel_loop3A_453, %parallel_loop3A_456, %parallel_loop3A_429 : vector<16xi1>, vector<16xi32>
        %parallel_loop3A_458 = arith.constant 8 : i32
        %parallel_loop3A_459 = arith.constant 0 : i32
        %parallel_loop3A_460 = arith.cmpi eq, %parallel_loop3A_458, %parallel_loop3A_459 : i32
        %parallel_loop3A_461 = arith.constant 1 : i32
        %parallel_loop3A_462 = arith.select %parallel_loop3A_460, %parallel_loop3A_461, %parallel_loop3A_458 : i32
        %parallel_loop3A_463 = vector.broadcast %parallel_loop3A_462 : i32 to vector<16xi32>
        %parallel_loop3A_464 = arith.remsi %parallel_loop3A_423, %parallel_loop3A_463 : vector<16xi32>
        %parallel_loop3A_465 = arith.constant 0 : i32
        %parallel_loop3A_466 = vector.broadcast %parallel_loop3A_465 : i32 to vector<16xi32>
        %parallel_loop3A_467 = arith.cmpi ne, %parallel_loop3A_464, %parallel_loop3A_466 : vector<16xi32>
        %parallel_loop3A_468 = arith.constant 0 : i32
        %parallel_loop3A_469 = vector.broadcast %parallel_loop3A_468 : i32 to vector<16xi32>
        %parallel_loop3A_470 = arith.cmpi slt, %parallel_loop3A_464, %parallel_loop3A_469 : vector<16xi32>
        %parallel_loop3A_471 = arith.constant 0 : i32
        %parallel_loop3A_472 = arith.cmpi slt, %parallel_loop3A_462, %parallel_loop3A_471 : i32
        %parallel_loop3A_473 = vector.broadcast %parallel_loop3A_472 : i1 to vector<16xi1>
        %parallel_loop3A_474 = vector.broadcast %parallel_loop3A_473 : vector<16xi1> to vector<16xi1>
        %parallel_loop3A_475 = arith.xori %parallel_loop3A_470, %parallel_loop3A_474 : vector<16xi1>
        %parallel_loop3A_476 = arith.andi %parallel_loop3A_475, %parallel_loop3A_467 : vector<16xi1>
        %parallel_loop3A_477 = vector.broadcast %parallel_loop3A_462 : i32 to vector<16xi32>
        %parallel_loop3A_478 = arith.addi %parallel_loop3A_464, %parallel_loop3A_477 : vector<16xi32>
        %parallel_loop3A_479 = arith.select %parallel_loop3A_476, %parallel_loop3A_478, %parallel_loop3A_464 : vector<16xi1>, vector<16xi32>
        tpu.vector_store_idx %arg15[%parallel_loop3A_457, %parallel_loop3A_479, %parallel_loop3A_359], %parallel_loop3A_426 : memref<8x8x129xf32, #tpu.memory_space<vmem>>[vector<16xi32>, vector<16xi32>, vector<16xi32>], vector<16xf32>,
        %parallel_loop3A_480 = tpu.iota {dimensions = array<i32: 0>} : vector<16xi32>
        %parallel_loop3A_481 = arith.constant 32 : i32
        %parallel_loop3A_482 = vector.broadcast %parallel_loop3A_481 : i32 to vector<16xi32>
        %parallel_loop3A_483 = arith.addi %parallel_loop3A_480, %parallel_loop3A_482 : vector<16xi32>
        %parallel_loop3A_484 = arith.index_cast %parallel_loop3A_355 : i32 to index
        %parallel_loop3A_485 = arith.constant 32 : index
        %parallel_loop3A_486 = tpu.vector_load %arg10[%parallel_loop3A_484, %parallel_loop3A_485] {strides = array<i32>} : memref<128x64xf32, #tpu.memory_space<vmem>>, vector<16xf32>,
        %parallel_loop3A_487 = arith.constant 8 : i32
        %parallel_loop3A_488 = vector.broadcast %parallel_loop3A_487 : i32 to vector<16xi32>
        %parallel_loop3A_489 = arith.divsi %parallel_loop3A_483, %parallel_loop3A_488 : vector<16xi32>
        %parallel_loop3A_490 = arith.constant 0 : i32
        %parallel_loop3A_491 = vector.broadcast %parallel_loop3A_490 : i32 to vector<16xi32>
        %parallel_loop3A_492 = arith.cmpi sgt, %parallel_loop3A_483, %parallel_loop3A_491 : vector<16xi32>
        %parallel_loop3A_493 = arith.extui %parallel_loop3A_492 : vector<16xi1> to vector<16xi32>
        %parallel_loop3A_494 = arith.constant 0 : i32
        %parallel_loop3A_495 = vector.broadcast %parallel_loop3A_494 : i32 to vector<16xi32>
        %parallel_loop3A_496 = arith.cmpi slt, %parallel_loop3A_483, %parallel_loop3A_495 : vector<16xi32>
        %parallel_loop3A_497 = arith.extui %parallel_loop3A_496 : vector<16xi1> to vector<16xi32>
        %parallel_loop3A_498 = arith.subi %parallel_loop3A_493, %parallel_loop3A_497 : vector<16xi32>
        %parallel_loop3A_499 = arith.constant 0 : i32
        %parallel_loop3A_500 = arith.cmpi sgt, %parallel_loop3A_487, %parallel_loop3A_499 : i32
        %parallel_loop3A_501 = arith.extui %parallel_loop3A_500 : i1 to i32
        %parallel_loop3A_502 = arith.constant 0 : i32
        %parallel_loop3A_503 = arith.cmpi slt, %parallel_loop3A_487, %parallel_loop3A_502 : i32
        %parallel_loop3A_504 = arith.extui %parallel_loop3A_503 : i1 to i32
        %parallel_loop3A_505 = arith.subi %parallel_loop3A_501, %parallel_loop3A_504 : i32
        %parallel_loop3A_506 = vector.broadcast %parallel_loop3A_505 : i32 to vector<16xi32>
        %parallel_loop3A_507 = arith.cmpi ne, %parallel_loop3A_498, %parallel_loop3A_506 : vector<16xi32>
        %parallel_loop3A_508 = vector.broadcast %parallel_loop3A_487 : i32 to vector<16xi32>
        %parallel_loop3A_509 = arith.remsi %parallel_loop3A_483, %parallel_loop3A_508 : vector<16xi32>
        %parallel_loop3A_510 = arith.constant 0 : i32
        %parallel_loop3A_511 = vector.broadcast %parallel_loop3A_510 : i32 to vector<16xi32>
        %parallel_loop3A_512 = arith.cmpi ne, %parallel_loop3A_509, %parallel_loop3A_511 : vector<16xi32>
        %parallel_loop3A_513 = arith.andi %parallel_loop3A_507, %parallel_loop3A_512 : vector<16xi1>
        %parallel_loop3A_514 = arith.constant 1 : i32
        %parallel_loop3A_515 = vector.broadcast %parallel_loop3A_514 : i32 to vector<16xi32>
        %parallel_loop3A_516 = arith.subi %parallel_loop3A_489, %parallel_loop3A_515 : vector<16xi32>
        %parallel_loop3A_517 = arith.select %parallel_loop3A_513, %parallel_loop3A_516, %parallel_loop3A_489 : vector<16xi1>, vector<16xi32>
        %parallel_loop3A_518 = arith.constant 8 : i32
        %parallel_loop3A_519 = arith.constant 0 : i32
        %parallel_loop3A_520 = arith.cmpi eq, %parallel_loop3A_518, %parallel_loop3A_519 : i32
        %parallel_loop3A_521 = arith.constant 1 : i32
        %parallel_loop3A_522 = arith.select %parallel_loop3A_520, %parallel_loop3A_521, %parallel_loop3A_518 : i32
        %parallel_loop3A_523 = vector.broadcast %parallel_loop3A_522 : i32 to vector<16xi32>
        %parallel_loop3A_524 = arith.remsi %parallel_loop3A_483, %parallel_loop3A_523 : vector<16xi32>
        %parallel_loop3A_525 = arith.constant 0 : i32
        %parallel_loop3A_526 = vector.broadcast %parallel_loop3A_525 : i32 to vector<16xi32>
        %parallel_loop3A_527 = arith.cmpi ne, %parallel_loop3A_524, %parallel_loop3A_526 : vector<16xi32>
        %parallel_loop3A_528 = arith.constant 0 : i32
        %parallel_loop3A_529 = vector.broadcast %parallel_loop3A_528 : i32 to vector<16xi32>
        %parallel_loop3A_530 = arith.cmpi slt, %parallel_loop3A_524, %parallel_loop3A_529 : vector<16xi32>
        %parallel_loop3A_531 = arith.constant 0 : i32
        %parallel_loop3A_532 = arith.cmpi slt, %parallel_loop3A_522, %parallel_loop3A_531 : i32
        %parallel_loop3A_533 = vector.broadcast %parallel_loop3A_532 : i1 to vector<16xi1>
        %parallel_loop3A_534 = vector.broadcast %parallel_loop3A_533 : vector<16xi1> to vector<16xi1>
        %parallel_loop3A_535 = arith.xori %parallel_loop3A_530, %parallel_loop3A_534 : vector<16xi1>
        %parallel_loop3A_536 = arith.andi %parallel_loop3A_535, %parallel_loop3A_527 : vector<16xi1>
        %parallel_loop3A_537 = vector.broadcast %parallel_loop3A_522 : i32 to vector<16xi32>
        %parallel_loop3A_538 = arith.addi %parallel_loop3A_524, %parallel_loop3A_537 : vector<16xi32>
        %parallel_loop3A_539 = arith.select %parallel_loop3A_536, %parallel_loop3A_538, %parallel_loop3A_524 : vector<16xi1>, vector<16xi32>
        tpu.vector_store_idx %arg15[%parallel_loop3A_517, %parallel_loop3A_539, %parallel_loop3A_359], %parallel_loop3A_486 : memref<8x8x129xf32, #tpu.memory_space<vmem>>[vector<16xi32>, vector<16xi32>, vector<16xi32>], vector<16xf32>,
        %parallel_loop3A_540 = tpu.iota {dimensions = array<i32: 0>} : vector<16xi32>
        %parallel_loop3A_541 = arith.constant 48 : i32
        %parallel_loop3A_542 = vector.broadcast %parallel_loop3A_541 : i32 to vector<16xi32>
        %parallel_loop3A_543 = arith.addi %parallel_loop3A_540, %parallel_loop3A_542 : vector<16xi32>
        %parallel_loop3A_544 = arith.index_cast %parallel_loop3A_355 : i32 to index
        %parallel_loop3A_545 = arith.constant 48 : index
        %parallel_loop3A_546 = tpu.vector_load %arg10[%parallel_loop3A_544, %parallel_loop3A_545] {strides = array<i32>} : memref<128x64xf32, #tpu.memory_space<vmem>>, vector<16xf32>,
        %parallel_loop3A_547 = arith.constant 8 : i32
        %parallel_loop3A_548 = vector.broadcast %parallel_loop3A_547 : i32 to vector<16xi32>
        %parallel_loop3A_549 = arith.divsi %parallel_loop3A_543, %parallel_loop3A_548 : vector<16xi32>
        %parallel_loop3A_550 = arith.constant 0 : i32
        %parallel_loop3A_551 = vector.broadcast %parallel_loop3A_550 : i32 to vector<16xi32>
        %parallel_loop3A_552 = arith.cmpi sgt, %parallel_loop3A_543, %parallel_loop3A_551 : vector<16xi32>
        %parallel_loop3A_553 = arith.extui %parallel_loop3A_552 : vector<16xi1> to vector<16xi32>
        %parallel_loop3A_554 = arith.constant 0 : i32
        %parallel_loop3A_555 = vector.broadcast %parallel_loop3A_554 : i32 to vector<16xi32>
        %parallel_loop3A_556 = arith.cmpi slt, %parallel_loop3A_543, %parallel_loop3A_555 : vector<16xi32>
        %parallel_loop3A_557 = arith.extui %parallel_loop3A_556 : vector<16xi1> to vector<16xi32>
        %parallel_loop3A_558 = arith.subi %parallel_loop3A_553, %parallel_loop3A_557 : vector<16xi32>
        %parallel_loop3A_559 = arith.constant 0 : i32
        %parallel_loop3A_560 = arith.cmpi sgt, %parallel_loop3A_547, %parallel_loop3A_559 : i32
        %parallel_loop3A_561 = arith.extui %parallel_loop3A_560 : i1 to i32
        %parallel_loop3A_562 = arith.constant 0 : i32
        %parallel_loop3A_563 = arith.cmpi slt, %parallel_loop3A_547, %parallel_loop3A_562 : i32
        %parallel_loop3A_564 = arith.extui %parallel_loop3A_563 : i1 to i32
        %parallel_loop3A_565 = arith.subi %parallel_loop3A_561, %parallel_loop3A_564 : i32
        %parallel_loop3A_566 = vector.broadcast %parallel_loop3A_565 : i32 to vector<16xi32>
        %parallel_loop3A_567 = arith.cmpi ne, %parallel_loop3A_558, %parallel_loop3A_566 : vector<16xi32>
        %parallel_loop3A_568 = vector.broadcast %parallel_loop3A_547 : i32 to vector<16xi32>
        %parallel_loop3A_569 = arith.remsi %parallel_loop3A_543, %parallel_loop3A_568 : vector<16xi32>
        %parallel_loop3A_570 = arith.constant 0 : i32
        %parallel_loop3A_571 = vector.broadcast %parallel_loop3A_570 : i32 to vector<16xi32>
        %parallel_loop3A_572 = arith.cmpi ne, %parallel_loop3A_569, %parallel_loop3A_571 : vector<16xi32>
        %parallel_loop3A_573 = arith.andi %parallel_loop3A_567, %parallel_loop3A_572 : vector<16xi1>
        %parallel_loop3A_574 = arith.constant 1 : i32
        %parallel_loop3A_575 = vector.broadcast %parallel_loop3A_574 : i32 to vector<16xi32>
        %parallel_loop3A_576 = arith.subi %parallel_loop3A_549, %parallel_loop3A_575 : vector<16xi32>
        %parallel_loop3A_577 = arith.select %parallel_loop3A_573, %parallel_loop3A_576, %parallel_loop3A_549 : vector<16xi1>, vector<16xi32>
        %parallel_loop3A_578 = arith.constant 8 : i32
        %parallel_loop3A_579 = arith.constant 0 : i32
        %parallel_loop3A_580 = arith.cmpi eq, %parallel_loop3A_578, %parallel_loop3A_579 : i32
        %parallel_loop3A_581 = arith.constant 1 : i32
        %parallel_loop3A_582 = arith.select %parallel_loop3A_580, %parallel_loop3A_581, %parallel_loop3A_578 : i32
        %parallel_loop3A_583 = vector.broadcast %parallel_loop3A_582 : i32 to vector<16xi32>
        %parallel_loop3A_584 = arith.remsi %parallel_loop3A_543, %parallel_loop3A_583 : vector<16xi32>
        %parallel_loop3A_585 = arith.constant 0 : i32
        %parallel_loop3A_586 = vector.broadcast %parallel_loop3A_585 : i32 to vector<16xi32>
        %parallel_loop3A_587 = arith.cmpi ne, %parallel_loop3A_584, %parallel_loop3A_586 : vector<16xi32>
        %parallel_loop3A_588 = arith.constant 0 : i32
        %parallel_loop3A_589 = vector.broadcast %parallel_loop3A_588 : i32 to vector<16xi32>
        %parallel_loop3A_590 = arith.cmpi slt, %parallel_loop3A_584, %parallel_loop3A_589 : vector<16xi32>
        %parallel_loop3A_591 = arith.constant 0 : i32
        %parallel_loop3A_592 = arith.cmpi slt, %parallel_loop3A_582, %parallel_loop3A_591 : i32
        %parallel_loop3A_593 = vector.broadcast %parallel_loop3A_592 : i1 to vector<16xi1>
        %parallel_loop3A_594 = vector.broadcast %parallel_loop3A_593 : vector<16xi1> to vector<16xi1>
        %parallel_loop3A_595 = arith.xori %parallel_loop3A_590, %parallel_loop3A_594 : vector<16xi1>
        %parallel_loop3A_596 = arith.andi %parallel_loop3A_595, %parallel_loop3A_587 : vector<16xi1>
        %parallel_loop3A_597 = vector.broadcast %parallel_loop3A_582 : i32 to vector<16xi32>
        %parallel_loop3A_598 = arith.addi %parallel_loop3A_584, %parallel_loop3A_597 : vector<16xi32>
        %parallel_loop3A_599 = arith.select %parallel_loop3A_596, %parallel_loop3A_598, %parallel_loop3A_584 : vector<16xi1>, vector<16xi32>
        tpu.vector_store_idx %arg15[%parallel_loop3A_577, %parallel_loop3A_599, %parallel_loop3A_359], %parallel_loop3A_546 : memref<8x8x129xf32, #tpu.memory_space<vmem>>[vector<16xi32>, vector<16xi32>, vector<16xi32>], vector<16xf32>,
        %parallel_loop3A_600 = arith.constant 1 : i32
        %parallel_loop3A_601 = arith.addi %parallel_loop3A_353, %parallel_loop3A_600 : i32
        %parallel_loop3A_602 = arith.constant 0 : i32
        %parallel_loop3A_603 = vector.broadcast %parallel_loop3A_602 : i32 to vector<16xi32>
        %parallel_loop3A_604 = vector.broadcast %parallel_loop3A_601 : i32 to vector<16xi32>
        %parallel_loop3A_605 = arith.addi %parallel_loop3A_603, %parallel_loop3A_604 : vector<16xi32>
        %parallel_loop3A_606 = tpu.iota {dimensions = array<i32: 0>} : vector<16xi32>
        %parallel_loop3A_607 = arith.constant 0 : i32
        %parallel_loop3A_608 = vector.broadcast %parallel_loop3A_607 : i32 to vector<16xi32>
        %parallel_loop3A_609 = arith.addi %parallel_loop3A_606, %parallel_loop3A_608 : vector<16xi32>
        %parallel_loop3A_610 = arith.index_cast %parallel_loop3A_601 : i32 to index
        %parallel_loop3A_611 = arith.constant 0 : index
        %parallel_loop3A_612 = tpu.vector_load %arg10[%parallel_loop3A_610, %parallel_loop3A_611] {strides = array<i32>} : memref<128x64xf32, #tpu.memory_space<vmem>>, vector<16xf32>,
        %parallel_loop3A_613 = arith.constant 8 : i32
        %parallel_loop3A_614 = vector.broadcast %parallel_loop3A_613 : i32 to vector<16xi32>
        %parallel_loop3A_615 = arith.divsi %parallel_loop3A_609, %parallel_loop3A_614 : vector<16xi32>
        %parallel_loop3A_616 = arith.constant 0 : i32
        %parallel_loop3A_617 = vector.broadcast %parallel_loop3A_616 : i32 to vector<16xi32>
        %parallel_loop3A_618 = arith.cmpi sgt, %parallel_loop3A_609, %parallel_loop3A_617 : vector<16xi32>
        %parallel_loop3A_619 = arith.extui %parallel_loop3A_618 : vector<16xi1> to vector<16xi32>
        %parallel_loop3A_620 = arith.constant 0 : i32
        %parallel_loop3A_621 = vector.broadcast %parallel_loop3A_620 : i32 to vector<16xi32>
        %parallel_loop3A_622 = arith.cmpi slt, %parallel_loop3A_609, %parallel_loop3A_621 : vector<16xi32>
        %parallel_loop3A_623 = arith.extui %parallel_loop3A_622 : vector<16xi1> to vector<16xi32>
        %parallel_loop3A_624 = arith.subi %parallel_loop3A_619, %parallel_loop3A_623 : vector<16xi32>
        %parallel_loop3A_625 = arith.constant 0 : i32
        %parallel_loop3A_626 = arith.cmpi sgt, %parallel_loop3A_613, %parallel_loop3A_625 : i32
        %parallel_loop3A_627 = arith.extui %parallel_loop3A_626 : i1 to i32
        %parallel_loop3A_628 = arith.constant 0 : i32
        %parallel_loop3A_629 = arith.cmpi slt, %parallel_loop3A_613, %parallel_loop3A_628 : i32
        %parallel_loop3A_630 = arith.extui %parallel_loop3A_629 : i1 to i32
        %parallel_loop3A_631 = arith.subi %parallel_loop3A_627, %parallel_loop3A_630 : i32
        %parallel_loop3A_632 = vector.broadcast %parallel_loop3A_631 : i32 to vector<16xi32>
        %parallel_loop3A_633 = arith.cmpi ne, %parallel_loop3A_624, %parallel_loop3A_632 : vector<16xi32>
        %parallel_loop3A_634 = vector.broadcast %parallel_loop3A_613 : i32 to vector<16xi32>
        %parallel_loop3A_635 = arith.remsi %parallel_loop3A_609, %parallel_loop3A_634 : vector<16xi32>
        %parallel_loop3A_636 = arith.constant 0 : i32
        %parallel_loop3A_637 = vector.broadcast %parallel_loop3A_636 : i32 to vector<16xi32>
        %parallel_loop3A_638 = arith.cmpi ne, %parallel_loop3A_635, %parallel_loop3A_637 : vector<16xi32>
        %parallel_loop3A_639 = arith.andi %parallel_loop3A_633, %parallel_loop3A_638 : vector<16xi1>
        %parallel_loop3A_640 = arith.constant 1 : i32
        %parallel_loop3A_641 = vector.broadcast %parallel_loop3A_640 : i32 to vector<16xi32>
        %parallel_loop3A_642 = arith.subi %parallel_loop3A_615, %parallel_loop3A_641 : vector<16xi32>
        %parallel_loop3A_643 = arith.select %parallel_loop3A_639, %parallel_loop3A_642, %parallel_loop3A_615 : vector<16xi1>, vector<16xi32>
        %parallel_loop3A_644 = arith.constant 8 : i32
        %parallel_loop3A_645 = arith.constant 0 : i32
        %parallel_loop3A_646 = arith.cmpi eq, %parallel_loop3A_644, %parallel_loop3A_645 : i32
        %parallel_loop3A_647 = arith.constant 1 : i32
        %parallel_loop3A_648 = arith.select %parallel_loop3A_646, %parallel_loop3A_647, %parallel_loop3A_644 : i32
        %parallel_loop3A_649 = vector.broadcast %parallel_loop3A_648 : i32 to vector<16xi32>
        %parallel_loop3A_650 = arith.remsi %parallel_loop3A_609, %parallel_loop3A_649 : vector<16xi32>
        %parallel_loop3A_651 = arith.constant 0 : i32
        %parallel_loop3A_652 = vector.broadcast %parallel_loop3A_651 : i32 to vector<16xi32>
        %parallel_loop3A_653 = arith.cmpi ne, %parallel_loop3A_650, %parallel_loop3A_652 : vector<16xi32>
        %parallel_loop3A_654 = arith.constant 0 : i32
        %parallel_loop3A_655 = vector.broadcast %parallel_loop3A_654 : i32 to vector<16xi32>
        %parallel_loop3A_656 = arith.cmpi slt, %parallel_loop3A_650, %parallel_loop3A_655 : vector<16xi32>
        %parallel_loop3A_657 = arith.constant 0 : i32
        %parallel_loop3A_658 = arith.cmpi slt, %parallel_loop3A_648, %parallel_loop3A_657 : i32
        %parallel_loop3A_659 = vector.broadcast %parallel_loop3A_658 : i1 to vector<16xi1>
        %parallel_loop3A_660 = vector.broadcast %parallel_loop3A_659 : vector<16xi1> to vector<16xi1>
        %parallel_loop3A_661 = arith.xori %parallel_loop3A_656, %parallel_loop3A_660 : vector<16xi1>
        %parallel_loop3A_662 = arith.andi %parallel_loop3A_661, %parallel_loop3A_653 : vector<16xi1>
        %parallel_loop3A_663 = vector.broadcast %parallel_loop3A_648 : i32 to vector<16xi32>
        %parallel_loop3A_664 = arith.addi %parallel_loop3A_650, %parallel_loop3A_663 : vector<16xi32>
        %parallel_loop3A_665 = arith.select %parallel_loop3A_662, %parallel_loop3A_664, %parallel_loop3A_650 : vector<16xi1>, vector<16xi32>
        tpu.vector_store_idx %arg15[%parallel_loop3A_643, %parallel_loop3A_665, %parallel_loop3A_605], %parallel_loop3A_612 : memref<8x8x129xf32, #tpu.memory_space<vmem>>[vector<16xi32>, vector<16xi32>, vector<16xi32>], vector<16xf32>,
        %parallel_loop3A_666 = tpu.iota {dimensions = array<i32: 0>} : vector<16xi32>
        %parallel_loop3A_667 = arith.constant 16 : i32
        %parallel_loop3A_668 = vector.broadcast %parallel_loop3A_667 : i32 to vector<16xi32>
        %parallel_loop3A_669 = arith.addi %parallel_loop3A_666, %parallel_loop3A_668 : vector<16xi32>
        %parallel_loop3A_670 = arith.index_cast %parallel_loop3A_601 : i32 to index
        %parallel_loop3A_671 = arith.constant 16 : index
        %parallel_loop3A_672 = tpu.vector_load %arg10[%parallel_loop3A_670, %parallel_loop3A_671] {strides = array<i32>} : memref<128x64xf32, #tpu.memory_space<vmem>>, vector<16xf32>,
        %parallel_loop3A_673 = arith.constant 8 : i32
        %parallel_loop3A_674 = vector.broadcast %parallel_loop3A_673 : i32 to vector<16xi32>
        %parallel_loop3A_675 = arith.divsi %parallel_loop3A_669, %parallel_loop3A_674 : vector<16xi32>
        %parallel_loop3A_676 = arith.constant 0 : i32
        %parallel_loop3A_677 = vector.broadcast %parallel_loop3A_676 : i32 to vector<16xi32>
        %parallel_loop3A_678 = arith.cmpi sgt, %parallel_loop3A_669, %parallel_loop3A_677 : vector<16xi32>
        %parallel_loop3A_679 = arith.extui %parallel_loop3A_678 : vector<16xi1> to vector<16xi32>
        %parallel_loop3A_680 = arith.constant 0 : i32
        %parallel_loop3A_681 = vector.broadcast %parallel_loop3A_680 : i32 to vector<16xi32>
        %parallel_loop3A_682 = arith.cmpi slt, %parallel_loop3A_669, %parallel_loop3A_681 : vector<16xi32>
        %parallel_loop3A_683 = arith.extui %parallel_loop3A_682 : vector<16xi1> to vector<16xi32>
        %parallel_loop3A_684 = arith.subi %parallel_loop3A_679, %parallel_loop3A_683 : vector<16xi32>
        %parallel_loop3A_685 = arith.constant 0 : i32
        %parallel_loop3A_686 = arith.cmpi sgt, %parallel_loop3A_673, %parallel_loop3A_685 : i32
        %parallel_loop3A_687 = arith.extui %parallel_loop3A_686 : i1 to i32
        %parallel_loop3A_688 = arith.constant 0 : i32
        %parallel_loop3A_689 = arith.cmpi slt, %parallel_loop3A_673, %parallel_loop3A_688 : i32
        %parallel_loop3A_690 = arith.extui %parallel_loop3A_689 : i1 to i32
        %parallel_loop3A_691 = arith.subi %parallel_loop3A_687, %parallel_loop3A_690 : i32
        %parallel_loop3A_692 = vector.broadcast %parallel_loop3A_691 : i32 to vector<16xi32>
        %parallel_loop3A_693 = arith.cmpi ne, %parallel_loop3A_684, %parallel_loop3A_692 : vector<16xi32>
        %parallel_loop3A_694 = vector.broadcast %parallel_loop3A_673 : i32 to vector<16xi32>
        %parallel_loop3A_695 = arith.remsi %parallel_loop3A_669, %parallel_loop3A_694 : vector<16xi32>
        %parallel_loop3A_696 = arith.constant 0 : i32
        %parallel_loop3A_697 = vector.broadcast %parallel_loop3A_696 : i32 to vector<16xi32>
        %parallel_loop3A_698 = arith.cmpi ne, %parallel_loop3A_695, %parallel_loop3A_697 : vector<16xi32>
        %parallel_loop3A_699 = arith.andi %parallel_loop3A_693, %parallel_loop3A_698 : vector<16xi1>
        %parallel_loop3A_700 = arith.constant 1 : i32
        %parallel_loop3A_701 = vector.broadcast %parallel_loop3A_700 : i32 to vector<16xi32>
        %parallel_loop3A_702 = arith.subi %parallel_loop3A_675, %parallel_loop3A_701 : vector<16xi32>
        %parallel_loop3A_703 = arith.select %parallel_loop3A_699, %parallel_loop3A_702, %parallel_loop3A_675 : vector<16xi1>, vector<16xi32>
        %parallel_loop3A_704 = arith.constant 8 : i32
        %parallel_loop3A_705 = arith.constant 0 : i32
        %parallel_loop3A_706 = arith.cmpi eq, %parallel_loop3A_704, %parallel_loop3A_705 : i32
        %parallel_loop3A_707 = arith.constant 1 : i32
        %parallel_loop3A_708 = arith.select %parallel_loop3A_706, %parallel_loop3A_707, %parallel_loop3A_704 : i32
        %parallel_loop3A_709 = vector.broadcast %parallel_loop3A_708 : i32 to vector<16xi32>
        %parallel_loop3A_710 = arith.remsi %parallel_loop3A_669, %parallel_loop3A_709 : vector<16xi32>
        %parallel_loop3A_711 = arith.constant 0 : i32
        %parallel_loop3A_712 = vector.broadcast %parallel_loop3A_711 : i32 to vector<16xi32>
        %parallel_loop3A_713 = arith.cmpi ne, %parallel_loop3A_710, %parallel_loop3A_712 : vector<16xi32>
        %parallel_loop3A_714 = arith.constant 0 : i32
        %parallel_loop3A_715 = vector.broadcast %parallel_loop3A_714 : i32 to vector<16xi32>
        %parallel_loop3A_716 = arith.cmpi slt, %parallel_loop3A_710, %parallel_loop3A_715 : vector<16xi32>
        %parallel_loop3A_717 = arith.constant 0 : i32
        %parallel_loop3A_718 = arith.cmpi slt, %parallel_loop3A_708, %parallel_loop3A_717 : i32
        %parallel_loop3A_719 = vector.broadcast %parallel_loop3A_718 : i1 to vector<16xi1>
        %parallel_loop3A_720 = vector.broadcast %parallel_loop3A_719 : vector<16xi1> to vector<16xi1>
        %parallel_loop3A_721 = arith.xori %parallel_loop3A_716, %parallel_loop3A_720 : vector<16xi1>
        %parallel_loop3A_722 = arith.andi %parallel_loop3A_721, %parallel_loop3A_713 : vector<16xi1>
        %parallel_loop3A_723 = vector.broadcast %parallel_loop3A_708 : i32 to vector<16xi32>
        %parallel_loop3A_724 = arith.addi %parallel_loop3A_710, %parallel_loop3A_723 : vector<16xi32>
        %parallel_loop3A_725 = arith.select %parallel_loop3A_722, %parallel_loop3A_724, %parallel_loop3A_710 : vector<16xi1>, vector<16xi32>
        tpu.vector_store_idx %arg15[%parallel_loop3A_703, %parallel_loop3A_725, %parallel_loop3A_605], %parallel_loop3A_672 : memref<8x8x129xf32, #tpu.memory_space<vmem>>[vector<16xi32>, vector<16xi32>, vector<16xi32>], vector<16xf32>,
        %parallel_loop3A_726 = tpu.iota {dimensions = array<i32: 0>} : vector<16xi32>
        %parallel_loop3A_727 = arith.constant 32 : i32
        %parallel_loop3A_728 = vector.broadcast %parallel_loop3A_727 : i32 to vector<16xi32>
        %parallel_loop3A_729 = arith.addi %parallel_loop3A_726, %parallel_loop3A_728 : vector<16xi32>
        %parallel_loop3A_730 = arith.index_cast %parallel_loop3A_601 : i32 to index
        %parallel_loop3A_731 = arith.constant 32 : index
        %parallel_loop3A_732 = tpu.vector_load %arg10[%parallel_loop3A_730, %parallel_loop3A_731] {strides = array<i32>} : memref<128x64xf32, #tpu.memory_space<vmem>>, vector<16xf32>,
        %parallel_loop3A_733 = arith.constant 8 : i32
        %parallel_loop3A_734 = vector.broadcast %parallel_loop3A_733 : i32 to vector<16xi32>
        %parallel_loop3A_735 = arith.divsi %parallel_loop3A_729, %parallel_loop3A_734 : vector<16xi32>
        %parallel_loop3A_736 = arith.constant 0 : i32
        %parallel_loop3A_737 = vector.broadcast %parallel_loop3A_736 : i32 to vector<16xi32>
        %parallel_loop3A_738 = arith.cmpi sgt, %parallel_loop3A_729, %parallel_loop3A_737 : vector<16xi32>
        %parallel_loop3A_739 = arith.extui %parallel_loop3A_738 : vector<16xi1> to vector<16xi32>
        %parallel_loop3A_740 = arith.constant 0 : i32
        %parallel_loop3A_741 = vector.broadcast %parallel_loop3A_740 : i32 to vector<16xi32>
        %parallel_loop3A_742 = arith.cmpi slt, %parallel_loop3A_729, %parallel_loop3A_741 : vector<16xi32>
        %parallel_loop3A_743 = arith.extui %parallel_loop3A_742 : vector<16xi1> to vector<16xi32>
        %parallel_loop3A_744 = arith.subi %parallel_loop3A_739, %parallel_loop3A_743 : vector<16xi32>
        %parallel_loop3A_745 = arith.constant 0 : i32
        %parallel_loop3A_746 = arith.cmpi sgt, %parallel_loop3A_733, %parallel_loop3A_745 : i32
        %parallel_loop3A_747 = arith.extui %parallel_loop3A_746 : i1 to i32
        %parallel_loop3A_748 = arith.constant 0 : i32
        %parallel_loop3A_749 = arith.cmpi slt, %parallel_loop3A_733, %parallel_loop3A_748 : i32
        %parallel_loop3A_750 = arith.extui %parallel_loop3A_749 : i1 to i32
        %parallel_loop3A_751 = arith.subi %parallel_loop3A_747, %parallel_loop3A_750 : i32
        %parallel_loop3A_752 = vector.broadcast %parallel_loop3A_751 : i32 to vector<16xi32>
        %parallel_loop3A_753 = arith.cmpi ne, %parallel_loop3A_744, %parallel_loop3A_752 : vector<16xi32>
        %parallel_loop3A_754 = vector.broadcast %parallel_loop3A_733 : i32 to vector<16xi32>
        %parallel_loop3A_755 = arith.remsi %parallel_loop3A_729, %parallel_loop3A_754 : vector<16xi32>
        %parallel_loop3A_756 = arith.constant 0 : i32
        %parallel_loop3A_757 = vector.broadcast %parallel_loop3A_756 : i32 to vector<16xi32>
        %parallel_loop3A_758 = arith.cmpi ne, %parallel_loop3A_755, %parallel_loop3A_757 : vector<16xi32>
        %parallel_loop3A_759 = arith.andi %parallel_loop3A_753, %parallel_loop3A_758 : vector<16xi1>
        %parallel_loop3A_760 = arith.constant 1 : i32
        %parallel_loop3A_761 = vector.broadcast %parallel_loop3A_760 : i32 to vector<16xi32>
        %parallel_loop3A_762 = arith.subi %parallel_loop3A_735, %parallel_loop3A_761 : vector<16xi32>
        %parallel_loop3A_763 = arith.select %parallel_loop3A_759, %parallel_loop3A_762, %parallel_loop3A_735 : vector<16xi1>, vector<16xi32>
        %parallel_loop3A_764 = arith.constant 8 : i32
        %parallel_loop3A_765 = arith.constant 0 : i32
        %parallel_loop3A_766 = arith.cmpi eq, %parallel_loop3A_764, %parallel_loop3A_765 : i32
        %parallel_loop3A_767 = arith.constant 1 : i32
        %parallel_loop3A_768 = arith.select %parallel_loop3A_766, %parallel_loop3A_767, %parallel_loop3A_764 : i32
        %parallel_loop3A_769 = vector.broadcast %parallel_loop3A_768 : i32 to vector<16xi32>
        %parallel_loop3A_770 = arith.remsi %parallel_loop3A_729, %parallel_loop3A_769 : vector<16xi32>
        %parallel_loop3A_771 = arith.constant 0 : i32
        %parallel_loop3A_772 = vector.broadcast %parallel_loop3A_771 : i32 to vector<16xi32>
        %parallel_loop3A_773 = arith.cmpi ne, %parallel_loop3A_770, %parallel_loop3A_772 : vector<16xi32>
        %parallel_loop3A_774 = arith.constant 0 : i32
        %parallel_loop3A_775 = vector.broadcast %parallel_loop3A_774 : i32 to vector<16xi32>
        %parallel_loop3A_776 = arith.cmpi slt, %parallel_loop3A_770, %parallel_loop3A_775 : vector<16xi32>
        %parallel_loop3A_777 = arith.constant 0 : i32
        %parallel_loop3A_778 = arith.cmpi slt, %parallel_loop3A_768, %parallel_loop3A_777 : i32
        %parallel_loop3A_779 = vector.broadcast %parallel_loop3A_778 : i1 to vector<16xi1>
        %parallel_loop3A_780 = vector.broadcast %parallel_loop3A_779 : vector<16xi1> to vector<16xi1>
        %parallel_loop3A_781 = arith.xori %parallel_loop3A_776, %parallel_loop3A_780 : vector<16xi1>
        %parallel_loop3A_782 = arith.andi %parallel_loop3A_781, %parallel_loop3A_773 : vector<16xi1>
        %parallel_loop3A_783 = vector.broadcast %parallel_loop3A_768 : i32 to vector<16xi32>
        %parallel_loop3A_784 = arith.addi %parallel_loop3A_770, %parallel_loop3A_783 : vector<16xi32>
        %parallel_loop3A_785 = arith.select %parallel_loop3A_782, %parallel_loop3A_784, %parallel_loop3A_770 : vector<16xi1>, vector<16xi32>
        tpu.vector_store_idx %arg15[%parallel_loop3A_763, %parallel_loop3A_785, %parallel_loop3A_605], %parallel_loop3A_732 : memref<8x8x129xf32, #tpu.memory_space<vmem>>[vector<16xi32>, vector<16xi32>, vector<16xi32>], vector<16xf32>,
        %parallel_loop3A_786 = tpu.iota {dimensions = array<i32: 0>} : vector<16xi32>
        %parallel_loop3A_787 = arith.constant 48 : i32
        %parallel_loop3A_788 = vector.broadcast %parallel_loop3A_787 : i32 to vector<16xi32>
        %parallel_loop3A_789 = arith.addi %parallel_loop3A_786, %parallel_loop3A_788 : vector<16xi32>
        %parallel_loop3A_790 = arith.index_cast %parallel_loop3A_601 : i32 to index
        %parallel_loop3A_791 = arith.constant 48 : index
        %parallel_loop3A_792 = tpu.vector_load %arg10[%parallel_loop3A_790, %parallel_loop3A_791] {strides = array<i32>} : memref<128x64xf32, #tpu.memory_space<vmem>>, vector<16xf32>,
        %parallel_loop3A_793 = arith.constant 8 : i32
        %parallel_loop3A_794 = vector.broadcast %parallel_loop3A_793 : i32 to vector<16xi32>
        %parallel_loop3A_795 = arith.divsi %parallel_loop3A_789, %parallel_loop3A_794 : vector<16xi32>
        %parallel_loop3A_796 = arith.constant 0 : i32
        %parallel_loop3A_797 = vector.broadcast %parallel_loop3A_796 : i32 to vector<16xi32>
        %parallel_loop3A_798 = arith.cmpi sgt, %parallel_loop3A_789, %parallel_loop3A_797 : vector<16xi32>
        %parallel_loop3A_799 = arith.extui %parallel_loop3A_798 : vector<16xi1> to vector<16xi32>
        %parallel_loop3A_800 = arith.constant 0 : i32
        %parallel_loop3A_801 = vector.broadcast %parallel_loop3A_800 : i32 to vector<16xi32>
        %parallel_loop3A_802 = arith.cmpi slt, %parallel_loop3A_789, %parallel_loop3A_801 : vector<16xi32>
        %parallel_loop3A_803 = arith.extui %parallel_loop3A_802 : vector<16xi1> to vector<16xi32>
        %parallel_loop3A_804 = arith.subi %parallel_loop3A_799, %parallel_loop3A_803 : vector<16xi32>
        %parallel_loop3A_805 = arith.constant 0 : i32
        %parallel_loop3A_806 = arith.cmpi sgt, %parallel_loop3A_793, %parallel_loop3A_805 : i32
        %parallel_loop3A_807 = arith.extui %parallel_loop3A_806 : i1 to i32
        %parallel_loop3A_808 = arith.constant 0 : i32
        %parallel_loop3A_809 = arith.cmpi slt, %parallel_loop3A_793, %parallel_loop3A_808 : i32
        %parallel_loop3A_810 = arith.extui %parallel_loop3A_809 : i1 to i32
        %parallel_loop3A_811 = arith.subi %parallel_loop3A_807, %parallel_loop3A_810 : i32
        %parallel_loop3A_812 = vector.broadcast %parallel_loop3A_811 : i32 to vector<16xi32>
        %parallel_loop3A_813 = arith.cmpi ne, %parallel_loop3A_804, %parallel_loop3A_812 : vector<16xi32>
        %parallel_loop3A_814 = vector.broadcast %parallel_loop3A_793 : i32 to vector<16xi32>
        %parallel_loop3A_815 = arith.remsi %parallel_loop3A_789, %parallel_loop3A_814 : vector<16xi32>
        %parallel_loop3A_816 = arith.constant 0 : i32
        %parallel_loop3A_817 = vector.broadcast %parallel_loop3A_816 : i32 to vector<16xi32>
        %parallel_loop3A_818 = arith.cmpi ne, %parallel_loop3A_815, %parallel_loop3A_817 : vector<16xi32>
        %parallel_loop3A_819 = arith.andi %parallel_loop3A_813, %parallel_loop3A_818 : vector<16xi1>
        %parallel_loop3A_820 = arith.constant 1 : i32
        %parallel_loop3A_821 = vector.broadcast %parallel_loop3A_820 : i32 to vector<16xi32>
        %parallel_loop3A_822 = arith.subi %parallel_loop3A_795, %parallel_loop3A_821 : vector<16xi32>
        %parallel_loop3A_823 = arith.select %parallel_loop3A_819, %parallel_loop3A_822, %parallel_loop3A_795 : vector<16xi1>, vector<16xi32>
        %parallel_loop3A_824 = arith.constant 8 : i32
        %parallel_loop3A_825 = arith.constant 0 : i32
        %parallel_loop3A_826 = arith.cmpi eq, %parallel_loop3A_824, %parallel_loop3A_825 : i32
        %parallel_loop3A_827 = arith.constant 1 : i32
        %parallel_loop3A_828 = arith.select %parallel_loop3A_826, %parallel_loop3A_827, %parallel_loop3A_824 : i32
        %parallel_loop3A_829 = vector.broadcast %parallel_loop3A_828 : i32 to vector<16xi32>
        %parallel_loop3A_830 = arith.remsi %parallel_loop3A_789, %parallel_loop3A_829 : vector<16xi32>
        %parallel_loop3A_831 = arith.constant 0 : i32
        %parallel_loop3A_832 = vector.broadcast %parallel_loop3A_831 : i32 to vector<16xi32>
        %parallel_loop3A_833 = arith.cmpi ne, %parallel_loop3A_830, %parallel_loop3A_832 : vector<16xi32>
        %parallel_loop3A_834 = arith.constant 0 : i32
        %parallel_loop3A_835 = vector.broadcast %parallel_loop3A_834 : i32 to vector<16xi32>
        %parallel_loop3A_836 = arith.cmpi slt, %parallel_loop3A_830, %parallel_loop3A_835 : vector<16xi32>
        %parallel_loop3A_837 = arith.constant 0 : i32
        %parallel_loop3A_838 = arith.cmpi slt, %parallel_loop3A_828, %parallel_loop3A_837 : i32
        %parallel_loop3A_839 = vector.broadcast %parallel_loop3A_838 : i1 to vector<16xi1>
        %parallel_loop3A_840 = vector.broadcast %parallel_loop3A_839 : vector<16xi1> to vector<16xi1>
        %parallel_loop3A_841 = arith.xori %parallel_loop3A_836, %parallel_loop3A_840 : vector<16xi1>
        %parallel_loop3A_842 = arith.andi %parallel_loop3A_841, %parallel_loop3A_833 : vector<16xi1>
        %parallel_loop3A_843 = vector.broadcast %parallel_loop3A_828 : i32 to vector<16xi32>
        %parallel_loop3A_844 = arith.addi %parallel_loop3A_830, %parallel_loop3A_843 : vector<16xi32>
        %parallel_loop3A_845 = arith.select %parallel_loop3A_842, %parallel_loop3A_844, %parallel_loop3A_830 : vector<16xi1>, vector<16xi32>
        tpu.vector_store_idx %arg15[%parallel_loop3A_823, %parallel_loop3A_845, %parallel_loop3A_605], %parallel_loop3A_792 : memref<8x8x129xf32, #tpu.memory_space<vmem>>[vector<16xi32>, vector<16xi32>, vector<16xi32>], vector<16xf32>,
      } {sc.loop_unroll_factor = 1 : i64, sc.parallel_access}
      %dma_start3A_291 = arith.constant 0 : i32
      %dma_start3A_292 = arith.constant 0 : i32
      %dma_start3A_293 = arith.constant 0 : i32
      %dma_start3A_294 = tpu.memref_slice %arg15[%dma_start3A_291, %dma_start3A_292, %dma_start3A_293] : memref<8x8x129xf32, #tpu.memory_space<vmem>> -> memref<8x8x128xf32, #tpu.memory_space<vmem>>
      %dma_start3A_295 = arith.constant 0 : i32
      %dma_start3A_296 = arith.constant 0 : i32
      %dma_start3A_297 = arith.constant 0 : i32
      %dma_start3A_298 = tpu.memref_slice %arg4[%add3A_268, %dma_start3A_295, %add3A, %dma_start3A_296, %dma_start3A_297] : memref<50x8x32x8x128xf32, #tpu.memory_space<hbm>> -> memref<1x8x1x8x128xf32, #tpu.memory_space<hbm>>
      %dma_start3A_299 = tpu.memref_squeeze %dma_start3A_298 : memref<1x8x1x8x128xf32, #tpu.memory_space<hbm>> -> memref<8x8x128xf32, #tpu.memory_space<hbm>>
      %dma_start3A_300 = arith.constant 0 : i32
      %dma_start3A_301 = arith.constant 0 : i32
      %dma_start3A_302 = arith.constant 0 : i32
      %dma_start3A_303 = tpu.memref_slice %arg4[%add3A_268, %dma_start3A_300, %add3A, %dma_start3A_301, %dma_start3A_302] : memref<50x8x32x8x128xf32, #tpu.memory_space<hbm>> -> memref<1x8x1x8x128xf32, #tpu.memory_space<hbm>>
      %dma_start3A_304 = tpu.memref_squeeze %dma_start3A_303 : memref<1x8x1x8x128xf32, #tpu.memory_space<hbm>> -> memref<8x8x128xf32, #tpu.memory_space<hbm>>
      %dma_start3A_305 = arith.constant 0 : i32
      %dma_start3A_306 = arith.constant 0 : i32
      %dma_start3A_307 = arith.constant 0 : i32
      %dma_start3A_308 = tpu.memref_slice %arg15[%dma_start3A_305, %dma_start3A_306, %dma_start3A_307] : memref<8x8x129xf32, #tpu.memory_space<vmem>> -> memref<8x8x128xf32, #tpu.memory_space<vmem>>
      tpu.enqueue_dma source(%dma_start3A_308 : memref<8x8x128xf32, #tpu.memory_space<vmem>>) target(%dma_start3A_304 : memref<8x8x128xf32, #tpu.memory_space<hbm>>) target_semaphore(%arg25 : memref<!tpu.dma_semaphore, #tpu.memory_space<semaphore_mem>>)
      %mul3A_309 = arith.constant 5 : i32
      %mul3A_310 = arith.muli %add3A_137, %mul3A_309 : i32
      %add3A_311 = arith.constant 4 : i32
      %add3A_312 = arith.addi %mul3A_310, %add3A_311 : i32
      %dma_wait3A_313 = arith.constant 4 : i32
      %dma_wait3A_314 = arith.constant 0 : i32
      %dma_wait3A_315 = tpu.memref_slice %arg6[%dma_wait3A_313, %dma_wait3A_314] : memref<50x128xi32, #tpu.memory_space<vmem>> -> memref<1x128xi32, #tpu.memory_space<vmem>>
      %dma_wait3A_316 = tpu.memref_squeeze %dma_wait3A_315 : memref<1x128xi32, #tpu.memory_space<vmem>> -> memref<128xi32, #tpu.memory_space<vmem>>
      %dma_wait3A_317 = arith.constant 0 : i32
      %dma_wait3A_318 = arith.constant 0 : i32
      %dma_wait3A_319 = tpu.memref_slice %arg2[%dma_wait3A_317, %dma_wait3A_318] : memref<200000x64xf32, #tpu.memory_space<hbm>> -> memref<200000x64xf32, #tpu.memory_space<hbm>>
      tpu.wait_indirect_dma semaphore(%arg21 : memref<!tpu.dma_semaphore, #tpu.memory_space<semaphore_mem>>) src(%dma_wait3A_319 : memref<200000x64xf32, #tpu.memory_space<hbm>>) dst(%arg11 : memref<128x64xf32, #tpu.memory_space<vmem>>)
      %add3A_320 = arith.constant 4 : i32
      %add3A_321 = arith.addi %add3A_312, %add3A_320 : i32
      %lt3A_322 = arith.constant 50 : i32
      %lt3A_323 = arith.cmpi slt, %add3A_321, %lt3A_322 : i32
      %convert_element_type3A_324 = arith.extui %lt3A_323 : i1 to i32
      %cond3A_325 = arith.constant 0 : i32
      %cond3A_326 = arith.cmpi ne, %convert_element_type3A_324, %cond3A_325 : i32
      scf.if %cond3A_326 {
        %add3A_353 = arith.constant 4 : i32
        %add3A_354 = arith.addi %add3A_312, %add3A_353 : i32
        %dma_start3A_355 = arith.constant 0 : i32
        %dma_start3A_356 = tpu.memref_slice %arg6[%add3A_354, %dma_start3A_355] : memref<50x128xi32, #tpu.memory_space<vmem>> -> memref<1x128xi32, #tpu.memory_space<vmem>>
        %dma_start3A_357 = tpu.memref_squeeze %dma_start3A_356 : memref<1x128xi32, #tpu.memory_space<vmem>> -> memref<128xi32, #tpu.memory_space<vmem>>
        %dma_start3A_358 = arith.constant 0 : i32
        %dma_start3A_359 = arith.constant 0 : i32
        %dma_start3A_360 = tpu.memref_slice %arg2[%dma_start3A_358, %dma_start3A_359] : memref<200000x64xf32, #tpu.memory_space<hbm>> -> memref<200000x64xf32, #tpu.memory_space<hbm>>
        tpu.enqueue_indirect_dma source(%dma_start3A_360 : memref<200000x64xf32, #tpu.memory_space<hbm>>) target(%arg10 : memref<128x64xf32, #tpu.memory_space<vmem>>) offsets(%dma_start3A_357 : memref<128xi32, #tpu.memory_space<vmem>>) semaphore(%arg20 : memref<!tpu.dma_semaphore, #tpu.memory_space<semaphore_mem>>)
      } else {
      }
      %gt3A_327 = arith.constant 0 : i32
      %gt3A_328 = arith.cmpi sgt, %add3A_137, %gt3A_327 : i32
      %convert_element_type3A_329 = arith.extui %gt3A_328 : i1 to i32
      %cond3A_330 = arith.constant 0 : i32
      %cond3A_331 = arith.cmpi ne, %convert_element_type3A_329, %cond3A_330 : i32
      scf.if %cond3A_331 {
        %dma_wait3A_353 = arith.constant 0 : i32
        %dma_wait3A_354 = arith.constant 0 : i32
        %dma_wait3A_355 = arith.constant 0 : i32
        %dma_wait3A_356 = arith.constant 0 : i32
        %dma_wait3A_357 = tpu.memref_slice %arg16[%dma_wait3A_354, %dma_wait3A_355, %dma_wait3A_356] : memref<8x8x129xf32, #tpu.memory_space<vmem>> -> memref<8x8x128xf32, #tpu.memory_space<vmem>>
        %dma_wait3A_358 = arith.constant 0 : i32
        %dma_wait3A_359 = arith.constant 0 : i32
        %dma_wait3A_360 = arith.constant 0 : i32
        %dma_wait3A_361 = tpu.memref_slice %arg4[%dma_wait3A_353, %dma_wait3A_358, %add3A, %dma_wait3A_359, %dma_wait3A_360] : memref<50x8x32x8x128xf32, #tpu.memory_space<hbm>> -> memref<1x8x1x8x128xf32, #tpu.memory_space<hbm>>
        %dma_wait3A_362 = tpu.memref_squeeze %dma_wait3A_361 : memref<1x8x1x8x128xf32, #tpu.memory_space<hbm>> -> memref<8x8x128xf32, #tpu.memory_space<hbm>>
        %dma_wait3A_363 = arith.constant 0 : i32
        %dma_wait3A_364 = arith.constant 0 : i32
        %dma_wait3A_365 = arith.constant 0 : i32
        %dma_wait3A_366 = tpu.memref_slice %arg4[%dma_wait3A_353, %dma_wait3A_363, %add3A, %dma_wait3A_364, %dma_wait3A_365] : memref<50x8x32x8x128xf32, #tpu.memory_space<hbm>> -> memref<1x8x1x8x128xf32, #tpu.memory_space<hbm>>
        %dma_wait3A_367 = tpu.memref_squeeze %dma_wait3A_366 : memref<1x8x1x8x128xf32, #tpu.memory_space<hbm>> -> memref<8x8x128xf32, #tpu.memory_space<hbm>>
        %dma_wait3A_368 = arith.constant 0 : i32
        %dma_wait3A_369 = arith.constant 0 : i32
        %dma_wait3A_370 = arith.constant 0 : i32
        %dma_wait3A_371 = tpu.memref_slice %arg16[%dma_wait3A_368, %dma_wait3A_369, %dma_wait3A_370] : memref<8x8x129xf32, #tpu.memory_space<vmem>> -> memref<8x8x128xf32, #tpu.memory_space<vmem>>
        tpu.wait_dma2 semaphore(%arg26 : memref<!tpu.dma_semaphore, #tpu.memory_space<semaphore_mem>>) src(%dma_wait3A_371 : memref<8x8x128xf32, #tpu.memory_space<vmem>>) dst(%dma_wait3A_367 : memref<8x8x128xf32, #tpu.memory_space<hbm>>)
      } else {
      }
      %parallel_loop3A_332 = arith.constant 0 : i32
      %parallel_loop3A_333 = arith.constant 128 : i32
      %parallel_loop3A_334 = arith.constant 2 : i32
      scf.for %parallel_loop3A_353 = %parallel_loop3A_332 to %parallel_loop3A_333 step %parallel_loop3A_334  : i32 {
        %parallel_loop3A_354 = arith.constant 0 : i32
        %parallel_loop3A_355 = arith.addi %parallel_loop3A_353, %parallel_loop3A_354 : i32
        %parallel_loop3A_356 = arith.constant 0 : i32
        %parallel_loop3A_357 = vector.broadcast %parallel_loop3A_356 : i32 to vector<16xi32>
        %parallel_loop3A_358 = vector.broadcast %parallel_loop3A_355 : i32 to vector<16xi32>
        %parallel_loop3A_359 = arith.addi %parallel_loop3A_357, %parallel_loop3A_358 : vector<16xi32>
        %parallel_loop3A_360 = tpu.iota {dimensions = array<i32: 0>} : vector<16xi32>
        %parallel_loop3A_361 = arith.constant 0 : i32
        %parallel_loop3A_362 = vector.broadcast %parallel_loop3A_361 : i32 to vector<16xi32>
        %parallel_loop3A_363 = arith.addi %parallel_loop3A_360, %parallel_loop3A_362 : vector<16xi32>
        %parallel_loop3A_364 = arith.index_cast %parallel_loop3A_355 : i32 to index
        %parallel_loop3A_365 = arith.constant 0 : index
        %parallel_loop3A_366 = tpu.vector_load %arg11[%parallel_loop3A_364, %parallel_loop3A_365] {strides = array<i32>} : memref<128x64xf32, #tpu.memory_space<vmem>>, vector<16xf32>,
        %parallel_loop3A_367 = arith.constant 8 : i32
        %parallel_loop3A_368 = vector.broadcast %parallel_loop3A_367 : i32 to vector<16xi32>
        %parallel_loop3A_369 = arith.divsi %parallel_loop3A_363, %parallel_loop3A_368 : vector<16xi32>
        %parallel_loop3A_370 = arith.constant 0 : i32
        %parallel_loop3A_371 = vector.broadcast %parallel_loop3A_370 : i32 to vector<16xi32>
        %parallel_loop3A_372 = arith.cmpi sgt, %parallel_loop3A_363, %parallel_loop3A_371 : vector<16xi32>
        %parallel_loop3A_373 = arith.extui %parallel_loop3A_372 : vector<16xi1> to vector<16xi32>
        %parallel_loop3A_374 = arith.constant 0 : i32
        %parallel_loop3A_375 = vector.broadcast %parallel_loop3A_374 : i32 to vector<16xi32>
        %parallel_loop3A_376 = arith.cmpi slt, %parallel_loop3A_363, %parallel_loop3A_375 : vector<16xi32>
        %parallel_loop3A_377 = arith.extui %parallel_loop3A_376 : vector<16xi1> to vector<16xi32>
        %parallel_loop3A_378 = arith.subi %parallel_loop3A_373, %parallel_loop3A_377 : vector<16xi32>
        %parallel_loop3A_379 = arith.constant 0 : i32
        %parallel_loop3A_380 = arith.cmpi sgt, %parallel_loop3A_367, %parallel_loop3A_379 : i32
        %parallel_loop3A_381 = arith.extui %parallel_loop3A_380 : i1 to i32
        %parallel_loop3A_382 = arith.constant 0 : i32
        %parallel_loop3A_383 = arith.cmpi slt, %parallel_loop3A_367, %parallel_loop3A_382 : i32
        %parallel_loop3A_384 = arith.extui %parallel_loop3A_383 : i1 to i32
        %parallel_loop3A_385 = arith.subi %parallel_loop3A_381, %parallel_loop3A_384 : i32
        %parallel_loop3A_386 = vector.broadcast %parallel_loop3A_385 : i32 to vector<16xi32>
        %parallel_loop3A_387 = arith.cmpi ne, %parallel_loop3A_378, %parallel_loop3A_386 : vector<16xi32>
        %parallel_loop3A_388 = vector.broadcast %parallel_loop3A_367 : i32 to vector<16xi32>
        %parallel_loop3A_389 = arith.remsi %parallel_loop3A_363, %parallel_loop3A_388 : vector<16xi32>
        %parallel_loop3A_390 = arith.constant 0 : i32
        %parallel_loop3A_391 = vector.broadcast %parallel_loop3A_390 : i32 to vector<16xi32>
        %parallel_loop3A_392 = arith.cmpi ne, %parallel_loop3A_389, %parallel_loop3A_391 : vector<16xi32>
        %parallel_loop3A_393 = arith.andi %parallel_loop3A_387, %parallel_loop3A_392 : vector<16xi1>
        %parallel_loop3A_394 = arith.constant 1 : i32
        %parallel_loop3A_395 = vector.broadcast %parallel_loop3A_394 : i32 to vector<16xi32>
        %parallel_loop3A_396 = arith.subi %parallel_loop3A_369, %parallel_loop3A_395 : vector<16xi32>
        %parallel_loop3A_397 = arith.select %parallel_loop3A_393, %parallel_loop3A_396, %parallel_loop3A_369 : vector<16xi1>, vector<16xi32>
        %parallel_loop3A_398 = arith.constant 8 : i32
        %parallel_loop3A_399 = arith.constant 0 : i32
        %parallel_loop3A_400 = arith.cmpi eq, %parallel_loop3A_398, %parallel_loop3A_399 : i32
        %parallel_loop3A_401 = arith.constant 1 : i32
        %parallel_loop3A_402 = arith.select %parallel_loop3A_400, %parallel_loop3A_401, %parallel_loop3A_398 : i32
        %parallel_loop3A_403 = vector.broadcast %parallel_loop3A_402 : i32 to vector<16xi32>
        %parallel_loop3A_404 = arith.remsi %parallel_loop3A_363, %parallel_loop3A_403 : vector<16xi32>
        %parallel_loop3A_405 = arith.constant 0 : i32
        %parallel_loop3A_406 = vector.broadcast %parallel_loop3A_405 : i32 to vector<16xi32>
        %parallel_loop3A_407 = arith.cmpi ne, %parallel_loop3A_404, %parallel_loop3A_406 : vector<16xi32>
        %parallel_loop3A_408 = arith.constant 0 : i32
        %parallel_loop3A_409 = vector.broadcast %parallel_loop3A_408 : i32 to vector<16xi32>
        %parallel_loop3A_410 = arith.cmpi slt, %parallel_loop3A_404, %parallel_loop3A_409 : vector<16xi32>
        %parallel_loop3A_411 = arith.constant 0 : i32
        %parallel_loop3A_412 = arith.cmpi slt, %parallel_loop3A_402, %parallel_loop3A_411 : i32
        %parallel_loop3A_413 = vector.broadcast %parallel_loop3A_412 : i1 to vector<16xi1>
        %parallel_loop3A_414 = vector.broadcast %parallel_loop3A_413 : vector<16xi1> to vector<16xi1>
        %parallel_loop3A_415 = arith.xori %parallel_loop3A_410, %parallel_loop3A_414 : vector<16xi1>
        %parallel_loop3A_416 = arith.andi %parallel_loop3A_415, %parallel_loop3A_407 : vector<16xi1>
        %parallel_loop3A_417 = vector.broadcast %parallel_loop3A_402 : i32 to vector<16xi32>
        %parallel_loop3A_418 = arith.addi %parallel_loop3A_404, %parallel_loop3A_417 : vector<16xi32>
        %parallel_loop3A_419 = arith.select %parallel_loop3A_416, %parallel_loop3A_418, %parallel_loop3A_404 : vector<16xi1>, vector<16xi32>
        tpu.vector_store_idx %arg16[%parallel_loop3A_397, %parallel_loop3A_419, %parallel_loop3A_359], %parallel_loop3A_366 : memref<8x8x129xf32, #tpu.memory_space<vmem>>[vector<16xi32>, vector<16xi32>, vector<16xi32>], vector<16xf32>,
        %parallel_loop3A_420 = tpu.iota {dimensions = array<i32: 0>} : vector<16xi32>
        %parallel_loop3A_421 = arith.constant 16 : i32
        %parallel_loop3A_422 = vector.broadcast %parallel_loop3A_421 : i32 to vector<16xi32>
        %parallel_loop3A_423 = arith.addi %parallel_loop3A_420, %parallel_loop3A_422 : vector<16xi32>
        %parallel_loop3A_424 = arith.index_cast %parallel_loop3A_355 : i32 to index
        %parallel_loop3A_425 = arith.constant 16 : index
        %parallel_loop3A_426 = tpu.vector_load %arg11[%parallel_loop3A_424, %parallel_loop3A_425] {strides = array<i32>} : memref<128x64xf32, #tpu.memory_space<vmem>>, vector<16xf32>,
        %parallel_loop3A_427 = arith.constant 8 : i32
        %parallel_loop3A_428 = vector.broadcast %parallel_loop3A_427 : i32 to vector<16xi32>
        %parallel_loop3A_429 = arith.divsi %parallel_loop3A_423, %parallel_loop3A_428 : vector<16xi32>
        %parallel_loop3A_430 = arith.constant 0 : i32
        %parallel_loop3A_431 = vector.broadcast %parallel_loop3A_430 : i32 to vector<16xi32>
        %parallel_loop3A_432 = arith.cmpi sgt, %parallel_loop3A_423, %parallel_loop3A_431 : vector<16xi32>
        %parallel_loop3A_433 = arith.extui %parallel_loop3A_432 : vector<16xi1> to vector<16xi32>
        %parallel_loop3A_434 = arith.constant 0 : i32
        %parallel_loop3A_435 = vector.broadcast %parallel_loop3A_434 : i32 to vector<16xi32>
        %parallel_loop3A_436 = arith.cmpi slt, %parallel_loop3A_423, %parallel_loop3A_435 : vector<16xi32>
        %parallel_loop3A_437 = arith.extui %parallel_loop3A_436 : vector<16xi1> to vector<16xi32>
        %parallel_loop3A_438 = arith.subi %parallel_loop3A_433, %parallel_loop3A_437 : vector<16xi32>
        %parallel_loop3A_439 = arith.constant 0 : i32
        %parallel_loop3A_440 = arith.cmpi sgt, %parallel_loop3A_427, %parallel_loop3A_439 : i32
        %parallel_loop3A_441 = arith.extui %parallel_loop3A_440 : i1 to i32
        %parallel_loop3A_442 = arith.constant 0 : i32
        %parallel_loop3A_443 = arith.cmpi slt, %parallel_loop3A_427, %parallel_loop3A_442 : i32
        %parallel_loop3A_444 = arith.extui %parallel_loop3A_443 : i1 to i32
        %parallel_loop3A_445 = arith.subi %parallel_loop3A_441, %parallel_loop3A_444 : i32
        %parallel_loop3A_446 = vector.broadcast %parallel_loop3A_445 : i32 to vector<16xi32>
        %parallel_loop3A_447 = arith.cmpi ne, %parallel_loop3A_438, %parallel_loop3A_446 : vector<16xi32>
        %parallel_loop3A_448 = vector.broadcast %parallel_loop3A_427 : i32 to vector<16xi32>
        %parallel_loop3A_449 = arith.remsi %parallel_loop3A_423, %parallel_loop3A_448 : vector<16xi32>
        %parallel_loop3A_450 = arith.constant 0 : i32
        %parallel_loop3A_451 = vector.broadcast %parallel_loop3A_450 : i32 to vector<16xi32>
        %parallel_loop3A_452 = arith.cmpi ne, %parallel_loop3A_449, %parallel_loop3A_451 : vector<16xi32>
        %parallel_loop3A_453 = arith.andi %parallel_loop3A_447, %parallel_loop3A_452 : vector<16xi1>
        %parallel_loop3A_454 = arith.constant 1 : i32
        %parallel_loop3A_455 = vector.broadcast %parallel_loop3A_454 : i32 to vector<16xi32>
        %parallel_loop3A_456 = arith.subi %parallel_loop3A_429, %parallel_loop3A_455 : vector<16xi32>
        %parallel_loop3A_457 = arith.select %parallel_loop3A_453, %parallel_loop3A_456, %parallel_loop3A_429 : vector<16xi1>, vector<16xi32>
        %parallel_loop3A_458 = arith.constant 8 : i32
        %parallel_loop3A_459 = arith.constant 0 : i32
        %parallel_loop3A_460 = arith.cmpi eq, %parallel_loop3A_458, %parallel_loop3A_459 : i32
        %parallel_loop3A_461 = arith.constant 1 : i32
        %parallel_loop3A_462 = arith.select %parallel_loop3A_460, %parallel_loop3A_461, %parallel_loop3A_458 : i32
        %parallel_loop3A_463 = vector.broadcast %parallel_loop3A_462 : i32 to vector<16xi32>
        %parallel_loop3A_464 = arith.remsi %parallel_loop3A_423, %parallel_loop3A_463 : vector<16xi32>
        %parallel_loop3A_465 = arith.constant 0 : i32
        %parallel_loop3A_466 = vector.broadcast %parallel_loop3A_465 : i32 to vector<16xi32>
        %parallel_loop3A_467 = arith.cmpi ne, %parallel_loop3A_464, %parallel_loop3A_466 : vector<16xi32>
        %parallel_loop3A_468 = arith.constant 0 : i32
        %parallel_loop3A_469 = vector.broadcast %parallel_loop3A_468 : i32 to vector<16xi32>
        %parallel_loop3A_470 = arith.cmpi slt, %parallel_loop3A_464, %parallel_loop3A_469 : vector<16xi32>
        %parallel_loop3A_471 = arith.constant 0 : i32
        %parallel_loop3A_472 = arith.cmpi slt, %parallel_loop3A_462, %parallel_loop3A_471 : i32
        %parallel_loop3A_473 = vector.broadcast %parallel_loop3A_472 : i1 to vector<16xi1>
        %parallel_loop3A_474 = vector.broadcast %parallel_loop3A_473 : vector<16xi1> to vector<16xi1>
        %parallel_loop3A_475 = arith.xori %parallel_loop3A_470, %parallel_loop3A_474 : vector<16xi1>
        %parallel_loop3A_476 = arith.andi %parallel_loop3A_475, %parallel_loop3A_467 : vector<16xi1>
        %parallel_loop3A_477 = vector.broadcast %parallel_loop3A_462 : i32 to vector<16xi32>
        %parallel_loop3A_478 = arith.addi %parallel_loop3A_464, %parallel_loop3A_477 : vector<16xi32>
        %parallel_loop3A_479 = arith.select %parallel_loop3A_476, %parallel_loop3A_478, %parallel_loop3A_464 : vector<16xi1>, vector<16xi32>
        tpu.vector_store_idx %arg16[%parallel_loop3A_457, %parallel_loop3A_479, %parallel_loop3A_359], %parallel_loop3A_426 : memref<8x8x129xf32, #tpu.memory_space<vmem>>[vector<16xi32>, vector<16xi32>, vector<16xi32>], vector<16xf32>,
        %parallel_loop3A_480 = tpu.iota {dimensions = array<i32: 0>} : vector<16xi32>
        %parallel_loop3A_481 = arith.constant 32 : i32
        %parallel_loop3A_482 = vector.broadcast %parallel_loop3A_481 : i32 to vector<16xi32>
        %parallel_loop3A_483 = arith.addi %parallel_loop3A_480, %parallel_loop3A_482 : vector<16xi32>
        %parallel_loop3A_484 = arith.index_cast %parallel_loop3A_355 : i32 to index
        %parallel_loop3A_485 = arith.constant 32 : index
        %parallel_loop3A_486 = tpu.vector_load %arg11[%parallel_loop3A_484, %parallel_loop3A_485] {strides = array<i32>} : memref<128x64xf32, #tpu.memory_space<vmem>>, vector<16xf32>,
        %parallel_loop3A_487 = arith.constant 8 : i32
        %parallel_loop3A_488 = vector.broadcast %parallel_loop3A_487 : i32 to vector<16xi32>
        %parallel_loop3A_489 = arith.divsi %parallel_loop3A_483, %parallel_loop3A_488 : vector<16xi32>
        %parallel_loop3A_490 = arith.constant 0 : i32
        %parallel_loop3A_491 = vector.broadcast %parallel_loop3A_490 : i32 to vector<16xi32>
        %parallel_loop3A_492 = arith.cmpi sgt, %parallel_loop3A_483, %parallel_loop3A_491 : vector<16xi32>
        %parallel_loop3A_493 = arith.extui %parallel_loop3A_492 : vector<16xi1> to vector<16xi32>
        %parallel_loop3A_494 = arith.constant 0 : i32
        %parallel_loop3A_495 = vector.broadcast %parallel_loop3A_494 : i32 to vector<16xi32>
        %parallel_loop3A_496 = arith.cmpi slt, %parallel_loop3A_483, %parallel_loop3A_495 : vector<16xi32>
        %parallel_loop3A_497 = arith.extui %parallel_loop3A_496 : vector<16xi1> to vector<16xi32>
        %parallel_loop3A_498 = arith.subi %parallel_loop3A_493, %parallel_loop3A_497 : vector<16xi32>
        %parallel_loop3A_499 = arith.constant 0 : i32
        %parallel_loop3A_500 = arith.cmpi sgt, %parallel_loop3A_487, %parallel_loop3A_499 : i32
        %parallel_loop3A_501 = arith.extui %parallel_loop3A_500 : i1 to i32
        %parallel_loop3A_502 = arith.constant 0 : i32
        %parallel_loop3A_503 = arith.cmpi slt, %parallel_loop3A_487, %parallel_loop3A_502 : i32
        %parallel_loop3A_504 = arith.extui %parallel_loop3A_503 : i1 to i32
        %parallel_loop3A_505 = arith.subi %parallel_loop3A_501, %parallel_loop3A_504 : i32
        %parallel_loop3A_506 = vector.broadcast %parallel_loop3A_505 : i32 to vector<16xi32>
        %parallel_loop3A_507 = arith.cmpi ne, %parallel_loop3A_498, %parallel_loop3A_506 : vector<16xi32>
        %parallel_loop3A_508 = vector.broadcast %parallel_loop3A_487 : i32 to vector<16xi32>
        %parallel_loop3A_509 = arith.remsi %parallel_loop3A_483, %parallel_loop3A_508 : vector<16xi32>
        %parallel_loop3A_510 = arith.constant 0 : i32
        %parallel_loop3A_511 = vector.broadcast %parallel_loop3A_510 : i32 to vector<16xi32>
        %parallel_loop3A_512 = arith.cmpi ne, %parallel_loop3A_509, %parallel_loop3A_511 : vector<16xi32>
        %parallel_loop3A_513 = arith.andi %parallel_loop3A_507, %parallel_loop3A_512 : vector<16xi1>
        %parallel_loop3A_514 = arith.constant 1 : i32
        %parallel_loop3A_515 = vector.broadcast %parallel_loop3A_514 : i32 to vector<16xi32>
        %parallel_loop3A_516 = arith.subi %parallel_loop3A_489, %parallel_loop3A_515 : vector<16xi32>
        %parallel_loop3A_517 = arith.select %parallel_loop3A_513, %parallel_loop3A_516, %parallel_loop3A_489 : vector<16xi1>, vector<16xi32>
        %parallel_loop3A_518 = arith.constant 8 : i32
        %parallel_loop3A_519 = arith.constant 0 : i32
        %parallel_loop3A_520 = arith.cmpi eq, %parallel_loop3A_518, %parallel_loop3A_519 : i32
        %parallel_loop3A_521 = arith.constant 1 : i32
        %parallel_loop3A_522 = arith.select %parallel_loop3A_520, %parallel_loop3A_521, %parallel_loop3A_518 : i32
        %parallel_loop3A_523 = vector.broadcast %parallel_loop3A_522 : i32 to vector<16xi32>
        %parallel_loop3A_524 = arith.remsi %parallel_loop3A_483, %parallel_loop3A_523 : vector<16xi32>
        %parallel_loop3A_525 = arith.constant 0 : i32
        %parallel_loop3A_526 = vector.broadcast %parallel_loop3A_525 : i32 to vector<16xi32>
        %parallel_loop3A_527 = arith.cmpi ne, %parallel_loop3A_524, %parallel_loop3A_526 : vector<16xi32>
        %parallel_loop3A_528 = arith.constant 0 : i32
        %parallel_loop3A_529 = vector.broadcast %parallel_loop3A_528 : i32 to vector<16xi32>
        %parallel_loop3A_530 = arith.cmpi slt, %parallel_loop3A_524, %parallel_loop3A_529 : vector<16xi32>
        %parallel_loop3A_531 = arith.constant 0 : i32
        %parallel_loop3A_532 = arith.cmpi slt, %parallel_loop3A_522, %parallel_loop3A_531 : i32
        %parallel_loop3A_533 = vector.broadcast %parallel_loop3A_532 : i1 to vector<16xi1>
        %parallel_loop3A_534 = vector.broadcast %parallel_loop3A_533 : vector<16xi1> to vector<16xi1>
        %parallel_loop3A_535 = arith.xori %parallel_loop3A_530, %parallel_loop3A_534 : vector<16xi1>
        %parallel_loop3A_536 = arith.andi %parallel_loop3A_535, %parallel_loop3A_527 : vector<16xi1>
        %parallel_loop3A_537 = vector.broadcast %parallel_loop3A_522 : i32 to vector<16xi32>
        %parallel_loop3A_538 = arith.addi %parallel_loop3A_524, %parallel_loop3A_537 : vector<16xi32>
        %parallel_loop3A_539 = arith.select %parallel_loop3A_536, %parallel_loop3A_538, %parallel_loop3A_524 : vector<16xi1>, vector<16xi32>
        tpu.vector_store_idx %arg16[%parallel_loop3A_517, %parallel_loop3A_539, %parallel_loop3A_359], %parallel_loop3A_486 : memref<8x8x129xf32, #tpu.memory_space<vmem>>[vector<16xi32>, vector<16xi32>, vector<16xi32>], vector<16xf32>,
        %parallel_loop3A_540 = tpu.iota {dimensions = array<i32: 0>} : vector<16xi32>
        %parallel_loop3A_541 = arith.constant 48 : i32
        %parallel_loop3A_542 = vector.broadcast %parallel_loop3A_541 : i32 to vector<16xi32>
        %parallel_loop3A_543 = arith.addi %parallel_loop3A_540, %parallel_loop3A_542 : vector<16xi32>
        %parallel_loop3A_544 = arith.index_cast %parallel_loop3A_355 : i32 to index
        %parallel_loop3A_545 = arith.constant 48 : index
        %parallel_loop3A_546 = tpu.vector_load %arg11[%parallel_loop3A_544, %parallel_loop3A_545] {strides = array<i32>} : memref<128x64xf32, #tpu.memory_space<vmem>>, vector<16xf32>,
        %parallel_loop3A_547 = arith.constant 8 : i32
        %parallel_loop3A_548 = vector.broadcast %parallel_loop3A_547 : i32 to vector<16xi32>
        %parallel_loop3A_549 = arith.divsi %parallel_loop3A_543, %parallel_loop3A_548 : vector<16xi32>
        %parallel_loop3A_550 = arith.constant 0 : i32
        %parallel_loop3A_551 = vector.broadcast %parallel_loop3A_550 : i32 to vector<16xi32>
        %parallel_loop3A_552 = arith.cmpi sgt, %parallel_loop3A_543, %parallel_loop3A_551 : vector<16xi32>
        %parallel_loop3A_553 = arith.extui %parallel_loop3A_552 : vector<16xi1> to vector<16xi32>
        %parallel_loop3A_554 = arith.constant 0 : i32
        %parallel_loop3A_555 = vector.broadcast %parallel_loop3A_554 : i32 to vector<16xi32>
        %parallel_loop3A_556 = arith.cmpi slt, %parallel_loop3A_543, %parallel_loop3A_555 : vector<16xi32>
        %parallel_loop3A_557 = arith.extui %parallel_loop3A_556 : vector<16xi1> to vector<16xi32>
        %parallel_loop3A_558 = arith.subi %parallel_loop3A_553, %parallel_loop3A_557 : vector<16xi32>
        %parallel_loop3A_559 = arith.constant 0 : i32
        %parallel_loop3A_560 = arith.cmpi sgt, %parallel_loop3A_547, %parallel_loop3A_559 : i32
        %parallel_loop3A_561 = arith.extui %parallel_loop3A_560 : i1 to i32
        %parallel_loop3A_562 = arith.constant 0 : i32
        %parallel_loop3A_563 = arith.cmpi slt, %parallel_loop3A_547, %parallel_loop3A_562 : i32
        %parallel_loop3A_564 = arith.extui %parallel_loop3A_563 : i1 to i32
        %parallel_loop3A_565 = arith.subi %parallel_loop3A_561, %parallel_loop3A_564 : i32
        %parallel_loop3A_566 = vector.broadcast %parallel_loop3A_565 : i32 to vector<16xi32>
        %parallel_loop3A_567 = arith.cmpi ne, %parallel_loop3A_558, %parallel_loop3A_566 : vector<16xi32>
        %parallel_loop3A_568 = vector.broadcast %parallel_loop3A_547 : i32 to vector<16xi32>
        %parallel_loop3A_569 = arith.remsi %parallel_loop3A_543, %parallel_loop3A_568 : vector<16xi32>
        %parallel_loop3A_570 = arith.constant 0 : i32
        %parallel_loop3A_571 = vector.broadcast %parallel_loop3A_570 : i32 to vector<16xi32>
        %parallel_loop3A_572 = arith.cmpi ne, %parallel_loop3A_569, %parallel_loop3A_571 : vector<16xi32>
        %parallel_loop3A_573 = arith.andi %parallel_loop3A_567, %parallel_loop3A_572 : vector<16xi1>
        %parallel_loop3A_574 = arith.constant 1 : i32
        %parallel_loop3A_575 = vector.broadcast %parallel_loop3A_574 : i32 to vector<16xi32>
        %parallel_loop3A_576 = arith.subi %parallel_loop3A_549, %parallel_loop3A_575 : vector<16xi32>
        %parallel_loop3A_577 = arith.select %parallel_loop3A_573, %parallel_loop3A_576, %parallel_loop3A_549 : vector<16xi1>, vector<16xi32>
        %parallel_loop3A_578 = arith.constant 8 : i32
        %parallel_loop3A_579 = arith.constant 0 : i32
        %parallel_loop3A_580 = arith.cmpi eq, %parallel_loop3A_578, %parallel_loop3A_579 : i32
        %parallel_loop3A_581 = arith.constant 1 : i32
        %parallel_loop3A_582 = arith.select %parallel_loop3A_580, %parallel_loop3A_581, %parallel_loop3A_578 : i32
        %parallel_loop3A_583 = vector.broadcast %parallel_loop3A_582 : i32 to vector<16xi32>
        %parallel_loop3A_584 = arith.remsi %parallel_loop3A_543, %parallel_loop3A_583 : vector<16xi32>
        %parallel_loop3A_585 = arith.constant 0 : i32
        %parallel_loop3A_586 = vector.broadcast %parallel_loop3A_585 : i32 to vector<16xi32>
        %parallel_loop3A_587 = arith.cmpi ne, %parallel_loop3A_584, %parallel_loop3A_586 : vector<16xi32>
        %parallel_loop3A_588 = arith.constant 0 : i32
        %parallel_loop3A_589 = vector.broadcast %parallel_loop3A_588 : i32 to vector<16xi32>
        %parallel_loop3A_590 = arith.cmpi slt, %parallel_loop3A_584, %parallel_loop3A_589 : vector<16xi32>
        %parallel_loop3A_591 = arith.constant 0 : i32
        %parallel_loop3A_592 = arith.cmpi slt, %parallel_loop3A_582, %parallel_loop3A_591 : i32
        %parallel_loop3A_593 = vector.broadcast %parallel_loop3A_592 : i1 to vector<16xi1>
        %parallel_loop3A_594 = vector.broadcast %parallel_loop3A_593 : vector<16xi1> to vector<16xi1>
        %parallel_loop3A_595 = arith.xori %parallel_loop3A_590, %parallel_loop3A_594 : vector<16xi1>
        %parallel_loop3A_596 = arith.andi %parallel_loop3A_595, %parallel_loop3A_587 : vector<16xi1>
        %parallel_loop3A_597 = vector.broadcast %parallel_loop3A_582 : i32 to vector<16xi32>
        %parallel_loop3A_598 = arith.addi %parallel_loop3A_584, %parallel_loop3A_597 : vector<16xi32>
        %parallel_loop3A_599 = arith.select %parallel_loop3A_596, %parallel_loop3A_598, %parallel_loop3A_584 : vector<16xi1>, vector<16xi32>
        tpu.vector_store_idx %arg16[%parallel_loop3A_577, %parallel_loop3A_599, %parallel_loop3A_359], %parallel_loop3A_546 : memref<8x8x129xf32, #tpu.memory_space<vmem>>[vector<16xi32>, vector<16xi32>, vector<16xi32>], vector<16xf32>,
        %parallel_loop3A_600 = arith.constant 1 : i32
        %parallel_loop3A_601 = arith.addi %parallel_loop3A_353, %parallel_loop3A_600 : i32
        %parallel_loop3A_602 = arith.constant 0 : i32
        %parallel_loop3A_603 = vector.broadcast %parallel_loop3A_602 : i32 to vector<16xi32>
        %parallel_loop3A_604 = vector.broadcast %parallel_loop3A_601 : i32 to vector<16xi32>
        %parallel_loop3A_605 = arith.addi %parallel_loop3A_603, %parallel_loop3A_604 : vector<16xi32>
        %parallel_loop3A_606 = tpu.iota {dimensions = array<i32: 0>} : vector<16xi32>
        %parallel_loop3A_607 = arith.constant 0 : i32
        %parallel_loop3A_608 = vector.broadcast %parallel_loop3A_607 : i32 to vector<16xi32>
        %parallel_loop3A_609 = arith.addi %parallel_loop3A_606, %parallel_loop3A_608 : vector<16xi32>
        %parallel_loop3A_610 = arith.index_cast %parallel_loop3A_601 : i32 to index
        %parallel_loop3A_611 = arith.constant 0 : index
        %parallel_loop3A_612 = tpu.vector_load %arg11[%parallel_loop3A_610, %parallel_loop3A_611] {strides = array<i32>} : memref<128x64xf32, #tpu.memory_space<vmem>>, vector<16xf32>,
        %parallel_loop3A_613 = arith.constant 8 : i32
        %parallel_loop3A_614 = vector.broadcast %parallel_loop3A_613 : i32 to vector<16xi32>
        %parallel_loop3A_615 = arith.divsi %parallel_loop3A_609, %parallel_loop3A_614 : vector<16xi32>
        %parallel_loop3A_616 = arith.constant 0 : i32
        %parallel_loop3A_617 = vector.broadcast %parallel_loop3A_616 : i32 to vector<16xi32>
        %parallel_loop3A_618 = arith.cmpi sgt, %parallel_loop3A_609, %parallel_loop3A_617 : vector<16xi32>
        %parallel_loop3A_619 = arith.extui %parallel_loop3A_618 : vector<16xi1> to vector<16xi32>
        %parallel_loop3A_620 = arith.constant 0 : i32
        %parallel_loop3A_621 = vector.broadcast %parallel_loop3A_620 : i32 to vector<16xi32>
        %parallel_loop3A_622 = arith.cmpi slt, %parallel_loop3A_609, %parallel_loop3A_621 : vector<16xi32>
        %parallel_loop3A_623 = arith.extui %parallel_loop3A_622 : vector<16xi1> to vector<16xi32>
        %parallel_loop3A_624 = arith.subi %parallel_loop3A_619, %parallel_loop3A_623 : vector<16xi32>
        %parallel_loop3A_625 = arith.constant 0 : i32
        %parallel_loop3A_626 = arith.cmpi sgt, %parallel_loop3A_613, %parallel_loop3A_625 : i32
        %parallel_loop3A_627 = arith.extui %parallel_loop3A_626 : i1 to i32
        %parallel_loop3A_628 = arith.constant 0 : i32
        %parallel_loop3A_629 = arith.cmpi slt, %parallel_loop3A_613, %parallel_loop3A_628 : i32
        %parallel_loop3A_630 = arith.extui %parallel_loop3A_629 : i1 to i32
        %parallel_loop3A_631 = arith.subi %parallel_loop3A_627, %parallel_loop3A_630 : i32
        %parallel_loop3A_632 = vector.broadcast %parallel_loop3A_631 : i32 to vector<16xi32>
        %parallel_loop3A_633 = arith.cmpi ne, %parallel_loop3A_624, %parallel_loop3A_632 : vector<16xi32>
        %parallel_loop3A_634 = vector.broadcast %parallel_loop3A_613 : i32 to vector<16xi32>
        %parallel_loop3A_635 = arith.remsi %parallel_loop3A_609, %parallel_loop3A_634 : vector<16xi32>
        %parallel_loop3A_636 = arith.constant 0 : i32
        %parallel_loop3A_637 = vector.broadcast %parallel_loop3A_636 : i32 to vector<16xi32>
        %parallel_loop3A_638 = arith.cmpi ne, %parallel_loop3A_635, %parallel_loop3A_637 : vector<16xi32>
        %parallel_loop3A_639 = arith.andi %parallel_loop3A_633, %parallel_loop3A_638 : vector<16xi1>
        %parallel_loop3A_640 = arith.constant 1 : i32
        %parallel_loop3A_641 = vector.broadcast %parallel_loop3A_640 : i32 to vector<16xi32>
        %parallel_loop3A_642 = arith.subi %parallel_loop3A_615, %parallel_loop3A_641 : vector<16xi32>
        %parallel_loop3A_643 = arith.select %parallel_loop3A_639, %parallel_loop3A_642, %parallel_loop3A_615 : vector<16xi1>, vector<16xi32>
        %parallel_loop3A_644 = arith.constant 8 : i32
        %parallel_loop3A_645 = arith.constant 0 : i32
        %parallel_loop3A_646 = arith.cmpi eq, %parallel_loop3A_644, %parallel_loop3A_645 : i32
        %parallel_loop3A_647 = arith.constant 1 : i32
        %parallel_loop3A_648 = arith.select %parallel_loop3A_646, %parallel_loop3A_647, %parallel_loop3A_644 : i32
        %parallel_loop3A_649 = vector.broadcast %parallel_loop3A_648 : i32 to vector<16xi32>
        %parallel_loop3A_650 = arith.remsi %parallel_loop3A_609, %parallel_loop3A_649 : vector<16xi32>
        %parallel_loop3A_651 = arith.constant 0 : i32
        %parallel_loop3A_652 = vector.broadcast %parallel_loop3A_651 : i32 to vector<16xi32>
        %parallel_loop3A_653 = arith.cmpi ne, %parallel_loop3A_650, %parallel_loop3A_652 : vector<16xi32>
        %parallel_loop3A_654 = arith.constant 0 : i32
        %parallel_loop3A_655 = vector.broadcast %parallel_loop3A_654 : i32 to vector<16xi32>
        %parallel_loop3A_656 = arith.cmpi slt, %parallel_loop3A_650, %parallel_loop3A_655 : vector<16xi32>
        %parallel_loop3A_657 = arith.constant 0 : i32
        %parallel_loop3A_658 = arith.cmpi slt, %parallel_loop3A_648, %parallel_loop3A_657 : i32
        %parallel_loop3A_659 = vector.broadcast %parallel_loop3A_658 : i1 to vector<16xi1>
        %parallel_loop3A_660 = vector.broadcast %parallel_loop3A_659 : vector<16xi1> to vector<16xi1>
        %parallel_loop3A_661 = arith.xori %parallel_loop3A_656, %parallel_loop3A_660 : vector<16xi1>
        %parallel_loop3A_662 = arith.andi %parallel_loop3A_661, %parallel_loop3A_653 : vector<16xi1>
        %parallel_loop3A_663 = vector.broadcast %parallel_loop3A_648 : i32 to vector<16xi32>
        %parallel_loop3A_664 = arith.addi %parallel_loop3A_650, %parallel_loop3A_663 : vector<16xi32>
        %parallel_loop3A_665 = arith.select %parallel_loop3A_662, %parallel_loop3A_664, %parallel_loop3A_650 : vector<16xi1>, vector<16xi32>
        tpu.vector_store_idx %arg16[%parallel_loop3A_643, %parallel_loop3A_665, %parallel_loop3A_605], %parallel_loop3A_612 : memref<8x8x129xf32, #tpu.memory_space<vmem>>[vector<16xi32>, vector<16xi32>, vector<16xi32>], vector<16xf32>,
        %parallel_loop3A_666 = tpu.iota {dimensions = array<i32: 0>} : vector<16xi32>
        %parallel_loop3A_667 = arith.constant 16 : i32
        %parallel_loop3A_668 = vector.broadcast %parallel_loop3A_667 : i32 to vector<16xi32>
        %parallel_loop3A_669 = arith.addi %parallel_loop3A_666, %parallel_loop3A_668 : vector<16xi32>
        %parallel_loop3A_670 = arith.index_cast %parallel_loop3A_601 : i32 to index
        %parallel_loop3A_671 = arith.constant 16 : index
        %parallel_loop3A_672 = tpu.vector_load %arg11[%parallel_loop3A_670, %parallel_loop3A_671] {strides = array<i32>} : memref<128x64xf32, #tpu.memory_space<vmem>>, vector<16xf32>,
        %parallel_loop3A_673 = arith.constant 8 : i32
        %parallel_loop3A_674 = vector.broadcast %parallel_loop3A_673 : i32 to vector<16xi32>
        %parallel_loop3A_675 = arith.divsi %parallel_loop3A_669, %parallel_loop3A_674 : vector<16xi32>
        %parallel_loop3A_676 = arith.constant 0 : i32
        %parallel_loop3A_677 = vector.broadcast %parallel_loop3A_676 : i32 to vector<16xi32>
        %parallel_loop3A_678 = arith.cmpi sgt, %parallel_loop3A_669, %parallel_loop3A_677 : vector<16xi32>
        %parallel_loop3A_679 = arith.extui %parallel_loop3A_678 : vector<16xi1> to vector<16xi32>
        %parallel_loop3A_680 = arith.constant 0 : i32
        %parallel_loop3A_681 = vector.broadcast %parallel_loop3A_680 : i32 to vector<16xi32>
        %parallel_loop3A_682 = arith.cmpi slt, %parallel_loop3A_669, %parallel_loop3A_681 : vector<16xi32>
        %parallel_loop3A_683 = arith.extui %parallel_loop3A_682 : vector<16xi1> to vector<16xi32>
        %parallel_loop3A_684 = arith.subi %parallel_loop3A_679, %parallel_loop3A_683 : vector<16xi32>
        %parallel_loop3A_685 = arith.constant 0 : i32
        %parallel_loop3A_686 = arith.cmpi sgt, %parallel_loop3A_673, %parallel_loop3A_685 : i32
        %parallel_loop3A_687 = arith.extui %parallel_loop3A_686 : i1 to i32
        %parallel_loop3A_688 = arith.constant 0 : i32
        %parallel_loop3A_689 = arith.cmpi slt, %parallel_loop3A_673, %parallel_loop3A_688 : i32
        %parallel_loop3A_690 = arith.extui %parallel_loop3A_689 : i1 to i32
        %parallel_loop3A_691 = arith.subi %parallel_loop3A_687, %parallel_loop3A_690 : i32
        %parallel_loop3A_692 = vector.broadcast %parallel_loop3A_691 : i32 to vector<16xi32>
        %parallel_loop3A_693 = arith.cmpi ne, %parallel_loop3A_684, %parallel_loop3A_692 : vector<16xi32>
        %parallel_loop3A_694 = vector.broadcast %parallel_loop3A_673 : i32 to vector<16xi32>
        %parallel_loop3A_695 = arith.remsi %parallel_loop3A_669, %parallel_loop3A_694 : vector<16xi32>
        %parallel_loop3A_696 = arith.constant 0 : i32
        %parallel_loop3A_697 = vector.broadcast %parallel_loop3A_696 : i32 to vector<16xi32>
        %parallel_loop3A_698 = arith.cmpi ne, %parallel_loop3A_695, %parallel_loop3A_697 : vector<16xi32>
        %parallel_loop3A_699 = arith.andi %parallel_loop3A_693, %parallel_loop3A_698 : vector<16xi1>
        %parallel_loop3A_700 = arith.constant 1 : i32
        %parallel_loop3A_701 = vector.broadcast %parallel_loop3A_700 : i32 to vector<16xi32>
        %parallel_loop3A_702 = arith.subi %parallel_loop3A_675, %parallel_loop3A_701 : vector<16xi32>
        %parallel_loop3A_703 = arith.select %parallel_loop3A_699, %parallel_loop3A_702, %parallel_loop3A_675 : vector<16xi1>, vector<16xi32>
        %parallel_loop3A_704 = arith.constant 8 : i32
        %parallel_loop3A_705 = arith.constant 0 : i32
        %parallel_loop3A_706 = arith.cmpi eq, %parallel_loop3A_704, %parallel_loop3A_705 : i32
        %parallel_loop3A_707 = arith.constant 1 : i32
        %parallel_loop3A_708 = arith.select %parallel_loop3A_706, %parallel_loop3A_707, %parallel_loop3A_704 : i32
        %parallel_loop3A_709 = vector.broadcast %parallel_loop3A_708 : i32 to vector<16xi32>
        %parallel_loop3A_710 = arith.remsi %parallel_loop3A_669, %parallel_loop3A_709 : vector<16xi32>
        %parallel_loop3A_711 = arith.constant 0 : i32
        %parallel_loop3A_712 = vector.broadcast %parallel_loop3A_711 : i32 to vector<16xi32>
        %parallel_loop3A_713 = arith.cmpi ne, %parallel_loop3A_710, %parallel_loop3A_712 : vector<16xi32>
        %parallel_loop3A_714 = arith.constant 0 : i32
        %parallel_loop3A_715 = vector.broadcast %parallel_loop3A_714 : i32 to vector<16xi32>
        %parallel_loop3A_716 = arith.cmpi slt, %parallel_loop3A_710, %parallel_loop3A_715 : vector<16xi32>
        %parallel_loop3A_717 = arith.constant 0 : i32
        %parallel_loop3A_718 = arith.cmpi slt, %parallel_loop3A_708, %parallel_loop3A_717 : i32
        %parallel_loop3A_719 = vector.broadcast %parallel_loop3A_718 : i1 to vector<16xi1>
        %parallel_loop3A_720 = vector.broadcast %parallel_loop3A_719 : vector<16xi1> to vector<16xi1>
        %parallel_loop3A_721 = arith.xori %parallel_loop3A_716, %parallel_loop3A_720 : vector<16xi1>
        %parallel_loop3A_722 = arith.andi %parallel_loop3A_721, %parallel_loop3A_713 : vector<16xi1>
        %parallel_loop3A_723 = vector.broadcast %parallel_loop3A_708 : i32 to vector<16xi32>
        %parallel_loop3A_724 = arith.addi %parallel_loop3A_710, %parallel_loop3A_723 : vector<16xi32>
        %parallel_loop3A_725 = arith.select %parallel_loop3A_722, %parallel_loop3A_724, %parallel_loop3A_710 : vector<16xi1>, vector<16xi32>
        tpu.vector_store_idx %arg16[%parallel_loop3A_703, %parallel_loop3A_725, %parallel_loop3A_605], %parallel_loop3A_672 : memref<8x8x129xf32, #tpu.memory_space<vmem>>[vector<16xi32>, vector<16xi32>, vector<16xi32>], vector<16xf32>,
        %parallel_loop3A_726 = tpu.iota {dimensions = array<i32: 0>} : vector<16xi32>
        %parallel_loop3A_727 = arith.constant 32 : i32
        %parallel_loop3A_728 = vector.broadcast %parallel_loop3A_727 : i32 to vector<16xi32>
        %parallel_loop3A_729 = arith.addi %parallel_loop3A_726, %parallel_loop3A_728 : vector<16xi32>
        %parallel_loop3A_730 = arith.index_cast %parallel_loop3A_601 : i32 to index
        %parallel_loop3A_731 = arith.constant 32 : index
        %parallel_loop3A_732 = tpu.vector_load %arg11[%parallel_loop3A_730, %parallel_loop3A_731] {strides = array<i32>} : memref<128x64xf32, #tpu.memory_space<vmem>>, vector<16xf32>,
        %parallel_loop3A_733 = arith.constant 8 : i32
        %parallel_loop3A_734 = vector.broadcast %parallel_loop3A_733 : i32 to vector<16xi32>
        %parallel_loop3A_735 = arith.divsi %parallel_loop3A_729, %parallel_loop3A_734 : vector<16xi32>
        %parallel_loop3A_736 = arith.constant 0 : i32
        %parallel_loop3A_737 = vector.broadcast %parallel_loop3A_736 : i32 to vector<16xi32>
        %parallel_loop3A_738 = arith.cmpi sgt, %parallel_loop3A_729, %parallel_loop3A_737 : vector<16xi32>
        %parallel_loop3A_739 = arith.extui %parallel_loop3A_738 : vector<16xi1> to vector<16xi32>
        %parallel_loop3A_740 = arith.constant 0 : i32
        %parallel_loop3A_741 = vector.broadcast %parallel_loop3A_740 : i32 to vector<16xi32>
        %parallel_loop3A_742 = arith.cmpi slt, %parallel_loop3A_729, %parallel_loop3A_741 : vector<16xi32>
        %parallel_loop3A_743 = arith.extui %parallel_loop3A_742 : vector<16xi1> to vector<16xi32>
        %parallel_loop3A_744 = arith.subi %parallel_loop3A_739, %parallel_loop3A_743 : vector<16xi32>
        %parallel_loop3A_745 = arith.constant 0 : i32
        %parallel_loop3A_746 = arith.cmpi sgt, %parallel_loop3A_733, %parallel_loop3A_745 : i32
        %parallel_loop3A_747 = arith.extui %parallel_loop3A_746 : i1 to i32
        %parallel_loop3A_748 = arith.constant 0 : i32
        %parallel_loop3A_749 = arith.cmpi slt, %parallel_loop3A_733, %parallel_loop3A_748 : i32
        %parallel_loop3A_750 = arith.extui %parallel_loop3A_749 : i1 to i32
        %parallel_loop3A_751 = arith.subi %parallel_loop3A_747, %parallel_loop3A_750 : i32
        %parallel_loop3A_752 = vector.broadcast %parallel_loop3A_751 : i32 to vector<16xi32>
        %parallel_loop3A_753 = arith.cmpi ne, %parallel_loop3A_744, %parallel_loop3A_752 : vector<16xi32>
        %parallel_loop3A_754 = vector.broadcast %parallel_loop3A_733 : i32 to vector<16xi32>
        %parallel_loop3A_755 = arith.remsi %parallel_loop3A_729, %parallel_loop3A_754 : vector<16xi32>
        %parallel_loop3A_756 = arith.constant 0 : i32
        %parallel_loop3A_757 = vector.broadcast %parallel_loop3A_756 : i32 to vector<16xi32>
        %parallel_loop3A_758 = arith.cmpi ne, %parallel_loop3A_755, %parallel_loop3A_757 : vector<16xi32>
        %parallel_loop3A_759 = arith.andi %parallel_loop3A_753, %parallel_loop3A_758 : vector<16xi1>
        %parallel_loop3A_760 = arith.constant 1 : i32
        %parallel_loop3A_761 = vector.broadcast %parallel_loop3A_760 : i32 to vector<16xi32>
        %parallel_loop3A_762 = arith.subi %parallel_loop3A_735, %parallel_loop3A_761 : vector<16xi32>
        %parallel_loop3A_763 = arith.select %parallel_loop3A_759, %parallel_loop3A_762, %parallel_loop3A_735 : vector<16xi1>, vector<16xi32>
        %parallel_loop3A_764 = arith.constant 8 : i32
        %parallel_loop3A_765 = arith.constant 0 : i32
        %parallel_loop3A_766 = arith.cmpi eq, %parallel_loop3A_764, %parallel_loop3A_765 : i32
        %parallel_loop3A_767 = arith.constant 1 : i32
        %parallel_loop3A_768 = arith.select %parallel_loop3A_766, %parallel_loop3A_767, %parallel_loop3A_764 : i32
        %parallel_loop3A_769 = vector.broadcast %parallel_loop3A_768 : i32 to vector<16xi32>
        %parallel_loop3A_770 = arith.remsi %parallel_loop3A_729, %parallel_loop3A_769 : vector<16xi32>
        %parallel_loop3A_771 = arith.constant 0 : i32
        %parallel_loop3A_772 = vector.broadcast %parallel_loop3A_771 : i32 to vector<16xi32>
        %parallel_loop3A_773 = arith.cmpi ne, %parallel_loop3A_770, %parallel_loop3A_772 : vector<16xi32>
        %parallel_loop3A_774 = arith.constant 0 : i32
        %parallel_loop3A_775 = vector.broadcast %parallel_loop3A_774 : i32 to vector<16xi32>
        %parallel_loop3A_776 = arith.cmpi slt, %parallel_loop3A_770, %parallel_loop3A_775 : vector<16xi32>
        %parallel_loop3A_777 = arith.constant 0 : i32
        %parallel_loop3A_778 = arith.cmpi slt, %parallel_loop3A_768, %parallel_loop3A_777 : i32
        %parallel_loop3A_779 = vector.broadcast %parallel_loop3A_778 : i1 to vector<16xi1>
        %parallel_loop3A_780 = vector.broadcast %parallel_loop3A_779 : vector<16xi1> to vector<16xi1>
        %parallel_loop3A_781 = arith.xori %parallel_loop3A_776, %parallel_loop3A_780 : vector<16xi1>
        %parallel_loop3A_782 = arith.andi %parallel_loop3A_781, %parallel_loop3A_773 : vector<16xi1>
        %parallel_loop3A_783 = vector.broadcast %parallel_loop3A_768 : i32 to vector<16xi32>
        %parallel_loop3A_784 = arith.addi %parallel_loop3A_770, %parallel_loop3A_783 : vector<16xi32>
        %parallel_loop3A_785 = arith.select %parallel_loop3A_782, %parallel_loop3A_784, %parallel_loop3A_770 : vector<16xi1>, vector<16xi32>
        tpu.vector_store_idx %arg16[%parallel_loop3A_763, %parallel_loop3A_785, %parallel_loop3A_605], %parallel_loop3A_732 : memref<8x8x129xf32, #tpu.memory_space<vmem>>[vector<16xi32>, vector<16xi32>, vector<16xi32>], vector<16xf32>,
        %parallel_loop3A_786 = tpu.iota {dimensions = array<i32: 0>} : vector<16xi32>
        %parallel_loop3A_787 = arith.constant 48 : i32
        %parallel_loop3A_788 = vector.broadcast %parallel_loop3A_787 : i32 to vector<16xi32>
        %parallel_loop3A_789 = arith.addi %parallel_loop3A_786, %parallel_loop3A_788 : vector<16xi32>
        %parallel_loop3A_790 = arith.index_cast %parallel_loop3A_601 : i32 to index
        %parallel_loop3A_791 = arith.constant 48 : index
        %parallel_loop3A_792 = tpu.vector_load %arg11[%parallel_loop3A_790, %parallel_loop3A_791] {strides = array<i32>} : memref<128x64xf32, #tpu.memory_space<vmem>>, vector<16xf32>,
        %parallel_loop3A_793 = arith.constant 8 : i32
        %parallel_loop3A_794 = vector.broadcast %parallel_loop3A_793 : i32 to vector<16xi32>
        %parallel_loop3A_795 = arith.divsi %parallel_loop3A_789, %parallel_loop3A_794 : vector<16xi32>
        %parallel_loop3A_796 = arith.constant 0 : i32
        %parallel_loop3A_797 = vector.broadcast %parallel_loop3A_796 : i32 to vector<16xi32>
        %parallel_loop3A_798 = arith.cmpi sgt, %parallel_loop3A_789, %parallel_loop3A_797 : vector<16xi32>
        %parallel_loop3A_799 = arith.extui %parallel_loop3A_798 : vector<16xi1> to vector<16xi32>
        %parallel_loop3A_800 = arith.constant 0 : i32
        %parallel_loop3A_801 = vector.broadcast %parallel_loop3A_800 : i32 to vector<16xi32>
        %parallel_loop3A_802 = arith.cmpi slt, %parallel_loop3A_789, %parallel_loop3A_801 : vector<16xi32>
        %parallel_loop3A_803 = arith.extui %parallel_loop3A_802 : vector<16xi1> to vector<16xi32>
        %parallel_loop3A_804 = arith.subi %parallel_loop3A_799, %parallel_loop3A_803 : vector<16xi32>
        %parallel_loop3A_805 = arith.constant 0 : i32
        %parallel_loop3A_806 = arith.cmpi sgt, %parallel_loop3A_793, %parallel_loop3A_805 : i32
        %parallel_loop3A_807 = arith.extui %parallel_loop3A_806 : i1 to i32
        %parallel_loop3A_808 = arith.constant 0 : i32
        %parallel_loop3A_809 = arith.cmpi slt, %parallel_loop3A_793, %parallel_loop3A_808 : i32
        %parallel_loop3A_810 = arith.extui %parallel_loop3A_809 : i1 to i32
        %parallel_loop3A_811 = arith.subi %parallel_loop3A_807, %parallel_loop3A_810 : i32
        %parallel_loop3A_812 = vector.broadcast %parallel_loop3A_811 : i32 to vector<16xi32>
        %parallel_loop3A_813 = arith.cmpi ne, %parallel_loop3A_804, %parallel_loop3A_812 : vector<16xi32>
        %parallel_loop3A_814 = vector.broadcast %parallel_loop3A_793 : i32 to vector<16xi32>
        %parallel_loop3A_815 = arith.remsi %parallel_loop3A_789, %parallel_loop3A_814 : vector<16xi32>
        %parallel_loop3A_816 = arith.constant 0 : i32
        %parallel_loop3A_817 = vector.broadcast %parallel_loop3A_816 : i32 to vector<16xi32>
        %parallel_loop3A_818 = arith.cmpi ne, %parallel_loop3A_815, %parallel_loop3A_817 : vector<16xi32>
        %parallel_loop3A_819 = arith.andi %parallel_loop3A_813, %parallel_loop3A_818 : vector<16xi1>
        %parallel_loop3A_820 = arith.constant 1 : i32
        %parallel_loop3A_821 = vector.broadcast %parallel_loop3A_820 : i32 to vector<16xi32>
        %parallel_loop3A_822 = arith.subi %parallel_loop3A_795, %parallel_loop3A_821 : vector<16xi32>
        %parallel_loop3A_823 = arith.select %parallel_loop3A_819, %parallel_loop3A_822, %parallel_loop3A_795 : vector<16xi1>, vector<16xi32>
        %parallel_loop3A_824 = arith.constant 8 : i32
        %parallel_loop3A_825 = arith.constant 0 : i32
        %parallel_loop3A_826 = arith.cmpi eq, %parallel_loop3A_824, %parallel_loop3A_825 : i32
        %parallel_loop3A_827 = arith.constant 1 : i32
        %parallel_loop3A_828 = arith.select %parallel_loop3A_826, %parallel_loop3A_827, %parallel_loop3A_824 : i32
        %parallel_loop3A_829 = vector.broadcast %parallel_loop3A_828 : i32 to vector<16xi32>
        %parallel_loop3A_830 = arith.remsi %parallel_loop3A_789, %parallel_loop3A_829 : vector<16xi32>
        %parallel_loop3A_831 = arith.constant 0 : i32
        %parallel_loop3A_832 = vector.broadcast %parallel_loop3A_831 : i32 to vector<16xi32>
        %parallel_loop3A_833 = arith.cmpi ne, %parallel_loop3A_830, %parallel_loop3A_832 : vector<16xi32>
        %parallel_loop3A_834 = arith.constant 0 : i32
        %parallel_loop3A_835 = vector.broadcast %parallel_loop3A_834 : i32 to vector<16xi32>
        %parallel_loop3A_836 = arith.cmpi slt, %parallel_loop3A_830, %parallel_loop3A_835 : vector<16xi32>
        %parallel_loop3A_837 = arith.constant 0 : i32
        %parallel_loop3A_838 = arith.cmpi slt, %parallel_loop3A_828, %parallel_loop3A_837 : i32
        %parallel_loop3A_839 = vector.broadcast %parallel_loop3A_838 : i1 to vector<16xi1>
        %parallel_loop3A_840 = vector.broadcast %parallel_loop3A_839 : vector<16xi1> to vector<16xi1>
        %parallel_loop3A_841 = arith.xori %parallel_loop3A_836, %parallel_loop3A_840 : vector<16xi1>
        %parallel_loop3A_842 = arith.andi %parallel_loop3A_841, %parallel_loop3A_833 : vector<16xi1>
        %parallel_loop3A_843 = vector.broadcast %parallel_loop3A_828 : i32 to vector<16xi32>
        %parallel_loop3A_844 = arith.addi %parallel_loop3A_830, %parallel_loop3A_843 : vector<16xi32>
        %parallel_loop3A_845 = arith.select %parallel_loop3A_842, %parallel_loop3A_844, %parallel_loop3A_830 : vector<16xi1>, vector<16xi32>
        tpu.vector_store_idx %arg16[%parallel_loop3A_823, %parallel_loop3A_845, %parallel_loop3A_605], %parallel_loop3A_792 : memref<8x8x129xf32, #tpu.memory_space<vmem>>[vector<16xi32>, vector<16xi32>, vector<16xi32>], vector<16xf32>,
      } {sc.loop_unroll_factor = 1 : i64, sc.parallel_access}
      %dma_start3A_335 = arith.constant 0 : i32
      %dma_start3A_336 = arith.constant 0 : i32
      %dma_start3A_337 = arith.constant 0 : i32
      %dma_start3A_338 = tpu.memref_slice %arg16[%dma_start3A_335, %dma_start3A_336, %dma_start3A_337] : memref<8x8x129xf32, #tpu.memory_space<vmem>> -> memref<8x8x128xf32, #tpu.memory_space<vmem>>
      %dma_start3A_339 = arith.constant 0 : i32
      %dma_start3A_340 = arith.constant 0 : i32
      %dma_start3A_341 = arith.constant 0 : i32
      %dma_start3A_342 = tpu.memref_slice %arg4[%add3A_312, %dma_start3A_339, %add3A, %dma_start3A_340, %dma_start3A_341] : memref<50x8x32x8x128xf32, #tpu.memory_space<hbm>> -> memref<1x8x1x8x128xf32, #tpu.memory_space<hbm>>
      %dma_start3A_343 = tpu.memref_squeeze %dma_start3A_342 : memref<1x8x1x8x128xf32, #tpu.memory_space<hbm>> -> memref<8x8x128xf32, #tpu.memory_space<hbm>>
      %dma_start3A_344 = arith.constant 0 : i32
      %dma_start3A_345 = arith.constant 0 : i32
      %dma_start3A_346 = arith.constant 0 : i32
      %dma_start3A_347 = tpu.memref_slice %arg4[%add3A_312, %dma_start3A_344, %add3A, %dma_start3A_345, %dma_start3A_346] : memref<50x8x32x8x128xf32, #tpu.memory_space<hbm>> -> memref<1x8x1x8x128xf32, #tpu.memory_space<hbm>>
      %dma_start3A_348 = tpu.memref_squeeze %dma_start3A_347 : memref<1x8x1x8x128xf32, #tpu.memory_space<hbm>> -> memref<8x8x128xf32, #tpu.memory_space<hbm>>
      %dma_start3A_349 = arith.constant 0 : i32
      %dma_start3A_350 = arith.constant 0 : i32
      %dma_start3A_351 = arith.constant 0 : i32
      %dma_start3A_352 = tpu.memref_slice %arg16[%dma_start3A_349, %dma_start3A_350, %dma_start3A_351] : memref<8x8x129xf32, #tpu.memory_space<vmem>> -> memref<8x8x128xf32, #tpu.memory_space<vmem>>
      tpu.enqueue_dma source(%dma_start3A_352 : memref<8x8x128xf32, #tpu.memory_space<vmem>>) target(%dma_start3A_348 : memref<8x8x128xf32, #tpu.memory_space<hbm>>) target_semaphore(%arg26 : memref<!tpu.dma_semaphore, #tpu.memory_space<semaphore_mem>>)
    }
    %scan3A_38 = arith.constant 10 : i32
    %dma_wait3A = arith.constant 0 : i32
    %dma_wait3A_39 = arith.constant 0 : i32
    %dma_wait3A_40 = arith.constant 0 : i32
    %dma_wait3A_41 = arith.constant 0 : i32
    %dma_wait3A_42 = tpu.memref_slice %arg12[%dma_wait3A_39, %dma_wait3A_40, %dma_wait3A_41] : memref<8x8x129xf32, #tpu.memory_space<vmem>> -> memref<8x8x128xf32, #tpu.memory_space<vmem>>
    %dma_wait3A_43 = arith.constant 0 : i32
    %dma_wait3A_44 = arith.constant 0 : i32
    %dma_wait3A_45 = arith.constant 0 : i32
    %dma_wait3A_46 = tpu.memref_slice %arg4[%dma_wait3A, %dma_wait3A_43, %add3A, %dma_wait3A_44, %dma_wait3A_45] : memref<50x8x32x8x128xf32, #tpu.memory_space<hbm>> -> memref<1x8x1x8x128xf32, #tpu.memory_space<hbm>>
    %dma_wait3A_47 = tpu.memref_squeeze %dma_wait3A_46 : memref<1x8x1x8x128xf32, #tpu.memory_space<hbm>> -> memref<8x8x128xf32, #tpu.memory_space<hbm>>
    %dma_wait3A_48 = arith.constant 0 : i32
    %dma_wait3A_49 = arith.constant 0 : i32
    %dma_wait3A_50 = arith.constant 0 : i32
    %dma_wait3A_51 = tpu.memref_slice %arg4[%dma_wait3A, %dma_wait3A_48, %add3A, %dma_wait3A_49, %dma_wait3A_50] : memref<50x8x32x8x128xf32, #tpu.memory_space<hbm>> -> memref<1x8x1x8x128xf32, #tpu.memory_space<hbm>>
    %dma_wait3A_52 = tpu.memref_squeeze %dma_wait3A_51 : memref<1x8x1x8x128xf32, #tpu.memory_space<hbm>> -> memref<8x8x128xf32, #tpu.memory_space<hbm>>
    %dma_wait3A_53 = arith.constant 0 : i32
    %dma_wait3A_54 = arith.constant 0 : i32
    %dma_wait3A_55 = arith.constant 0 : i32
    %dma_wait3A_56 = tpu.memref_slice %arg12[%dma_wait3A_53, %dma_wait3A_54, %dma_wait3A_55] : memref<8x8x129xf32, #tpu.memory_space<vmem>> -> memref<8x8x128xf32, #tpu.memory_space<vmem>>
    tpu.wait_dma2 semaphore(%arg22 : memref<!tpu.dma_semaphore, #tpu.memory_space<semaphore_mem>>) src(%dma_wait3A_56 : memref<8x8x128xf32, #tpu.memory_space<vmem>>) dst(%dma_wait3A_52 : memref<8x8x128xf32, #tpu.memory_space<hbm>>)
    %dma_wait3A_57 = arith.constant 0 : i32
    %dma_wait3A_58 = arith.constant 0 : i32
    %dma_wait3A_59 = arith.constant 0 : i32
    %dma_wait3A_60 = arith.constant 0 : i32
    %dma_wait3A_61 = tpu.memref_slice %arg13[%dma_wait3A_58, %dma_wait3A_59, %dma_wait3A_60] : memref<8x8x129xf32, #tpu.memory_space<vmem>> -> memref<8x8x128xf32, #tpu.memory_space<vmem>>
    %dma_wait3A_62 = arith.constant 0 : i32
    %dma_wait3A_63 = arith.constant 0 : i32
    %dma_wait3A_64 = arith.constant 0 : i32
    %dma_wait3A_65 = tpu.memref_slice %arg4[%dma_wait3A_57, %dma_wait3A_62, %add3A, %dma_wait3A_63, %dma_wait3A_64] : memref<50x8x32x8x128xf32, #tpu.memory_space<hbm>> -> memref<1x8x1x8x128xf32, #tpu.memory_space<hbm>>
    %dma_wait3A_66 = tpu.memref_squeeze %dma_wait3A_65 : memref<1x8x1x8x128xf32, #tpu.memory_space<hbm>> -> memref<8x8x128xf32, #tpu.memory_space<hbm>>
    %dma_wait3A_67 = arith.constant 0 : i32
    %dma_wait3A_68 = arith.constant 0 : i32
    %dma_wait3A_69 = arith.constant 0 : i32
    %dma_wait3A_70 = tpu.memref_slice %arg4[%dma_wait3A_57, %dma_wait3A_67, %add3A, %dma_wait3A_68, %dma_wait3A_69] : memref<50x8x32x8x128xf32, #tpu.memory_space<hbm>> -> memref<1x8x1x8x128xf32, #tpu.memory_space<hbm>>
    %dma_wait3A_71 = tpu.memref_squeeze %dma_wait3A_70 : memref<1x8x1x8x128xf32, #tpu.memory_space<hbm>> -> memref<8x8x128xf32, #tpu.memory_space<hbm>>
    %dma_wait3A_72 = arith.constant 0 : i32
    %dma_wait3A_73 = arith.constant 0 : i32
    %dma_wait3A_74 = arith.constant 0 : i32
    %dma_wait3A_75 = tpu.memref_slice %arg13[%dma_wait3A_72, %dma_wait3A_73, %dma_wait3A_74] : memref<8x8x129xf32, #tpu.memory_space<vmem>> -> memref<8x8x128xf32, #tpu.memory_space<vmem>>
    tpu.wait_dma2 semaphore(%arg23 : memref<!tpu.dma_semaphore, #tpu.memory_space<semaphore_mem>>) src(%dma_wait3A_75 : memref<8x8x128xf32, #tpu.memory_space<vmem>>) dst(%dma_wait3A_71 : memref<8x8x128xf32, #tpu.memory_space<hbm>>)
    %dma_wait3A_76 = arith.constant 0 : i32
    %dma_wait3A_77 = arith.constant 0 : i32
    %dma_wait3A_78 = arith.constant 0 : i32
    %dma_wait3A_79 = arith.constant 0 : i32
    %dma_wait3A_80 = tpu.memref_slice %arg14[%dma_wait3A_77, %dma_wait3A_78, %dma_wait3A_79] : memref<8x8x129xf32, #tpu.memory_space<vmem>> -> memref<8x8x128xf32, #tpu.memory_space<vmem>>
    %dma_wait3A_81 = arith.constant 0 : i32
    %dma_wait3A_82 = arith.constant 0 : i32
    %dma_wait3A_83 = arith.constant 0 : i32
    %dma_wait3A_84 = tpu.memref_slice %arg4[%dma_wait3A_76, %dma_wait3A_81, %add3A, %dma_wait3A_82, %dma_wait3A_83] : memref<50x8x32x8x128xf32, #tpu.memory_space<hbm>> -> memref<1x8x1x8x128xf32, #tpu.memory_space<hbm>>
    %dma_wait3A_85 = tpu.memref_squeeze %dma_wait3A_84 : memref<1x8x1x8x128xf32, #tpu.memory_space<hbm>> -> memref<8x8x128xf32, #tpu.memory_space<hbm>>
    %dma_wait3A_86 = arith.constant 0 : i32
    %dma_wait3A_87 = arith.constant 0 : i32
    %dma_wait3A_88 = arith.constant 0 : i32
    %dma_wait3A_89 = tpu.memref_slice %arg4[%dma_wait3A_76, %dma_wait3A_86, %add3A, %dma_wait3A_87, %dma_wait3A_88] : memref<50x8x32x8x128xf32, #tpu.memory_space<hbm>> -> memref<1x8x1x8x128xf32, #tpu.memory_space<hbm>>
    %dma_wait3A_90 = tpu.memref_squeeze %dma_wait3A_89 : memref<1x8x1x8x128xf32, #tpu.memory_space<hbm>> -> memref<8x8x128xf32, #tpu.memory_space<hbm>>
    %dma_wait3A_91 = arith.constant 0 : i32
    %dma_wait3A_92 = arith.constant 0 : i32
    %dma_wait3A_93 = arith.constant 0 : i32
    %dma_wait3A_94 = tpu.memref_slice %arg14[%dma_wait3A_91, %dma_wait3A_92, %dma_wait3A_93] : memref<8x8x129xf32, #tpu.memory_space<vmem>> -> memref<8x8x128xf32, #tpu.memory_space<vmem>>
    tpu.wait_dma2 semaphore(%arg24 : memref<!tpu.dma_semaphore, #tpu.memory_space<semaphore_mem>>) src(%dma_wait3A_94 : memref<8x8x128xf32, #tpu.memory_space<vmem>>) dst(%dma_wait3A_90 : memref<8x8x128xf32, #tpu.memory_space<hbm>>)
    %dma_wait3A_95 = arith.constant 0 : i32
    %dma_wait3A_96 = arith.constant 0 : i32
    %dma_wait3A_97 = arith.constant 0 : i32
    %dma_wait3A_98 = arith.constant 0 : i32
    %dma_wait3A_99 = tpu.memref_slice %arg15[%dma_wait3A_96, %dma_wait3A_97, %dma_wait3A_98] : memref<8x8x129xf32, #tpu.memory_space<vmem>> -> memref<8x8x128xf32, #tpu.memory_space<vmem>>
    %dma_wait3A_100 = arith.constant 0 : i32
    %dma_wait3A_101 = arith.constant 0 : i32
    %dma_wait3A_102 = arith.constant 0 : i32
    %dma_wait3A_103 = tpu.memref_slice %arg4[%dma_wait3A_95, %dma_wait3A_100, %add3A, %dma_wait3A_101, %dma_wait3A_102] : memref<50x8x32x8x128xf32, #tpu.memory_space<hbm>> -> memref<1x8x1x8x128xf32, #tpu.memory_space<hbm>>
    %dma_wait3A_104 = tpu.memref_squeeze %dma_wait3A_103 : memref<1x8x1x8x128xf32, #tpu.memory_space<hbm>> -> memref<8x8x128xf32, #tpu.memory_space<hbm>>
    %dma_wait3A_105 = arith.constant 0 : i32
    %dma_wait3A_106 = arith.constant 0 : i32
    %dma_wait3A_107 = arith.constant 0 : i32
    %dma_wait3A_108 = tpu.memref_slice %arg4[%dma_wait3A_95, %dma_wait3A_105, %add3A, %dma_wait3A_106, %dma_wait3A_107] : memref<50x8x32x8x128xf32, #tpu.memory_space<hbm>> -> memref<1x8x1x8x128xf32, #tpu.memory_space<hbm>>
    %dma_wait3A_109 = tpu.memref_squeeze %dma_wait3A_108 : memref<1x8x1x8x128xf32, #tpu.memory_space<hbm>> -> memref<8x8x128xf32, #tpu.memory_space<hbm>>
    %dma_wait3A_110 = arith.constant 0 : i32
    %dma_wait3A_111 = arith.constant 0 : i32
    %dma_wait3A_112 = arith.constant 0 : i32
    %dma_wait3A_113 = tpu.memref_slice %arg15[%dma_wait3A_110, %dma_wait3A_111, %dma_wait3A_112] : memref<8x8x129xf32, #tpu.memory_space<vmem>> -> memref<8x8x128xf32, #tpu.memory_space<vmem>>
    tpu.wait_dma2 semaphore(%arg25 : memref<!tpu.dma_semaphore, #tpu.memory_space<semaphore_mem>>) src(%dma_wait3A_113 : memref<8x8x128xf32, #tpu.memory_space<vmem>>) dst(%dma_wait3A_109 : memref<8x8x128xf32, #tpu.memory_space<hbm>>)
    %dma_wait3A_114 = arith.constant 0 : i32
    %dma_wait3A_115 = arith.constant 0 : i32
    %dma_wait3A_116 = arith.constant 0 : i32
    %dma_wait3A_117 = arith.constant 0 : i32
    %dma_wait3A_118 = tpu.memref_slice %arg16[%dma_wait3A_115, %dma_wait3A_116, %dma_wait3A_117] : memref<8x8x129xf32, #tpu.memory_space<vmem>> -> memref<8x8x128xf32, #tpu.memory_space<vmem>>
    %dma_wait3A_119 = arith.constant 0 : i32
    %dma_wait3A_120 = arith.constant 0 : i32
    %dma_wait3A_121 = arith.constant 0 : i32
    %dma_wait3A_122 = tpu.memref_slice %arg4[%dma_wait3A_114, %dma_wait3A_119, %add3A, %dma_wait3A_120, %dma_wait3A_121] : memref<50x8x32x8x128xf32, #tpu.memory_space<hbm>> -> memref<1x8x1x8x128xf32, #tpu.memory_space<hbm>>
    %dma_wait3A_123 = tpu.memref_squeeze %dma_wait3A_122 : memref<1x8x1x8x128xf32, #tpu.memory_space<hbm>> -> memref<8x8x128xf32, #tpu.memory_space<hbm>>
    %dma_wait3A_124 = arith.constant 0 : i32
    %dma_wait3A_125 = arith.constant 0 : i32
    %dma_wait3A_126 = arith.constant 0 : i32
    %dma_wait3A_127 = tpu.memref_slice %arg4[%dma_wait3A_114, %dma_wait3A_124, %add3A, %dma_wait3A_125, %dma_wait3A_126] : memref<50x8x32x8x128xf32, #tpu.memory_space<hbm>> -> memref<1x8x1x8x128xf32, #tpu.memory_space<hbm>>
    %dma_wait3A_128 = tpu.memref_squeeze %dma_wait3A_127 : memref<1x8x1x8x128xf32, #tpu.memory_space<hbm>> -> memref<8x8x128xf32, #tpu.memory_space<hbm>>
    %dma_wait3A_129 = arith.constant 0 : i32
    %dma_wait3A_130 = arith.constant 0 : i32
    %dma_wait3A_131 = arith.constant 0 : i32
    %dma_wait3A_132 = tpu.memref_slice %arg16[%dma_wait3A_129, %dma_wait3A_130, %dma_wait3A_131] : memref<8x8x129xf32, #tpu.memory_space<vmem>> -> memref<8x8x128xf32, #tpu.memory_space<vmem>>
    tpu.wait_dma2 semaphore(%arg26 : memref<!tpu.dma_semaphore, #tpu.memory_space<semaphore_mem>>) src(%dma_wait3A_132 : memref<8x8x128xf32, #tpu.memory_space<vmem>>) dst(%dma_wait3A_128 : memref<8x8x128xf32, #tpu.memory_space<hbm>>)
    return
  }
}

</mosaic_0001>

<sc_bundles>
// kernel: emb_gather.3.cloned.1.call-start
scs
__scs_entry_jumppad:
0x0: {  	(pc) =	sbr.rel $0x88, $3  }
0x1: {  	(tag) =	ssettag $0x0;
	lr =	simm.s32 $0x1  }
0x2: {  	[smem:$0x3F9F] =	sst lr;
	_ =	strace $0xD0000000  }
0x3: {  	_ = 	snop  }
0x4: {  	_ = 	snop  }
0x5: {  	_ = 	snop  }
0x6: {  	_ = 	snop  }
0x7: {  	_ = 	snop  }
__scs_overlays_trampoline_lowered:
0x8: {  	[smem:$0x3FAE] =	sst s0  }
0x9: {  	[smem:$0x3FAF] =	sst s1  }
0xa: {  	[smem:$0x3FB0] =	sst s2  }
0xb: {  	[smem:$0x3FB1] =	sst s3  }
0xc: {  	[smem:$0x3FB2] =	sst s4  }
0xd: {  	[smem:$0x3FB3] =	sst s5  }
0xe: {  	[smem:$0x3FB4] =	sst s6  }
0xf: {  	[smem:$0x3FB5] =	sst s7  }
0x10: {  	[smem:$0x3FB6] =	sst s8  }
0x11: {  	[smem:$0x3FB7] =	sst s9;
	s0 =	simm.s32 @!p0 $0x0  }
0x12: {  	s1 =	sld [smem:$0x3F9D];
	s0 =	simm.s32 @p0 $0x1  }
0x13: {  	[smem:$0x3FB8] =	sst s0;
	s0 =	simm.s32 @!p1 $0x0  }
0x14: {  	s2 =	sld [smem:$0x3F9C];
	s0 =	simm.s32 @p1 $0x1  }
0x15: {  	[smem:$0x3FB9] =	sst s0;
	s0 =	simm.s32 @!p2 $0x0  }
0x16: {  	s3 =	sld [smem:$0x3FDB];
	s0 =	simm.s32 @p2 $0x1  }
0x17: {  	s4 =	simm.s32 $0x1BF5;
	[smem:$0x3FBB] =	sst s0  }
0x18: {  	s0 =	sld [smem:$0x3F9E];
	_ =	swait.ge [sflag:s4], $0x0  }
0x19: {  	s7 =	sld [smem:$0x3F9F]  }
0x1a: {  	s8 =	sadd.s32 $0xFFFFE003, lr  }
0x1b: {  	s9 =	sadd.s32 $0xFFFFFEF7, lr;
	s5 =	simm.s32 $0xFFFFFFFF;
	p2 =	slt.u32 s8, $0xFFFFF086  }
0x1c: {  	p1 =	slt.u32 s9, $0xF7A;
	s5 =	simm.s32 @!p2 $0x0  }
0x1d: {  	s5 =	simm.s32 @p1 $0x1;
	p0 =	seq.s32 s7, s2  }
0x1e: {  	s7 =	smul.u32 @!p0 $0xF7A, s2;
	p2 =	seq.s32 @!p0 s5, $0x0  }
0x1f: {  	s9 =	smul.u32 $0xF7A, s1;
	s8 =	simm.s32 @!p0 $0x1BF5;
	p2 =	por !p2, p0  }
0x20: {  	[sflag:s8] =	ssyncset.s32 @!p0 $0xFFFFF086;
	s6 =	sadd.s32 @!p0 s3, s7;
	s7 =	simm.s32 @!p0 $0x108  }
0x21: {  	s3 =	sadd.s32 s3, s9;
	s6 =	sadd.s32 @!p0 $0x88, s6;
	s7 =	simm.s32 @p2 $0x1082  }
0x22: {  	[simem:s7], [sflag:s8] =	dma.local @!p0 [hbm:s6], $0xF7A  }
0x23: {  	s9 =	sor.u32 $0xD0000000, s2;
	s6 =	simm.s32 $0x108;
	_ =	swait.ge @!p0 [sflag:s8], $0x0  }
0x24: {  	s3 =	sadd.s32 $0x88, s3;
	s6 =	simm.s32 @!p1 $0x1082;
	[sflag:s4] =	ssyncset.s32 $0xFFFFF086  }
0x25: {  	[simem:s6], [sflag:s4] =	dma.local [hbm:s3], $0xF7A  }
0x26: {  	[smem:$0x3F9F] =	sst s1;
	(tag) =	ssettag s2;
	_ =	strace s9  }
0x27: {  	s1 =	sld [smem:$0x3FAF]  }
0x28: {  	s2 =	sld [smem:$0x3FB0]  }
0x29: {  	s4 =	sld [smem:$0x3FB2]  }
0x2a: {  	p0 =	seq.s32 s5, $0x0;
	s5 =	sld [smem:$0x3FB3]  }
0x2b: {  	s6 =	sld [smem:$0x3FB4]  }
0x2c: {  	s7 =	sld [smem:$0x3FB5]  }
0x2d: {  	s3 =	simm.s32 $0x108;
	s8 =	sld [smem:$0x3FB6]  }
0x2e: {  	s3 =	simm.s32 @!p0 $0x1082;
	s9 =	sld [smem:$0x3FB7]  }
0x2f: {  	lr =	sadd.s32 s0, s3;
	s0 =	sld [smem:$0x3FAE]  }
0x30: {  	s3 =	sld [smem:$0x3FB1]  }
0x31: {  	[smem:$0x3FBA] =	sst s10  }
0x32: {  	s10 =	sld [smem:$0x3FB8];
	_ =	sdelay $0x3  }
0x33: {  	p0 =	seq.s32 s10, $0x1;
	s10 =	sld [smem:$0x3FBA];
	_ =	sdelay $0x3  }
0x34: {  	[smem:$0x3FBA] =	sst s10  }
0x35: {  	s10 =	sld [smem:$0x3FB9];
	_ =	sdelay $0x3  }
0x36: {  	p1 =	seq.s32 s10, $0x1;
	s10 =	sld [smem:$0x3FBA];
	_ =	sdelay $0x3  }
0x37: {  	[smem:$0x3FBA] =	sst s10  }
0x38: {  	s10 =	sld [smem:$0x3FBB]  }
0x39: {  	_ = 	snop;
	(pc) =	sbr.ind lr, $3  }
0x3a: {  	_ = 	snop  }
0x3b: {  	_ = 	snop  }
0x3c: {  	p2 =	seq.s32 s10, $0x1;
	s10 =	sld [smem:$0x3FBA]  }
0x3d: {  	_ =	shalt  }
0x3e: {  	_ =	shalt  }
0x3f: {  	_ =	shalt  }
0x40: {  	_ =	shalt  }
0x41: {  	_ =	shalt  }
0x42: {  	_ =	shalt  }
0x43: {  	_ =	shalt  }
0x44: {  	_ =	shalt  }
0x45: {  	_ =	shalt  }
0x46: {  	_ =	shalt  }
0x47: {  	_ =	shalt  }
0x48: {  	_ =	shalt  }
0x49: {  	_ =	shalt  }
0x4a: {  	_ =	shalt  }
0x4b: {  	_ =	shalt  }
0x4c: {  	_ =	shalt  }
0x4d: {  	_ =	shalt  }
0x4e: {  	_ =	shalt  }
0x4f: {  	_ =	shalt  }
0x50: {  	_ =	shalt  }
0x51: {  	_ =	shalt  }
0x52: {  	_ =	shalt  }
0x53: {  	_ =	shalt  }
0x54: {  	_ =	shalt  }
0x55: {  	_ =	shalt  }
0x56: {  	_ =	shalt  }
0x57: {  	_ =	shalt  }
0x58: {  	_ =	shalt  }
0x59: {  	_ =	shalt  }
0x5a: {  	_ =	shalt  }
0x5b: {  	_ =	shalt  }
0x5c: {  	_ =	shalt  }
0x5d: {  	_ =	shalt  }
0x5e: {  	_ =	shalt  }
0x5f: {  	_ =	shalt  }
0x60: {  	_ =	shalt  }
0x61: {  	_ =	shalt  }
0x62: {  	_ =	shalt  }
0x63: {  	_ =	shalt  }
0x64: {  	_ =	shalt  }
0x65: {  	_ =	shalt  }
0x66: {  	_ =	shalt  }
0x67: {  	_ =	shalt  }
0x68: {  	_ =	shalt  }
0x69: {  	_ =	shalt  }
0x6a: {  	_ =	shalt  }
0x6b: {  	_ =	shalt  }
0x6c: {  	_ =	shalt  }
0x6d: {  	_ =	shalt  }
0x6e: {  	_ =	shalt  }
0x6f: {  	_ =	shalt  }
0x70: {  	_ =	shalt  }
0x71: {  	_ =	shalt  }
0x72: {  	_ =	shalt  }
0x73: {  	_ =	shalt  }
0x74: {  	_ =	shalt  }
0x75: {  	_ =	shalt  }
0x76: {  	_ =	shalt  }
0x77: {  	_ =	shalt  }
0x78: {  	_ =	shalt  }
0x79: {  	_ =	shalt  }
0x7a: {  	_ =	shalt  }
0x7b: {  	_ =	shalt  }
0x7c: {  	_ =	shalt  }
0x7d: {  	_ =	shalt  }
0x7e: {  	_ =	shalt  }
0x7f: {  	_ =	shalt  }
0x80: {  	_ =	shalt  }
0x81: {  	_ =	shalt  }
0x82: {  	_ =	shalt  }
0x83: {  	_ =	shalt  }
0x84: {  	_ =	shalt  }
0x85: {  	_ =	shalt  }
0x86: {  	_ =	shalt  }
0x87: {  	_ =	shalt  }
.Lfunc_end0:
.L_simem_size_0:
called_computation_lowered:
.L_overlay_start_0:
0x88: {  	s2 =	sld [smem:$0x3FD9]  }
0x89: {  	s3 =	sld [smem:$0x3FFE];
	_ =	sdelay $0x1  }
0x8a: {  	s1 =	srdreg.scid  }
0x8b: {  	s0 =	sand.u32 $0x1, s1  }
0x8c: {  	s17 =	sshll.u32 s0, $0xA;
	s2 =	sadd.s32 s3, s2  }
0x8d: {  	s2 =	sadd.s32 s2, s17  }
0x8e: {  	[smem:$0x3FC6] =	sst s2  }
0x8f: {  	_ = 	snop  }
0x90: {  	s2 =	sld [smem:$0x3FD0];
	(tm) =	ssettm $0x1  }
0x91: {  	s18 =	sld [smem:$0x3FFB];
	_ =	sdelay $0x3  }
0x92: {  	_ =	strace s18  }
0x93: {  	s3 =	sld [smem:$0x3FFC];
	_ =	sdelay $0x3  }
0x94: {  	_ =	strace s3  }
0x95: {  	s3 =	sld [smem:$0x3FFD];
	_ =	sdelay $0x3  }
0x96: {  	_ =	strace s3  }
0x97: {  	_ =	strace $0x8FFFFFFF  }
0x98: {  	s19 =	sld [smem:$0x3FDB];
	_ =	sdelay $0x1  }
0x99: {  	s4 =	simm.s32 $_scs_section_size  }
0x9a: {  	s5 =	simm.s32 $_size__tile_overlayer_lowered;
	s6 =	simm.s32 $_tile_overlayer_lowered  }
0x9b: {  	s22 =	simm.s32 $0x1BFF;
	s21 =	sshll.u32 s6, $0x1;
	s3 =	sadd.s32 s4, s19  }
0x9c: {  	s7 =	simm.s32 $0x0;
	s20 =	sshll.u32 s5, $0x1;
	s5 =	sadd.s32 s21, s3  }
0x9d: {  	[timem:s7], [sflag:s22] =	dma.local [hbm:s5], s20  }
0x9e: {  	_ =	swait.ge [sflag:s22], s20  }
0x9f: {  	s4 =	ssub.s32 $0x0, s20;
	[sflag:s22] =	ssyncset.done $0x0  }
0xa0: {  	[sflag:s22] =	ssyncadd.s32 s4;
	_ =	sdelay $0x1  }
0xa1: {  	s23 =	simm.s32 $0x1B8B  }
0xa2: {  	_ =	swait.ge [sflag:s23], $0x1  }
0xa3: {  	[sflag:s23] =	ssyncset.done $0x0  }
0xa4: {  	s25 =	simm.s32 $0x1B8E;
	s24 =	sld [smem:$0x3FFE];
	[sflag:s23] =	ssyncadd.s32 $0xFFFFFFFF  }
0xa5: {  	s26 =	simm.s32 $execute0_lowered;
	[smem:$0x3FD2] =	sst s25  }
0xa6: {  	s5 =	sshll.u32 s26, $0x1;
	_ =	strace $0x80000046;
	[dreg:$0x1] =	wrdreg $0xFFFFFFFF  }
0xa7: {  	s28 =	simm.s32 $_size_execute0_lowered;
	s3 =	sadd.s32 s3, s5;
	[dreg:$0x0] =	wrdreg $0x0  }
0xa8: {  	s5 =	sshll.u32 s28, $0x1;
	[dreg:$0x2] =	wrdreg s3  }
0xa9: {  	[dreg:$0x3] =	wrdreg s5  }
0xaa: {  	[dreg:$0x4] =	wrdreg $0xC0  }
0xab: {  	_ =	task [dreg:s7], $0x5FFFF  }
0xac: {  	[dreg:$0x1] =	wrdreg $0xFFFFFFFF  }
0xad: {  	[dreg:$0x0] =	wrdreg $0x60  }
0xae: {  	[dreg:$0x2] =	wrdreg s24  }
0xaf: {  	[dreg:$0x3] =	wrdreg s2  }
0xb0: {  	[dreg:$0x4] =	wrdreg $0x9  }
0xb1: {  	_ =	task.clear_ibuf [dreg:s7], $0x5FFFF;
	_ =	strace $0x90000046  }
0xb2: {  	s29 =	simm.s32 $0x9;
	_ =	strace $0x80000048  }
0xb3: {  	_ =	swait.ge [sflag:s29], $0x1  }
0xb4: {  	[sflag:s29] =	ssyncadd.s32 $0xFFFFFFFF  }
0xb5: {  	_ =	strace $0x90000048  }
0xb6: {  	_ =	sfence  }
0xb7: {  	s30 =	sld [smem:$0x0];
	_ =	sdelay $0x2  }
0xb8: {  	s31 =	sshll.u32 s1, $0xD;
	s1 =	sshrl.u32 s1, $0x2  }
0xb9: {  	s3 =	sand.u32 $0x4000, s31;
	s1 =	sadd.s32 s1, s30  }
0xba: {  	s0 =	sor.u32 s3, s0;
	s1 =	sshll.u32 s1, $0x11  }
0xbb: {  	s0 =	sor.u32 s1, s0  }
0xbc: {  	s0 =	sadd.s32 $0x8F2B, s0  }
0xbd: {  	[sflag:s0] =	ssyncadd.remote.s32 $0x1  }
0xbe: {  	_ =	sfence.sel $0xFFFF  }
0xbf: {  	[dreg:$0x0] =	wrdreg $0xFFFFFFFF;
	(pc) =	sbr.abs _section_cstart, $3  }
0xc0: {  	[dreg:$0x1] =	wrdreg $0xFFFFFFFF  }
0xc1: {  	_ =	task.clear_ibuf [dreg:s7], $0x2FFFF;
	_ =	strace $0x9FFFFFFF  }
0xc2: {  	(tm) =	ssettm $0x7FFFFFFF  }
0xc3: {  	_ =	shalt  }
tec
execute0_lowered:
.L_overlay_start_1:
0x0: {  	(tag) =	ssettag $0x1  }
0x1: {  	s0 =	rddreg [dreg:$0x0];
	s1 =	srdreg.scid  }
0x2: {  	s3 =	stileid.u32;
	s2 =	rddreg [dreg:$0x1]  }
0x3: {  	s21 =	simm.s32 $0x1;
	s28 =	simm.s32 $0x11900;
	s29 =	simm.s32 $0x4  }
0x4: {  	s30 =	simm.s32 $0x13B00;
	s31 =	simm.s32 $0x5;
	s15 =	simm.s32 $0x9  }
0x5: {  	s1 =	sand.u32 $0x1, s1;
	s4 =	sshll.u32 s3, $0x1;
	s3 =	simm.s32 $0x0  }
0x6: {  	s16 =	simm.s32 $0xA;
	s5 =	sor.u32 s1, s4;
	[smem:$0x7FF] =	sst s3  }
0x7: {  	s4 =	sadd.s32 $0x7400, s0;
	s6 =	smul.u32 $0x380, s5;
	s5 =	sshll.u32 s5, $0xA  }
0x8: {  	v5 =	vlaneseq.u32;
	s1 =	ssub.s32 $0x2, s1;
	_ =	strace $0x80000047;
	s23 =	sor.u32 $0x40000, s5  }
0x9: {  	v0 =	vmul.u32 $0x38, v5;
	s22 =	sshrl.u32 s1, $0x1;
	s24 =	sor.u32 $0x80000, s5;
	[dreg:$0x4] =	wrdreg s23  }
0xa: {  	s1 =	ssub.s32 s1, s22;
	s25 =	sor.u32 $0xC0000, s5;
	[dreg:$0x5] =	wrdreg s24  }
0xb: {  	v5 =	vmul.u32 $0x88, v5;
	v1 =	vadd.s32 $0x380, v0;
	s0 =	sadd.s32 s6, s0;
	[dreg:$0x6] =	wrdreg s25;
	s26 =	smax.u32 s1, $0x1  }
0xc: {  	v2 =	vadd.s32 $0x700, v0;
	v3 =	vadd.s32 $0xA80, v0;
	v4 =	vadd.s32 $0xE00, v0;
	s23 =	simm.s32 $0xD500;
	s24 =	simm.s32 $0x2;
	s25 =	simm.s32 $0xF700  }
0xd: {  	v6 =	vadd.s32 $0x1180, v0;
	v7 =	vadd.s32 $0x1500, v0;
	v8 =	vadd.s32 $0x1880, v0;
	s1 =	simm.s32 $0x15D00;
	s0 =	sadd.s32 $0x400, s0;
	[dreg:$0x7] =	wrdreg s26  }
0xe: {  	v9 =	vadd.s32 $0x880, v5;
	v10 =	vadd.s32 $0x1100, v5;
	v11 =	vadd.s32 $0x1980, v5;
	s6 =	simm.s32 $0x0;
	s26 =	simm.s32 $0x3;
	[dreg:$0x3] =	wrdreg s0  }
.LBB2_1:
0xf: {  	v12 =	vmov s3  }
0x10: {  	[dreg:$0x8] =	wrdreg s6;
	v12 =	vand.u32 $0x3F, v12  }
0x11: {  	s0 =	rddreg [dreg:$0x3];
	s20 =	simm.s32 $0xB;
	v13 =	vadd.s32 v0, v12  }
0x12: {  	[tilespmem:s3], [sflag:$0xB] =	stream.linear.gather [hbm4b:s0+s3], $0x1C00, $0x38;
	[tilespmem:$0x17F00] =	vst v63  }
0x13: {  	_ =	swait.ge [sflag:s20], $0x1C00  }
0x14: {  	[sflag:s20] =	ssyncset.done $0x0  }
0x15: {  	[sflag:s20] =	ssyncadd.s32 $0xFFFFE400  }
0x16: {  	v13 =	vld.idx.msk [tilespmem:v13+s3+$0x0], $0xffff;
	_ =	sdelay $0x1  }
0x17: {  	v14 =	vadd.s32 v1, v12;
	_ =	sdelay $0x2  }
0x18: {  	s0 =	simm.s32 $0x1C40;
	v13 =	vshll.u32 v13, $0x1  }
0x19: {  	[tilespmem:s0+$0xFFFFFFC0] =	vst v13  }
0x1a: {  	v13 =	vld.idx.msk [tilespmem:v14+s3+$0x0], $0xffff;
	_ =	sdelay $0x1  }
0x1b: {  	v14 =	vadd.s32 v2, v12;
	_ =	sdelay $0x2  }
0x1c: {  	v13 =	vshll.u32 v13, $0x1  }
0x1d: {  	[tilespmem:s0+$0xFFFFFFD0] =	vst v13  }
0x1e: {  	v13 =	vld.idx.msk [tilespmem:v14+s3+$0x0], $0xffff;
	_ =	sdelay $0x1  }
0x1f: {  	v14 =	vadd.s32 v3, v12;
	_ =	sdelay $0x2  }
0x20: {  	v13 =	vshll.u32 v13, $0x1  }
0x21: {  	[tilespmem:s0+$0xFFFFFFE0] =	vst v13  }
0x22: {  	v13 =	vld.idx.msk [tilespmem:v14+s3+$0x0], $0xffff;
	_ =	sdelay $0x1  }
0x23: {  	v14 =	vadd.s32 v4, v12;
	_ =	sdelay $0x2  }
0x24: {  	v13 =	vshll.u32 v13, $0x1  }
0x25: {  	[tilespmem:s0+$0xFFFFFFF0] =	vst v13  }
0x26: {  	v13 =	vld.idx.msk [tilespmem:v14+s3+$0x0], $0xffff;
	_ =	sdelay $0x1  }
0x27: {  	v14 =	vadd.s32 v6, v12;
	_ =	sdelay $0x2  }
0x28: {  	v13 =	vshll.u32 v13, $0x1  }
0x29: {  	[tilespmem:s0+$0x0] =	vst v13  }
0x2a: {  	v13 =	vld.idx.msk [tilespmem:v14+s3+$0x0], $0xffff;
	_ =	sdelay $0x1  }
0x2b: {  	v14 =	vadd.s32 v7, v12;
	_ =	sdelay $0x2  }
0x2c: {  	v13 =	vshll.u32 v13, $0x1  }
0x2d: {  	[tilespmem:s0+$0x10] =	vst v13  }
0x2e: {  	v13 =	vld.idx.msk [tilespmem:v14+s3+$0x0], $0xffff;
	_ =	sdelay $0x1  }
0x2f: {  	v12 =	vadd.s32 v8, v12;
	_ =	sdelay $0x2  }
0x30: {  	v13 =	vshll.u32 v13, $0x1  }
0x31: {  	s22 =	simm.s32 $0x1;
	[tilespmem:s0+$0x20] =	vst v13  }
0x32: {  	s6 =	simm.s32 $0x2;
	v13 =	vmov s22;
	v12 =	vld.idx.msk [tilespmem:v12+s3+$0x0], $0xffff  }
.LBB2_2:
0x33: {  	p0 =	sne.s32 s6, $0x31;
	v13 =	vand.u32 $0x3F, v13  }
0x34: {  	v14 =	vadd.s32 v0, v13;
	_ =	sdelay $0x2  }
0x35: {  	v12 =	vshll.u32 v12, $0x1  }
0x36: {  	[tilespmem:s0+$0x30] =	vst v12  }
0x37: {  	v12 =	vld.idx.msk [tilespmem:v14+s3+$0x0], $0xffff;
	_ =	sdelay $0x2  }
0x38: {  	v14 =	vadd.s32 v1, v13;
	_ =	sdelay $0x2  }
0x39: {  	s0 =	sadd.s32 $0x80, s0;
	v12 =	vshll.u32 v12, $0x1  }
0x3a: {  	[tilespmem:s0+$0xFFFFFFC0] =	vst v12  }
0x3b: {  	v12 =	vld.idx.msk [tilespmem:v14+s3+$0x0], $0xffff;
	_ =	sdelay $0x2  }
0x3c: {  	v14 =	vadd.s32 v2, v13;
	_ =	sdelay $0x2  }
0x3d: {  	v12 =	vshll.u32 v12, $0x1  }
0x3e: {  	[tilespmem:s0+$0xFFFFFFD0] =	vst v12  }
0x3f: {  	v12 =	vld.idx.msk [tilespmem:v14+s3+$0x0], $0xffff;
	_ =	sdelay $0x2  }
0x40: {  	v14 =	vadd.s32 v3, v13;
	_ =	sdelay $0x2  }
0x41: {  	v12 =	vshll.u32 v12, $0x1  }
0x42: {  	[tilespmem:s0+$0xFFFFFFE0] =	vst v12  }
0x43: {  	v12 =	vld.idx.msk [tilespmem:v14+s3+$0x0], $0xffff;
	_ =	sdelay $0x2  }
0x44: {  	v14 =	vadd.s32 v4, v13;
	_ =	sdelay $0x2  }
0x45: {  	v12 =	vshll.u32 v12, $0x1  }
0x46: {  	[tilespmem:s0+$0xFFFFFFF0] =	vst v12  }
0x47: {  	v12 =	vld.idx.msk [tilespmem:v14+s3+$0x0], $0xffff;
	_ =	sdelay $0x2  }
0x48: {  	v14 =	vadd.s32 v6, v13;
	_ =	sdelay $0x2  }
0x49: {  	v12 =	vshll.u32 v12, $0x1  }
0x4a: {  	[tilespmem:s0+$0x0] =	vst v12  }
0x4b: {  	v12 =	vld.idx.msk [tilespmem:v14+s3+$0x0], $0xffff;
	_ =	sdelay $0x2  }
0x4c: {  	v14 =	vadd.s32 v7, v13;
	_ =	sdelay $0x2  }
0x4d: {  	v12 =	vshll.u32 v12, $0x1  }
0x4e: {  	[tilespmem:s0+$0x10] =	vst v12  }
0x4f: {  	v12 =	vld.idx.msk [tilespmem:v14+s3+$0x0], $0xffff;
	_ =	sdelay $0x2  }
0x50: {  	v13 =	vadd.s32 v8, v13;
	_ =	sdelay $0x1  }
.Ltmp0:
0x51: {  	(pc) =	sbr.rel @p0 .LBB2_2-.Ltmp0, $4  }
0x52: {  	v12 =	vshll.u32 v12, $0x1  }
0x53: {  	[tilespmem:s0+$0x20] =	vst v12  }
0x54: {  	v12 =	vld.idx.msk [tilespmem:v13+s3+$0x0], $0xffff  }
0x55: {  	v13 =	vmov s6;
	s6 =	sadd.s32 $0x1, s6  }
0x56: {  	v13 =	vand.u32 $0x3F, v13  }
0x57: {  	v14 =	vadd.s32 v0, v13;
	_ =	sdelay $0x2  }
0x58: {  	v12 =	vshll.u32 v12, $0x1  }
0x59: {  	[tilespmem:s0+$0x30] =	vst v12  }
0x5a: {  	v12 =	vld.idx.msk [tilespmem:v14+s3+$0x0], $0xffff;
	_ =	sdelay $0x1  }
0x5b: {  	v58 =	vadd.s32 v1, v13;
	_ =	sdelay $0x2  }
0x5c: {  	s12 =	sadd.s32 $0x80, s0;
	v12 =	vshll.u32 v12, $0x1  }
0x5d: {  	[tilespmem:s12+$0xFFFFFFC0] =	vst v12  }
0x5e: {  	v12 =	vld.idx.msk [tilespmem:v58+s3+$0x0], $0xffff;
	_ =	sdelay $0x1  }
0x5f: {  	v59 =	vadd.s32 v2, v13;
	_ =	sdelay $0x2  }
0x60: {  	v12 =	vshll.u32 v12, $0x1  }
0x61: {  	[tilespmem:s12+$0xFFFFFFD0] =	vst v12  }
0x62: {  	v12 =	vld.idx.msk [tilespmem:v59+s3+$0x0], $0xffff;
	_ =	sdelay $0x1  }
0x63: {  	v60 =	vadd.s32 v3, v13;
	_ =	sdelay $0x2  }
0x64: {  	v12 =	vshll.u32 v12, $0x1  }
0x65: {  	[tilespmem:s12+$0xFFFFFFE0] =	vst v12  }
0x66: {  	v12 =	vld.idx.msk [tilespmem:v60+s3+$0x0], $0xffff;
	_ =	sdelay $0x1  }
0x67: {  	v61 =	vadd.s32 v4, v13;
	_ =	sdelay $0x2  }
0x68: {  	v12 =	vshll.u32 v12, $0x1  }
0x69: {  	[tilespmem:s12+$0xFFFFFFF0] =	vst v12  }
0x6a: {  	v12 =	vld.idx.msk [tilespmem:v61+s3+$0x0], $0xffff;
	_ =	sdelay $0x1  }
0x6b: {  	v62 =	vadd.s32 v6, v13;
	_ =	sdelay $0x2  }
0x6c: {  	v12 =	vshll.u32 v12, $0x1  }
0x6d: {  	[tilespmem:s12+$0x0] =	vst v12  }
0x6e: {  	v12 =	vld.idx.msk [tilespmem:v62+s3+$0x0], $0xffff;
	_ =	sdelay $0x1  }
0x6f: {  	v63 =	vadd.s32 v7, v13;
	_ =	sdelay $0x2  }
0x70: {  	v12 =	vshll.u32 v12, $0x1  }
0x71: {  	[tilespmem:s12+$0x10] =	vst v12  }
0x72: {  	v12 =	vld.idx.msk [tilespmem:v63+s3+$0x0], $0xffff;
	_ =	sdelay $0x1  }
0x73: {  	v13 =	vadd.s32 v8, v13;
	_ =	sdelay $0x2  }
0x74: {  	v12 =	vshll.u32 v12, $0x1  }
0x75: {  	[tilespmem:s12+$0x20] =	vst v12  }
0x76: {  	v12 =	vld.idx.msk [tilespmem:v13+s3+$0x0], $0xffff;
	_ =	sdelay $0x4  }
0x77: {  	v12 =	vshll.u32 v12, $0x1  }
0x78: {  	s13 =	simm.s32 $0x80;
	s6 =	simm.s32 $0x1C00;
	s7 =	simm.s32 $0x3500;
	[tilespmem:s12+$0x30] =	vst v12  }
0x79: {  	[tilespmem:s7], [sflag:$0x1] =	stream.indirect.gather [hbm4b:s4+s13], $0x40, s6, s13, $0xb8;
	[tilespmem:$0x17F00] =	vst v63  }
0x7a: {  	s14 =	simm.s32 $0x1C80;
	s17 =	simm.s32 $0x5500  }
0x7b: {  	[tilespmem:s17], [sflag:$0x2] =	stream.indirect.gather [hbm4b:s4+s13], $0x40, s14, s13, $0xb8;
	[tilespmem:$0x17F00] =	vst v63  }
0x7c: {  	s18 =	simm.s32 $0x1D00;
	s19 =	simm.s32 $0x7500  }
0x7d: {  	[tilespmem:s19], [sflag:$0x3] =	stream.indirect.gather [hbm4b:s4+s13], $0x40, s18, s13, $0xb8;
	[tilespmem:$0x17F00] =	vst v63  }
0x7e: {  	s20 =	simm.s32 $0x1D80;
	s22 =	simm.s32 $0x9500;
	s19 =	simm.s32 $0x0  }
0x7f: {  	[tilespmem:s22], [sflag:$0x4] =	stream.indirect.gather [hbm4b:s4+s13], $0x40, s20, s13, $0xb8;
	[tilespmem:$0x17F00] =	vst v63  }
.LBB2_4:
0x80: {  	s0 =	smul.u32 $0x5, s19;
	_ =	sdelay $0x1  }
0x81: {  	s20 =	sadd.s32 $0x4, s0  }
0x82: {  	_ =	swait.ge [sflag:s21], $0x2000;
	s6 =	simm.s32 $0x80;
	s0 =	sshll.u32 s20, $0x7  }
0x83: {  	s7 =	simm.s32 $0xB500;
	[sflag:s21] =	ssyncset.done $0x0;
	s0 =	sand.u32 $0x3FFFFF80, s0  }
0x84: {  	p0 =	seq.s32 s19, $0x0;
	[sflag:s21] =	ssyncadd.s32 $0xFFFFE000;
	s0 =	sadd.s32 $0x1C00, s0  }
0x85: {  	[tilespmem:s7], [sflag:$0x5] =	stream.indirect.gather [hbm4b:s4+s6], $0x40, s0, s6, $0xb8;
	[tilespmem:$0x17F00] =	vst v63  }
0x86: {  	s0 =	simm.s32 @!p0 $0x6  }
0x87: {  	s8 =	simm.s32 $0x0;
	_ =	swait.ge @!p0 [sflag:s0], $0x2000  }
0x88: {  	v12 =	vmov s8;
	[sflag:s0] =	ssyncset.done @!p0 $0x0  }
0x89: {  	s9 =	simm.s32 $0x3540;
	v12 =	vand.u32 $0x7E, v12;
	[sflag:s0] =	ssyncadd.s32 @!p0 $0xFFFFE000  }
0x8a: {  	v14 =	vadd.s32 v5, v12;
	v13 =	vld [tilespmem:s9+$0xFFFFFFC0];
	_ =	sdelay $0x4  }
0x8b: {  	s12 =	simm.s32 $0x2;
	[tilespmem:v14+s23+$0x0] =	vst.idx.msk $0xffff, v13  }
0x8c: {  	v15 =	vadd.s32 v9, v12;
	v13 =	vmov s12;
	v14 =	vld [tilespmem:s9+$0xFFFFFFD0]  }
0x8d: {  	s6 =	simm.s32 $0x35C0;
	v13 =	vand.u32 $0x7E, v13  }
0x8e: {  	v16 =	vld [tilespmem:s6+$0xFFFFFFC0];
	v17 =	vadd.s32 v5, v13;
	_ =	sdelay $0x2  }
0x8f: {  	[tilespmem:v15+s23+$0x0] =	vst.idx.msk $0xffff, v14  }
0x90: {  	v15 =	vadd.s32 v10, v12;
	v14 =	vld [tilespmem:s9+$0xFFFFFFE0]  }
0x91: {  	s13 =	simm.s32 $0x4;
	[tilespmem:v17+s23+$0x0] =	vst.idx.msk $0xffff, v16  }
0x92: {  	v18 =	vadd.s32 v9, v13;
	v16 =	vmov s13;
	v17 =	vld [tilespmem:s6+$0xFFFFFFD0]  }
0x93: {  	s10 =	simm.s32 $0x3640;
	v16 =	vand.u32 $0x7E, v16  }
0x94: {  	v19 =	vld [tilespmem:s10+$0xFFFFFFC0];
	v20 =	vadd.s32 v5, v16  }
0x95: {  	[tilespmem:v15+s23+$0x0] =	vst.idx.msk $0xffff, v14  }
0x96: {  	v12 =	vadd.s32 v11, v12;
	v14 =	vld [tilespmem:s9+$0xFFFFFFF0]  }
0x97: {  	[tilespmem:v18+s23+$0x0] =	vst.idx.msk $0xffff, v17  }
0x98: {  	s14 =	simm.s32 $0x6;
	v17 =	vadd.s32 v10, v13;
	v15 =	vld [tilespmem:s6+$0xFFFFFFE0]  }
0x99: {  	s8 =	simm.s32 $0x1;
	v18 =	vmov s14;
	[tilespmem:v20+s23+$0x0] =	vst.idx.msk $0xffff, v19  }
0x9a: {  	v21 =	vmov s8;
	s0 =	simm.s32 $0x36C0;
	v20 =	vadd.s32 v9, v16;
	v18 =	vand.u32 $0x7E, v18;
	v19 =	vld [tilespmem:s10+$0xFFFFFFD0]  }
0x9b: {  	v21 =	vand.u32 $0x7F, v21;
	[tilespmem:v12+s23+$0x0] =	vst.idx.msk $0xffff, v14;
	v12 =	vld [tilespmem:s0+$0xFFFFFFC0];
	v14 =	vadd.s32 v5, v18  }
0x9c: {  	v23 =	vadd.s32 v5, v21;
	v22 =	vld [tilespmem:s9+$0x0]  }
0x9d: {  	[tilespmem:v17+s23+$0x0] =	vst.idx.msk $0xffff, v15  }
0x9e: {  	v13 =	vadd.s32 v11, v13;
	v15 =	vld [tilespmem:s6+$0xFFFFFFF0]  }
0x9f: {  	[tilespmem:v20+s23+$0x0] =	vst.idx.msk $0xffff, v19  }
0xa0: {  	s12 =	simm.s32 $0x8;
	v19 =	vadd.s32 v10, v16;
	v17 =	vld [tilespmem:s10+$0xFFFFFFE0];
	[tilespmem:v14+s23+$0x0] =	vst.idx.msk $0xffff, v12  }
0xa1: {  	s17 =	simm.s32 $0x3;
	v24 =	vadd.s32 v9, v18;
	v12 =	vmov s12;
	v20 =	vld [tilespmem:s0+$0xFFFFFFD0];
	[tilespmem:v23+s23+$0x0] =	vst.idx.msk $0xffff, v22  }
0xa2: {  	s11 =	simm.s32 $0x3740;
	v14 =	vand.u32 $0x7E, v12;
	v12 =	vmov s17;
	v23 =	vadd.s32 v9, v21;
	v22 =	vld [tilespmem:s9+$0x10]  }
0xa3: {  	[tilespmem:v13+s23+$0x0] =	vst.idx.msk $0xffff, v15;
	v13 =	vld [tilespmem:s11+$0xFFFFFFC0];
	v15 =	vadd.s32 v5, v14;
	v12 =	vand.u32 $0x7F, v12  }
0xa4: {  	v25 =	vld [tilespmem:s6+$0x0];
	v26 =	vadd.s32 v5, v12  }
0xa5: {  	[tilespmem:v19+s23+$0x0] =	vst.idx.msk $0xffff, v17  }
0xa6: {  	v16 =	vadd.s32 v11, v16;
	v17 =	vld [tilespmem:s10+$0xFFFFFFF0];
	[tilespmem:v24+s23+$0x0] =	vst.idx.msk $0xffff, v20  }
0xa7: {  	v24 =	vadd.s32 v10, v18;
	v20 =	vld [tilespmem:s0+$0xFFFFFFE0];
	[tilespmem:v23+s23+$0x0] =	vst.idx.msk $0xffff, v22  }
0xa8: {  	s13 =	simm.s32 $0xA;
	[tilespmem:v15+s23+$0x0] =	vst.idx.msk $0xffff, v13;
	v22 =	vadd.s32 v10, v21;
	v15 =	vld [tilespmem:s9+$0x20]  }
0xa9: {  	s18 =	simm.s32 $0x5;
	v27 =	vadd.s32 v9, v14;
	v13 =	vmov s13;
	v23 =	vld [tilespmem:s11+$0xFFFFFFD0];
	[tilespmem:v26+s23+$0x0] =	vst.idx.msk $0xffff, v25  }
0xaa: {  	s17 =	simm.s32 $0x37C0;
	v19 =	vand.u32 $0x7E, v13;
	v13 =	vmov s18;
	v26 =	vadd.s32 v9, v12;
	v25 =	vld [tilespmem:s6+$0x10]  }
0xab: {  	[tilespmem:v16+s23+$0x0] =	vst.idx.msk $0xffff, v17;
	v17 =	vld [tilespmem:s17+$0xFFFFFFC0];
	v28 =	vadd.s32 v5, v19;
	v13 =	vand.u32 $0x7F, v13  }
0xac: {  	[tilespmem:v24+s23+$0x0] =	vst.idx.msk $0xffff, v20;
	v20 =	vld [tilespmem:s10+$0x0];
	v24 =	vadd.s32 v5, v13  }
0xad: {  	v30 =	vadd.s32 v11, v18;
	v29 =	vld [tilespmem:s0+$0xFFFFFFF0];
	[tilespmem:v22+s23+$0x0] =	vst.idx.msk $0xffff, v15  }
0xae: {  	v18 =	vadd.s32 v11, v21;
	[tilespmem:v27+s23+$0x0] =	vst.idx.msk $0xffff, v23;
	v16 =	vld [tilespmem:s9+$0x30]  }
0xaf: {  	v23 =	vadd.s32 v10, v14;
	v22 =	vld [tilespmem:s11+$0xFFFFFFE0];
	[tilespmem:v26+s23+$0x0] =	vst.idx.msk $0xffff, v25  }
0xb0: {  	s7 =	simm.s32 $0xC;
	[tilespmem:v28+s23+$0x0] =	vst.idx.msk $0xffff, v17;
	v17 =	vadd.s32 v10, v12;
	v15 =	vld [tilespmem:s6+$0x20]  }
0xb1: {  	s22 =	simm.s32 $0x7;
	v21 =	vmov s7;
	v26 =	vadd.s32 v9, v19;
	v25 =	vld [tilespmem:s17+$0xFFFFFFD0];
	[tilespmem:v24+s23+$0x0] =	vst.idx.msk $0xffff, v20  }
0xb2: {  	s14 =	simm.s32 $0xE;
	s18 =	simm.s32 $0x3840;
	v27 =	vmov s22;
	v24 =	vand.u32 $0x7E, v21;
	v21 =	vadd.s32 v9, v13;
	[tilespmem:v30+s23+$0x0] =	vst.idx.msk $0xffff, v29;
	v20 =	vld [tilespmem:s10+$0x10]  }
.LBB2_5:
0xb3: {  	p0 =	slt.u32 s14, $0x7E;
	v28 =	vld [tilespmem:s18+$0xFFFFFFC0];
	v29 =	vadd.s32 v5, v24;
	v27 =	vand.u32 $0x7F, v27;
	[tilespmem:v18+s23+$0x0] =	vst.idx.msk $0xffff, v16  }
0xb4: {  	[tilespmem:v23+s23+$0x0] =	vst.idx.msk $0xffff, v22;
	v30 =	vld [tilespmem:s0+$0x0];
	v31 =	vadd.s32 v5, v27  }
0xb5: {  	v33 =	vadd.s32 v11, v14;
	v14 =	vmov v19;
	v19 =	vmov v24;
	v32 =	vld [tilespmem:s11+$0xFFFFFFF0];
	[tilespmem:v17+s23+$0x0] =	vst.idx.msk $0xffff, v15  }
.Ltmp1:
0xb6: {  	v18 =	vadd.s32 v11, v12;
	v12 =	vmov v13;
	v13 =	vmov v27;
	[tilespmem:v26+s23+$0x0] =	vst.idx.msk $0xffff, v25;
	v16 =	vld [tilespmem:s6+$0x30];
	s6 =	smov.u32 s10;
	s10 =	smov.u32 s0;
	(pc) =	sbr.rel @p0 .LBB2_5-.Ltmp1, $4  }
0xb7: {  	v23 =	vadd.s32 v10, v14;
	s0 =	smov.u32 s11;
	s11 =	smov.u32 s17;
	v22 =	vld [tilespmem:s17+$0xFFFFFFE0];
	[tilespmem:v21+s23+$0x0] =	vst.idx.msk $0xffff, v20;
	s17 =	smov.u32 s18  }
0xb8: {  	v17 =	vadd.s32 v10, v12;
	[tilespmem:v29+s23+$0x0] =	vst.idx.msk $0xffff, v28;
	v15 =	vld [tilespmem:s6+$0x20]  }
0xb9: {  	s8 =	sadd.s32 $0x1, s12;
	s12 =	smov.u32 s13;
	s13 =	smov.u32 s7;
	v26 =	vadd.s32 v9, v19;
	v20 =	vmov s14;
	v25 =	vld [tilespmem:s18+$0xFFFFFFD0];
	[tilespmem:v31+s23+$0x0] =	vst.idx.msk $0xffff, v30  }
0xba: {  	s7 =	smov.u32 s14;
	v27 =	vmov s8;
	v21 =	vadd.s32 v9, v13;
	s14 =	sadd.s32 $0x2, s14;
	v24 =	vand.u32 $0x7E, v20;
	s18 =	sadd.s32 $0x80, s18;
	[tilespmem:v33+s23+$0x0] =	vst.idx.msk $0xffff, v32;
	v20 =	vld [tilespmem:s10+$0x10]  }
0xbb: {  	v28 =	vld [tilespmem:s18+$0xFFFFFFC0];
	v29 =	vadd.s32 v5, v24;
	_ =	sdelay $0x4  }
0xbc: {  	[tilespmem:v29+s23+$0x0] =	vst.idx.msk $0xffff, v28  }
0xbd: {  	v58 =	vadd.s32 v9, v24;
	v28 =	vld [tilespmem:s18+$0xFFFFFFD0];
	_ =	sdelay $0x3  }
0xbe: {  	[tilespmem:v26+s23+$0x0] =	vst.idx.msk $0xffff, v25  }
0xbf: {  	v59 =	vadd.s32 v10, v19;
	v25 =	vld [tilespmem:s17+$0xFFFFFFE0];
	[tilespmem:v58+s23+$0x0] =	vst.idx.msk $0xffff, v28  }
0xc0: {  	v60 =	vadd.s32 v10, v24;
	v28 =	vld [tilespmem:s18+$0xFFFFFFE0];
	_ =	sdelay $0x2  }
0xc1: {  	[tilespmem:v23+s23+$0x0] =	vst.idx.msk $0xffff, v22  }
0xc2: {  	v14 =	vadd.s32 v11, v14;
	v22 =	vld [tilespmem:s11+$0xFFFFFFF0];
	[tilespmem:v59+s23+$0x0] =	vst.idx.msk $0xffff, v25  }
0xc3: {  	v62 =	vadd.s32 v11, v19;
	v61 =	vld [tilespmem:s17+$0xFFFFFFF0];
	[tilespmem:v60+s23+$0x0] =	vst.idx.msk $0xffff, v28  }
0xc4: {  	v33 =	vadd.s32 v11, v24;
	v63 =	vld [tilespmem:s18+$0xFFFFFFF0]  }
0xc5: {  	s8 =	sadd.s32 $0x1, s12  }
0xc6: {  	v34 =	vand.u32 $0x7F, v27;
	s13 =	sadd.s32 $0x1, s13;
	v35 =	vmov s8  }
0xc7: {  	v36 =	vld [tilespmem:s0+$0x0];
	s7 =	sadd.s32 $0x1, s7;
	v37 =	vadd.s32 v5, v34;
	v39 =	vmov s13;
	v38 =	vand.u32 $0x7F, v35;
	[tilespmem:v14+s23+$0x0] =	vst.idx.msk $0xffff, v22  }
0xc8: {  	v42 =	vmov s7;
	v41 =	vand.u32 $0x7F, v39;
	v30 =	vadd.s32 v5, v38;
	v40 =	vld [tilespmem:s11+$0x0];
	[tilespmem:v62+s23+$0x0] =	vst.idx.msk $0xffff, v61  }
0xc9: {  	v31 =	vadd.s32 v5, v41;
	v22 =	vand.u32 $0x7F, v42;
	v23 =	vld [tilespmem:s17+$0x0];
	[tilespmem:v33+s23+$0x0] =	vst.idx.msk $0xffff, v63  }
0xca: {  	v43 =	vadd.s32 v5, v22;
	v24 =	vld [tilespmem:s18+$0x0];
	_ =	sdelay $0x1  }
0xcb: {  	[tilespmem:v37+s23+$0x0] =	vst.idx.msk $0xffff, v36  }
0xcc: {  	v45 =	vadd.s32 v9, v34;
	v44 =	vld [tilespmem:s0+$0x10];
	[tilespmem:v30+s23+$0x0] =	vst.idx.msk $0xffff, v40  }
0xcd: {  	v47 =	vadd.s32 v9, v38;
	v46 =	vld [tilespmem:s11+$0x10];
	[tilespmem:v31+s23+$0x0] =	vst.idx.msk $0xffff, v23  }
0xce: {  	v49 =	vadd.s32 v9, v41;
	v48 =	vld [tilespmem:s17+$0x10];
	[tilespmem:v43+s23+$0x0] =	vst.idx.msk $0xffff, v24  }
0xcf: {  	[tilespmem:v18+s23+$0x0] =	vst.idx.msk $0xffff, v16;
	v51 =	vadd.s32 v9, v22;
	v50 =	vld [tilespmem:s18+$0x10]  }
0xd0: {  	[tilespmem:v21+s23+$0x0] =	vst.idx.msk $0xffff, v20  }
0xd1: {  	v52 =	vadd.s32 v10, v13;
	v20 =	vld [tilespmem:s10+$0x20];
	[tilespmem:v45+s23+$0x0] =	vst.idx.msk $0xffff, v44  }
0xd2: {  	v53 =	vadd.s32 v10, v34;
	v27 =	vld [tilespmem:s0+$0x20];
	[tilespmem:v47+s23+$0x0] =	vst.idx.msk $0xffff, v46  }
0xd3: {  	v54 =	vadd.s32 v10, v38;
	v23 =	vld [tilespmem:s11+$0x20];
	[tilespmem:v49+s23+$0x0] =	vst.idx.msk $0xffff, v48  }
0xd4: {  	v55 =	vadd.s32 v10, v41;
	v24 =	vld [tilespmem:s17+$0x20];
	[tilespmem:v51+s23+$0x0] =	vst.idx.msk $0xffff, v50  }
0xd5: {  	[tilespmem:v17+s23+$0x0] =	vst.idx.msk $0xffff, v15;
	v57 =	vadd.s32 v10, v22;
	v56 =	vld [tilespmem:s18+$0x20]  }
0xd6: {  	v12 =	vadd.s32 v11, v12;
	v17 =	vld [tilespmem:s6+$0x30];
	[tilespmem:v52+s23+$0x0] =	vst.idx.msk $0xffff, v20  }
0xd7: {  	v59 =	vadd.s32 v11, v13;
	v58 =	vld [tilespmem:s10+$0x30];
	[tilespmem:v53+s23+$0x0] =	vst.idx.msk $0xffff, v27  }
0xd8: {  	v61 =	vadd.s32 v11, v34;
	v60 =	vld [tilespmem:s0+$0x30];
	[tilespmem:v54+s23+$0x0] =	vst.idx.msk $0xffff, v23  }
0xd9: {  	v14 =	vadd.s32 v11, v38;
	v23 =	vld [tilespmem:s11+$0x30];
	[tilespmem:v55+s23+$0x0] =	vst.idx.msk $0xffff, v24  }
0xda: {  	v19 =	vadd.s32 v11, v41;
	v24 =	vld [tilespmem:s17+$0x30];
	[tilespmem:v57+s23+$0x0] =	vst.idx.msk $0xffff, v56  }
0xdb: {  	[tilespmem:v12+s23+$0x0] =	vst.idx.msk $0xffff, v17;
	v63 =	vadd.s32 v11, v22;
	v62 =	vld [tilespmem:s18+$0x30]  }
0xdc: {  	s6 =	smul.u32 $0x140000, s19;
	[tilespmem:v59+s23+$0x0] =	vst.idx.msk $0xffff, v58  }
0xdd: {  	[tilespmem:v61+s23+$0x0] =	vst.idx.msk $0xffff, v60  }
0xde: {  	s14 =	sor.u32 s5, s6;
	[tilespmem:v14+s23+$0x0] =	vst.idx.msk $0xffff, v23  }
0xdf: {  	s0 =	sshrl.u32 s14, $0x3;
	[tilespmem:v19+s23+$0x0] =	vst.idx.msk $0xffff, v24  }
0xe0: {  	s7 =	sadd.s32 s2, s0;
	s17 =	simm.s32 $0xD500;
	[tilespmem:v63+s23+$0x0] =	vst.idx.msk $0xffff, v62  }
0xe1: {  	[hbm4b:s7+s3] =	stream.linear.scatter [tilespmem:s17], [sflag:$0x6], $0x80, $0x38;
	[tilespmem:$0x17F00] =	vst v63  }
0xe2: {  	s22 =	sadd.s32 $0x10, s7;
	s18 =	simm.s32 $0xD588  }
0xe3: {  	[hbm4b:s22+s3] =	stream.linear.scatter [tilespmem:s18], [sflag:$0x6], $0x80, $0x38;
	[tilespmem:$0x17F00] =	vst v63  }
0xe4: {  	s12 =	simm.s32 $0xD720;
	s8 =	simm.s32 $0xD610;
	s9 =	sadd.s32 $0x20, s7  }
0xe5: {  	[hbm4b:s9+s3] =	stream.linear.scatter [tilespmem:s8], [sflag:$0x6], $0x80, $0x38;
	[tilespmem:$0x17F00] =	vst v63  }
0xe6: {  	s10 =	simm.s32 $0xD698;
	s14 =	simm.s32 $0xD7A8;
	s11 =	sadd.s32 $0x30, s7  }
0xe7: {  	[hbm4b:s11+s3] =	stream.linear.scatter [tilespmem:s10], [sflag:$0x6], $0x80, $0x38;
	[tilespmem:$0x17F00] =	vst v63  }
0xe8: {  	s0 =	simm.s32 $0x440;
	s13 =	sadd.s32 $0x40, s7;
	s17 =	sadd.s32 $0x50, s7  }
0xe9: {  	[hbm4b:s13+s3] =	stream.linear.scatter [tilespmem:s12], [sflag:$0x6], $0x80, $0x38;
	[tilespmem:$0x17F00] =	vst v63  }
0xea: {  	s18 =	simm.s32 $0xD830;
	s22 =	sadd.s32 $0x60, s7;
	s8 =	simm.s32 $0x2200  }
0xeb: {  	[hbm4b:s17+s3] =	stream.linear.scatter [tilespmem:s14], [sflag:$0x6], $0x80, $0x38;
	[tilespmem:$0x17F00] =	vst v63  }
0xec: {  	s10 =	simm.s32 $0xD8B8;
	s11 =	sadd.s32 $0x70, s7;
	s7 =	sadd.s32 $0x1000, s7  }
0xed: {  	[hbm4b:s22+s3] =	stream.linear.scatter [tilespmem:s18], [sflag:$0x6], $0x80, $0x38;
	[tilespmem:$0x17F00] =	vst v63  }
.LBB2_7:
0xee: {  	[hbm4b:s11+s3] =	stream.linear.scatter [tilespmem:s10], [sflag:$0x6], $0x80, $0x38;
	[tilespmem:$0x17F00] =	vst v63  }
0xef: {  	s10 =	smov.u32 s0;
	s0 =	smov.u32 s8  }
0xf0: {  	s12 =	sadd.s32 $0x1100, s8;
	s0 =	sshra.s32 s0, $0x2;
	s11 =	sadd.s32 $0xD500, s10  }
0xf1: {  	[hbm4b:s7+s3] =	stream.linear.scatter [tilespmem:s11], [sflag:$0x6], $0x80, $0x38;
	[tilespmem:$0x17F00] =	vst v63  }
0xf2: {  	p0 =	sne.s32 s8, $0x7700;
	s8 =	sadd.s32 $0xD588, s10;
	s11 =	sadd.s32 $0x10, s7  }
0xf3: {  	[hbm4b:s11+s3] =	stream.linear.scatter [tilespmem:s8], [sflag:$0x6], $0x80, $0x38;
	[tilespmem:$0x17F00] =	vst v63  }
0xf4: {  	s8 =	sadd.s32 $0xD610, s10;
	s11 =	sadd.s32 $0x20, s7  }
0xf5: {  	[hbm4b:s11+s3] =	stream.linear.scatter [tilespmem:s8], [sflag:$0x6], $0x80, $0x38;
	[tilespmem:$0x17F00] =	vst v63  }
0xf6: {  	s8 =	sadd.s32 $0xD698, s10;
	s11 =	sadd.s32 $0x30, s7  }
0xf7: {  	[hbm4b:s11+s3] =	stream.linear.scatter [tilespmem:s8], [sflag:$0x6], $0x80, $0x38;
	[tilespmem:$0x17F00] =	vst v63  }
0xf8: {  	s8 =	sadd.s32 $0xD720, s10;
	s11 =	sadd.s32 $0x40, s7  }
0xf9: {  	[hbm4b:s11+s3] =	stream.linear.scatter [tilespmem:s8], [sflag:$0x6], $0x80, $0x38;
	[tilespmem:$0x17F00] =	vst v63  }
.Ltmp2:
0xfa: {  	s8 =	sadd.s32 $0xD7A8, s10;
	s11 =	sadd.s32 $0x50, s7;
	(pc) =	sbr.rel @p0 .LBB2_7-.Ltmp2, $4  }
0xfb: {  	[hbm4b:s11+s3] =	stream.linear.scatter [tilespmem:s8], [sflag:$0x6], $0x80, $0x38;
	[tilespmem:$0x17F00] =	vst v63  }
0xfc: {  	s8 =	sadd.s32 $0xD830, s10;
	s11 =	sadd.s32 $0x60, s7;
	s10 =	sadd.s32 $0xD8B8, s10  }
0xfd: {  	[hbm4b:s11+s3] =	stream.linear.scatter [tilespmem:s8], [sflag:$0x6], $0x80, $0x38;
	[tilespmem:$0x17F00] =	vst v63  }
0xfe: {  	s11 =	sadd.s32 $0x70, s7;
	s7 =	sadd.s32 $0x1000, s7;
	s8 =	smov.u32 s12  }
0xff: {  	[hbm4b:s11+s3] =	stream.linear.scatter [tilespmem:s10], [sflag:$0x6], $0x80, $0x38;
	[tilespmem:$0x17F00] =	vst v63  }
0x100: {  	s8 =	sadd.s32 $0xD500, s0  }
0x101: {  	[hbm4b:s7+s3] =	stream.linear.scatter [tilespmem:s8], [sflag:$0x6], $0x80, $0x38;
	[tilespmem:$0x17F00] =	vst v63  }
0x102: {  	s11 =	sadd.s32 $0xD588, s0;
	s12 =	sadd.s32 $0x10, s7  }
0x103: {  	[hbm4b:s12+s3] =	stream.linear.scatter [tilespmem:s11], [sflag:$0x6], $0x80, $0x38;
	[tilespmem:$0x17F00] =	vst v63  }
0x104: {  	s13 =	sadd.s32 $0xD610, s0;
	s14 =	sadd.s32 $0x20, s7  }
0x105: {  	[hbm4b:s14+s3] =	stream.linear.scatter [tilespmem:s13], [sflag:$0x6], $0x80, $0x38;
	[tilespmem:$0x17F00] =	vst v63  }
0x106: {  	s17 =	sadd.s32 $0xD698, s0;
	s18 =	sadd.s32 $0x30, s7  }
0x107: {  	[hbm4b:s18+s3] =	stream.linear.scatter [tilespmem:s17], [sflag:$0x6], $0x80, $0x38;
	[tilespmem:$0x17F00] =	vst v63  }
0x108: {  	s22 =	sadd.s32 $0xD720, s0;
	s9 =	sadd.s32 $0x40, s7  }
0x109: {  	[hbm4b:s9+s3] =	stream.linear.scatter [tilespmem:s22], [sflag:$0x6], $0x80, $0x38;
	[tilespmem:$0x17F00] =	vst v63  }
0x10a: {  	s10 =	sadd.s32 $0xD7A8, s0;
	s11 =	sadd.s32 $0x50, s7  }
0x10b: {  	[hbm4b:s11+s3] =	stream.linear.scatter [tilespmem:s10], [sflag:$0x6], $0x80, $0x38;
	[tilespmem:$0x17F00] =	vst v63  }
0x10c: {  	p0 =	seq.s32 s19, $0x9;
	s12 =	sadd.s32 $0xD830, s0;
	s13 =	sadd.s32 $0x60, s7  }
0x10d: {  	[hbm4b:s13+s3] =	stream.linear.scatter [tilespmem:s12], [sflag:$0x6], $0x80, $0x38;
	[tilespmem:$0x17F00] =	vst v63  }
0x10e: {  	s14 =	sadd.s32 $0xD8B8, s0;
	s0 =	smul.u32 @!p0 $0xA00, s19;
	s17 =	sadd.s32 $0x70, s7  }
0x10f: {  	[hbm4b:s17+s3] =	stream.linear.scatter [tilespmem:s14], [sflag:$0x6], $0x80, $0x38;
	[tilespmem:$0x17F00] =	vst v63  }
0x110: {  	p1 =	seq.s32 @!p0 s19, $0x0;
	s8 =	simm.s32 @!p0 $0x3500;
	_ =	swait.ge [sflag:s24], $0x2000  }
0x111: {  	p1 =	por p0, !p1;
	s10 =	sshra.s32 @!p0 s0, $0x2;
	[sflag:s24] =	ssyncset.done $0x0  }
0x112: {  	s7 =	simm.s32 @!p0 $0x80;
	s0 =	sadd.s32 @!p0 $0x1E80, s10;
	[sflag:s24] =	ssyncadd.s32 $0xFFFFE000  }
0x113: {  	[tilespmem:s8], [sflag:$0x1] =	stream.indirect.gather @!p0 [hbm4b:s4+s7], $0x40, s0, s7, $0xb8;
	[tilespmem:$0x17F00] =	vst v63  }
0x114: {  	s0 =	simm.s32 @p1 $0x7  }
0x115: {  	s18 =	simm.s32 $0x0;
	_ =	swait.ge @p1 [sflag:s0], $0x2000  }
0x116: {  	v12 =	vmov s18;
	[sflag:s0] =	ssyncset.done @p1 $0x0  }
0x117: {  	v12 =	vand.u32 $0x7E, v12;
	s13 =	simm.s32 $0x5540;
	[sflag:s0] =	ssyncadd.s32 @p1 $0xFFFFE000  }
0x118: {  	v14 =	vadd.s32 v5, v12;
	v13 =	vld [tilespmem:s13+$0xFFFFFFC0];
	_ =	sdelay $0x4  }
0x119: {  	s22 =	simm.s32 $0x2;
	[tilespmem:v14+s25+$0x0] =	vst.idx.msk $0xffff, v13  }
0x11a: {  	v15 =	vadd.s32 v9, v12;
	v13 =	vmov s22;
	v14 =	vld [tilespmem:s13+$0xFFFFFFD0]  }
0x11b: {  	s11 =	simm.s32 $0x55C0;
	v13 =	vand.u32 $0x7E, v13  }
0x11c: {  	v16 =	vld [tilespmem:s11+$0xFFFFFFC0];
	v17 =	vadd.s32 v5, v13;
	_ =	sdelay $0x2  }
0x11d: {  	[tilespmem:v15+s25+$0x0] =	vst.idx.msk $0xffff, v14  }
0x11e: {  	v15 =	vadd.s32 v10, v12;
	v14 =	vld [tilespmem:s13+$0xFFFFFFE0]  }
0x11f: {  	s7 =	simm.s32 $0x4;
	[tilespmem:v17+s25+$0x0] =	vst.idx.msk $0xffff, v16  }
0x120: {  	v18 =	vadd.s32 v9, v13;
	v16 =	vmov s7;
	v17 =	vld [tilespmem:s11+$0xFFFFFFD0]  }
0x121: {  	s0 =	simm.s32 $0x5640;
	v16 =	vand.u32 $0x7E, v16  }
0x122: {  	v19 =	vld [tilespmem:s0+$0xFFFFFFC0];
	v20 =	vadd.s32 v5, v16  }
0x123: {  	[tilespmem:v15+s25+$0x0] =	vst.idx.msk $0xffff, v14  }
0x124: {  	v12 =	vadd.s32 v11, v12;
	v14 =	vld [tilespmem:s13+$0xFFFFFFF0]  }
0x125: {  	[tilespmem:v18+s25+$0x0] =	vst.idx.msk $0xffff, v17  }
0x126: {  	s8 =	simm.s32 $0x6;
	v17 =	vadd.s32 v10, v13;
	v15 =	vld [tilespmem:s11+$0xFFFFFFE0]  }
0x127: {  	s9 =	simm.s32 $0x1;
	v18 =	vmov s8;
	[tilespmem:v20+s25+$0x0] =	vst.idx.msk $0xffff, v19  }
0x128: {  	v21 =	vmov s9;
	s17 =	simm.s32 $0x56C0;
	v20 =	vadd.s32 v9, v16;
	v18 =	vand.u32 $0x7E, v18;
	v19 =	vld [tilespmem:s0+$0xFFFFFFD0]  }
0x129: {  	v21 =	vand.u32 $0x7F, v21;
	[tilespmem:v12+s25+$0x0] =	vst.idx.msk $0xffff, v14;
	v12 =	vld [tilespmem:s17+$0xFFFFFFC0];
	v14 =	vadd.s32 v5, v18  }
0x12a: {  	v23 =	vadd.s32 v5, v21;
	v22 =	vld [tilespmem:s13+$0x0]  }
0x12b: {  	[tilespmem:v17+s25+$0x0] =	vst.idx.msk $0xffff, v15  }
0x12c: {  	v13 =	vadd.s32 v11, v13;
	v15 =	vld [tilespmem:s11+$0xFFFFFFF0]  }
0x12d: {  	[tilespmem:v20+s25+$0x0] =	vst.idx.msk $0xffff, v19  }
0x12e: {  	s18 =	simm.s32 $0x8;
	v19 =	vadd.s32 v10, v16;
	v17 =	vld [tilespmem:s0+$0xFFFFFFE0];
	[tilespmem:v14+s25+$0x0] =	vst.idx.msk $0xffff, v12  }
0x12f: {  	s12 =	simm.s32 $0x3;
	v24 =	vadd.s32 v9, v18;
	v12 =	vmov s18;
	v20 =	vld [tilespmem:s17+$0xFFFFFFD0];
	[tilespmem:v23+s25+$0x0] =	vst.idx.msk $0xffff, v22  }
0x130: {  	s22 =	simm.s32 $0x5740;
	v14 =	vand.u32 $0x7E, v12;
	v12 =	vmov s12;
	v23 =	vadd.s32 v9, v21;
	v22 =	vld [tilespmem:s13+$0x10]  }
0x131: {  	[tilespmem:v13+s25+$0x0] =	vst.idx.msk $0xffff, v15;
	v13 =	vld [tilespmem:s22+$0xFFFFFFC0];
	v15 =	vadd.s32 v5, v14;
	v12 =	vand.u32 $0x7F, v12  }
0x132: {  	v25 =	vld [tilespmem:s11+$0x0];
	v26 =	vadd.s32 v5, v12  }
0x133: {  	[tilespmem:v19+s25+$0x0] =	vst.idx.msk $0xffff, v17  }
0x134: {  	v16 =	vadd.s32 v11, v16;
	v17 =	vld [tilespmem:s0+$0xFFFFFFF0];
	[tilespmem:v24+s25+$0x0] =	vst.idx.msk $0xffff, v20  }
0x135: {  	v24 =	vadd.s32 v10, v18;
	v20 =	vld [tilespmem:s17+$0xFFFFFFE0];
	[tilespmem:v23+s25+$0x0] =	vst.idx.msk $0xffff, v22  }
0x136: {  	s7 =	simm.s32 $0xA;
	[tilespmem:v15+s25+$0x0] =	vst.idx.msk $0xffff, v13;
	v22 =	vadd.s32 v10, v21;
	v15 =	vld [tilespmem:s13+$0x20]  }
0x137: {  	s14 =	simm.s32 $0x5;
	v27 =	vadd.s32 v9, v14;
	v13 =	vmov s7;
	v23 =	vld [tilespmem:s22+$0xFFFFFFD0];
	[tilespmem:v26+s25+$0x0] =	vst.idx.msk $0xffff, v25  }
0x138: {  	s12 =	simm.s32 $0x57C0;
	v19 =	vand.u32 $0x7E, v13;
	v13 =	vmov s14;
	v26 =	vadd.s32 v9, v12;
	v25 =	vld [tilespmem:s11+$0x10]  }
0x139: {  	[tilespmem:v16+s25+$0x0] =	vst.idx.msk $0xffff, v17;
	v17 =	vld [tilespmem:s12+$0xFFFFFFC0];
	v28 =	vadd.s32 v5, v19;
	v13 =	vand.u32 $0x7F, v13  }
0x13a: {  	[tilespmem:v24+s25+$0x0] =	vst.idx.msk $0xffff, v20;
	v20 =	vld [tilespmem:s0+$0x0];
	v24 =	vadd.s32 v5, v13  }
0x13b: {  	v30 =	vadd.s32 v11, v18;
	v29 =	vld [tilespmem:s17+$0xFFFFFFF0];
	[tilespmem:v22+s25+$0x0] =	vst.idx.msk $0xffff, v15  }
0x13c: {  	v18 =	vadd.s32 v11, v21;
	[tilespmem:v27+s25+$0x0] =	vst.idx.msk $0xffff, v23;
	v16 =	vld [tilespmem:s13+$0x30]  }
0x13d: {  	v23 =	vadd.s32 v10, v14;
	v22 =	vld [tilespmem:s22+$0xFFFFFFE0];
	[tilespmem:v26+s25+$0x0] =	vst.idx.msk $0xffff, v25  }
0x13e: {  	s14 =	simm.s32 $0xC;
	[tilespmem:v28+s25+$0x0] =	vst.idx.msk $0xffff, v17;
	v17 =	vadd.s32 v10, v12;
	v15 =	vld [tilespmem:s11+$0x20]  }
0x13f: {  	s9 =	simm.s32 $0x7;
	v21 =	vmov s14;
	v26 =	vadd.s32 v9, v19;
	v25 =	vld [tilespmem:s12+$0xFFFFFFD0];
	[tilespmem:v24+s25+$0x0] =	vst.idx.msk $0xffff, v20  }
0x140: {  	s8 =	simm.s32 $0xE;
	v27 =	vmov s9;
	s13 =	simm.s32 $0x5840;
	v24 =	vand.u32 $0x7E, v21;
	v21 =	vadd.s32 v9, v13;
	[tilespmem:v30+s25+$0x0] =	vst.idx.msk $0xffff, v29;
	v20 =	vld [tilespmem:s0+$0x10]  }
.LBB2_9:
0x141: {  	p2 =	slt.u32 s8, $0x7E;
	v28 =	vld [tilespmem:s13+$0xFFFFFFC0];
	v29 =	vadd.s32 v5, v24;
	v27 =	vand.u32 $0x7F, v27;
	[tilespmem:v18+s25+$0x0] =	vst.idx.msk $0xffff, v16  }
0x142: {  	[tilespmem:v23+s25+$0x0] =	vst.idx.msk $0xffff, v22;
	v30 =	vld [tilespmem:s17+$0x0];
	v31 =	vadd.s32 v5, v27  }
0x143: {  	v33 =	vadd.s32 v11, v14;
	v14 =	vmov v19;
	v19 =	vmov v24;
	v32 =	vld [tilespmem:s22+$0xFFFFFFF0];
	[tilespmem:v17+s25+$0x0] =	vst.idx.msk $0xffff, v15  }
.Ltmp3:
0x144: {  	v18 =	vadd.s32 v11, v12;
	v12 =	vmov v13;
	v13 =	vmov v27;
	[tilespmem:v26+s25+$0x0] =	vst.idx.msk $0xffff, v25;
	v16 =	vld [tilespmem:s11+$0x30];
	s11 =	smov.u32 s0;
	s0 =	smov.u32 s17;
	(pc) =	sbr.rel @p2 .LBB2_9-.Ltmp3, $4  }
0x145: {  	v23 =	vadd.s32 v10, v14;
	s17 =	smov.u32 s22;
	s22 =	smov.u32 s12;
	v22 =	vld [tilespmem:s12+$0xFFFFFFE0];
	[tilespmem:v21+s25+$0x0] =	vst.idx.msk $0xffff, v20;
	s12 =	smov.u32 s13  }
0x146: {  	v17 =	vadd.s32 v10, v12;
	[tilespmem:v29+s25+$0x0] =	vst.idx.msk $0xffff, v28;
	v15 =	vld [tilespmem:s11+$0x20]  }
0x147: {  	s9 =	sadd.s32 $0x1, s18;
	s18 =	smov.u32 s7;
	s7 =	smov.u32 s14;
	v26 =	vadd.s32 v9, v19;
	v20 =	vmov s8;
	v25 =	vld [tilespmem:s13+$0xFFFFFFD0];
	[tilespmem:v31+s25+$0x0] =	vst.idx.msk $0xffff, v30  }
0x148: {  	s14 =	smov.u32 s8;
	v27 =	vmov s9;
	v21 =	vadd.s32 v9, v13;
	s8 =	sadd.s32 $0x2, s8;
	v24 =	vand.u32 $0x7E, v20;
	s13 =	sadd.s32 $0x80, s13;
	[tilespmem:v33+s25+$0x0] =	vst.idx.msk $0xffff, v32;
	v20 =	vld [tilespmem:s0+$0x10]  }
0x149: {  	v28 =	vld [tilespmem:s13+$0xFFFFFFC0];
	v29 =	vadd.s32 v5, v24;
	_ =	sdelay $0x4  }
0x14a: {  	[tilespmem:v29+s25+$0x0] =	vst.idx.msk $0xffff, v28  }
0x14b: {  	v58 =	vadd.s32 v9, v24;
	v28 =	vld [tilespmem:s13+$0xFFFFFFD0];
	_ =	sdelay $0x3  }
0x14c: {  	[tilespmem:v26+s25+$0x0] =	vst.idx.msk $0xffff, v25  }
0x14d: {  	v59 =	vadd.s32 v10, v19;
	v25 =	vld [tilespmem:s12+$0xFFFFFFE0];
	[tilespmem:v58+s25+$0x0] =	vst.idx.msk $0xffff, v28  }
0x14e: {  	v60 =	vadd.s32 v10, v24;
	v28 =	vld [tilespmem:s13+$0xFFFFFFE0]  }
0x14f: {  	[tilespmem:v23+s25+$0x0] =	vst.idx.msk $0xffff, v22  }
0x150: {  	v14 =	vadd.s32 v11, v14;
	v22 =	vld [tilespmem:s22+$0xFFFFFFF0];
	_ =	sdelay $0x1  }
0x151: {  	[tilespmem:v59+s25+$0x0] =	vst.idx.msk $0xffff, v25  }
0x152: {  	v62 =	vadd.s32 v11, v19;
	s8 =	sadd.s32 $0x1, s18;
	v61 =	vld [tilespmem:s12+$0xFFFFFFF0];
	[tilespmem:v60+s25+$0x0] =	vst.idx.msk $0xffff, v28  }
0x153: {  	v33 =	vadd.s32 v11, v24;
	v34 =	vand.u32 $0x7F, v27;
	v35 =	vmov s8;
	v63 =	vld [tilespmem:s13+$0xFFFFFFF0]  }
0x154: {  	v36 =	vld [tilespmem:s17+$0x0];
	v37 =	vadd.s32 v5, v34;
	v38 =	vand.u32 $0x7F, v35;
	[tilespmem:v14+s25+$0x0] =	vst.idx.msk $0xffff, v22  }
0x155: {  	s7 =	sadd.s32 $0x1, s7;
	v30 =	vadd.s32 v5, v38;
	v40 =	vld [tilespmem:s22+$0x0]  }
0x156: {  	s9 =	sadd.s32 $0x1, s14;
	v39 =	vmov s7  }
0x157: {  	v42 =	vmov s9;
	v41 =	vand.u32 $0x7F, v39;
	[tilespmem:v62+s25+$0x0] =	vst.idx.msk $0xffff, v61  }
0x158: {  	v31 =	vadd.s32 v5, v41;
	v22 =	vand.u32 $0x7F, v42;
	v23 =	vld [tilespmem:s12+$0x0];
	[tilespmem:v33+s25+$0x0] =	vst.idx.msk $0xffff, v63  }
0x159: {  	[tilespmem:v37+s25+$0x0] =	vst.idx.msk $0xffff, v36;
	v43 =	vadd.s32 v5, v22;
	v24 =	vld [tilespmem:s13+$0x0]  }
0x15a: {  	v45 =	vadd.s32 v9, v34;
	v44 =	vld [tilespmem:s17+$0x10];
	[tilespmem:v30+s25+$0x0] =	vst.idx.msk $0xffff, v40  }
0x15b: {  	[tilespmem:v18+s25+$0x0] =	vst.idx.msk $0xffff, v16;
	v47 =	vadd.s32 v9, v38;
	v46 =	vld [tilespmem:s22+$0x10]  }
0x15c: {  	[tilespmem:v21+s25+$0x0] =	vst.idx.msk $0xffff, v20  }
0x15d: {  	v52 =	vadd.s32 v10, v13;
	v20 =	vld [tilespmem:s0+$0x20];
	[tilespmem:v31+s25+$0x0] =	vst.idx.msk $0xffff, v23  }
0x15e: {  	v49 =	vadd.s32 v9, v41;
	v48 =	vld [tilespmem:s12+$0x10];
	[tilespmem:v43+s25+$0x0] =	vst.idx.msk $0xffff, v24  }
0x15f: {  	v51 =	vadd.s32 v9, v22;
	[tilespmem:v45+s25+$0x0] =	vst.idx.msk $0xffff, v44;
	v50 =	vld [tilespmem:s13+$0x10]  }
0x160: {  	v53 =	vadd.s32 v10, v34;
	v27 =	vld [tilespmem:s17+$0x20];
	[tilespmem:v47+s25+$0x0] =	vst.idx.msk $0xffff, v46  }
0x161: {  	[tilespmem:v17+s25+$0x0] =	vst.idx.msk $0xffff, v15;
	v54 =	vadd.s32 v10, v38;
	v23 =	vld [tilespmem:s22+$0x20]  }
0x162: {  	v12 =	vadd.s32 v11, v12;
	v17 =	vld [tilespmem:s11+$0x30];
	[tilespmem:v52+s25+$0x0] =	vst.idx.msk $0xffff, v20  }
0x163: {  	v59 =	vadd.s32 v11, v13;
	v58 =	vld [tilespmem:s0+$0x30];
	[tilespmem:v49+s25+$0x0] =	vst.idx.msk $0xffff, v48  }
0x164: {  	v55 =	vadd.s32 v10, v41;
	v24 =	vld [tilespmem:s12+$0x20];
	[tilespmem:v51+s25+$0x0] =	vst.idx.msk $0xffff, v50  }
0x165: {  	v57 =	vadd.s32 v10, v22;
	[tilespmem:v53+s25+$0x0] =	vst.idx.msk $0xffff, v27;
	v56 =	vld [tilespmem:s13+$0x20]  }
0x166: {  	v61 =	vadd.s32 v11, v34;
	v60 =	vld [tilespmem:s17+$0x30];
	[tilespmem:v54+s25+$0x0] =	vst.idx.msk $0xffff, v23  }
0x167: {  	v14 =	vadd.s32 v11, v38;
	[tilespmem:v12+s25+$0x0] =	vst.idx.msk $0xffff, v17;
	v23 =	vld [tilespmem:s22+$0x30]  }
0x168: {  	[tilespmem:v59+s25+$0x0] =	vst.idx.msk $0xffff, v58  }
0x169: {  	[tilespmem:v55+s25+$0x0] =	vst.idx.msk $0xffff, v24  }
0x16a: {  	v19 =	vadd.s32 v11, v41;
	v24 =	vld [tilespmem:s12+$0x30];
	[tilespmem:v57+s25+$0x0] =	vst.idx.msk $0xffff, v56  }
0x16b: {  	v63 =	vadd.s32 v11, v22;
	[tilespmem:v61+s25+$0x0] =	vst.idx.msk $0xffff, v60;
	v62 =	vld [tilespmem:s13+$0x30]  }
0x16c: {  	[tilespmem:v14+s25+$0x0] =	vst.idx.msk $0xffff, v23  }
0x16d: {  	s12 =	rddreg [dreg:$0x4]  }
0x16e: {  	s0 =	sadd.s32 s12, s6  }
0x16f: {  	[tilespmem:v19+s25+$0x0] =	vst.idx.msk $0xffff, v24;
	s0 =	sshrl.u32 s0, $0x3  }
0x170: {  	s13 =	simm.s32 $0xF700;
	s7 =	sadd.s32 s2, s0;
	[tilespmem:v63+s25+$0x0] =	vst.idx.msk $0xffff, v62  }
0x171: {  	[hbm4b:s7+s3] =	stream.linear.scatter [tilespmem:s13], [sflag:$0x7], $0x80, $0x38;
	[tilespmem:$0x17F00] =	vst v63  }
0x172: {  	s14 =	simm.s32 $0xF788;
	s17 =	sadd.s32 $0x10, s7  }
0x173: {  	[hbm4b:s17+s3] =	stream.linear.scatter [tilespmem:s14], [sflag:$0x7], $0x80, $0x38;
	[tilespmem:$0x17F00] =	vst v63  }
0x174: {  	s18 =	simm.s32 $0xF810;
	s9 =	simm.s32 $0xF898;
	s22 =	sadd.s32 $0x20, s7  }
0x175: {  	[hbm4b:s22+s3] =	stream.linear.scatter [tilespmem:s18], [sflag:$0x7], $0x80, $0x38;
	[tilespmem:$0x17F00] =	vst v63  }
0x176: {  	s8 =	simm.s32 $0x2200;
	s12 =	simm.s32 $0xF920;
	s11 =	sadd.s32 $0x30, s7  }
0x177: {  	[hbm4b:s11+s3] =	stream.linear.scatter [tilespmem:s9], [sflag:$0x7], $0x80, $0x38;
	[tilespmem:$0x17F00] =	vst v63  }
0x178: {  	s0 =	simm.s32 $0x440;
	s13 =	sadd.s32 $0x40, s7;
	s14 =	simm.s32 $0xF9A8  }
0x179: {  	[hbm4b:s13+s3] =	stream.linear.scatter [tilespmem:s12], [sflag:$0x7], $0x80, $0x38;
	[tilespmem:$0x17F00] =	vst v63  }
0x17a: {  	s17 =	sadd.s32 $0x50, s7;
	s18 =	simm.s32 $0xFA30;
	s22 =	sadd.s32 $0x60, s7  }
0x17b: {  	[hbm4b:s17+s3] =	stream.linear.scatter [tilespmem:s14], [sflag:$0x7], $0x80, $0x38;
	[tilespmem:$0x17F00] =	vst v63  }
0x17c: {  	s11 =	simm.s32 $0xFAB8;
	s12 =	sadd.s32 $0x70, s7;
	s7 =	sadd.s32 $0x1000, s7  }
0x17d: {  	[hbm4b:s22+s3] =	stream.linear.scatter [tilespmem:s18], [sflag:$0x7], $0x80, $0x38;
	[tilespmem:$0x17F00] =	vst v63  }
.LBB2_11:
0x17e: {  	[hbm4b:s12+s3] =	stream.linear.scatter [tilespmem:s11], [sflag:$0x7], $0x80, $0x38;
	[tilespmem:$0x17F00] =	vst v63  }
0x17f: {  	s9 =	smov.u32 s0;
	s0 =	smov.u32 s8  }
0x180: {  	s13 =	sadd.s32 $0x1100, s8;
	s0 =	sshra.s32 s0, $0x2;
	s11 =	sadd.s32 $0xF700, s9  }
0x181: {  	[hbm4b:s7+s3] =	stream.linear.scatter [tilespmem:s11], [sflag:$0x7], $0x80, $0x38;
	[tilespmem:$0x17F00] =	vst v63  }
0x182: {  	p2 =	sne.s32 s8, $0x7700;
	s8 =	sadd.s32 $0xF788, s9;
	s11 =	sadd.s32 $0x10, s7  }
0x183: {  	[hbm4b:s11+s3] =	stream.linear.scatter [tilespmem:s8], [sflag:$0x7], $0x80, $0x38;
	[tilespmem:$0x17F00] =	vst v63  }
0x184: {  	s8 =	sadd.s32 $0xF810, s9;
	s11 =	sadd.s32 $0x20, s7  }
0x185: {  	[hbm4b:s11+s3] =	stream.linear.scatter [tilespmem:s8], [sflag:$0x7], $0x80, $0x38;
	[tilespmem:$0x17F00] =	vst v63  }
0x186: {  	s8 =	sadd.s32 $0xF898, s9;
	s11 =	sadd.s32 $0x30, s7  }
0x187: {  	[hbm4b:s11+s3] =	stream.linear.scatter [tilespmem:s8], [sflag:$0x7], $0x80, $0x38;
	[tilespmem:$0x17F00] =	vst v63  }
0x188: {  	s8 =	sadd.s32 $0xF920, s9;
	s11 =	sadd.s32 $0x40, s7  }
0x189: {  	[hbm4b:s11+s3] =	stream.linear.scatter [tilespmem:s8], [sflag:$0x7], $0x80, $0x38;
	[tilespmem:$0x17F00] =	vst v63  }
.Ltmp4:
0x18a: {  	s8 =	sadd.s32 $0xF9A8, s9;
	s11 =	sadd.s32 $0x50, s7;
	(pc) =	sbr.rel @p2 .LBB2_11-.Ltmp4, $4  }
0x18b: {  	[hbm4b:s11+s3] =	stream.linear.scatter [tilespmem:s8], [sflag:$0x7], $0x80, $0x38;
	[tilespmem:$0x17F00] =	vst v63  }
0x18c: {  	s12 =	sadd.s32 $0x70, s7;
	s8 =	sadd.s32 $0xFA30, s9;
	s11 =	sadd.s32 $0x60, s7  }
0x18d: {  	[hbm4b:s11+s3] =	stream.linear.scatter [tilespmem:s8], [sflag:$0x7], $0x80, $0x38;
	[tilespmem:$0x17F00] =	vst v63  }
0x18e: {  	s7 =	sadd.s32 $0x1000, s7;
	s11 =	sadd.s32 $0xFAB8, s9;
	s8 =	smov.u32 s13  }
0x18f: {  	[hbm4b:s12+s3] =	stream.linear.scatter [tilespmem:s11], [sflag:$0x7], $0x80, $0x38;
	[tilespmem:$0x17F00] =	vst v63  }
0x190: {  	s8 =	sadd.s32 $0xF700, s0  }
0x191: {  	[hbm4b:s7+s3] =	stream.linear.scatter [tilespmem:s8], [sflag:$0x7], $0x80, $0x38;
	[tilespmem:$0x17F00] =	vst v63  }
0x192: {  	s11 =	sadd.s32 $0xF788, s0;
	s9 =	sadd.s32 $0x10, s7  }
0x193: {  	[hbm4b:s9+s3] =	stream.linear.scatter [tilespmem:s11], [sflag:$0x7], $0x80, $0x38;
	[tilespmem:$0x17F00] =	vst v63  }
0x194: {  	s12 =	sadd.s32 $0xF810, s0;
	s13 =	sadd.s32 $0x20, s7  }
0x195: {  	[hbm4b:s13+s3] =	stream.linear.scatter [tilespmem:s12], [sflag:$0x7], $0x80, $0x38;
	[tilespmem:$0x17F00] =	vst v63  }
0x196: {  	s14 =	sadd.s32 $0xF898, s0;
	s17 =	sadd.s32 $0x30, s7  }
0x197: {  	[hbm4b:s17+s3] =	stream.linear.scatter [tilespmem:s14], [sflag:$0x7], $0x80, $0x38;
	[tilespmem:$0x17F00] =	vst v63  }
0x198: {  	s18 =	sadd.s32 $0xF920, s0;
	s22 =	sadd.s32 $0x40, s7  }
0x199: {  	[hbm4b:s22+s3] =	stream.linear.scatter [tilespmem:s18], [sflag:$0x7], $0x80, $0x38;
	[tilespmem:$0x17F00] =	vst v63  }
0x19a: {  	s9 =	sadd.s32 $0xF9A8, s0;
	s11 =	sadd.s32 $0x50, s7  }
0x19b: {  	[hbm4b:s11+s3] =	stream.linear.scatter [tilespmem:s9], [sflag:$0x7], $0x80, $0x38;
	[tilespmem:$0x17F00] =	vst v63  }
0x19c: {  	s12 =	sadd.s32 $0xFA30, s0;
	s13 =	sadd.s32 $0x60, s7  }
0x19d: {  	[hbm4b:s13+s3] =	stream.linear.scatter [tilespmem:s12], [sflag:$0x7], $0x80, $0x38;
	[tilespmem:$0x17F00] =	vst v63  }
0x19e: {  	s14 =	sadd.s32 $0xFAB8, s0;
	s17 =	sadd.s32 $0x70, s7  }
0x19f: {  	[hbm4b:s17+s3] =	stream.linear.scatter [tilespmem:s14], [sflag:$0x7], $0x80, $0x38;
	[tilespmem:$0x17F00] =	vst v63  }
0x1a0: {  	_ =	swait.ge [sflag:s26], $0x2000  }
0x1a1: {  	s8 =	simm.s32 @!p0 $0x5500;
	[sflag:s26] =	ssyncset.done $0x0  }
0x1a2: {  	s0 =	sadd.s32 @!p0 $0x1F00, s10;
	s7 =	simm.s32 @!p0 $0x80;
	[sflag:s26] =	ssyncadd.s32 $0xFFFFE000  }
0x1a3: {  	[tilespmem:s8], [sflag:$0x2] =	stream.indirect.gather @!p0 [hbm4b:s4+s7], $0x40, s0, s7, $0xb8;
	[tilespmem:$0x17F00] =	vst v63  }
0x1a4: {  	s0 =	simm.s32 @p1 $0x8  }
0x1a5: {  	s18 =	simm.s32 $0x0;
	_ =	swait.ge @p1 [sflag:s0], $0x2000  }
0x1a6: {  	v12 =	vmov s18;
	[sflag:s0] =	ssyncset.done @p1 $0x0  }
0x1a7: {  	v12 =	vand.u32 $0x7E, v12;
	s13 =	simm.s32 $0x7540;
	[sflag:s0] =	ssyncadd.s32 @p1 $0xFFFFE000  }
0x1a8: {  	v14 =	vadd.s32 v5, v12;
	v13 =	vld [tilespmem:s13+$0xFFFFFFC0];
	_ =	sdelay $0x4  }
0x1a9: {  	s22 =	simm.s32 $0x2;
	[tilespmem:v14+s28+$0x0] =	vst.idx.msk $0xffff, v13  }
0x1aa: {  	v15 =	vadd.s32 v9, v12;
	v13 =	vmov s22;
	v14 =	vld [tilespmem:s13+$0xFFFFFFD0]  }
0x1ab: {  	s11 =	simm.s32 $0x75C0;
	v13 =	vand.u32 $0x7E, v13  }
0x1ac: {  	v16 =	vld [tilespmem:s11+$0xFFFFFFC0];
	v17 =	vadd.s32 v5, v13;
	_ =	sdelay $0x2  }
0x1ad: {  	[tilespmem:v15+s28+$0x0] =	vst.idx.msk $0xffff, v14  }
0x1ae: {  	v15 =	vadd.s32 v10, v12;
	v14 =	vld [tilespmem:s13+$0xFFFFFFE0]  }
0x1af: {  	s7 =	simm.s32 $0x4;
	[tilespmem:v17+s28+$0x0] =	vst.idx.msk $0xffff, v16  }
0x1b0: {  	v18 =	vadd.s32 v9, v13;
	v16 =	vmov s7;
	v17 =	vld [tilespmem:s11+$0xFFFFFFD0]  }
0x1b1: {  	s0 =	simm.s32 $0x7640;
	v16 =	vand.u32 $0x7E, v16  }
0x1b2: {  	v19 =	vld [tilespmem:s0+$0xFFFFFFC0];
	v20 =	vadd.s32 v5, v16  }
0x1b3: {  	[tilespmem:v15+s28+$0x0] =	vst.idx.msk $0xffff, v14  }
0x1b4: {  	v12 =	vadd.s32 v11, v12;
	v14 =	vld [tilespmem:s13+$0xFFFFFFF0]  }
0x1b5: {  	[tilespmem:v18+s28+$0x0] =	vst.idx.msk $0xffff, v17  }
0x1b6: {  	s8 =	simm.s32 $0x6;
	v17 =	vadd.s32 v10, v13;
	v15 =	vld [tilespmem:s11+$0xFFFFFFE0]  }
0x1b7: {  	s9 =	simm.s32 $0x1;
	v18 =	vmov s8;
	[tilespmem:v20+s28+$0x0] =	vst.idx.msk $0xffff, v19  }
0x1b8: {  	v21 =	vmov s9;
	s17 =	simm.s32 $0x76C0;
	v20 =	vadd.s32 v9, v16;
	v18 =	vand.u32 $0x7E, v18;
	v19 =	vld [tilespmem:s0+$0xFFFFFFD0]  }
0x1b9: {  	v21 =	vand.u32 $0x7F, v21;
	[tilespmem:v12+s28+$0x0] =	vst.idx.msk $0xffff, v14;
	v12 =	vld [tilespmem:s17+$0xFFFFFFC0];
	v14 =	vadd.s32 v5, v18  }
0x1ba: {  	v23 =	vadd.s32 v5, v21;
	v22 =	vld [tilespmem:s13+$0x0]  }
0x1bb: {  	[tilespmem:v17+s28+$0x0] =	vst.idx.msk $0xffff, v15  }
0x1bc: {  	v13 =	vadd.s32 v11, v13;
	v15 =	vld [tilespmem:s11+$0xFFFFFFF0]  }
0x1bd: {  	[tilespmem:v20+s28+$0x0] =	vst.idx.msk $0xffff, v19  }
0x1be: {  	s18 =	simm.s32 $0x8;
	v19 =	vadd.s32 v10, v16;
	v17 =	vld [tilespmem:s0+$0xFFFFFFE0];
	[tilespmem:v14+s28+$0x0] =	vst.idx.msk $0xffff, v12  }
0x1bf: {  	s12 =	simm.s32 $0x3;
	v24 =	vadd.s32 v9, v18;
	v12 =	vmov s18;
	v20 =	vld [tilespmem:s17+$0xFFFFFFD0];
	[tilespmem:v23+s28+$0x0] =	vst.idx.msk $0xffff, v22  }
0x1c0: {  	s22 =	simm.s32 $0x7740;
	v14 =	vand.u32 $0x7E, v12;
	v12 =	vmov s12;
	v23 =	vadd.s32 v9, v21;
	v22 =	vld [tilespmem:s13+$0x10]  }
0x1c1: {  	[tilespmem:v13+s28+$0x0] =	vst.idx.msk $0xffff, v15;
	v13 =	vld [tilespmem:s22+$0xFFFFFFC0];
	v15 =	vadd.s32 v5, v14;
	v12 =	vand.u32 $0x7F, v12  }
0x1c2: {  	v25 =	vld [tilespmem:s11+$0x0];
	v26 =	vadd.s32 v5, v12  }
0x1c3: {  	[tilespmem:v19+s28+$0x0] =	vst.idx.msk $0xffff, v17  }
0x1c4: {  	v16 =	vadd.s32 v11, v16;
	v17 =	vld [tilespmem:s0+$0xFFFFFFF0];
	[tilespmem:v24+s28+$0x0] =	vst.idx.msk $0xffff, v20  }
0x1c5: {  	v24 =	vadd.s32 v10, v18;
	v20 =	vld [tilespmem:s17+$0xFFFFFFE0];
	[tilespmem:v23+s28+$0x0] =	vst.idx.msk $0xffff, v22  }
0x1c6: {  	s7 =	simm.s32 $0xA;
	[tilespmem:v15+s28+$0x0] =	vst.idx.msk $0xffff, v13;
	v22 =	vadd.s32 v10, v21;
	v15 =	vld [tilespmem:s13+$0x20]  }
0x1c7: {  	s14 =	simm.s32 $0x5;
	v27 =	vadd.s32 v9, v14;
	v13 =	vmov s7;
	v23 =	vld [tilespmem:s22+$0xFFFFFFD0];
	[tilespmem:v26+s28+$0x0] =	vst.idx.msk $0xffff, v25  }
0x1c8: {  	s12 =	simm.s32 $0x77C0;
	v19 =	vand.u32 $0x7E, v13;
	v13 =	vmov s14;
	v26 =	vadd.s32 v9, v12;
	v25 =	vld [tilespmem:s11+$0x10]  }
0x1c9: {  	[tilespmem:v16+s28+$0x0] =	vst.idx.msk $0xffff, v17;
	v17 =	vld [tilespmem:s12+$0xFFFFFFC0];
	v28 =	vadd.s32 v5, v19;
	v13 =	vand.u32 $0x7F, v13  }
0x1ca: {  	[tilespmem:v24+s28+$0x0] =	vst.idx.msk $0xffff, v20;
	v20 =	vld [tilespmem:s0+$0x0];
	v24 =	vadd.s32 v5, v13  }
0x1cb: {  	v30 =	vadd.s32 v11, v18;
	v29 =	vld [tilespmem:s17+$0xFFFFFFF0];
	[tilespmem:v22+s28+$0x0] =	vst.idx.msk $0xffff, v15  }
0x1cc: {  	v18 =	vadd.s32 v11, v21;
	[tilespmem:v27+s28+$0x0] =	vst.idx.msk $0xffff, v23;
	v16 =	vld [tilespmem:s13+$0x30]  }
0x1cd: {  	v23 =	vadd.s32 v10, v14;
	v22 =	vld [tilespmem:s22+$0xFFFFFFE0];
	[tilespmem:v26+s28+$0x0] =	vst.idx.msk $0xffff, v25  }
0x1ce: {  	s14 =	simm.s32 $0xC;
	[tilespmem:v28+s28+$0x0] =	vst.idx.msk $0xffff, v17;
	v17 =	vadd.s32 v10, v12;
	v15 =	vld [tilespmem:s11+$0x20]  }
0x1cf: {  	s9 =	simm.s32 $0x7;
	v21 =	vmov s14;
	v26 =	vadd.s32 v9, v19;
	v25 =	vld [tilespmem:s12+$0xFFFFFFD0];
	[tilespmem:v24+s28+$0x0] =	vst.idx.msk $0xffff, v20  }
0x1d0: {  	s8 =	simm.s32 $0xE;
	v27 =	vmov s9;
	s13 =	simm.s32 $0x7840;
	v24 =	vand.u32 $0x7E, v21;
	v21 =	vadd.s32 v9, v13;
	[tilespmem:v30+s28+$0x0] =	vst.idx.msk $0xffff, v29;
	v20 =	vld [tilespmem:s0+$0x10]  }
.LBB2_13:
0x1d1: {  	p2 =	slt.u32 s8, $0x7E;
	v28 =	vld [tilespmem:s13+$0xFFFFFFC0];
	v29 =	vadd.s32 v5, v24;
	v27 =	vand.u32 $0x7F, v27;
	[tilespmem:v18+s28+$0x0] =	vst.idx.msk $0xffff, v16  }
0x1d2: {  	[tilespmem:v23+s28+$0x0] =	vst.idx.msk $0xffff, v22;
	v30 =	vld [tilespmem:s17+$0x0];
	v31 =	vadd.s32 v5, v27  }
0x1d3: {  	v33 =	vadd.s32 v11, v14;
	v14 =	vmov v19;
	v19 =	vmov v24;
	v32 =	vld [tilespmem:s22+$0xFFFFFFF0];
	[tilespmem:v17+s28+$0x0] =	vst.idx.msk $0xffff, v15  }
.Ltmp5:
0x1d4: {  	v18 =	vadd.s32 v11, v12;
	v12 =	vmov v13;
	v13 =	vmov v27;
	[tilespmem:v26+s28+$0x0] =	vst.idx.msk $0xffff, v25;
	v16 =	vld [tilespmem:s11+$0x30];
	s11 =	smov.u32 s0;
	s0 =	smov.u32 s17;
	(pc) =	sbr.rel @p2 .LBB2_13-.Ltmp5, $4  }
0x1d5: {  	v23 =	vadd.s32 v10, v14;
	s17 =	smov.u32 s22;
	s22 =	smov.u32 s12;
	v22 =	vld [tilespmem:s12+$0xFFFFFFE0];
	[tilespmem:v21+s28+$0x0] =	vst.idx.msk $0xffff, v20;
	s12 =	smov.u32 s13  }
0x1d6: {  	v17 =	vadd.s32 v10, v12;
	[tilespmem:v29+s28+$0x0] =	vst.idx.msk $0xffff, v28;
	v15 =	vld [tilespmem:s11+$0x20]  }
0x1d7: {  	s9 =	sadd.s32 $0x1, s18;
	s18 =	smov.u32 s7;
	s7 =	smov.u32 s14;
	v26 =	vadd.s32 v9, v19;
	v20 =	vmov s8;
	v25 =	vld [tilespmem:s13+$0xFFFFFFD0];
	[tilespmem:v31+s28+$0x0] =	vst.idx.msk $0xffff, v30  }
0x1d8: {  	s14 =	smov.u32 s8;
	v27 =	vmov s9;
	v21 =	vadd.s32 v9, v13;
	s8 =	sadd.s32 $0x2, s8;
	v24 =	vand.u32 $0x7E, v20;
	s13 =	sadd.s32 $0x80, s13;
	[tilespmem:v33+s28+$0x0] =	vst.idx.msk $0xffff, v32;
	v20 =	vld [tilespmem:s0+$0x10]  }
0x1d9: {  	v28 =	vld [tilespmem:s13+$0xFFFFFFC0];
	v29 =	vadd.s32 v5, v24;
	_ =	sdelay $0x4  }
0x1da: {  	[tilespmem:v29+s28+$0x0] =	vst.idx.msk $0xffff, v28  }
0x1db: {  	v58 =	vadd.s32 v9, v24;
	v28 =	vld [tilespmem:s13+$0xFFFFFFD0];
	_ =	sdelay $0x3  }
0x1dc: {  	[tilespmem:v26+s28+$0x0] =	vst.idx.msk $0xffff, v25  }
0x1dd: {  	v59 =	vadd.s32 v10, v19;
	v25 =	vld [tilespmem:s12+$0xFFFFFFE0];
	[tilespmem:v58+s28+$0x0] =	vst.idx.msk $0xffff, v28  }
0x1de: {  	v60 =	vadd.s32 v10, v24;
	v28 =	vld [tilespmem:s13+$0xFFFFFFE0]  }
0x1df: {  	[tilespmem:v23+s28+$0x0] =	vst.idx.msk $0xffff, v22  }
0x1e0: {  	v14 =	vadd.s32 v11, v14;
	v22 =	vld [tilespmem:s22+$0xFFFFFFF0];
	_ =	sdelay $0x1  }
0x1e1: {  	[tilespmem:v59+s28+$0x0] =	vst.idx.msk $0xffff, v25  }
0x1e2: {  	v62 =	vadd.s32 v11, v19;
	s8 =	sadd.s32 $0x1, s18;
	v61 =	vld [tilespmem:s12+$0xFFFFFFF0];
	[tilespmem:v60+s28+$0x0] =	vst.idx.msk $0xffff, v28  }
0x1e3: {  	v33 =	vadd.s32 v11, v24;
	v34 =	vand.u32 $0x7F, v27;
	v35 =	vmov s8;
	v63 =	vld [tilespmem:s13+$0xFFFFFFF0]  }
0x1e4: {  	v36 =	vld [tilespmem:s17+$0x0];
	v37 =	vadd.s32 v5, v34;
	v38 =	vand.u32 $0x7F, v35;
	[tilespmem:v14+s28+$0x0] =	vst.idx.msk $0xffff, v22  }
0x1e5: {  	s7 =	sadd.s32 $0x1, s7;
	v30 =	vadd.s32 v5, v38;
	v40 =	vld [tilespmem:s22+$0x0]  }
0x1e6: {  	s9 =	sadd.s32 $0x1, s14;
	v39 =	vmov s7  }
0x1e7: {  	v42 =	vmov s9;
	v41 =	vand.u32 $0x7F, v39;
	[tilespmem:v62+s28+$0x0] =	vst.idx.msk $0xffff, v61  }
0x1e8: {  	v31 =	vadd.s32 v5, v41;
	v22 =	vand.u32 $0x7F, v42;
	v23 =	vld [tilespmem:s12+$0x0];
	[tilespmem:v33+s28+$0x0] =	vst.idx.msk $0xffff, v63  }
0x1e9: {  	[tilespmem:v37+s28+$0x0] =	vst.idx.msk $0xffff, v36;
	v43 =	vadd.s32 v5, v22;
	v24 =	vld [tilespmem:s13+$0x0]  }
0x1ea: {  	v45 =	vadd.s32 v9, v34;
	v44 =	vld [tilespmem:s17+$0x10];
	[tilespmem:v30+s28+$0x0] =	vst.idx.msk $0xffff, v40  }
0x1eb: {  	[tilespmem:v18+s28+$0x0] =	vst.idx.msk $0xffff, v16;
	v47 =	vadd.s32 v9, v38;
	v46 =	vld [tilespmem:s22+$0x10]  }
0x1ec: {  	[tilespmem:v21+s28+$0x0] =	vst.idx.msk $0xffff, v20  }
0x1ed: {  	v52 =	vadd.s32 v10, v13;
	v20 =	vld [tilespmem:s0+$0x20];
	[tilespmem:v31+s28+$0x0] =	vst.idx.msk $0xffff, v23  }
0x1ee: {  	v49 =	vadd.s32 v9, v41;
	v48 =	vld [tilespmem:s12+$0x10];
	[tilespmem:v43+s28+$0x0] =	vst.idx.msk $0xffff, v24  }
0x1ef: {  	v51 =	vadd.s32 v9, v22;
	[tilespmem:v45+s28+$0x0] =	vst.idx.msk $0xffff, v44;
	v50 =	vld [tilespmem:s13+$0x10]  }
0x1f0: {  	v53 =	vadd.s32 v10, v34;
	v27 =	vld [tilespmem:s17+$0x20];
	[tilespmem:v47+s28+$0x0] =	vst.idx.msk $0xffff, v46  }
0x1f1: {  	[tilespmem:v17+s28+$0x0] =	vst.idx.msk $0xffff, v15;
	v54 =	vadd.s32 v10, v38;
	v23 =	vld [tilespmem:s22+$0x20]  }
0x1f2: {  	v12 =	vadd.s32 v11, v12;
	v17 =	vld [tilespmem:s11+$0x30];
	[tilespmem:v52+s28+$0x0] =	vst.idx.msk $0xffff, v20  }
0x1f3: {  	v59 =	vadd.s32 v11, v13;
	v58 =	vld [tilespmem:s0+$0x30];
	[tilespmem:v49+s28+$0x0] =	vst.idx.msk $0xffff, v48  }
0x1f4: {  	v55 =	vadd.s32 v10, v41;
	v24 =	vld [tilespmem:s12+$0x20];
	[tilespmem:v51+s28+$0x0] =	vst.idx.msk $0xffff, v50  }
0x1f5: {  	v57 =	vadd.s32 v10, v22;
	[tilespmem:v53+s28+$0x0] =	vst.idx.msk $0xffff, v27;
	v56 =	vld [tilespmem:s13+$0x20]  }
0x1f6: {  	v61 =	vadd.s32 v11, v34;
	v60 =	vld [tilespmem:s17+$0x30];
	[tilespmem:v54+s28+$0x0] =	vst.idx.msk $0xffff, v23  }
0x1f7: {  	v14 =	vadd.s32 v11, v38;
	[tilespmem:v12+s28+$0x0] =	vst.idx.msk $0xffff, v17;
	v23 =	vld [tilespmem:s22+$0x30]  }
0x1f8: {  	[tilespmem:v59+s28+$0x0] =	vst.idx.msk $0xffff, v58  }
0x1f9: {  	[tilespmem:v55+s28+$0x0] =	vst.idx.msk $0xffff, v24  }
0x1fa: {  	v19 =	vadd.s32 v11, v41;
	v24 =	vld [tilespmem:s12+$0x30];
	[tilespmem:v57+s28+$0x0] =	vst.idx.msk $0xffff, v56  }
0x1fb: {  	v63 =	vadd.s32 v11, v22;
	[tilespmem:v61+s28+$0x0] =	vst.idx.msk $0xffff, v60;
	v62 =	vld [tilespmem:s13+$0x30]  }
0x1fc: {  	[tilespmem:v14+s28+$0x0] =	vst.idx.msk $0xffff, v23  }
0x1fd: {  	s12 =	rddreg [dreg:$0x5]  }
0x1fe: {  	s0 =	sadd.s32 s12, s6  }
0x1ff: {  	[tilespmem:v19+s28+$0x0] =	vst.idx.msk $0xffff, v24;
	s0 =	sshrl.u32 s0, $0x3  }
0x200: {  	s13 =	simm.s32 $0x11900;
	s7 =	sadd.s32 s2, s0;
	[tilespmem:v63+s28+$0x0] =	vst.idx.msk $0xffff, v62  }
0x201: {  	[hbm4b:s7+s3] =	stream.linear.scatter [tilespmem:s13], [sflag:$0x8], $0x80, $0x38;
	[tilespmem:$0x17F00] =	vst v63  }
0x202: {  	s14 =	simm.s32 $0x11988;
	s17 =	sadd.s32 $0x10, s7  }
0x203: {  	[hbm4b:s17+s3] =	stream.linear.scatter [tilespmem:s14], [sflag:$0x8], $0x80, $0x38;
	[tilespmem:$0x17F00] =	vst v63  }
0x204: {  	s18 =	simm.s32 $0x11A10;
	s9 =	simm.s32 $0x11A98;
	s22 =	sadd.s32 $0x20, s7  }
0x205: {  	[hbm4b:s22+s3] =	stream.linear.scatter [tilespmem:s18], [sflag:$0x8], $0x80, $0x38;
	[tilespmem:$0x17F00] =	vst v63  }
0x206: {  	s8 =	simm.s32 $0x2200;
	s12 =	simm.s32 $0x11B20;
	s11 =	sadd.s32 $0x30, s7  }
0x207: {  	[hbm4b:s11+s3] =	stream.linear.scatter [tilespmem:s9], [sflag:$0x8], $0x80, $0x38;
	[tilespmem:$0x17F00] =	vst v63  }
0x208: {  	s0 =	simm.s32 $0x440;
	s13 =	sadd.s32 $0x40, s7;
	s14 =	simm.s32 $0x11BA8  }
0x209: {  	[hbm4b:s13+s3] =	stream.linear.scatter [tilespmem:s12], [sflag:$0x8], $0x80, $0x38;
	[tilespmem:$0x17F00] =	vst v63  }
0x20a: {  	s17 =	sadd.s32 $0x50, s7;
	s18 =	simm.s32 $0x11C30;
	s22 =	sadd.s32 $0x60, s7  }
0x20b: {  	[hbm4b:s17+s3] =	stream.linear.scatter [tilespmem:s14], [sflag:$0x8], $0x80, $0x38;
	[tilespmem:$0x17F00] =	vst v63  }
0x20c: {  	s11 =	simm.s32 $0x11CB8;
	s12 =	sadd.s32 $0x70, s7;
	s7 =	sadd.s32 $0x1000, s7  }
0x20d: {  	[hbm4b:s22+s3] =	stream.linear.scatter [tilespmem:s18], [sflag:$0x8], $0x80, $0x38;
	[tilespmem:$0x17F00] =	vst v63  }
.LBB2_15:
0x20e: {  	[hbm4b:s12+s3] =	stream.linear.scatter [tilespmem:s11], [sflag:$0x8], $0x80, $0x38;
	[tilespmem:$0x17F00] =	vst v63  }
0x20f: {  	s9 =	smov.u32 s0;
	s0 =	smov.u32 s8  }
0x210: {  	s13 =	sadd.s32 $0x1100, s8;
	s0 =	sshra.s32 s0, $0x2;
	s11 =	sadd.s32 $0x11900, s9  }
0x211: {  	[hbm4b:s7+s3] =	stream.linear.scatter [tilespmem:s11], [sflag:$0x8], $0x80, $0x38;
	[tilespmem:$0x17F00] =	vst v63  }
0x212: {  	p2 =	sne.s32 s8, $0x7700;
	s8 =	sadd.s32 $0x11988, s9;
	s11 =	sadd.s32 $0x10, s7  }
0x213: {  	[hbm4b:s11+s3] =	stream.linear.scatter [tilespmem:s8], [sflag:$0x8], $0x80, $0x38;
	[tilespmem:$0x17F00] =	vst v63  }
0x214: {  	s8 =	sadd.s32 $0x11A10, s9;
	s11 =	sadd.s32 $0x20, s7  }
0x215: {  	[hbm4b:s11+s3] =	stream.linear.scatter [tilespmem:s8], [sflag:$0x8], $0x80, $0x38;
	[tilespmem:$0x17F00] =	vst v63  }
0x216: {  	s8 =	sadd.s32 $0x11A98, s9;
	s11 =	sadd.s32 $0x30, s7  }
0x217: {  	[hbm4b:s11+s3] =	stream.linear.scatter [tilespmem:s8], [sflag:$0x8], $0x80, $0x38;
	[tilespmem:$0x17F00] =	vst v63  }
0x218: {  	s8 =	sadd.s32 $0x11B20, s9;
	s11 =	sadd.s32 $0x40, s7  }
0x219: {  	[hbm4b:s11+s3] =	stream.linear.scatter [tilespmem:s8], [sflag:$0x8], $0x80, $0x38;
	[tilespmem:$0x17F00] =	vst v63  }
.Ltmp6:
0x21a: {  	s8 =	sadd.s32 $0x11BA8, s9;
	s11 =	sadd.s32 $0x50, s7;
	(pc) =	sbr.rel @p2 .LBB2_15-.Ltmp6, $4  }
0x21b: {  	[hbm4b:s11+s3] =	stream.linear.scatter [tilespmem:s8], [sflag:$0x8], $0x80, $0x38;
	[tilespmem:$0x17F00] =	vst v63  }
0x21c: {  	s12 =	sadd.s32 $0x70, s7;
	s8 =	sadd.s32 $0x11C30, s9;
	s11 =	sadd.s32 $0x60, s7  }
0x21d: {  	[hbm4b:s11+s3] =	stream.linear.scatter [tilespmem:s8], [sflag:$0x8], $0x80, $0x38;
	[tilespmem:$0x17F00] =	vst v63  }
0x21e: {  	s7 =	sadd.s32 $0x1000, s7;
	s11 =	sadd.s32 $0x11CB8, s9;
	s8 =	smov.u32 s13  }
0x21f: {  	[hbm4b:s12+s3] =	stream.linear.scatter [tilespmem:s11], [sflag:$0x8], $0x80, $0x38;
	[tilespmem:$0x17F00] =	vst v63  }
0x220: {  	s8 =	sadd.s32 $0x11900, s0  }
0x221: {  	[hbm4b:s7+s3] =	stream.linear.scatter [tilespmem:s8], [sflag:$0x8], $0x80, $0x38;
	[tilespmem:$0x17F00] =	vst v63  }
0x222: {  	s11 =	sadd.s32 $0x11988, s0;
	s9 =	sadd.s32 $0x10, s7  }
0x223: {  	[hbm4b:s9+s3] =	stream.linear.scatter [tilespmem:s11], [sflag:$0x8], $0x80, $0x38;
	[tilespmem:$0x17F00] =	vst v63  }
0x224: {  	s12 =	sadd.s32 $0x11A10, s0;
	s13 =	sadd.s32 $0x20, s7  }
0x225: {  	[hbm4b:s13+s3] =	stream.linear.scatter [tilespmem:s12], [sflag:$0x8], $0x80, $0x38;
	[tilespmem:$0x17F00] =	vst v63  }
0x226: {  	s14 =	sadd.s32 $0x11A98, s0;
	s17 =	sadd.s32 $0x30, s7  }
0x227: {  	[hbm4b:s17+s3] =	stream.linear.scatter [tilespmem:s14], [sflag:$0x8], $0x80, $0x38;
	[tilespmem:$0x17F00] =	vst v63  }
0x228: {  	s18 =	sadd.s32 $0x11B20, s0;
	s22 =	sadd.s32 $0x40, s7  }
0x229: {  	[hbm4b:s22+s3] =	stream.linear.scatter [tilespmem:s18], [sflag:$0x8], $0x80, $0x38;
	[tilespmem:$0x17F00] =	vst v63  }
0x22a: {  	s9 =	sadd.s32 $0x11BA8, s0;
	s11 =	sadd.s32 $0x50, s7  }
0x22b: {  	[hbm4b:s11+s3] =	stream.linear.scatter [tilespmem:s9], [sflag:$0x8], $0x80, $0x38;
	[tilespmem:$0x17F00] =	vst v63  }
0x22c: {  	s12 =	sadd.s32 $0x11C30, s0;
	s13 =	sadd.s32 $0x60, s7  }
0x22d: {  	[hbm4b:s13+s3] =	stream.linear.scatter [tilespmem:s12], [sflag:$0x8], $0x80, $0x38;
	[tilespmem:$0x17F00] =	vst v63  }
0x22e: {  	s14 =	sadd.s32 $0x11CB8, s0;
	s17 =	sadd.s32 $0x70, s7  }
0x22f: {  	[hbm4b:s17+s3] =	stream.linear.scatter [tilespmem:s14], [sflag:$0x8], $0x80, $0x38;
	[tilespmem:$0x17F00] =	vst v63  }
0x230: {  	_ =	swait.ge [sflag:s29], $0x2000  }
0x231: {  	s8 =	simm.s32 @!p0 $0x7500;
	[sflag:s29] =	ssyncset.done $0x0  }
0x232: {  	s0 =	sadd.s32 @!p0 $0x1F80, s10;
	s7 =	simm.s32 @!p0 $0x80;
	[sflag:s29] =	ssyncadd.s32 $0xFFFFE000  }
0x233: {  	[tilespmem:s8], [sflag:$0x3] =	stream.indirect.gather @!p0 [hbm4b:s4+s7], $0x40, s0, s7, $0xb8;
	[tilespmem:$0x17F00] =	vst v63  }
0x234: {  	s18 =	simm.s32 $0x0;
	_ =	swait.ge @p1 [sflag:s15], $0x2000  }
0x235: {  	v12 =	vmov s18;
	[sflag:s15] =	ssyncset.done @p1 $0x0  }
0x236: {  	v12 =	vand.u32 $0x7E, v12;
	s13 =	simm.s32 $0x9540;
	[sflag:s15] =	ssyncadd.s32 @p1 $0xFFFFE000  }
0x237: {  	v14 =	vadd.s32 v5, v12;
	v13 =	vld [tilespmem:s13+$0xFFFFFFC0];
	_ =	sdelay $0x4  }
0x238: {  	s22 =	simm.s32 $0x2;
	[tilespmem:v14+s30+$0x0] =	vst.idx.msk $0xffff, v13  }
0x239: {  	v15 =	vadd.s32 v9, v12;
	v13 =	vmov s22;
	v14 =	vld [tilespmem:s13+$0xFFFFFFD0]  }
0x23a: {  	s11 =	simm.s32 $0x95C0;
	v13 =	vand.u32 $0x7E, v13  }
0x23b: {  	v16 =	vld [tilespmem:s11+$0xFFFFFFC0];
	v17 =	vadd.s32 v5, v13;
	_ =	sdelay $0x2  }
0x23c: {  	[tilespmem:v15+s30+$0x0] =	vst.idx.msk $0xffff, v14  }
0x23d: {  	v15 =	vadd.s32 v10, v12;
	v14 =	vld [tilespmem:s13+$0xFFFFFFE0]  }
0x23e: {  	s7 =	simm.s32 $0x4;
	[tilespmem:v17+s30+$0x0] =	vst.idx.msk $0xffff, v16  }
0x23f: {  	v18 =	vadd.s32 v9, v13;
	v16 =	vmov s7;
	v17 =	vld [tilespmem:s11+$0xFFFFFFD0]  }
0x240: {  	s0 =	simm.s32 $0x9640;
	v16 =	vand.u32 $0x7E, v16  }
0x241: {  	v19 =	vld [tilespmem:s0+$0xFFFFFFC0];
	v20 =	vadd.s32 v5, v16  }
0x242: {  	[tilespmem:v15+s30+$0x0] =	vst.idx.msk $0xffff, v14  }
0x243: {  	v12 =	vadd.s32 v11, v12;
	v14 =	vld [tilespmem:s13+$0xFFFFFFF0]  }
0x244: {  	[tilespmem:v18+s30+$0x0] =	vst.idx.msk $0xffff, v17  }
0x245: {  	s8 =	simm.s32 $0x6;
	v17 =	vadd.s32 v10, v13;
	v15 =	vld [tilespmem:s11+$0xFFFFFFE0]  }
0x246: {  	s9 =	simm.s32 $0x1;
	v18 =	vmov s8;
	[tilespmem:v20+s30+$0x0] =	vst.idx.msk $0xffff, v19  }
0x247: {  	v21 =	vmov s9;
	s17 =	simm.s32 $0x96C0;
	v20 =	vadd.s32 v9, v16;
	v18 =	vand.u32 $0x7E, v18;
	v19 =	vld [tilespmem:s0+$0xFFFFFFD0]  }
0x248: {  	v21 =	vand.u32 $0x7F, v21;
	[tilespmem:v12+s30+$0x0] =	vst.idx.msk $0xffff, v14;
	v12 =	vld [tilespmem:s17+$0xFFFFFFC0];
	v14 =	vadd.s32 v5, v18  }
0x249: {  	v23 =	vadd.s32 v5, v21;
	v22 =	vld [tilespmem:s13+$0x0]  }
0x24a: {  	[tilespmem:v17+s30+$0x0] =	vst.idx.msk $0xffff, v15  }
0x24b: {  	v13 =	vadd.s32 v11, v13;
	v15 =	vld [tilespmem:s11+$0xFFFFFFF0]  }
0x24c: {  	[tilespmem:v20+s30+$0x0] =	vst.idx.msk $0xffff, v19  }
0x24d: {  	s18 =	simm.s32 $0x8;
	v19 =	vadd.s32 v10, v16;
	v17 =	vld [tilespmem:s0+$0xFFFFFFE0];
	[tilespmem:v14+s30+$0x0] =	vst.idx.msk $0xffff, v12  }
0x24e: {  	s12 =	simm.s32 $0x3;
	v24 =	vadd.s32 v9, v18;
	v12 =	vmov s18;
	v20 =	vld [tilespmem:s17+$0xFFFFFFD0];
	[tilespmem:v23+s30+$0x0] =	vst.idx.msk $0xffff, v22  }
0x24f: {  	s22 =	simm.s32 $0x9740;
	v14 =	vand.u32 $0x7E, v12;
	v12 =	vmov s12;
	v23 =	vadd.s32 v9, v21;
	v22 =	vld [tilespmem:s13+$0x10]  }
0x250: {  	[tilespmem:v13+s30+$0x0] =	vst.idx.msk $0xffff, v15;
	v13 =	vld [tilespmem:s22+$0xFFFFFFC0];
	v15 =	vadd.s32 v5, v14;
	v12 =	vand.u32 $0x7F, v12  }
0x251: {  	v25 =	vld [tilespmem:s11+$0x0];
	v26 =	vadd.s32 v5, v12  }
0x252: {  	[tilespmem:v19+s30+$0x0] =	vst.idx.msk $0xffff, v17  }
0x253: {  	v16 =	vadd.s32 v11, v16;
	v17 =	vld [tilespmem:s0+$0xFFFFFFF0];
	[tilespmem:v24+s30+$0x0] =	vst.idx.msk $0xffff, v20  }
0x254: {  	v24 =	vadd.s32 v10, v18;
	v20 =	vld [tilespmem:s17+$0xFFFFFFE0];
	[tilespmem:v23+s30+$0x0] =	vst.idx.msk $0xffff, v22  }
0x255: {  	s7 =	simm.s32 $0xA;
	[tilespmem:v15+s30+$0x0] =	vst.idx.msk $0xffff, v13;
	v22 =	vadd.s32 v10, v21;
	v15 =	vld [tilespmem:s13+$0x20]  }
0x256: {  	s14 =	simm.s32 $0x5;
	v27 =	vadd.s32 v9, v14;
	v13 =	vmov s7;
	v23 =	vld [tilespmem:s22+$0xFFFFFFD0];
	[tilespmem:v26+s30+$0x0] =	vst.idx.msk $0xffff, v25  }
0x257: {  	s12 =	simm.s32 $0x97C0;
	v19 =	vand.u32 $0x7E, v13;
	v13 =	vmov s14;
	v26 =	vadd.s32 v9, v12;
	v25 =	vld [tilespmem:s11+$0x10]  }
0x258: {  	[tilespmem:v16+s30+$0x0] =	vst.idx.msk $0xffff, v17;
	v17 =	vld [tilespmem:s12+$0xFFFFFFC0];
	v28 =	vadd.s32 v5, v19;
	v13 =	vand.u32 $0x7F, v13  }
0x259: {  	[tilespmem:v24+s30+$0x0] =	vst.idx.msk $0xffff, v20;
	v20 =	vld [tilespmem:s0+$0x0];
	v24 =	vadd.s32 v5, v13  }
0x25a: {  	v30 =	vadd.s32 v11, v18;
	v29 =	vld [tilespmem:s17+$0xFFFFFFF0];
	[tilespmem:v22+s30+$0x0] =	vst.idx.msk $0xffff, v15  }
0x25b: {  	v18 =	vadd.s32 v11, v21;
	[tilespmem:v27+s30+$0x0] =	vst.idx.msk $0xffff, v23;
	v16 =	vld [tilespmem:s13+$0x30]  }
0x25c: {  	v23 =	vadd.s32 v10, v14;
	v22 =	vld [tilespmem:s22+$0xFFFFFFE0];
	[tilespmem:v26+s30+$0x0] =	vst.idx.msk $0xffff, v25  }
0x25d: {  	s14 =	simm.s32 $0xC;
	[tilespmem:v28+s30+$0x0] =	vst.idx.msk $0xffff, v17;
	v17 =	vadd.s32 v10, v12;
	v15 =	vld [tilespmem:s11+$0x20]  }
0x25e: {  	s9 =	simm.s32 $0x7;
	v21 =	vmov s14;
	v26 =	vadd.s32 v9, v19;
	v25 =	vld [tilespmem:s12+$0xFFFFFFD0];
	[tilespmem:v24+s30+$0x0] =	vst.idx.msk $0xffff, v20  }
0x25f: {  	s8 =	simm.s32 $0xE;
	v27 =	vmov s9;
	s13 =	simm.s32 $0x9840;
	v24 =	vand.u32 $0x7E, v21;
	v21 =	vadd.s32 v9, v13;
	[tilespmem:v30+s30+$0x0] =	vst.idx.msk $0xffff, v29;
	v20 =	vld [tilespmem:s0+$0x10]  }
.LBB2_17:
0x260: {  	p2 =	slt.u32 s8, $0x7E;
	v28 =	vld [tilespmem:s13+$0xFFFFFFC0];
	v29 =	vadd.s32 v5, v24;
	v27 =	vand.u32 $0x7F, v27;
	[tilespmem:v18+s30+$0x0] =	vst.idx.msk $0xffff, v16  }
0x261: {  	[tilespmem:v23+s30+$0x0] =	vst.idx.msk $0xffff, v22;
	v30 =	vld [tilespmem:s17+$0x0];
	v31 =	vadd.s32 v5, v27  }
0x262: {  	v33 =	vadd.s32 v11, v14;
	v14 =	vmov v19;
	v19 =	vmov v24;
	v32 =	vld [tilespmem:s22+$0xFFFFFFF0];
	[tilespmem:v17+s30+$0x0] =	vst.idx.msk $0xffff, v15  }
.Ltmp7:
0x263: {  	v18 =	vadd.s32 v11, v12;
	v12 =	vmov v13;
	v13 =	vmov v27;
	[tilespmem:v26+s30+$0x0] =	vst.idx.msk $0xffff, v25;
	v16 =	vld [tilespmem:s11+$0x30];
	s11 =	smov.u32 s0;
	s0 =	smov.u32 s17;
	(pc) =	sbr.rel @p2 .LBB2_17-.Ltmp7, $4  }
0x264: {  	v23 =	vadd.s32 v10, v14;
	s17 =	smov.u32 s22;
	s22 =	smov.u32 s12;
	v22 =	vld [tilespmem:s12+$0xFFFFFFE0];
	[tilespmem:v21+s30+$0x0] =	vst.idx.msk $0xffff, v20;
	s12 =	smov.u32 s13  }
0x265: {  	v17 =	vadd.s32 v10, v12;
	[tilespmem:v29+s30+$0x0] =	vst.idx.msk $0xffff, v28;
	v15 =	vld [tilespmem:s11+$0x20]  }
0x266: {  	s9 =	sadd.s32 $0x1, s18;
	s18 =	smov.u32 s7;
	s7 =	smov.u32 s14;
	v26 =	vadd.s32 v9, v19;
	v20 =	vmov s8;
	v25 =	vld [tilespmem:s13+$0xFFFFFFD0];
	[tilespmem:v31+s30+$0x0] =	vst.idx.msk $0xffff, v30  }
0x267: {  	s14 =	smov.u32 s8;
	v27 =	vmov s9;
	v21 =	vadd.s32 v9, v13;
	s8 =	sadd.s32 $0x2, s8;
	v24 =	vand.u32 $0x7E, v20;
	s13 =	sadd.s32 $0x80, s13;
	[tilespmem:v33+s30+$0x0] =	vst.idx.msk $0xffff, v32;
	v20 =	vld [tilespmem:s0+$0x10]  }
0x268: {  	v28 =	vld [tilespmem:s13+$0xFFFFFFC0];
	v29 =	vadd.s32 v5, v24;
	_ =	sdelay $0x4  }
0x269: {  	[tilespmem:v29+s30+$0x0] =	vst.idx.msk $0xffff, v28  }
0x26a: {  	v58 =	vadd.s32 v9, v24;
	v28 =	vld [tilespmem:s13+$0xFFFFFFD0];
	_ =	sdelay $0x3  }
0x26b: {  	[tilespmem:v26+s30+$0x0] =	vst.idx.msk $0xffff, v25  }
0x26c: {  	v59 =	vadd.s32 v10, v19;
	v25 =	vld [tilespmem:s12+$0xFFFFFFE0];
	[tilespmem:v58+s30+$0x0] =	vst.idx.msk $0xffff, v28  }
0x26d: {  	v60 =	vadd.s32 v10, v24;
	v28 =	vld [tilespmem:s13+$0xFFFFFFE0]  }
0x26e: {  	[tilespmem:v23+s30+$0x0] =	vst.idx.msk $0xffff, v22  }
0x26f: {  	v14 =	vadd.s32 v11, v14;
	v22 =	vld [tilespmem:s22+$0xFFFFFFF0];
	_ =	sdelay $0x1  }
0x270: {  	[tilespmem:v59+s30+$0x0] =	vst.idx.msk $0xffff, v25  }
0x271: {  	v62 =	vadd.s32 v11, v19;
	s8 =	sadd.s32 $0x1, s18;
	v61 =	vld [tilespmem:s12+$0xFFFFFFF0];
	[tilespmem:v60+s30+$0x0] =	vst.idx.msk $0xffff, v28  }
0x272: {  	v33 =	vadd.s32 v11, v24;
	v34 =	vand.u32 $0x7F, v27;
	v35 =	vmov s8;
	v63 =	vld [tilespmem:s13+$0xFFFFFFF0]  }
0x273: {  	v36 =	vld [tilespmem:s17+$0x0];
	v37 =	vadd.s32 v5, v34;
	v38 =	vand.u32 $0x7F, v35;
	[tilespmem:v14+s30+$0x0] =	vst.idx.msk $0xffff, v22  }
0x274: {  	s7 =	sadd.s32 $0x1, s7;
	v30 =	vadd.s32 v5, v38;
	v40 =	vld [tilespmem:s22+$0x0]  }
0x275: {  	s9 =	sadd.s32 $0x1, s14;
	v39 =	vmov s7  }
0x276: {  	v42 =	vmov s9;
	v41 =	vand.u32 $0x7F, v39;
	[tilespmem:v62+s30+$0x0] =	vst.idx.msk $0xffff, v61  }
0x277: {  	v31 =	vadd.s32 v5, v41;
	v22 =	vand.u32 $0x7F, v42;
	v23 =	vld [tilespmem:s12+$0x0];
	[tilespmem:v33+s30+$0x0] =	vst.idx.msk $0xffff, v63  }
0x278: {  	[tilespmem:v37+s30+$0x0] =	vst.idx.msk $0xffff, v36;
	v43 =	vadd.s32 v5, v22;
	v24 =	vld [tilespmem:s13+$0x0]  }
0x279: {  	v45 =	vadd.s32 v9, v34;
	v44 =	vld [tilespmem:s17+$0x10];
	[tilespmem:v30+s30+$0x0] =	vst.idx.msk $0xffff, v40  }
0x27a: {  	[tilespmem:v18+s30+$0x0] =	vst.idx.msk $0xffff, v16;
	v47 =	vadd.s32 v9, v38;
	v46 =	vld [tilespmem:s22+$0x10]  }
0x27b: {  	[tilespmem:v21+s30+$0x0] =	vst.idx.msk $0xffff, v20  }
0x27c: {  	v52 =	vadd.s32 v10, v13;
	v20 =	vld [tilespmem:s0+$0x20];
	[tilespmem:v31+s30+$0x0] =	vst.idx.msk $0xffff, v23  }
0x27d: {  	v49 =	vadd.s32 v9, v41;
	v48 =	vld [tilespmem:s12+$0x10];
	[tilespmem:v43+s30+$0x0] =	vst.idx.msk $0xffff, v24  }
0x27e: {  	v51 =	vadd.s32 v9, v22;
	[tilespmem:v45+s30+$0x0] =	vst.idx.msk $0xffff, v44;
	v50 =	vld [tilespmem:s13+$0x10]  }
0x27f: {  	v53 =	vadd.s32 v10, v34;
	v27 =	vld [tilespmem:s17+$0x20];
	[tilespmem:v47+s30+$0x0] =	vst.idx.msk $0xffff, v46  }
0x280: {  	[tilespmem:v17+s30+$0x0] =	vst.idx.msk $0xffff, v15;
	v54 =	vadd.s32 v10, v38;
	v23 =	vld [tilespmem:s22+$0x20]  }
0x281: {  	v12 =	vadd.s32 v11, v12;
	v17 =	vld [tilespmem:s11+$0x30];
	[tilespmem:v52+s30+$0x0] =	vst.idx.msk $0xffff, v20  }
0x282: {  	v59 =	vadd.s32 v11, v13;
	v58 =	vld [tilespmem:s0+$0x30];
	[tilespmem:v49+s30+$0x0] =	vst.idx.msk $0xffff, v48  }
0x283: {  	v55 =	vadd.s32 v10, v41;
	v24 =	vld [tilespmem:s12+$0x20];
	[tilespmem:v51+s30+$0x0] =	vst.idx.msk $0xffff, v50  }
0x284: {  	v57 =	vadd.s32 v10, v22;
	[tilespmem:v53+s30+$0x0] =	vst.idx.msk $0xffff, v27;
	v56 =	vld [tilespmem:s13+$0x20]  }
0x285: {  	v61 =	vadd.s32 v11, v34;
	v60 =	vld [tilespmem:s17+$0x30];
	[tilespmem:v54+s30+$0x0] =	vst.idx.msk $0xffff, v23  }
0x286: {  	v14 =	vadd.s32 v11, v38;
	[tilespmem:v12+s30+$0x0] =	vst.idx.msk $0xffff, v17;
	v23 =	vld [tilespmem:s22+$0x30]  }
0x287: {  	[tilespmem:v59+s30+$0x0] =	vst.idx.msk $0xffff, v58  }
0x288: {  	[tilespmem:v55+s30+$0x0] =	vst.idx.msk $0xffff, v24  }
0x289: {  	v19 =	vadd.s32 v11, v41;
	v24 =	vld [tilespmem:s12+$0x30];
	[tilespmem:v57+s30+$0x0] =	vst.idx.msk $0xffff, v56  }
0x28a: {  	v63 =	vadd.s32 v11, v22;
	[tilespmem:v61+s30+$0x0] =	vst.idx.msk $0xffff, v60;
	v62 =	vld [tilespmem:s13+$0x30]  }
0x28b: {  	[tilespmem:v14+s30+$0x0] =	vst.idx.msk $0xffff, v23  }
0x28c: {  	s14 =	rddreg [dreg:$0x6]  }
0x28d: {  	s0 =	sadd.s32 s14, s6  }
0x28e: {  	[tilespmem:v19+s30+$0x0] =	vst.idx.msk $0xffff, v24;
	s0 =	sshrl.u32 s0, $0x3  }
0x28f: {  	s17 =	simm.s32 $0x13B00;
	s6 =	sadd.s32 s2, s0;
	[tilespmem:v63+s30+$0x0] =	vst.idx.msk $0xffff, v62  }
0x290: {  	[hbm4b:s6+s3] =	stream.linear.scatter [tilespmem:s17], [sflag:$0x9], $0x80, $0x38;
	[tilespmem:$0x17F00] =	vst v63  }
0x291: {  	s18 =	simm.s32 $0x13B88;
	s22 =	sadd.s32 $0x10, s6  }
0x292: {  	[hbm4b:s22+s3] =	stream.linear.scatter [tilespmem:s18], [sflag:$0x9], $0x80, $0x38;
	[tilespmem:$0x17F00] =	vst v63  }
0x293: {  	s7 =	simm.s32 $0x13C10;
	s9 =	simm.s32 $0x13C98;
	s8 =	sadd.s32 $0x20, s6  }
0x294: {  	[hbm4b:s8+s3] =	stream.linear.scatter [tilespmem:s7], [sflag:$0x9], $0x80, $0x38;
	[tilespmem:$0x17F00] =	vst v63  }
0x295: {  	s12 =	simm.s32 $0x13D20;
	s14 =	simm.s32 $0x13DA8;
	s11 =	sadd.s32 $0x30, s6  }
0x296: {  	[hbm4b:s11+s3] =	stream.linear.scatter [tilespmem:s9], [sflag:$0x9], $0x80, $0x38;
	[tilespmem:$0x17F00] =	vst v63  }
0x297: {  	s0 =	simm.s32 $0x440;
	s13 =	sadd.s32 $0x40, s6;
	s17 =	sadd.s32 $0x50, s6  }
0x298: {  	[hbm4b:s13+s3] =	stream.linear.scatter [tilespmem:s12], [sflag:$0x9], $0x80, $0x38;
	[tilespmem:$0x17F00] =	vst v63  }
0x299: {  	s18 =	simm.s32 $0x13E30;
	s22 =	sadd.s32 $0x60, s6;
	s7 =	simm.s32 $0x2200  }
0x29a: {  	[hbm4b:s17+s3] =	stream.linear.scatter [tilespmem:s14], [sflag:$0x9], $0x80, $0x38;
	[tilespmem:$0x17F00] =	vst v63  }
0x29b: {  	s8 =	simm.s32 $0x13EB8;
	s11 =	sadd.s32 $0x70, s6;
	s6 =	sadd.s32 $0x1000, s6  }
0x29c: {  	[hbm4b:s22+s3] =	stream.linear.scatter [tilespmem:s18], [sflag:$0x9], $0x80, $0x38;
	[tilespmem:$0x17F00] =	vst v63  }
.LBB2_19:
0x29d: {  	[hbm4b:s11+s3] =	stream.linear.scatter [tilespmem:s8], [sflag:$0x9], $0x80, $0x38;
	[tilespmem:$0x17F00] =	vst v63  }
0x29e: {  	s8 =	smov.u32 s0;
	s0 =	smov.u32 s7  }
0x29f: {  	s9 =	sadd.s32 $0x1100, s7;
	s0 =	sshra.s32 s0, $0x2;
	s11 =	sadd.s32 $0x13B00, s8  }
0x2a0: {  	[hbm4b:s6+s3] =	stream.linear.scatter [tilespmem:s11], [sflag:$0x9], $0x80, $0x38;
	[tilespmem:$0x17F00] =	vst v63  }
0x2a1: {  	p2 =	sne.s32 s7, $0x7700;
	s7 =	sadd.s32 $0x13B88, s8;
	s11 =	sadd.s32 $0x10, s6  }
0x2a2: {  	[hbm4b:s11+s3] =	stream.linear.scatter [tilespmem:s7], [sflag:$0x9], $0x80, $0x38;
	[tilespmem:$0x17F00] =	vst v63  }
0x2a3: {  	s7 =	sadd.s32 $0x13C10, s8;
	s11 =	sadd.s32 $0x20, s6  }
0x2a4: {  	[hbm4b:s11+s3] =	stream.linear.scatter [tilespmem:s7], [sflag:$0x9], $0x80, $0x38;
	[tilespmem:$0x17F00] =	vst v63  }
0x2a5: {  	s7 =	sadd.s32 $0x13C98, s8;
	s11 =	sadd.s32 $0x30, s6  }
0x2a6: {  	[hbm4b:s11+s3] =	stream.linear.scatter [tilespmem:s7], [sflag:$0x9], $0x80, $0x38;
	[tilespmem:$0x17F00] =	vst v63  }
0x2a7: {  	s7 =	sadd.s32 $0x13D20, s8;
	s11 =	sadd.s32 $0x40, s6  }
0x2a8: {  	[hbm4b:s11+s3] =	stream.linear.scatter [tilespmem:s7], [sflag:$0x9], $0x80, $0x38;
	[tilespmem:$0x17F00] =	vst v63  }
.Ltmp8:
0x2a9: {  	s7 =	sadd.s32 $0x13DA8, s8;
	s11 =	sadd.s32 $0x50, s6;
	(pc) =	sbr.rel @p2 .LBB2_19-.Ltmp8, $4  }
0x2aa: {  	[hbm4b:s11+s3] =	stream.linear.scatter [tilespmem:s7], [sflag:$0x9], $0x80, $0x38;
	[tilespmem:$0x17F00] =	vst v63  }
0x2ab: {  	s7 =	sadd.s32 $0x13E30, s8;
	s11 =	sadd.s32 $0x60, s6;
	s8 =	sadd.s32 $0x13EB8, s8  }
0x2ac: {  	[hbm4b:s11+s3] =	stream.linear.scatter [tilespmem:s7], [sflag:$0x9], $0x80, $0x38;
	[tilespmem:$0x17F00] =	vst v63  }
0x2ad: {  	s11 =	sadd.s32 $0x70, s6;
	s6 =	sadd.s32 $0x1000, s6;
	s7 =	smov.u32 s9  }
0x2ae: {  	[hbm4b:s11+s3] =	stream.linear.scatter [tilespmem:s8], [sflag:$0x9], $0x80, $0x38;
	[tilespmem:$0x17F00] =	vst v63  }
0x2af: {  	s7 =	sadd.s32 $0x13B00, s0  }
0x2b0: {  	[hbm4b:s6+s3] =	stream.linear.scatter [tilespmem:s7], [sflag:$0x9], $0x80, $0x38;
	[tilespmem:$0x17F00] =	vst v63  }
0x2b1: {  	s14 =	sadd.s32 $0x13B88, s0;
	s17 =	sadd.s32 $0x10, s6  }
0x2b2: {  	[hbm4b:s17+s3] =	stream.linear.scatter [tilespmem:s14], [sflag:$0x9], $0x80, $0x38;
	[tilespmem:$0x17F00] =	vst v63  }
0x2b3: {  	s18 =	sadd.s32 $0x13C10, s0;
	s22 =	sadd.s32 $0x20, s6  }
0x2b4: {  	[hbm4b:s22+s3] =	stream.linear.scatter [tilespmem:s18], [sflag:$0x9], $0x80, $0x38;
	[tilespmem:$0x17F00] =	vst v63  }
0x2b5: {  	s9 =	sadd.s32 $0x13C98, s0;
	s11 =	sadd.s32 $0x30, s6  }
0x2b6: {  	[hbm4b:s11+s3] =	stream.linear.scatter [tilespmem:s9], [sflag:$0x9], $0x80, $0x38;
	[tilespmem:$0x17F00] =	vst v63  }
0x2b7: {  	s12 =	sadd.s32 $0x13D20, s0;
	s13 =	sadd.s32 $0x40, s6  }
0x2b8: {  	[hbm4b:s13+s3] =	stream.linear.scatter [tilespmem:s12], [sflag:$0x9], $0x80, $0x38;
	[tilespmem:$0x17F00] =	vst v63  }
0x2b9: {  	s14 =	sadd.s32 $0x13DA8, s0;
	s17 =	sadd.s32 $0x50, s6  }
0x2ba: {  	[hbm4b:s17+s3] =	stream.linear.scatter [tilespmem:s14], [sflag:$0x9], $0x80, $0x38;
	[tilespmem:$0x17F00] =	vst v63  }
0x2bb: {  	s18 =	sadd.s32 $0x13E30, s0;
	s22 =	sadd.s32 $0x60, s6  }
0x2bc: {  	[hbm4b:s22+s3] =	stream.linear.scatter [tilespmem:s18], [sflag:$0x9], $0x80, $0x38;
	[tilespmem:$0x17F00] =	vst v63  }
0x2bd: {  	s8 =	sadd.s32 $0x13EB8, s0;
	s9 =	sadd.s32 $0x70, s6  }
0x2be: {  	[hbm4b:s9+s3] =	stream.linear.scatter [tilespmem:s8], [sflag:$0x9], $0x80, $0x38;
	[tilespmem:$0x17F00] =	vst v63  }
0x2bf: {  	_ =	swait.ge [sflag:s31], $0x2000  }
0x2c0: {  	s7 =	simm.s32 @!p0 $0x9500;
	[sflag:s31] =	ssyncset.done $0x0  }
0x2c1: {  	s0 =	sadd.s32 @!p0 $0x2000, s10;
	s6 =	simm.s32 @!p0 $0x80;
	[sflag:s31] =	ssyncadd.s32 $0xFFFFE000  }
0x2c2: {  	[tilespmem:s7], [sflag:$0x4] =	stream.indirect.gather @!p0 [hbm4b:s4+s6], $0x40, s0, s6, $0xb8;
	[tilespmem:$0x17F00] =	vst v63  }
0x2c3: {  	s10 =	simm.s32 $0x0;
	_ =	swait.ge @p1 [sflag:s16], $0x2000  }
0x2c4: {  	v12 =	vmov s10;
	[sflag:s16] =	ssyncset.done @p1 $0x0  }
0x2c5: {  	v12 =	vand.u32 $0x7E, v12;
	s13 =	simm.s32 $0xB540;
	[sflag:s16] =	ssyncadd.s32 @p1 $0xFFFFE000  }
0x2c6: {  	v14 =	vadd.s32 v5, v12;
	v13 =	vld [tilespmem:s13+$0xFFFFFFC0];
	_ =	sdelay $0x4  }
0x2c7: {  	s11 =	simm.s32 $0x2;
	[tilespmem:v14+s1+$0x0] =	vst.idx.msk $0xffff, v13  }
0x2c8: {  	v15 =	vadd.s32 v9, v12;
	v13 =	vmov s11;
	v14 =	vld [tilespmem:s13+$0xFFFFFFD0]  }
0x2c9: {  	s6 =	simm.s32 $0xB5C0;
	v13 =	vand.u32 $0x7E, v13  }
0x2ca: {  	v16 =	vld [tilespmem:s6+$0xFFFFFFC0];
	v17 =	vadd.s32 v5, v13;
	_ =	sdelay $0x2  }
0x2cb: {  	[tilespmem:v15+s1+$0x0] =	vst.idx.msk $0xffff, v14  }
0x2cc: {  	v15 =	vadd.s32 v10, v12;
	v14 =	vld [tilespmem:s13+$0xFFFFFFE0]  }
0x2cd: {  	s12 =	simm.s32 $0x4;
	[tilespmem:v17+s1+$0x0] =	vst.idx.msk $0xffff, v16  }
0x2ce: {  	v18 =	vadd.s32 v9, v13;
	v16 =	vmov s12;
	v17 =	vld [tilespmem:s6+$0xFFFFFFD0]  }
0x2cf: {  	s0 =	simm.s32 $0xB640;
	v16 =	vand.u32 $0x7E, v16  }
0x2d0: {  	v19 =	vld [tilespmem:s0+$0xFFFFFFC0];
	v20 =	vadd.s32 v5, v16  }
0x2d1: {  	[tilespmem:v15+s1+$0x0] =	vst.idx.msk $0xffff, v14  }
0x2d2: {  	v12 =	vadd.s32 v11, v12;
	v14 =	vld [tilespmem:s13+$0xFFFFFFF0]  }
0x2d3: {  	[tilespmem:v18+s1+$0x0] =	vst.idx.msk $0xffff, v17  }
0x2d4: {  	s14 =	simm.s32 $0x6;
	v17 =	vadd.s32 v10, v13;
	v15 =	vld [tilespmem:s6+$0xFFFFFFE0]  }
0x2d5: {  	s17 =	simm.s32 $0x1;
	v18 =	vmov s14;
	[tilespmem:v20+s1+$0x0] =	vst.idx.msk $0xffff, v19  }
0x2d6: {  	s10 =	simm.s32 $0xB6C0;
	v21 =	vmov s17;
	v20 =	vadd.s32 v9, v16;
	v18 =	vand.u32 $0x7E, v18;
	v19 =	vld [tilespmem:s0+$0xFFFFFFD0]  }
0x2d7: {  	v21 =	vand.u32 $0x7F, v21;
	[tilespmem:v12+s1+$0x0] =	vst.idx.msk $0xffff, v14;
	v12 =	vld [tilespmem:s10+$0xFFFFFFC0];
	v14 =	vadd.s32 v5, v18  }
0x2d8: {  	v23 =	vadd.s32 v5, v21;
	v22 =	vld [tilespmem:s13+$0x0]  }
0x2d9: {  	[tilespmem:v17+s1+$0x0] =	vst.idx.msk $0xffff, v15  }
0x2da: {  	v13 =	vadd.s32 v11, v13;
	v15 =	vld [tilespmem:s6+$0xFFFFFFF0]  }
0x2db: {  	[tilespmem:v20+s1+$0x0] =	vst.idx.msk $0xffff, v19  }
0x2dc: {  	s17 =	simm.s32 $0x8;
	v19 =	vadd.s32 v10, v16;
	v17 =	vld [tilespmem:s0+$0xFFFFFFE0];
	[tilespmem:v14+s1+$0x0] =	vst.idx.msk $0xffff, v12  }
0x2dd: {  	s18 =	simm.s32 $0x3;
	v24 =	vadd.s32 v9, v18;
	v12 =	vmov s17;
	v20 =	vld [tilespmem:s10+$0xFFFFFFD0];
	[tilespmem:v23+s1+$0x0] =	vst.idx.msk $0xffff, v22  }
0x2de: {  	s11 =	simm.s32 $0xB740;
	v14 =	vand.u32 $0x7E, v12;
	v12 =	vmov s18;
	v23 =	vadd.s32 v9, v21;
	v22 =	vld [tilespmem:s13+$0x10]  }
0x2df: {  	[tilespmem:v13+s1+$0x0] =	vst.idx.msk $0xffff, v15;
	v13 =	vld [tilespmem:s11+$0xFFFFFFC0];
	v15 =	vadd.s32 v5, v14;
	v12 =	vand.u32 $0x7F, v12  }
0x2e0: {  	v25 =	vld [tilespmem:s6+$0x0];
	v26 =	vadd.s32 v5, v12  }
0x2e1: {  	[tilespmem:v19+s1+$0x0] =	vst.idx.msk $0xffff, v17  }
0x2e2: {  	v16 =	vadd.s32 v11, v16;
	v17 =	vld [tilespmem:s0+$0xFFFFFFF0];
	[tilespmem:v24+s1+$0x0] =	vst.idx.msk $0xffff, v20  }
0x2e3: {  	v24 =	vadd.s32 v10, v18;
	v20 =	vld [tilespmem:s10+$0xFFFFFFE0];
	[tilespmem:v23+s1+$0x0] =	vst.idx.msk $0xffff, v22  }
0x2e4: {  	s7 =	simm.s32 $0xA;
	[tilespmem:v15+s1+$0x0] =	vst.idx.msk $0xffff, v13;
	v22 =	vadd.s32 v10, v21;
	v15 =	vld [tilespmem:s13+$0x20]  }
0x2e5: {  	s22 =	simm.s32 $0x5;
	v27 =	vadd.s32 v9, v14;
	v13 =	vmov s7;
	v23 =	vld [tilespmem:s11+$0xFFFFFFD0];
	[tilespmem:v26+s1+$0x0] =	vst.idx.msk $0xffff, v25  }
0x2e6: {  	s12 =	simm.s32 $0xB7C0;
	v19 =	vand.u32 $0x7E, v13;
	v13 =	vmov s22;
	v26 =	vadd.s32 v9, v12;
	v25 =	vld [tilespmem:s6+$0x10]  }
0x2e7: {  	[tilespmem:v16+s1+$0x0] =	vst.idx.msk $0xffff, v17;
	v17 =	vld [tilespmem:s12+$0xFFFFFFC0];
	v28 =	vadd.s32 v5, v19;
	v13 =	vand.u32 $0x7F, v13  }
0x2e8: {  	[tilespmem:v24+s1+$0x0] =	vst.idx.msk $0xffff, v20;
	v20 =	vld [tilespmem:s0+$0x0];
	v24 =	vadd.s32 v5, v13  }
0x2e9: {  	v30 =	vadd.s32 v11, v18;
	v29 =	vld [tilespmem:s10+$0xFFFFFFF0];
	[tilespmem:v22+s1+$0x0] =	vst.idx.msk $0xffff, v15  }
0x2ea: {  	v18 =	vadd.s32 v11, v21;
	[tilespmem:v27+s1+$0x0] =	vst.idx.msk $0xffff, v23;
	v16 =	vld [tilespmem:s13+$0x30]  }
0x2eb: {  	v23 =	vadd.s32 v10, v14;
	v22 =	vld [tilespmem:s11+$0xFFFFFFE0];
	[tilespmem:v26+s1+$0x0] =	vst.idx.msk $0xffff, v25  }
0x2ec: {  	s14 =	simm.s32 $0xC;
	[tilespmem:v28+s1+$0x0] =	vst.idx.msk $0xffff, v17;
	v17 =	vadd.s32 v10, v12;
	v15 =	vld [tilespmem:s6+$0x20]  }
0x2ed: {  	s9 =	simm.s32 $0x7;
	v21 =	vmov s14;
	v26 =	vadd.s32 v9, v19;
	v25 =	vld [tilespmem:s12+$0xFFFFFFD0];
	[tilespmem:v24+s1+$0x0] =	vst.idx.msk $0xffff, v20  }
0x2ee: {  	s8 =	simm.s32 $0xE;
	v27 =	vmov s9;
	s13 =	simm.s32 $0xB840;
	v24 =	vand.u32 $0x7E, v21;
	v21 =	vadd.s32 v9, v13;
	[tilespmem:v30+s1+$0x0] =	vst.idx.msk $0xffff, v29;
	v20 =	vld [tilespmem:s0+$0x10]  }
.LBB2_21:
0x2ef: {  	p0 =	slt.u32 s8, $0x7E;
	v28 =	vld [tilespmem:s13+$0xFFFFFFC0];
	v29 =	vadd.s32 v5, v24;
	v27 =	vand.u32 $0x7F, v27;
	[tilespmem:v18+s1+$0x0] =	vst.idx.msk $0xffff, v16  }
0x2f0: {  	[tilespmem:v23+s1+$0x0] =	vst.idx.msk $0xffff, v22;
	v30 =	vld [tilespmem:s10+$0x0];
	v31 =	vadd.s32 v5, v27  }
0x2f1: {  	v33 =	vadd.s32 v11, v14;
	v14 =	vmov v19;
	v19 =	vmov v24;
	v32 =	vld [tilespmem:s11+$0xFFFFFFF0];
	[tilespmem:v17+s1+$0x0] =	vst.idx.msk $0xffff, v15  }
.Ltmp9:
0x2f2: {  	v18 =	vadd.s32 v11, v12;
	v12 =	vmov v13;
	v13 =	vmov v27;
	[tilespmem:v26+s1+$0x0] =	vst.idx.msk $0xffff, v25;
	v16 =	vld [tilespmem:s6+$0x30];
	s6 =	smov.u32 s0;
	s0 =	smov.u32 s10;
	(pc) =	sbr.rel @p0 .LBB2_21-.Ltmp9, $4  }
0x2f3: {  	v23 =	vadd.s32 v10, v14;
	s10 =	smov.u32 s11;
	s11 =	smov.u32 s12;
	v22 =	vld [tilespmem:s12+$0xFFFFFFE0];
	[tilespmem:v21+s1+$0x0] =	vst.idx.msk $0xffff, v20;
	s12 =	smov.u32 s13  }
0x2f4: {  	v17 =	vadd.s32 v10, v12;
	[tilespmem:v29+s1+$0x0] =	vst.idx.msk $0xffff, v28;
	v15 =	vld [tilespmem:s6+$0x20]  }
0x2f5: {  	s9 =	sadd.s32 $0x1, s17;
	s17 =	smov.u32 s7;
	s7 =	smov.u32 s14;
	v26 =	vadd.s32 v9, v19;
	v20 =	vmov s8;
	v25 =	vld [tilespmem:s13+$0xFFFFFFD0];
	[tilespmem:v31+s1+$0x0] =	vst.idx.msk $0xffff, v30  }
0x2f6: {  	s14 =	smov.u32 s8;
	v27 =	vmov s9;
	v21 =	vadd.s32 v9, v13;
	s8 =	sadd.s32 $0x2, s8;
	v24 =	vand.u32 $0x7E, v20;
	s13 =	sadd.s32 $0x80, s13;
	[tilespmem:v33+s1+$0x0] =	vst.idx.msk $0xffff, v32;
	v20 =	vld [tilespmem:s0+$0x10]  }
0x2f7: {  	v28 =	vld [tilespmem:s13+$0xFFFFFFC0];
	v29 =	vadd.s32 v5, v24;
	_ =	sdelay $0x4  }
0x2f8: {  	[tilespmem:v29+s1+$0x0] =	vst.idx.msk $0xffff, v28  }
0x2f9: {  	v58 =	vadd.s32 v9, v24;
	v28 =	vld [tilespmem:s13+$0xFFFFFFD0];
	_ =	sdelay $0x3  }
0x2fa: {  	[tilespmem:v26+s1+$0x0] =	vst.idx.msk $0xffff, v25  }
0x2fb: {  	v59 =	vadd.s32 v10, v19;
	v25 =	vld [tilespmem:s12+$0xFFFFFFE0];
	[tilespmem:v58+s1+$0x0] =	vst.idx.msk $0xffff, v28  }
0x2fc: {  	v60 =	vadd.s32 v10, v24;
	v28 =	vld [tilespmem:s13+$0xFFFFFFE0];
	_ =	sdelay $0x2  }
0x2fd: {  	[tilespmem:v23+s1+$0x0] =	vst.idx.msk $0xffff, v22  }
0x2fe: {  	v14 =	vadd.s32 v11, v14;
	v22 =	vld [tilespmem:s11+$0xFFFFFFF0];
	[tilespmem:v59+s1+$0x0] =	vst.idx.msk $0xffff, v25  }
0x2ff: {  	v62 =	vadd.s32 v11, v19;
	v61 =	vld [tilespmem:s12+$0xFFFFFFF0];
	[tilespmem:v60+s1+$0x0] =	vst.idx.msk $0xffff, v28  }
0x300: {  	v33 =	vadd.s32 v11, v24;
	v63 =	vld [tilespmem:s13+$0xFFFFFFF0]  }
0x301: {  	s8 =	sadd.s32 $0x1, s17  }
0x302: {  	v34 =	vand.u32 $0x7F, v27;
	s7 =	sadd.s32 $0x1, s7;
	v35 =	vmov s8  }
0x303: {  	v36 =	vld [tilespmem:s10+$0x0];
	s18 =	sadd.s32 $0x1, s14;
	v37 =	vadd.s32 v5, v34;
	v39 =	vmov s7;
	v38 =	vand.u32 $0x7F, v35;
	[tilespmem:v14+s1+$0x0] =	vst.idx.msk $0xffff, v22  }
0x304: {  	v42 =	vmov s18;
	v41 =	vand.u32 $0x7F, v39;
	v30 =	vadd.s32 v5, v38;
	v40 =	vld [tilespmem:s11+$0x0];
	[tilespmem:v62+s1+$0x0] =	vst.idx.msk $0xffff, v61  }
0x305: {  	v31 =	vadd.s32 v5, v41;
	v22 =	vand.u32 $0x7F, v42;
	v23 =	vld [tilespmem:s12+$0x0];
	[tilespmem:v33+s1+$0x0] =	vst.idx.msk $0xffff, v63  }
0x306: {  	v43 =	vadd.s32 v5, v22;
	v24 =	vld [tilespmem:s13+$0x0];
	_ =	sdelay $0x1  }
0x307: {  	[tilespmem:v37+s1+$0x0] =	vst.idx.msk $0xffff, v36  }
0x308: {  	v45 =	vadd.s32 v9, v34;
	v44 =	vld [tilespmem:s10+$0x10];
	[tilespmem:v30+s1+$0x0] =	vst.idx.msk $0xffff, v40  }
0x309: {  	v47 =	vadd.s32 v9, v38;
	v46 =	vld [tilespmem:s11+$0x10];
	[tilespmem:v31+s1+$0x0] =	vst.idx.msk $0xffff, v23  }
0x30a: {  	v49 =	vadd.s32 v9, v41;
	v48 =	vld [tilespmem:s12+$0x10];
	[tilespmem:v43+s1+$0x0] =	vst.idx.msk $0xffff, v24  }
0x30b: {  	[tilespmem:v18+s1+$0x0] =	vst.idx.msk $0xffff, v16;
	v51 =	vadd.s32 v9, v22;
	v50 =	vld [tilespmem:s13+$0x10]  }
0x30c: {  	[tilespmem:v21+s1+$0x0] =	vst.idx.msk $0xffff, v20  }
0x30d: {  	v52 =	vadd.s32 v10, v13;
	v20 =	vld [tilespmem:s0+$0x20];
	[tilespmem:v45+s1+$0x0] =	vst.idx.msk $0xffff, v44  }
0x30e: {  	v53 =	vadd.s32 v10, v34;
	v27 =	vld [tilespmem:s10+$0x20];
	[tilespmem:v47+s1+$0x0] =	vst.idx.msk $0xffff, v46  }
0x30f: {  	v54 =	vadd.s32 v10, v38;
	v23 =	vld [tilespmem:s11+$0x20];
	[tilespmem:v49+s1+$0x0] =	vst.idx.msk $0xffff, v48  }
0x310: {  	v55 =	vadd.s32 v10, v41;
	v24 =	vld [tilespmem:s12+$0x20];
	[tilespmem:v51+s1+$0x0] =	vst.idx.msk $0xffff, v50  }
0x311: {  	[tilespmem:v17+s1+$0x0] =	vst.idx.msk $0xffff, v15;
	v57 =	vadd.s32 v10, v22;
	v56 =	vld [tilespmem:s13+$0x20]  }
0x312: {  	v12 =	vadd.s32 v11, v12;
	v17 =	vld [tilespmem:s6+$0x30];
	[tilespmem:v52+s1+$0x0] =	vst.idx.msk $0xffff, v20  }
0x313: {  	v59 =	vadd.s32 v11, v13;
	v58 =	vld [tilespmem:s0+$0x30];
	[tilespmem:v53+s1+$0x0] =	vst.idx.msk $0xffff, v27  }
0x314: {  	v61 =	vadd.s32 v11, v34;
	v60 =	vld [tilespmem:s10+$0x30];
	[tilespmem:v54+s1+$0x0] =	vst.idx.msk $0xffff, v23  }
0x315: {  	v14 =	vadd.s32 v11, v38;
	v23 =	vld [tilespmem:s11+$0x30];
	[tilespmem:v55+s1+$0x0] =	vst.idx.msk $0xffff, v24  }
0x316: {  	v19 =	vadd.s32 v11, v41;
	v24 =	vld [tilespmem:s12+$0x30];
	[tilespmem:v57+s1+$0x0] =	vst.idx.msk $0xffff, v56  }
0x317: {  	[tilespmem:v12+s1+$0x0] =	vst.idx.msk $0xffff, v17;
	v63 =	vadd.s32 v11, v22;
	v62 =	vld [tilespmem:s13+$0x30]  }
0x318: {  	[tilespmem:v59+s1+$0x0] =	vst.idx.msk $0xffff, v58  }
0x319: {  	s20 =	sshll.u32 s20, $0x12;
	[tilespmem:v61+s1+$0x0] =	vst.idx.msk $0xffff, v60  }
0x31a: {  	s0 =	sor.u32 s5, s20;
	[tilespmem:v14+s1+$0x0] =	vst.idx.msk $0xffff, v23  }
0x31b: {  	s0 =	sshrl.u32 s0, $0x3;
	[tilespmem:v19+s1+$0x0] =	vst.idx.msk $0xffff, v24  }
0x31c: {  	s22 =	simm.s32 $0x15D00;
	s6 =	sadd.s32 s2, s0;
	[tilespmem:v63+s1+$0x0] =	vst.idx.msk $0xffff, v62  }
0x31d: {  	[hbm4b:s6+s3] =	stream.linear.scatter [tilespmem:s22], [sflag:$0xA], $0x80, $0x38;
	[tilespmem:$0x17F00] =	vst v63  }
0x31e: {  	s7 =	simm.s32 $0x15D88;
	s8 =	sadd.s32 $0x10, s6  }
0x31f: {  	[hbm4b:s8+s3] =	stream.linear.scatter [tilespmem:s7], [sflag:$0xA], $0x80, $0x38;
	[tilespmem:$0x17F00] =	vst v63  }
0x320: {  	s9 =	simm.s32 $0x15E10;
	s17 =	simm.s32 $0x15FA8;
	s10 =	sadd.s32 $0x20, s6  }
0x321: {  	[hbm4b:s10+s3] =	stream.linear.scatter [tilespmem:s9], [sflag:$0xA], $0x80, $0x38;
	[tilespmem:$0x17F00] =	vst v63  }
0x322: {  	s20 =	simm.s32 $0x16030;
	s11 =	simm.s32 $0x15E98;
	s12 =	sadd.s32 $0x30, s6  }
0x323: {  	[hbm4b:s12+s3] =	stream.linear.scatter [tilespmem:s11], [sflag:$0xA], $0x80, $0x38;
	[tilespmem:$0x17F00] =	vst v63  }
0x324: {  	s0 =	simm.s32 $0x440;
	s14 =	sadd.s32 $0x40, s6;
	s13 =	simm.s32 $0x15F20  }
0x325: {  	[hbm4b:s14+s3] =	stream.linear.scatter [tilespmem:s13], [sflag:$0xA], $0x80, $0x38;
	[tilespmem:$0x17F00] =	vst v63  }
0x326: {  	s18 =	sadd.s32 $0x50, s6;
	s22 =	sadd.s32 $0x60, s6;
	s7 =	simm.s32 $0x2200  }
0x327: {  	[hbm4b:s18+s3] =	stream.linear.scatter [tilespmem:s17], [sflag:$0xA], $0x80, $0x38;
	[tilespmem:$0x17F00] =	vst v63  }
0x328: {  	s8 =	simm.s32 $0x160B8;
	s10 =	sadd.s32 $0x70, s6;
	s6 =	sadd.s32 $0x1000, s6  }
0x329: {  	[hbm4b:s22+s3] =	stream.linear.scatter [tilespmem:s20], [sflag:$0xA], $0x80, $0x38;
	[tilespmem:$0x17F00] =	vst v63  }
.LBB2_23:
0x32a: {  	[hbm4b:s10+s3] =	stream.linear.scatter [tilespmem:s8], [sflag:$0xA], $0x80, $0x38;
	[tilespmem:$0x17F00] =	vst v63  }
0x32b: {  	s8 =	smov.u32 s0;
	s0 =	smov.u32 s7  }
0x32c: {  	s9 =	sadd.s32 $0x1100, s7;
	s0 =	sshra.s32 s0, $0x2;
	s10 =	sadd.s32 $0x15D00, s8  }
0x32d: {  	[hbm4b:s6+s3] =	stream.linear.scatter [tilespmem:s10], [sflag:$0xA], $0x80, $0x38;
	[tilespmem:$0x17F00] =	vst v63  }
0x32e: {  	p0 =	sne.s32 s7, $0x7700;
	s7 =	sadd.s32 $0x15D88, s8;
	s10 =	sadd.s32 $0x10, s6  }
0x32f: {  	[hbm4b:s10+s3] =	stream.linear.scatter [tilespmem:s7], [sflag:$0xA], $0x80, $0x38;
	[tilespmem:$0x17F00] =	vst v63  }
0x330: {  	s7 =	sadd.s32 $0x15E10, s8;
	s10 =	sadd.s32 $0x20, s6  }
0x331: {  	[hbm4b:s10+s3] =	stream.linear.scatter [tilespmem:s7], [sflag:$0xA], $0x80, $0x38;
	[tilespmem:$0x17F00] =	vst v63  }
0x332: {  	s7 =	sadd.s32 $0x15E98, s8;
	s10 =	sadd.s32 $0x30, s6  }
0x333: {  	[hbm4b:s10+s3] =	stream.linear.scatter [tilespmem:s7], [sflag:$0xA], $0x80, $0x38;
	[tilespmem:$0x17F00] =	vst v63  }
0x334: {  	s7 =	sadd.s32 $0x15F20, s8;
	s10 =	sadd.s32 $0x40, s6  }
0x335: {  	[hbm4b:s10+s3] =	stream.linear.scatter [tilespmem:s7], [sflag:$0xA], $0x80, $0x38;
	[tilespmem:$0x17F00] =	vst v63  }
.Ltmp10:
0x336: {  	s7 =	sadd.s32 $0x15FA8, s8;
	s10 =	sadd.s32 $0x50, s6;
	(pc) =	sbr.rel @p0 .LBB2_23-.Ltmp10, $4  }
0x337: {  	[hbm4b:s10+s3] =	stream.linear.scatter [tilespmem:s7], [sflag:$0xA], $0x80, $0x38;
	[tilespmem:$0x17F00] =	vst v63  }
0x338: {  	s7 =	sadd.s32 $0x16030, s8;
	s10 =	sadd.s32 $0x60, s6;
	s8 =	sadd.s32 $0x160B8, s8  }
0x339: {  	[hbm4b:s10+s3] =	stream.linear.scatter [tilespmem:s7], [sflag:$0xA], $0x80, $0x38;
	[tilespmem:$0x17F00] =	vst v63  }
0x33a: {  	s10 =	sadd.s32 $0x70, s6;
	s6 =	sadd.s32 $0x1000, s6;
	s7 =	smov.u32 s9  }
0x33b: {  	[hbm4b:s10+s3] =	stream.linear.scatter [tilespmem:s8], [sflag:$0xA], $0x80, $0x38;
	[tilespmem:$0x17F00] =	vst v63  }
0x33c: {  	s7 =	sadd.s32 $0x15D00, s0  }
0x33d: {  	[hbm4b:s6+s3] =	stream.linear.scatter [tilespmem:s7], [sflag:$0xA], $0x80, $0x38;
	[tilespmem:$0x17F00] =	vst v63  }
0x33e: {  	s17 =	sadd.s32 $0x15D88, s0;
	s18 =	sadd.s32 $0x10, s6  }
0x33f: {  	[hbm4b:s18+s3] =	stream.linear.scatter [tilespmem:s17], [sflag:$0xA], $0x80, $0x38;
	[tilespmem:$0x17F00] =	vst v63  }
0x340: {  	s20 =	sadd.s32 $0x15E10, s0;
	s22 =	sadd.s32 $0x20, s6  }
0x341: {  	[hbm4b:s22+s3] =	stream.linear.scatter [tilespmem:s20], [sflag:$0xA], $0x80, $0x38;
	[tilespmem:$0x17F00] =	vst v63  }
0x342: {  	s9 =	sadd.s32 $0x15E98, s0;
	s10 =	sadd.s32 $0x30, s6  }
0x343: {  	[hbm4b:s10+s3] =	stream.linear.scatter [tilespmem:s9], [sflag:$0xA], $0x80, $0x38;
	[tilespmem:$0x17F00] =	vst v63  }
0x344: {  	s11 =	sadd.s32 $0x15F20, s0;
	s12 =	sadd.s32 $0x40, s6;
	s19 =	sadd.s32 $0x1, s19  }
0x345: {  	[hbm4b:s12+s3] =	stream.linear.scatter [tilespmem:s11], [sflag:$0xA], $0x80, $0x38;
	[tilespmem:$0x17F00] =	vst v63  }
0x346: {  	s13 =	sadd.s32 $0x15FA8, s0;
	s14 =	sadd.s32 $0x50, s6;
	p0 =	sne.s32 s19, $0xA  }
0x347: {  	[hbm4b:s14+s3] =	stream.linear.scatter [tilespmem:s13], [sflag:$0xA], $0x80, $0x38;
	[tilespmem:$0x17F00] =	vst v63  }
.Ltmp11:
0x348: {  	_ = 	snop;
	(pc) =	sbr.rel @p0 .LBB2_4-.Ltmp11, $4  }
0x349: {  	s17 =	sadd.s32 $0x16030, s0;
	s18 =	sadd.s32 $0x60, s6  }
0x34a: {  	[hbm4b:s18+s3] =	stream.linear.scatter [tilespmem:s17], [sflag:$0xA], $0x80, $0x38;
	[tilespmem:$0x17F00] =	vst v63  }
0x34b: {  	s20 =	sadd.s32 $0x160B8, s0;
	s22 =	sadd.s32 $0x70, s6  }
0x34c: {  	[hbm4b:s22+s3] =	stream.linear.scatter [tilespmem:s20], [sflag:$0xA], $0x80, $0x38;
	[tilespmem:$0x17F00] =	vst v63  }
0x34d: {  	s0 =	simm.s32 $0x6  }
0x34e: {  	_ =	swait.ge [sflag:s0], $0x2000  }
0x34f: {  	[sflag:s0] =	ssyncset.done $0x0  }
0x350: {  	s19 =	simm.s32 $0x7;
	[sflag:s0] =	ssyncadd.s32 $0xFFFFE000  }
0x351: {  	_ =	swait.ge [sflag:s19], $0x2000  }
0x352: {  	[sflag:s19] =	ssyncset.done $0x0  }
0x353: {  	s20 =	simm.s32 $0x8;
	[sflag:s19] =	ssyncadd.s32 $0xFFFFE000  }
0x354: {  	_ =	swait.ge [sflag:s20], $0x2000  }
0x355: {  	[sflag:s20] =	ssyncset.done $0x0  }
0x356: {  	[sflag:s20] =	ssyncadd.s32 $0xFFFFE000  }
0x357: {  	_ =	swait.ge [sflag:s15], $0x2000  }
0x358: {  	[sflag:s15] =	ssyncset.done $0x0  }
0x359: {  	[sflag:s15] =	ssyncadd.s32 $0xFFFFE000  }
0x35a: {  	_ =	swait.ge [sflag:s16], $0x2000  }
0x35b: {  	s6 =	rddreg [dreg:$0x8]  }
0x35c: {  	s22 =	rddreg [dreg:$0x7];
	s6 =	sadd.s32 $0x1, s6  }
0x35d: {  	p0 =	sne.s32 s6, s22  }
.Ltmp12:
0x35e: {  	_ = 	snop;
	(pc) =	sbr.rel @p0 .LBB2_1-.Ltmp12, $3  }
0x35f: {  	_ =	sdelay $0x1  }
0x360: {  	[sflag:s16] =	ssyncset.done $0x0  }
0x361: {  	[sflag:s16] =	ssyncadd.s32 $0xFFFFE000  }
0x362: {  	_ =	sfence.sel $0x180000  }
0x363: {  	[bflag:$0x0] =	sbarrier.arrive $0xFFFF  }
0x364: {  	_ =	strace $0x90000047  }
0x365: {  	s0 =	stileid.u32;
	[bflag:$0x2] =	sbarrier.arrive $0xFFFF  }
0x366: {  	p0 =	sne.s32 s0, $0x0;
	s0 =	rddreg [dreg:$0x2]  }
0x367: {  	s0 =	sadd.s32 @!p0 $0x100000, s0  }
0x368: {  	[sflag:s0] =	ssyncadd.tile.s32 @!p0 $0x1;
	_ =	shalt  }
.Lfunc_end2:
_tile_overlayer_lowered:
.L_overlay_start_2:
0x369: {  	(tag) =	ssettag $0x2  }
0x36a: {  	s0 =	rddreg [dreg:$0x0];
	s2 =	stileid.u32  }
0x36b: {  	s1 =	rddreg [dreg:$0x1];
	p0 =	sne.s32 s2, $0x0  }
0x36c: {  	s3 =	rddreg [dreg:$0x2];
	[bflag:$0x3] =	sbarrier.arrive $0xFFFF;
	s2 =	simm.s32 @!p0 $0x1C0B  }
0x36d: {  	[timem:s3], [sflag:s2] =	dma.local @!p0 [hbm:s0], s1  }
0x36e: {  	s0 =	simm.s32 @!p0 $0xB  }
0x36f: {  	_ =	swait.ge @!p0 [sflag:s0], s1  }
0x370: {  	s1 =	ssub.s32 @!p0 $0x0, s1;
	[sflag:s0] =	ssyncset.done @!p0 $0x0  }
0x371: {  	[sflag:s0] =	ssyncadd.s32 @!p0 s1  }
0x372: {  	[bflag:$0x3] =	sbarrier.arrive $0xFFFF  }
0x373: {  	_ =	shalt  }

</sc_bundles>
